<compile_context>
chip_gen: v7x
topology: tpu7x:2x2x1
jax: 0.10.2.dev20260603
libtpu: 0.0.44.dev20260713+nightly
codegen_flags: <defaults>
</compile_context>

<pallas_src>
import jax
import jax.numpy as jnp
from jax import lax
from jax.experimental import pallas as pl
from jax.experimental.pallas import tpu as pltpu
from jax.experimental.pallas import tpu_sc as plsc

_K = 512
_N = 8192
_R = 64
_L = 16
_NB = 256
_NBLK = _N // _L


def _sc_body(x_hbm, out_hbm, row0_v, row1_v, cand_a, cand_b, hist_v, cum_v,
             scr_v, dig_v, sem_i0, sem_i1, sem_o0, sem_o1):
    lanes16 = lax.iota(jnp.int32, _L)
    ones16 = jnp.ones((_L,), jnp.int32)
    zeros16 = jnp.zeros((_L,), jnp.int32)
    wid = lax.axis_index("s") * 2 + lax.axis_index("c")

    cum_v[pl.ds(_NB, _L)] = zeros16

    def zero_hist():
        @plsc.parallel_loop(0, _NB // _L, unroll=4)
        def _z(i):
            hist_v[pl.ds(i * _L, _L)] = zeros16

    def select_bucket(krem):
        def merge_body(gi, carry):
            g = _NB // _L - 1 - gi
            tot = hist_v[pl.ds(g * _L, _L)]
            rcs = lax.rev(plsc.cumsum(lax.rev(tot, (0,))), (0,))
            cum_g = rcs + carry
            cum_v[pl.ds(g * _L, _L)] = cum_g
            return jnp.broadcast_to(cum_g[0], (_L,))

        lax.fori_loop(0, _NB // _L, merge_body, zeros16)

        def nge_body(g, nge):
            cum_g = cum_v[pl.ds(g * _L, _L)]
            return nge + plsc.all_reduce_population_count(cum_g >= krem)

        nge = lax.fori_loop(0, _NB // _L, nge_body, zeros16, unroll=4)
        bsel = nge - 1
        cnt_gt = plsc.load_gather(cum_v, [bsel + 1])
        return bsel, krem - cnt_gt

    def top_digit(b):
        return (lax.shift_right_logical(b, 24) ^ 128) ^ ((b >> 31) & 127)

    def process_row(row_v):
        zero_hist()

        @plsc.parallel_loop(0, _NBLK, unroll=4)
        def _l1(i):
            d1 = top_digit(row_v[pl.ds(i * _L, _L)])
            dig_v[pl.ds(i * _L, _L)] = d1
            cnt, lastm = plsc.scan_count(d1)
            plsc.addupdate_scatter(hist_v, [d1], cnt, mask=lastm)

        krem = jnp.full((_L,), _K, jnp.int32)
        b1, krem = select_bucket(krem)
        sgn_neg = b1 < 128
        flip8 = jnp.where(sgn_neg, jnp.full((_L,), 255, jnp.int32), zeros16)
        flip16 = jnp.where(sgn_neg, jnp.full((_L,), 0xFFFF, jnp.int32),
                           zeros16)

        @plsc.parallel_loop(0, _NBLK, unroll=8, carry=zeros16)
        def c1(i, cnt):
            b = row_v[pl.ds(i * _L, _L)]
            sel = dig_v[pl.ds(i * _L, _L)] == b1
            seli = sel.astype(jnp.int32)
            pos = (plsc.cumsum(seli) - seli) + cnt
            plsc.store_scatter(cand_a, [pos], b, mask=sel)
            return cnt + plsc.all_reduce_population_count(sel)

        m1 = jnp.max(c1)
        nb2 = (m1 + _L - 1) // _L
        m1s = c1

        zero_hist()

        @plsc.parallel_loop(0, nb2, carry=None)
        def _h2(i):
            base = i * _L
            b = cand_a[pl.ds(base, _L)]
            d2 = (lax.shift_right_logical(b, 16) & 255) ^ flip8
            valid = (base + lanes16) < m1s
            cnt, lastm = plsc.scan_count(d2, valid)
            plsc.addupdate_scatter(hist_v, [d2], cnt, mask=lastm & valid)

        b2, krem = select_bucket(krem)

        @plsc.parallel_loop(0, nb2, carry=zeros16)
        def c2(i, cnt):
            base = i * _L
            b = cand_a[pl.ds(base, _L)]
            d2 = (lax.shift_right_logical(b, 16) & 255) ^ flip8
            sel = (d2 == b2) & ((base + lanes16) < m1s)
            seli = sel.astype(jnp.int32)
            pos = (plsc.cumsum(seli) - seli) + cnt
            plsc.store_scatter(cand_b, [pos], b, mask=sel)
            return cnt + plsc.all_reduce_population_count(sel)

        m2 = jnp.max(c2)
        m2s = c2

        def small_case(_):
            b = cand_b[pl.ds(0, _L)]
            low = (b & 0xFFFF) ^ flip16
            lowm = jnp.where(lanes16 < m2s, low,
                             jnp.full((_L,), -1, jnp.int32))
            sk, _sv = plsc.sort_key_val(lowm, lowm, descending=True)
            scr_v[...] = sk
            return plsc.load_gather(scr_v, [krem - 1])

        def big_case(_):
            nb3 = (m2 + _L - 1) // _L
            prefix = zeros16
            for bit in range(15, -1, -1):
                cand = prefix | (1 << bit)

                @plsc.parallel_loop(0, nb3, carry=zeros16)
                def cb(i, acc, cand=cand):
                    base = i * _L
                    b = cand_b[pl.ds(base, _L)]
                    low = (b & 0xFFFF) ^ flip16
                    sel = (low >= cand) & ((base + lanes16) < m2s)
                    return acc + plsc.all_reduce_population_count(sel)

                prefix = jnp.where(cb >= krem, cand, prefix)
            return prefix

        prefix = lax.cond(m2 <= _L, small_case, big_case, 0)

        top = jnp.where(sgn_neg, (b1 ^ 128) ^ 127, b1 ^ 128)
        thr_bits = (top << 24) | ((b2 ^ flip8) << 16) | (prefix ^ flip16)
        thr_f = plsc.bitcast(thr_bits, jnp.float32)

        @plsc.parallel_loop(0, _NBLK, unroll=4)
        def _outp(i):
            sl = pl.ds(i * _L, _L)
            b = row_v[sl]
            keep = plsc.bitcast(b, jnp.float32) >= thr_f
            row_v[sl] = jnp.where(keep, b, zeros16)

    row0 = wid * 2
    row1 = row0 + 1
    cin0 = pltpu.async_copy(x_hbm.at[pl.ds(row0 * _N, _N)], row0_v, sem_i0)
    cin1 = pltpu.async_copy(x_hbm.at[pl.ds(row1 * _N, _N)], row1_v, sem_i1)
    cin0.wait()
    process_row(row0_v)
    cout0 = pltpu.async_copy(row0_v, out_hbm.at[pl.ds(row0 * _N, _N)], sem_o0)
    cin1.wait()
    process_row(row1_v)
    cout1 = pltpu.async_copy(row1_v, out_hbm.at[pl.ds(row1 * _N, _N)], sem_o1)
    cout0.wait()
    cout1.wait()


def kernel(x):
    mesh = plsc.VectorSubcoreMesh(core_axis_name="c", subcore_axis_name="s")
    bits = jax.lax.bitcast_convert_type(x, jnp.int32).reshape(-1)
    out = pl.kernel(
        _sc_body,
        out_type=jax.ShapeDtypeStruct((_R * _N,), jnp.int32),
        mesh=mesh,
        compiler_params=pltpu.CompilerParams(needs_layout_passes=False),
        scratch_types=[
            pltpu.VMEM((_N,), jnp.int32),
            pltpu.VMEM((_N,), jnp.int32),
            pltpu.VMEM((_N + _L,), jnp.int32),
            pltpu.VMEM((_N + _L,), jnp.int32),
            pltpu.VMEM((_NB,), jnp.int32),
            pltpu.VMEM((_NB + _L,), jnp.int32),
            pltpu.VMEM((_L,), jnp.int32),
            pltpu.VMEM((_N,), jnp.int32),
            pltpu.SemaphoreType.DMA,
            pltpu.SemaphoreType.DMA,
            pltpu.SemaphoreType.DMA,
            pltpu.SemaphoreType.DMA,
        ],
    )(bits)
    return jax.lax.bitcast_convert_type(out.reshape(x.shape), jnp.float32)

# --- scband reference (transcript-rebuilt; emitter-appended) ---
"""Pipeline reference for scband-top-kcompress-26955214750404 (READ-ONLY COPY).

The authoritative reference and input builder live on the scoring server;
editing this copy changes nothing except your own understanding.
"""

import jax, jax.numpy as jnp
import numpy as np

K = 512

def setup_inputs(seed: int = 0) -> dict:
    key = jax.random.key(seed)
    x = jax.random.normal(key, (64, 8192), dtype=jnp.float32)
    return {"x": x}

def reference(x):
    batch_size = x.shape[0]
    flat = x.reshape(batch_size, -1)
    _, indices = jax.lax.top_k(flat, K)
    rows = jnp.arange(batch_size)[:, None]
    mask = jnp.zeros_like(flat).at[rows, indices].set(1.0)
    mask = mask.reshape(x.shape)
    return x * mask

if __name__ == "__main__":
    import jax
    _d = setup_inputs()
    print(jax.jit(kernel)(*tuple(_d.values())))

</pallas_src>

<mosaic_0001>
#map = affine_map<(d0, d1) -> (0)>
module attributes {stable_mosaic.version = 14 : i64} {
  func.func @_sc_body(%arg0: i32, %arg1: i32, %arg2: memref<524288xi32, #tpu.memory_space<hbm>>, %arg3: memref<524288xi32, #tpu.memory_space<hbm>>, %arg4: memref<8192xi32, #tpu.memory_space<vmem>>, %arg5: memref<8192xi32, #tpu.memory_space<vmem>>, %arg6: memref<8208xi32, #tpu.memory_space<vmem>>, %arg7: memref<8208xi32, #tpu.memory_space<vmem>>, %arg8: memref<256xi32, #tpu.memory_space<vmem>>, %arg9: memref<272xi32, #tpu.memory_space<vmem>>, %arg10: memref<16xi32, #tpu.memory_space<vmem>>, %arg11: memref<8192xi32, #tpu.memory_space<vmem>>, %arg12: memref<!tpu.dma_semaphore, #tpu.memory_space<semaphore_mem>>, %arg13: memref<!tpu.dma_semaphore, #tpu.memory_space<semaphore_mem>>, %arg14: memref<!tpu.dma_semaphore, #tpu.memory_space<semaphore_mem>>, %arg15: memref<!tpu.dma_semaphore, #tpu.memory_space<semaphore_mem>>) attributes {dimension_semantics = [#tpu.dimension_semantics<core_parallel>, #tpu.dimension_semantics<subcore_parallel>], iteration_bounds = array<i64: 2, 16>, scalar_prefetch = 0 : i64, scratch_operands = 12 : i64, tpu.core_type = #tpu.core_type<sc_vector_subcore>, window_params = [{transform_indices = #map}, {transform_indices = #map}]} {
    %iota3A = tpu.iota {dimensions = array<i32: 0>} : vector<16xi32>
    %broadcast_in_dim3A = arith.constant 1 : i32
    %broadcast_in_dim3A_0 = vector.broadcast %broadcast_in_dim3A : i32 to vector<16xi32>
    %broadcast_in_dim3A_1 = arith.constant 0 : i32
    %broadcast_in_dim3A_2 = vector.broadcast %broadcast_in_dim3A_1 : i32 to vector<16xi32>
    %mul3A = arith.constant 2 : i32
    %mul3A_3 = arith.muli %arg1, %mul3A : i32
    %add3A = arith.addi %mul3A_3, %arg0 : i32
    %swap3A = arith.constant 256 : index
    %swap3A_4 = tpu.vector_load %arg9[%swap3A] {strides = array<i32>} : memref<272xi32, #tpu.memory_space<vmem>>, vector<16xi32>,
    tpu.vector_store %arg9[%swap3A], %broadcast_in_dim3A_2 {strides = array<i32>} : memref<272xi32, #tpu.memory_space<vmem>>, vector<16xi32>,
    %mul3A_5 = arith.constant 2 : i32
    %mul3A_6 = arith.muli %add3A, %mul3A_5 : i32
    %add3A_7 = arith.constant 1 : i32
    %add3A_8 = arith.addi %mul3A_6, %add3A_7 : i32
    %mul3A_9 = arith.constant 8192 : i32
    %mul3A_10 = arith.muli %mul3A_6, %mul3A_9 : i32
    %dma_start3A = tpu.memref_slice %arg2[%mul3A_10] : memref<524288xi32, #tpu.memory_space<hbm>> -> memref<8192xi32, #tpu.memory_space<hbm>>
    %dma_start3A_11 = tpu.memref_slice %arg2[%mul3A_10] : memref<524288xi32, #tpu.memory_space<hbm>> -> memref<8192xi32, #tpu.memory_space<hbm>>
    tpu.enqueue_dma source(%dma_start3A_11 : memref<8192xi32, #tpu.memory_space<hbm>>) target(%arg4 : memref<8192xi32, #tpu.memory_space<vmem>>) target_semaphore(%arg12 : memref<!tpu.dma_semaphore, #tpu.memory_space<semaphore_mem>>)
    %mul3A_12 = arith.constant 8192 : i32
    %mul3A_13 = arith.muli %add3A_8, %mul3A_12 : i32
    %dma_start3A_14 = tpu.memref_slice %arg2[%mul3A_13] : memref<524288xi32, #tpu.memory_space<hbm>> -> memref<8192xi32, #tpu.memory_space<hbm>>
    %dma_start3A_15 = tpu.memref_slice %arg2[%mul3A_13] : memref<524288xi32, #tpu.memory_space<hbm>> -> memref<8192xi32, #tpu.memory_space<hbm>>
    tpu.enqueue_dma source(%dma_start3A_15 : memref<8192xi32, #tpu.memory_space<hbm>>) target(%arg5 : memref<8192xi32, #tpu.memory_space<vmem>>) target_semaphore(%arg13 : memref<!tpu.dma_semaphore, #tpu.memory_space<semaphore_mem>>)
    %dma_wait3A = tpu.memref_slice %arg2[%mul3A_10] : memref<524288xi32, #tpu.memory_space<hbm>> -> memref<8192xi32, #tpu.memory_space<hbm>>
    %dma_wait3A_16 = tpu.memref_slice %arg2[%mul3A_10] : memref<524288xi32, #tpu.memory_space<hbm>> -> memref<8192xi32, #tpu.memory_space<hbm>>
    tpu.wait_dma2 semaphore(%arg12 : memref<!tpu.dma_semaphore, #tpu.memory_space<semaphore_mem>>) src(%dma_wait3A_16 : memref<8192xi32, #tpu.memory_space<hbm>>) dst(%arg4 : memref<8192xi32, #tpu.memory_space<vmem>>)
    %parallel_loop3A = arith.constant 0 : i32
    %parallel_loop3A_17 = arith.constant 16 : i32
    %parallel_loop3A_18 = arith.constant 1 : i32
    scf.for %parallel_loop3A_299 = %parallel_loop3A to %parallel_loop3A_17 step %parallel_loop3A_18  : i32 {
      %parallel_loop3A_300 = arith.constant 16 : i32
      %parallel_loop3A_301 = arith.muli %parallel_loop3A_299, %parallel_loop3A_300 : i32
      %parallel_loop3A_302 = arith.index_cast %parallel_loop3A_301 : i32 to index
      %parallel_loop3A_303 = tpu.vector_load %arg8[%parallel_loop3A_302] {strides = array<i32>} : memref<256xi32, #tpu.memory_space<vmem>>, vector<16xi32>,
      tpu.vector_store %arg8[%parallel_loop3A_302], %broadcast_in_dim3A_2 {strides = array<i32>} : memref<256xi32, #tpu.memory_space<vmem>>, vector<16xi32>,
    } {sc.loop_unroll_factor = 4 : i64, sc.parallel_access}
    %parallel_loop3A_19 = arith.constant 0 : i32
    %parallel_loop3A_20 = arith.constant 512 : i32
    %parallel_loop3A_21 = arith.constant 1 : i32
    scf.for %parallel_loop3A_299 = %parallel_loop3A_19 to %parallel_loop3A_20 step %parallel_loop3A_21  : i32 {
      %parallel_loop3A_300 = arith.constant 16 : i32
      %parallel_loop3A_301 = arith.muli %parallel_loop3A_299, %parallel_loop3A_300 : i32
      %parallel_loop3A_302 = arith.index_cast %parallel_loop3A_301 : i32 to index
      %parallel_loop3A_303 = tpu.vector_load %arg4[%parallel_loop3A_302] {strides = array<i32>} : memref<8192xi32, #tpu.memory_space<vmem>>, vector<16xi32>,
      %parallel_loop3A_304 = arith.constant 24 : i32
      %parallel_loop3A_305 = vector.broadcast %parallel_loop3A_304 : i32 to vector<16xi32>
      %parallel_loop3A_306 = arith.shrui %parallel_loop3A_303, %parallel_loop3A_305 : vector<16xi32>
      %parallel_loop3A_307 = arith.constant 128 : i32
      %parallel_loop3A_308 = vector.broadcast %parallel_loop3A_307 : i32 to vector<16xi32>
      %parallel_loop3A_309 = arith.xori %parallel_loop3A_306, %parallel_loop3A_308 : vector<16xi32>
      %parallel_loop3A_310 = arith.constant 31 : i32
      %parallel_loop3A_311 = vector.broadcast %parallel_loop3A_310 : i32 to vector<16xi32>
      %parallel_loop3A_312 = arith.shrsi %parallel_loop3A_303, %parallel_loop3A_311 : vector<16xi32>
      %parallel_loop3A_313 = arith.constant 127 : i32
      %parallel_loop3A_314 = vector.broadcast %parallel_loop3A_313 : i32 to vector<16xi32>
      %parallel_loop3A_315 = arith.andi %parallel_loop3A_312, %parallel_loop3A_314 : vector<16xi32>
      %parallel_loop3A_316 = arith.xori %parallel_loop3A_309, %parallel_loop3A_315 : vector<16xi32>
      %parallel_loop3A_317 = arith.constant 16 : i32
      %parallel_loop3A_318 = arith.muli %parallel_loop3A_299, %parallel_loop3A_317 : i32
      %parallel_loop3A_319 = arith.index_cast %parallel_loop3A_318 : i32 to index
      %parallel_loop3A_320 = tpu.vector_load %arg11[%parallel_loop3A_319] {strides = array<i32>} : memref<8192xi32, #tpu.memory_space<vmem>>, vector<16xi32>,
      tpu.vector_store %arg11[%parallel_loop3A_319], %parallel_loop3A_316 {strides = array<i32>} : memref<8192xi32, #tpu.memory_space<vmem>>, vector<16xi32>,
      %parallel_loop3A_321 = arith.constant true
      %parallel_loop3A_322 = vector.broadcast %parallel_loop3A_321 : i1 to vector<16xi1>
      %parallel_loop3A_323, %parallel_loop3A_324 = tpu.scan_count mask(%parallel_loop3A_322 : vector<16xi1>) value(%parallel_loop3A_316 : vector<16xi32>) : vector<16xi1>, vector<16xi32>
      tpu.vector_store_idx %arg8[%parallel_loop3A_316], %parallel_loop3A_324 masked %parallel_loop3A_323 {add = true} : memref<256xi32, #tpu.memory_space<vmem>>[vector<16xi32>], vector<16xi32>, vector<16xi1>
    } {sc.loop_unroll_factor = 4 : i64, sc.parallel_access}
    %broadcast_in_dim3A_22 = arith.constant 512 : i32
    %broadcast_in_dim3A_23 = vector.broadcast %broadcast_in_dim3A_22 : i32 to vector<16xi32>
    %scan3A = arith.constant 0 : i32
    %scan3A_24 = arith.constant 16 : i32
    %scan3A_25 = arith.addi %scan3A, %scan3A_24 : i32
    %scan3A_26 = arith.constant 1 : i32
    %scan3A_27 = scf.for %scan3A_299 = %scan3A to %scan3A_25 step %scan3A_26 iter_args(%scan3A_300 = %broadcast_in_dim3A_2) -> (vector<16xi32>)  : i32 {
      %sub3A_301 = arith.constant 15 : i32
      %sub3A_302 = arith.subi %sub3A_301, %scan3A_299 : i32
      %mul3A_303 = arith.constant 16 : i32
      %mul3A_304 = arith.muli %sub3A_302, %mul3A_303 : i32
      %get3A = arith.index_cast %mul3A_304 : i32 to index
      %get3A_305 = tpu.vector_load %arg8[%get3A] {strides = array<i32>} : memref<256xi32, #tpu.memory_space<vmem>>, vector<16xi32>,
      %rev3A = arith.constant 15 : i32
      %rev3A_306 = vector.broadcast %rev3A : i32 to vector<16xi32>
      %rev3A_307 = tpu.iota {dimensions = array<i32: 0>} : vector<16xi32>
      %rev3A_308 = arith.subi %rev3A_306, %rev3A_307 : vector<16xi32>
      %rev3A_309 = tpu.dynamic_gather %get3A_305[%rev3A_308] in [0] : vector<16xi32>, vector<16xi32> -> vector<16xi32>
      %broadcast_in_dim3A_310 = arith.constant true
      %broadcast_in_dim3A_311 = vector.broadcast %broadcast_in_dim3A_310 : i1 to vector<16xi1>
      %masked_cumsum3A = tpu.scan <sum>, %rev3A_309 masked %broadcast_in_dim3A_311 : vector<16xi32>, vector<16xi1> -> vector<16xi32>
      %rev3A_312 = arith.constant 15 : i32
      %rev3A_313 = vector.broadcast %rev3A_312 : i32 to vector<16xi32>
      %rev3A_314 = tpu.iota {dimensions = array<i32: 0>} : vector<16xi32>
      %rev3A_315 = arith.subi %rev3A_313, %rev3A_314 : vector<16xi32>
      %rev3A_316 = tpu.dynamic_gather %masked_cumsum3A[%rev3A_315] in [0] : vector<16xi32>, vector<16xi32> -> vector<16xi32>
      %add3A_317 = arith.addi %rev3A_316, %scan3A_300 : vector<16xi32>
      %mul3A_318 = arith.constant 16 : i32
      %mul3A_319 = arith.muli %sub3A_302, %mul3A_318 : i32
      %swap3A_320 = arith.index_cast %mul3A_319 : i32 to index
      %swap3A_321 = tpu.vector_load %arg9[%swap3A_320] {strides = array<i32>} : memref<272xi32, #tpu.memory_space<vmem>>, vector<16xi32>,
      tpu.vector_store %arg9[%swap3A_320], %add3A_317 {strides = array<i32>} : memref<272xi32, #tpu.memory_space<vmem>>, vector<16xi32>,
      %slice3A = vector.extract_strided_slice %add3A_317 {offsets = [0], sizes = [1], strides = [1]} : vector<16xi32> to vector<1xi32>
      %squeeze3A = vector.extract %slice3A[0] : i32 from vector<1xi32>
      %broadcast_in_dim3A_322 = vector.broadcast %squeeze3A : i32 to vector<16xi32>
      scf.yield %broadcast_in_dim3A_322 : vector<16xi32>
    }
    %scan3A_28 = arith.constant 16 : i32
    %scan3A_29 = arith.constant 0 : i32
    %scan3A_30 = arith.constant 16 : i32
    %scan3A_31 = arith.addi %scan3A_29, %scan3A_30 : i32
    %scan3A_32 = arith.constant 4 : i32
    %scan3A_33 = scf.for %scan3A_299 = %scan3A_29 to %scan3A_31 step %scan3A_32 iter_args(%scan3A_300 = %broadcast_in_dim3A_2) -> (vector<16xi32>)  : i32 {
      %mul3A_301 = arith.constant 16 : i32
      %mul3A_302 = arith.muli %scan3A_299, %mul3A_301 : i32
      %get3A = arith.index_cast %mul3A_302 : i32 to index
      %get3A_303 = tpu.vector_load %arg9[%get3A] {strides = array<i32>} : memref<272xi32, #tpu.memory_space<vmem>>, vector<16xi32>,
      %ge3A = arith.cmpi sge, %get3A_303, %broadcast_in_dim3A_23 : vector<16xi32>
      %all_reduce_population_count3A = tpu.all_reduce %ge3A {dim = 0 : i64, kind = #tpu.reduction_kind<sum>} : vector<16xi1> -> vector<16xi32>
      %add3A_304 = arith.addi %scan3A_300, %all_reduce_population_count3A : vector<16xi32>
      %scan3A_305 = arith.constant 1 : i32
      %scan3A_306 = arith.addi %scan3A_299, %scan3A_305 : i32
      %mul3A_307 = arith.constant 16 : i32
      %mul3A_308 = arith.muli %scan3A_306, %mul3A_307 : i32
      %get3A_309 = arith.index_cast %mul3A_308 : i32 to index
      %get3A_310 = tpu.vector_load %arg9[%get3A_309] {strides = array<i32>} : memref<272xi32, #tpu.memory_space<vmem>>, vector<16xi32>,
      %ge3A_311 = arith.cmpi sge, %get3A_310, %broadcast_in_dim3A_23 : vector<16xi32>
      %all_reduce_population_count3A_312 = tpu.all_reduce %ge3A_311 {dim = 0 : i64, kind = #tpu.reduction_kind<sum>} : vector<16xi1> -> vector<16xi32>
      %add3A_313 = arith.addi %add3A_304, %all_reduce_population_count3A_312 : vector<16xi32>
      %scan3A_314 = arith.constant 2 : i32
      %scan3A_315 = arith.addi %scan3A_299, %scan3A_314 : i32
      %mul3A_316 = arith.constant 16 : i32
      %mul3A_317 = arith.muli %scan3A_315, %mul3A_316 : i32
      %get3A_318 = arith.index_cast %mul3A_317 : i32 to index
      %get3A_319 = tpu.vector_load %arg9[%get3A_318] {strides = array<i32>} : memref<272xi32, #tpu.memory_space<vmem>>, vector<16xi32>,
      %ge3A_320 = arith.cmpi sge, %get3A_319, %broadcast_in_dim3A_23 : vector<16xi32>
      %all_reduce_population_count3A_321 = tpu.all_reduce %ge3A_320 {dim = 0 : i64, kind = #tpu.reduction_kind<sum>} : vector<16xi1> -> vector<16xi32>
      %add3A_322 = arith.addi %add3A_313, %all_reduce_population_count3A_321 : vector<16xi32>
      %scan3A_323 = arith.constant 3 : i32
      %scan3A_324 = arith.addi %scan3A_299, %scan3A_323 : i32
      %mul3A_325 = arith.constant 16 : i32
      %mul3A_326 = arith.muli %scan3A_324, %mul3A_325 : i32
      %get3A_327 = arith.index_cast %mul3A_326 : i32 to index
      %get3A_328 = tpu.vector_load %arg9[%get3A_327] {strides = array<i32>} : memref<272xi32, #tpu.memory_space<vmem>>, vector<16xi32>,
      %ge3A_329 = arith.cmpi sge, %get3A_328, %broadcast_in_dim3A_23 : vector<16xi32>
      %all_reduce_population_count3A_330 = tpu.all_reduce %ge3A_329 {dim = 0 : i64, kind = #tpu.reduction_kind<sum>} : vector<16xi1> -> vector<16xi32>
      %add3A_331 = arith.addi %add3A_322, %all_reduce_population_count3A_330 : vector<16xi32>
      scf.yield %add3A_331 : vector<16xi32>
    }
    %scan3A_34 = arith.constant 16 : i32
    %sub3A = arith.constant 1 : i32
    %sub3A_35 = vector.broadcast %sub3A : i32 to vector<16xi32>
    %sub3A_36 = arith.subi %scan3A_33, %sub3A_35 : vector<16xi32>
    %add3A_37 = arith.constant 1 : i32
    %add3A_38 = vector.broadcast %add3A_37 : i32 to vector<16xi32>
    %add3A_39 = arith.addi %sub3A_36, %add3A_38 : vector<16xi32>
    %gather3A = tpu.vector_load_idx %arg9[%add3A_39] : memref<272xi32, #tpu.memory_space<vmem>>[vector<16xi32>], vector<16xi32>,
    %sub3A_40 = arith.subi %broadcast_in_dim3A_23, %gather3A : vector<16xi32>
    %lt3A = arith.constant 128 : i32
    %lt3A_41 = vector.broadcast %lt3A : i32 to vector<16xi32>
    %lt3A_42 = arith.cmpi slt, %sub3A_36, %lt3A_41 : vector<16xi32>
    %broadcast_in_dim3A_43 = arith.constant 255 : i32
    %broadcast_in_dim3A_44 = vector.broadcast %broadcast_in_dim3A_43 : i32 to vector<16xi32>
    %select_n3A = arith.select %lt3A_42, %broadcast_in_dim3A_44, %broadcast_in_dim3A_2 : vector<16xi1>, vector<16xi32>
    %broadcast_in_dim3A_45 = arith.constant 65535 : i32
    %broadcast_in_dim3A_46 = vector.broadcast %broadcast_in_dim3A_45 : i32 to vector<16xi32>
    %select_n3A_47 = arith.select %lt3A_42, %broadcast_in_dim3A_46, %broadcast_in_dim3A_2 : vector<16xi1>, vector<16xi32>
    %parallel_loop3A_48 = arith.constant 0 : i32
    %parallel_loop3A_49 = arith.constant 512 : i32
    %parallel_loop3A_50 = arith.constant 1 : i32
    %parallel_loop3A_51 = scf.for %parallel_loop3A_299 = %parallel_loop3A_48 to %parallel_loop3A_49 step %parallel_loop3A_50 iter_args(%parallel_loop3A_300 = %broadcast_in_dim3A_2) -> (vector<16xi32>)  : i32 {
      %parallel_loop3A_301 = arith.constant 16 : i32
      %parallel_loop3A_302 = arith.muli %parallel_loop3A_299, %parallel_loop3A_301 : i32
      %parallel_loop3A_303 = arith.index_cast %parallel_loop3A_302 : i32 to index
      %parallel_loop3A_304 = tpu.vector_load %arg4[%parallel_loop3A_303] {strides = array<i32>} : memref<8192xi32, #tpu.memory_space<vmem>>, vector<16xi32>,
      %parallel_loop3A_305 = arith.constant 16 : i32
      %parallel_loop3A_306 = arith.muli %parallel_loop3A_299, %parallel_loop3A_305 : i32
      %parallel_loop3A_307 = arith.index_cast %parallel_loop3A_306 : i32 to index
      %parallel_loop3A_308 = tpu.vector_load %arg11[%parallel_loop3A_307] {strides = array<i32>} : memref<8192xi32, #tpu.memory_space<vmem>>, vector<16xi32>,
      %parallel_loop3A_309 = arith.cmpi eq, %parallel_loop3A_308, %sub3A_36 : vector<16xi32>
      %parallel_loop3A_310 = arith.extui %parallel_loop3A_309 : vector<16xi1> to vector<16xi32>
      %parallel_loop3A_311 = arith.constant true
      %parallel_loop3A_312 = vector.broadcast %parallel_loop3A_311 : i1 to vector<16xi1>
      %parallel_loop3A_313 = tpu.scan <sum>, %parallel_loop3A_310 masked %parallel_loop3A_312 : vector<16xi32>, vector<16xi1> -> vector<16xi32>
      %parallel_loop3A_314 = arith.subi %parallel_loop3A_313, %parallel_loop3A_310 : vector<16xi32>
      %parallel_loop3A_315 = arith.addi %parallel_loop3A_314, %parallel_loop3A_300 : vector<16xi32>
      tpu.vector_store_idx %arg6[%parallel_loop3A_315], %parallel_loop3A_304 masked %parallel_loop3A_309 : memref<8208xi32, #tpu.memory_space<vmem>>[vector<16xi32>], vector<16xi32>, vector<16xi1>
      %parallel_loop3A_316 = tpu.all_reduce %parallel_loop3A_309 {dim = 0 : i64, kind = #tpu.reduction_kind<sum>} : vector<16xi1> -> vector<16xi32>
      %parallel_loop3A_317 = arith.addi %parallel_loop3A_300, %parallel_loop3A_316 : vector<16xi32>
      scf.yield %parallel_loop3A_317 : vector<16xi32>
    } {sc.loop_unroll_factor = 8 : i64, sc.parallel_access}
    %reduce_max3A = arith.constant true
    %reduce_max3A_52 = vector.broadcast %reduce_max3A : i1 to vector<16xi1>
    %reduce_max3A_53 = arith.constant -2147483648 : i32
    %reduce_max3A_54 = vector.broadcast %reduce_max3A_53 : i32 to vector<16xi32>
    %reduce_max3A_55 = arith.xori %parallel_loop3A_51, %reduce_max3A_54 : vector<16xi32>
    %reduce_max3A_56 = tpu.scan <max>, %reduce_max3A_55 masked %reduce_max3A_52 : vector<16xi32>, vector<16xi1> -> vector<16xi32>
    %reduce_max3A_57 = arith.xori %reduce_max3A_56, %reduce_max3A_54 : vector<16xi32>
    %reduce_max3A_58 = vector.extract %reduce_max3A_57[15] : i32 from vector<16xi32>
    %add3A_59 = arith.constant 16 : i32
    %add3A_60 = arith.addi %reduce_max3A_58, %add3A_59 : i32
    %sub3A_61 = arith.constant 1 : i32
    %sub3A_62 = arith.subi %add3A_60, %sub3A_61 : i32
    %jit3A = arith.constant 16 : i32
    %div3A = arith.divsi %sub3A_62, %jit3A : i32
    %sign3A = arith.constant 0 : i32
    %sign3A_63 = arith.cmpi sgt, %sub3A_62, %sign3A : i32
    %sign3A_64 = arith.extui %sign3A_63 : i1 to i32
    %sign3A_65 = arith.constant 0 : i32
    %sign3A_66 = arith.cmpi slt, %sub3A_62, %sign3A_65 : i32
    %sign3A_67 = arith.extui %sign3A_66 : i1 to i32
    %sign3A_68 = arith.subi %sign3A_64, %sign3A_67 : i32
    %sign3A_69 = arith.constant 0 : i32
    %sign3A_70 = arith.cmpi sgt, %jit3A, %sign3A_69 : i32
    %sign3A_71 = arith.extui %sign3A_70 : i1 to i32
    %sign3A_72 = arith.constant 0 : i32
    %sign3A_73 = arith.cmpi slt, %jit3A, %sign3A_72 : i32
    %sign3A_74 = arith.extui %sign3A_73 : i1 to i32
    %sign3A_75 = arith.subi %sign3A_71, %sign3A_74 : i32
    %ne3A = arith.cmpi ne, %sign3A_68, %sign3A_75 : i32
    %rem3A = arith.remsi %sub3A_62, %jit3A : i32
    %ne3A_76 = arith.constant 0 : i32
    %ne3A_77 = arith.cmpi ne, %rem3A, %ne3A_76 : i32
    %and3A = arith.andi %ne3A, %ne3A_77 : i1
    %sub3A_78 = arith.constant 1 : i32
    %sub3A_79 = arith.subi %div3A, %sub3A_78 : i32
    %select_n3A_80 = arith.select %and3A, %sub3A_79, %div3A : i32
    %parallel_loop3A_81 = arith.constant 0 : i32
    %parallel_loop3A_82 = arith.constant 16 : i32
    %parallel_loop3A_83 = arith.constant 1 : i32
    scf.for %parallel_loop3A_299 = %parallel_loop3A_81 to %parallel_loop3A_82 step %parallel_loop3A_83  : i32 {
      %parallel_loop3A_300 = arith.constant 16 : i32
      %parallel_loop3A_301 = arith.muli %parallel_loop3A_299, %parallel_loop3A_300 : i32
      %parallel_loop3A_302 = arith.index_cast %parallel_loop3A_301 : i32 to index
      %parallel_loop3A_303 = tpu.vector_load %arg8[%parallel_loop3A_302] {strides = array<i32>} : memref<256xi32, #tpu.memory_space<vmem>>, vector<16xi32>,
      tpu.vector_store %arg8[%parallel_loop3A_302], %broadcast_in_dim3A_2 {strides = array<i32>} : memref<256xi32, #tpu.memory_space<vmem>>, vector<16xi32>,
    } {sc.loop_unroll_factor = 4 : i64, sc.parallel_access}
    %parallel_loop3A_84 = arith.constant 0 : i32
    %parallel_loop3A_85 = arith.constant 1 : i32
    scf.for %parallel_loop3A_299 = %parallel_loop3A_84 to %select_n3A_80 step %parallel_loop3A_85  : i32 {
      %parallel_loop3A_300 = arith.constant 16 : i32
      %parallel_loop3A_301 = arith.muli %parallel_loop3A_299, %parallel_loop3A_300 : i32
      %parallel_loop3A_302 = arith.index_cast %parallel_loop3A_301 : i32 to index
      %parallel_loop3A_303 = tpu.vector_load %arg6[%parallel_loop3A_302] {strides = array<i32>} : memref<8208xi32, #tpu.memory_space<vmem>>, vector<16xi32>,
      %parallel_loop3A_304 = arith.constant 16 : i32
      %parallel_loop3A_305 = vector.broadcast %parallel_loop3A_304 : i32 to vector<16xi32>
      %parallel_loop3A_306 = arith.shrui %parallel_loop3A_303, %parallel_loop3A_305 : vector<16xi32>
      %parallel_loop3A_307 = arith.constant 255 : i32
      %parallel_loop3A_308 = vector.broadcast %parallel_loop3A_307 : i32 to vector<16xi32>
      %parallel_loop3A_309 = arith.andi %parallel_loop3A_306, %parallel_loop3A_308 : vector<16xi32>
      %parallel_loop3A_310 = arith.xori %parallel_loop3A_309, %select_n3A : vector<16xi32>
      %parallel_loop3A_311 = vector.broadcast %parallel_loop3A_301 : i32 to vector<16xi32>
      %parallel_loop3A_312 = arith.addi %parallel_loop3A_311, %iota3A : vector<16xi32>
      %parallel_loop3A_313 = arith.cmpi slt, %parallel_loop3A_312, %parallel_loop3A_51 : vector<16xi32>
      %parallel_loop3A_314, %parallel_loop3A_315 = tpu.scan_count mask(%parallel_loop3A_313 : vector<16xi1>) value(%parallel_loop3A_310 : vector<16xi32>) : vector<16xi1>, vector<16xi32>
      %parallel_loop3A_316 = arith.andi %parallel_loop3A_314, %parallel_loop3A_313 : vector<16xi1>
      tpu.vector_store_idx %arg8[%parallel_loop3A_310], %parallel_loop3A_315 masked %parallel_loop3A_316 {add = true} : memref<256xi32, #tpu.memory_space<vmem>>[vector<16xi32>], vector<16xi32>, vector<16xi1>
    } {sc.loop_unroll_factor = 1 : i64, sc.parallel_access}
    %scan3A_86 = arith.constant 0 : i32
    %scan3A_87 = arith.constant 16 : i32
    %scan3A_88 = arith.addi %scan3A_86, %scan3A_87 : i32
    %scan3A_89 = arith.constant 1 : i32
    %scan3A_90 = scf.for %scan3A_299 = %scan3A_86 to %scan3A_88 step %scan3A_89 iter_args(%scan3A_300 = %broadcast_in_dim3A_2) -> (vector<16xi32>)  : i32 {
      %sub3A_301 = arith.constant 15 : i32
      %sub3A_302 = arith.subi %sub3A_301, %scan3A_299 : i32
      %mul3A_303 = arith.constant 16 : i32
      %mul3A_304 = arith.muli %sub3A_302, %mul3A_303 : i32
      %get3A = arith.index_cast %mul3A_304 : i32 to index
      %get3A_305 = tpu.vector_load %arg8[%get3A] {strides = array<i32>} : memref<256xi32, #tpu.memory_space<vmem>>, vector<16xi32>,
      %rev3A = arith.constant 15 : i32
      %rev3A_306 = vector.broadcast %rev3A : i32 to vector<16xi32>
      %rev3A_307 = tpu.iota {dimensions = array<i32: 0>} : vector<16xi32>
      %rev3A_308 = arith.subi %rev3A_306, %rev3A_307 : vector<16xi32>
      %rev3A_309 = tpu.dynamic_gather %get3A_305[%rev3A_308] in [0] : vector<16xi32>, vector<16xi32> -> vector<16xi32>
      %broadcast_in_dim3A_310 = arith.constant true
      %broadcast_in_dim3A_311 = vector.broadcast %broadcast_in_dim3A_310 : i1 to vector<16xi1>
      %masked_cumsum3A = tpu.scan <sum>, %rev3A_309 masked %broadcast_in_dim3A_311 : vector<16xi32>, vector<16xi1> -> vector<16xi32>
      %rev3A_312 = arith.constant 15 : i32
      %rev3A_313 = vector.broadcast %rev3A_312 : i32 to vector<16xi32>
      %rev3A_314 = tpu.iota {dimensions = array<i32: 0>} : vector<16xi32>
      %rev3A_315 = arith.subi %rev3A_313, %rev3A_314 : vector<16xi32>
      %rev3A_316 = tpu.dynamic_gather %masked_cumsum3A[%rev3A_315] in [0] : vector<16xi32>, vector<16xi32> -> vector<16xi32>
      %add3A_317 = arith.addi %rev3A_316, %scan3A_300 : vector<16xi32>
      %mul3A_318 = arith.constant 16 : i32
      %mul3A_319 = arith.muli %sub3A_302, %mul3A_318 : i32
      %swap3A_320 = arith.index_cast %mul3A_319 : i32 to index
      %swap3A_321 = tpu.vector_load %arg9[%swap3A_320] {strides = array<i32>} : memref<272xi32, #tpu.memory_space<vmem>>, vector<16xi32>,
      tpu.vector_store %arg9[%swap3A_320], %add3A_317 {strides = array<i32>} : memref<272xi32, #tpu.memory_space<vmem>>, vector<16xi32>,
      %slice3A = vector.extract_strided_slice %add3A_317 {offsets = [0], sizes = [1], strides = [1]} : vector<16xi32> to vector<1xi32>
      %squeeze3A = vector.extract %slice3A[0] : i32 from vector<1xi32>
      %broadcast_in_dim3A_322 = vector.broadcast %squeeze3A : i32 to vector<16xi32>
      scf.yield %broadcast_in_dim3A_322 : vector<16xi32>
    }
    %scan3A_91 = arith.constant 16 : i32
    %scan3A_92 = arith.constant 0 : i32
    %scan3A_93 = arith.constant 16 : i32
    %scan3A_94 = arith.addi %scan3A_92, %scan3A_93 : i32
    %scan3A_95 = arith.constant 4 : i32
    %scan3A_96 = scf.for %scan3A_299 = %scan3A_92 to %scan3A_94 step %scan3A_95 iter_args(%scan3A_300 = %broadcast_in_dim3A_2) -> (vector<16xi32>)  : i32 {
      %mul3A_301 = arith.constant 16 : i32
      %mul3A_302 = arith.muli %scan3A_299, %mul3A_301 : i32
      %get3A = arith.index_cast %mul3A_302 : i32 to index
      %get3A_303 = tpu.vector_load %arg9[%get3A] {strides = array<i32>} : memref<272xi32, #tpu.memory_space<vmem>>, vector<16xi32>,
      %ge3A = arith.cmpi sge, %get3A_303, %sub3A_40 : vector<16xi32>
      %all_reduce_population_count3A = tpu.all_reduce %ge3A {dim = 0 : i64, kind = #tpu.reduction_kind<sum>} : vector<16xi1> -> vector<16xi32>
      %add3A_304 = arith.addi %scan3A_300, %all_reduce_population_count3A : vector<16xi32>
      %scan3A_305 = arith.constant 1 : i32
      %scan3A_306 = arith.addi %scan3A_299, %scan3A_305 : i32
      %mul3A_307 = arith.constant 16 : i32
      %mul3A_308 = arith.muli %scan3A_306, %mul3A_307 : i32
      %get3A_309 = arith.index_cast %mul3A_308 : i32 to index
      %get3A_310 = tpu.vector_load %arg9[%get3A_309] {strides = array<i32>} : memref<272xi32, #tpu.memory_space<vmem>>, vector<16xi32>,
      %ge3A_311 = arith.cmpi sge, %get3A_310, %sub3A_40 : vector<16xi32>
      %all_reduce_population_count3A_312 = tpu.all_reduce %ge3A_311 {dim = 0 : i64, kind = #tpu.reduction_kind<sum>} : vector<16xi1> -> vector<16xi32>
      %add3A_313 = arith.addi %add3A_304, %all_reduce_population_count3A_312 : vector<16xi32>
      %scan3A_314 = arith.constant 2 : i32
      %scan3A_315 = arith.addi %scan3A_299, %scan3A_314 : i32
      %mul3A_316 = arith.constant 16 : i32
      %mul3A_317 = arith.muli %scan3A_315, %mul3A_316 : i32
      %get3A_318 = arith.index_cast %mul3A_317 : i32 to index
      %get3A_319 = tpu.vector_load %arg9[%get3A_318] {strides = array<i32>} : memref<272xi32, #tpu.memory_space<vmem>>, vector<16xi32>,
      %ge3A_320 = arith.cmpi sge, %get3A_319, %sub3A_40 : vector<16xi32>
      %all_reduce_population_count3A_321 = tpu.all_reduce %ge3A_320 {dim = 0 : i64, kind = #tpu.reduction_kind<sum>} : vector<16xi1> -> vector<16xi32>
      %add3A_322 = arith.addi %add3A_313, %all_reduce_population_count3A_321 : vector<16xi32>
      %scan3A_323 = arith.constant 3 : i32
      %scan3A_324 = arith.addi %scan3A_299, %scan3A_323 : i32
      %mul3A_325 = arith.constant 16 : i32
      %mul3A_326 = arith.muli %scan3A_324, %mul3A_325 : i32
      %get3A_327 = arith.index_cast %mul3A_326 : i32 to index
      %get3A_328 = tpu.vector_load %arg9[%get3A_327] {strides = array<i32>} : memref<272xi32, #tpu.memory_space<vmem>>, vector<16xi32>,
      %ge3A_329 = arith.cmpi sge, %get3A_328, %sub3A_40 : vector<16xi32>
      %all_reduce_population_count3A_330 = tpu.all_reduce %ge3A_329 {dim = 0 : i64, kind = #tpu.reduction_kind<sum>} : vector<16xi1> -> vector<16xi32>
      %add3A_331 = arith.addi %add3A_322, %all_reduce_population_count3A_330 : vector<16xi32>
      scf.yield %add3A_331 : vector<16xi32>
    }
    %scan3A_97 = arith.constant 16 : i32
    %sub3A_98 = arith.constant 1 : i32
    %sub3A_99 = vector.broadcast %sub3A_98 : i32 to vector<16xi32>
    %sub3A_100 = arith.subi %scan3A_96, %sub3A_99 : vector<16xi32>
    %add3A_101 = arith.constant 1 : i32
    %add3A_102 = vector.broadcast %add3A_101 : i32 to vector<16xi32>
    %add3A_103 = arith.addi %sub3A_100, %add3A_102 : vector<16xi32>
    %gather3A_104 = tpu.vector_load_idx %arg9[%add3A_103] : memref<272xi32, #tpu.memory_space<vmem>>[vector<16xi32>], vector<16xi32>,
    %sub3A_105 = arith.subi %sub3A_40, %gather3A_104 : vector<16xi32>
    %parallel_loop3A_106 = arith.constant 0 : i32
    %parallel_loop3A_107 = arith.constant 1 : i32
    %parallel_loop3A_108 = scf.for %parallel_loop3A_299 = %parallel_loop3A_106 to %select_n3A_80 step %parallel_loop3A_107 iter_args(%parallel_loop3A_300 = %broadcast_in_dim3A_2) -> (vector<16xi32>)  : i32 {
      %parallel_loop3A_301 = arith.constant 16 : i32
      %parallel_loop3A_302 = arith.muli %parallel_loop3A_299, %parallel_loop3A_301 : i32
      %parallel_loop3A_303 = arith.index_cast %parallel_loop3A_302 : i32 to index
      %parallel_loop3A_304 = tpu.vector_load %arg6[%parallel_loop3A_303] {strides = array<i32>} : memref<8208xi32, #tpu.memory_space<vmem>>, vector<16xi32>,
      %parallel_loop3A_305 = arith.constant 16 : i32
      %parallel_loop3A_306 = vector.broadcast %parallel_loop3A_305 : i32 to vector<16xi32>
      %parallel_loop3A_307 = arith.shrui %parallel_loop3A_304, %parallel_loop3A_306 : vector<16xi32>
      %parallel_loop3A_308 = arith.constant 255 : i32
      %parallel_loop3A_309 = vector.broadcast %parallel_loop3A_308 : i32 to vector<16xi32>
      %parallel_loop3A_310 = arith.andi %parallel_loop3A_307, %parallel_loop3A_309 : vector<16xi32>
      %parallel_loop3A_311 = arith.xori %parallel_loop3A_310, %select_n3A : vector<16xi32>
      %parallel_loop3A_312 = arith.cmpi eq, %parallel_loop3A_311, %sub3A_100 : vector<16xi32>
      %parallel_loop3A_313 = vector.broadcast %parallel_loop3A_302 : i32 to vector<16xi32>
      %parallel_loop3A_314 = arith.addi %parallel_loop3A_313, %iota3A : vector<16xi32>
      %parallel_loop3A_315 = arith.cmpi slt, %parallel_loop3A_314, %parallel_loop3A_51 : vector<16xi32>
      %parallel_loop3A_316 = arith.andi %parallel_loop3A_312, %parallel_loop3A_315 : vector<16xi1>
      %parallel_loop3A_317 = arith.extui %parallel_loop3A_316 : vector<16xi1> to vector<16xi32>
      %parallel_loop3A_318 = arith.constant true
      %parallel_loop3A_319 = vector.broadcast %parallel_loop3A_318 : i1 to vector<16xi1>
      %parallel_loop3A_320 = tpu.scan <sum>, %parallel_loop3A_317 masked %parallel_loop3A_319 : vector<16xi32>, vector<16xi1> -> vector<16xi32>
      %parallel_loop3A_321 = arith.subi %parallel_loop3A_320, %parallel_loop3A_317 : vector<16xi32>
      %parallel_loop3A_322 = arith.addi %parallel_loop3A_321, %parallel_loop3A_300 : vector<16xi32>
      tpu.vector_store_idx %arg7[%parallel_loop3A_322], %parallel_loop3A_304 masked %parallel_loop3A_316 : memref<8208xi32, #tpu.memory_space<vmem>>[vector<16xi32>], vector<16xi32>, vector<16xi1>
      %parallel_loop3A_323 = tpu.all_reduce %parallel_loop3A_316 {dim = 0 : i64, kind = #tpu.reduction_kind<sum>} : vector<16xi1> -> vector<16xi32>
      %parallel_loop3A_324 = arith.addi %parallel_loop3A_300, %parallel_loop3A_323 : vector<16xi32>
      scf.yield %parallel_loop3A_324 : vector<16xi32>
    } {sc.loop_unroll_factor = 1 : i64, sc.parallel_access}
    %reduce_max3A_109 = arith.constant true
    %reduce_max3A_110 = vector.broadcast %reduce_max3A_109 : i1 to vector<16xi1>
    %reduce_max3A_111 = arith.constant -2147483648 : i32
    %reduce_max3A_112 = vector.broadcast %reduce_max3A_111 : i32 to vector<16xi32>
    %reduce_max3A_113 = arith.xori %parallel_loop3A_108, %reduce_max3A_112 : vector<16xi32>
    %reduce_max3A_114 = tpu.scan <max>, %reduce_max3A_113 masked %reduce_max3A_110 : vector<16xi32>, vector<16xi1> -> vector<16xi32>
    %reduce_max3A_115 = arith.xori %reduce_max3A_114, %reduce_max3A_112 : vector<16xi32>
    %reduce_max3A_116 = vector.extract %reduce_max3A_115[15] : i32 from vector<16xi32>
    %le3A = arith.constant 16 : i32
    %le3A_117 = arith.cmpi sle, %reduce_max3A_116, %le3A : i32
    %convert_element_type3A = arith.extui %le3A_117 : i1 to i32
    %cond3A = arith.constant 0 : i32
    %cond3A_118 = arith.constant 0 : i32
    %cond3A_119 = arith.cmpi ne, %convert_element_type3A, %cond3A_118 : i32
    %cond3A_120 = scf.if %cond3A_119 -> (vector<16xi32>) {
      %get3A = arith.constant 0 : index
      %get3A_299 = tpu.vector_load %arg7[%get3A] {strides = array<i32>} : memref<8208xi32, #tpu.memory_space<vmem>>, vector<16xi32>,
      %and3A_300 = arith.constant 65535 : i32
      %and3A_301 = vector.broadcast %and3A_300 : i32 to vector<16xi32>
      %and3A_302 = arith.andi %get3A_299, %and3A_301 : vector<16xi32>
      %xor3A_303 = arith.xori %and3A_302, %select_n3A_47 : vector<16xi32>
      %lt3A_304 = arith.cmpi slt, %iota3A, %parallel_loop3A_108 : vector<16xi32>
      %broadcast_in_dim3A_305 = arith.constant -1 : i32
      %broadcast_in_dim3A_306 = vector.broadcast %broadcast_in_dim3A_305 : i32 to vector<16xi32>
      %select_n3A_307 = arith.select %lt3A_304, %xor3A_303, %broadcast_in_dim3A_306 : vector<16xi1>, vector<16xi32>
      %masked_sort3A = arith.constant dense<true> : vector<16xi1>
      %masked_sort3A_308 = arith.constant -2147483648 : i32
      %masked_sort3A_309 = vector.broadcast %masked_sort3A_308 : i32 to vector<16xi32>
      %masked_sort3A_310 = arith.xori %select_n3A_307, %masked_sort3A_309 : vector<16xi32>
      %masked_sort3A_311, %masked_sort3A_312, %masked_sort3A_313 = tpu.sort %masked_sort3A_310, %select_n3A_307 masked %masked_sort3A {descending = true} : (vector<16xi32>, vector<16xi32>, vector<16xi1>) -> (vector<16xi1>, vector<16xi32>, vector<16xi32>)
      %masked_sort3A_314 = arith.xori %masked_sort3A_312, %masked_sort3A_309 : vector<16xi32>
      %swap3A_315 = arith.constant 0 : index
      %swap3A_316 = tpu.vector_load %arg10[%swap3A_315] {strides = array<i32>} : memref<16xi32, #tpu.memory_space<vmem>>, vector<16xi32>,
      tpu.vector_store %arg10[%swap3A_315], %masked_sort3A_314 {strides = array<i32>} : memref<16xi32, #tpu.memory_space<vmem>>, vector<16xi32>,
      %sub3A_317 = arith.constant 1 : i32
      %sub3A_318 = vector.broadcast %sub3A_317 : i32 to vector<16xi32>
      %sub3A_319 = arith.subi %sub3A_105, %sub3A_318 : vector<16xi32>
      %gather3A_320 = tpu.vector_load_idx %arg10[%sub3A_319] : memref<16xi32, #tpu.memory_space<vmem>>[vector<16xi32>], vector<16xi32>,
      scf.yield %gather3A_320 : vector<16xi32>
    } else {
      %add3A_299 = arith.constant 16 : i32
      %add3A_300 = arith.addi %reduce_max3A_116, %add3A_299 : i32
      %sub3A_301 = arith.constant 1 : i32
      %sub3A_302 = arith.subi %add3A_300, %sub3A_301 : i32
      %jit3A_303 = arith.constant 16 : i32
      %div3A_304 = arith.divsi %sub3A_302, %jit3A_303 : i32
      %sign3A_305 = arith.constant 0 : i32
      %sign3A_306 = arith.cmpi sgt, %sub3A_302, %sign3A_305 : i32
      %sign3A_307 = arith.extui %sign3A_306 : i1 to i32
      %sign3A_308 = arith.constant 0 : i32
      %sign3A_309 = arith.cmpi slt, %sub3A_302, %sign3A_308 : i32
      %sign3A_310 = arith.extui %sign3A_309 : i1 to i32
      %sign3A_311 = arith.subi %sign3A_307, %sign3A_310 : i32
      %sign3A_312 = arith.constant 0 : i32
      %sign3A_313 = arith.cmpi sgt, %jit3A_303, %sign3A_312 : i32
      %sign3A_314 = arith.extui %sign3A_313 : i1 to i32
      %sign3A_315 = arith.constant 0 : i32
      %sign3A_316 = arith.cmpi slt, %jit3A_303, %sign3A_315 : i32
      %sign3A_317 = arith.extui %sign3A_316 : i1 to i32
      %sign3A_318 = arith.subi %sign3A_314, %sign3A_317 : i32
      %ne3A_319 = arith.cmpi ne, %sign3A_311, %sign3A_318 : i32
      %rem3A_320 = arith.remsi %sub3A_302, %jit3A_303 : i32
      %ne3A_321 = arith.constant 0 : i32
      %ne3A_322 = arith.cmpi ne, %rem3A_320, %ne3A_321 : i32
      %and3A_323 = arith.andi %ne3A_319, %ne3A_322 : i1
      %sub3A_324 = arith.constant 1 : i32
      %sub3A_325 = arith.subi %div3A_304, %sub3A_324 : i32
      %select_n3A_326 = arith.select %and3A_323, %sub3A_325, %div3A_304 : i32
      %or3A_327 = arith.constant 32768 : i32
      %or3A_328 = vector.broadcast %or3A_327 : i32 to vector<16xi32>
      %or3A_329 = arith.ori %broadcast_in_dim3A_2, %or3A_328 : vector<16xi32>
      %parallel_loop3A_330 = arith.constant 0 : i32
      %parallel_loop3A_331 = arith.constant 1 : i32
      %parallel_loop3A_332 = scf.for %parallel_loop3A_454 = %parallel_loop3A_330 to %select_n3A_326 step %parallel_loop3A_331 iter_args(%parallel_loop3A_455 = %broadcast_in_dim3A_2) -> (vector<16xi32>)  : i32 {
        %parallel_loop3A_456 = arith.constant 16 : i32
        %parallel_loop3A_457 = arith.muli %parallel_loop3A_454, %parallel_loop3A_456 : i32
        %parallel_loop3A_458 = arith.index_cast %parallel_loop3A_457 : i32 to index
        %parallel_loop3A_459 = tpu.vector_load %arg7[%parallel_loop3A_458] {strides = array<i32>} : memref<8208xi32, #tpu.memory_space<vmem>>, vector<16xi32>,
        %parallel_loop3A_460 = arith.constant 65535 : i32
        %parallel_loop3A_461 = vector.broadcast %parallel_loop3A_460 : i32 to vector<16xi32>
        %parallel_loop3A_462 = arith.andi %parallel_loop3A_459, %parallel_loop3A_461 : vector<16xi32>
        %parallel_loop3A_463 = arith.xori %parallel_loop3A_462, %select_n3A_47 : vector<16xi32>
        %parallel_loop3A_464 = arith.cmpi sge, %parallel_loop3A_463, %or3A_329 : vector<16xi32>
        %parallel_loop3A_465 = vector.broadcast %parallel_loop3A_457 : i32 to vector<16xi32>
        %parallel_loop3A_466 = arith.addi %parallel_loop3A_465, %iota3A : vector<16xi32>
        %parallel_loop3A_467 = arith.cmpi slt, %parallel_loop3A_466, %parallel_loop3A_108 : vector<16xi32>
        %parallel_loop3A_468 = arith.andi %parallel_loop3A_464, %parallel_loop3A_467 : vector<16xi1>
        %parallel_loop3A_469 = tpu.all_reduce %parallel_loop3A_468 {dim = 0 : i64, kind = #tpu.reduction_kind<sum>} : vector<16xi1> -> vector<16xi32>
        %parallel_loop3A_470 = arith.addi %parallel_loop3A_455, %parallel_loop3A_469 : vector<16xi32>
        scf.yield %parallel_loop3A_470 : vector<16xi32>
      } {sc.loop_unroll_factor = 1 : i64, sc.parallel_access}
      %ge3A = arith.cmpi sge, %parallel_loop3A_332, %sub3A_105 : vector<16xi32>
      %select_n3A_333 = arith.select %ge3A, %or3A_329, %broadcast_in_dim3A_2 : vector<16xi1>, vector<16xi32>
      %or3A_334 = arith.constant 16384 : i32
      %or3A_335 = vector.broadcast %or3A_334 : i32 to vector<16xi32>
      %or3A_336 = arith.ori %select_n3A_333, %or3A_335 : vector<16xi32>
      %parallel_loop3A_337 = arith.constant 0 : i32
      %parallel_loop3A_338 = arith.constant 1 : i32
      %parallel_loop3A_339 = scf.for %parallel_loop3A_454 = %parallel_loop3A_337 to %select_n3A_326 step %parallel_loop3A_338 iter_args(%parallel_loop3A_455 = %broadcast_in_dim3A_2) -> (vector<16xi32>)  : i32 {
        %parallel_loop3A_456 = arith.constant 16 : i32
        %parallel_loop3A_457 = arith.muli %parallel_loop3A_454, %parallel_loop3A_456 : i32
        %parallel_loop3A_458 = arith.index_cast %parallel_loop3A_457 : i32 to index
        %parallel_loop3A_459 = tpu.vector_load %arg7[%parallel_loop3A_458] {strides = array<i32>} : memref<8208xi32, #tpu.memory_space<vmem>>, vector<16xi32>,
        %parallel_loop3A_460 = arith.constant 65535 : i32
        %parallel_loop3A_461 = vector.broadcast %parallel_loop3A_460 : i32 to vector<16xi32>
        %parallel_loop3A_462 = arith.andi %parallel_loop3A_459, %parallel_loop3A_461 : vector<16xi32>
        %parallel_loop3A_463 = arith.xori %parallel_loop3A_462, %select_n3A_47 : vector<16xi32>
        %parallel_loop3A_464 = arith.cmpi sge, %parallel_loop3A_463, %or3A_336 : vector<16xi32>
        %parallel_loop3A_465 = vector.broadcast %parallel_loop3A_457 : i32 to vector<16xi32>
        %parallel_loop3A_466 = arith.addi %parallel_loop3A_465, %iota3A : vector<16xi32>
        %parallel_loop3A_467 = arith.cmpi slt, %parallel_loop3A_466, %parallel_loop3A_108 : vector<16xi32>
        %parallel_loop3A_468 = arith.andi %parallel_loop3A_464, %parallel_loop3A_467 : vector<16xi1>
        %parallel_loop3A_469 = tpu.all_reduce %parallel_loop3A_468 {dim = 0 : i64, kind = #tpu.reduction_kind<sum>} : vector<16xi1> -> vector<16xi32>
        %parallel_loop3A_470 = arith.addi %parallel_loop3A_455, %parallel_loop3A_469 : vector<16xi32>
        scf.yield %parallel_loop3A_470 : vector<16xi32>
      } {sc.loop_unroll_factor = 1 : i64, sc.parallel_access}
      %ge3A_340 = arith.cmpi sge, %parallel_loop3A_339, %sub3A_105 : vector<16xi32>
      %select_n3A_341 = arith.select %ge3A_340, %or3A_336, %select_n3A_333 : vector<16xi1>, vector<16xi32>
      %or3A_342 = arith.constant 8192 : i32
      %or3A_343 = vector.broadcast %or3A_342 : i32 to vector<16xi32>
      %or3A_344 = arith.ori %select_n3A_341, %or3A_343 : vector<16xi32>
      %parallel_loop3A_345 = arith.constant 0 : i32
      %parallel_loop3A_346 = arith.constant 1 : i32
      %parallel_loop3A_347 = scf.for %parallel_loop3A_454 = %parallel_loop3A_345 to %select_n3A_326 step %parallel_loop3A_346 iter_args(%parallel_loop3A_455 = %broadcast_in_dim3A_2) -> (vector<16xi32>)  : i32 {
        %parallel_loop3A_456 = arith.constant 16 : i32
        %parallel_loop3A_457 = arith.muli %parallel_loop3A_454, %parallel_loop3A_456 : i32
        %parallel_loop3A_458 = arith.index_cast %parallel_loop3A_457 : i32 to index
        %parallel_loop3A_459 = tpu.vector_load %arg7[%parallel_loop3A_458] {strides = array<i32>} : memref<8208xi32, #tpu.memory_space<vmem>>, vector<16xi32>,
        %parallel_loop3A_460 = arith.constant 65535 : i32
        %parallel_loop3A_461 = vector.broadcast %parallel_loop3A_460 : i32 to vector<16xi32>
        %parallel_loop3A_462 = arith.andi %parallel_loop3A_459, %parallel_loop3A_461 : vector<16xi32>
        %parallel_loop3A_463 = arith.xori %parallel_loop3A_462, %select_n3A_47 : vector<16xi32>
        %parallel_loop3A_464 = arith.cmpi sge, %parallel_loop3A_463, %or3A_344 : vector<16xi32>
        %parallel_loop3A_465 = vector.broadcast %parallel_loop3A_457 : i32 to vector<16xi32>
        %parallel_loop3A_466 = arith.addi %parallel_loop3A_465, %iota3A : vector<16xi32>
        %parallel_loop3A_467 = arith.cmpi slt, %parallel_loop3A_466, %parallel_loop3A_108 : vector<16xi32>
        %parallel_loop3A_468 = arith.andi %parallel_loop3A_464, %parallel_loop3A_467 : vector<16xi1>
        %parallel_loop3A_469 = tpu.all_reduce %parallel_loop3A_468 {dim = 0 : i64, kind = #tpu.reduction_kind<sum>} : vector<16xi1> -> vector<16xi32>
        %parallel_loop3A_470 = arith.addi %parallel_loop3A_455, %parallel_loop3A_469 : vector<16xi32>
        scf.yield %parallel_loop3A_470 : vector<16xi32>
      } {sc.loop_unroll_factor = 1 : i64, sc.parallel_access}
      %ge3A_348 = arith.cmpi sge, %parallel_loop3A_347, %sub3A_105 : vector<16xi32>
      %select_n3A_349 = arith.select %ge3A_348, %or3A_344, %select_n3A_341 : vector<16xi1>, vector<16xi32>
      %or3A_350 = arith.constant 4096 : i32
      %or3A_351 = vector.broadcast %or3A_350 : i32 to vector<16xi32>
      %or3A_352 = arith.ori %select_n3A_349, %or3A_351 : vector<16xi32>
      %parallel_loop3A_353 = arith.constant 0 : i32
      %parallel_loop3A_354 = arith.constant 1 : i32
      %parallel_loop3A_355 = scf.for %parallel_loop3A_454 = %parallel_loop3A_353 to %select_n3A_326 step %parallel_loop3A_354 iter_args(%parallel_loop3A_455 = %broadcast_in_dim3A_2) -> (vector<16xi32>)  : i32 {
        %parallel_loop3A_456 = arith.constant 16 : i32
        %parallel_loop3A_457 = arith.muli %parallel_loop3A_454, %parallel_loop3A_456 : i32
        %parallel_loop3A_458 = arith.index_cast %parallel_loop3A_457 : i32 to index
        %parallel_loop3A_459 = tpu.vector_load %arg7[%parallel_loop3A_458] {strides = array<i32>} : memref<8208xi32, #tpu.memory_space<vmem>>, vector<16xi32>,
        %parallel_loop3A_460 = arith.constant 65535 : i32
        %parallel_loop3A_461 = vector.broadcast %parallel_loop3A_460 : i32 to vector<16xi32>
        %parallel_loop3A_462 = arith.andi %parallel_loop3A_459, %parallel_loop3A_461 : vector<16xi32>
        %parallel_loop3A_463 = arith.xori %parallel_loop3A_462, %select_n3A_47 : vector<16xi32>
        %parallel_loop3A_464 = arith.cmpi sge, %parallel_loop3A_463, %or3A_352 : vector<16xi32>
        %parallel_loop3A_465 = vector.broadcast %parallel_loop3A_457 : i32 to vector<16xi32>
        %parallel_loop3A_466 = arith.addi %parallel_loop3A_465, %iota3A : vector<16xi32>
        %parallel_loop3A_467 = arith.cmpi slt, %parallel_loop3A_466, %parallel_loop3A_108 : vector<16xi32>
        %parallel_loop3A_468 = arith.andi %parallel_loop3A_464, %parallel_loop3A_467 : vector<16xi1>
        %parallel_loop3A_469 = tpu.all_reduce %parallel_loop3A_468 {dim = 0 : i64, kind = #tpu.reduction_kind<sum>} : vector<16xi1> -> vector<16xi32>
        %parallel_loop3A_470 = arith.addi %parallel_loop3A_455, %parallel_loop3A_469 : vector<16xi32>
        scf.yield %parallel_loop3A_470 : vector<16xi32>
      } {sc.loop_unroll_factor = 1 : i64, sc.parallel_access}
      %ge3A_356 = arith.cmpi sge, %parallel_loop3A_355, %sub3A_105 : vector<16xi32>
      %select_n3A_357 = arith.select %ge3A_356, %or3A_352, %select_n3A_349 : vector<16xi1>, vector<16xi32>
      %or3A_358 = arith.constant 2048 : i32
      %or3A_359 = vector.broadcast %or3A_358 : i32 to vector<16xi32>
      %or3A_360 = arith.ori %select_n3A_357, %or3A_359 : vector<16xi32>
      %parallel_loop3A_361 = arith.constant 0 : i32
      %parallel_loop3A_362 = arith.constant 1 : i32
      %parallel_loop3A_363 = scf.for %parallel_loop3A_454 = %parallel_loop3A_361 to %select_n3A_326 step %parallel_loop3A_362 iter_args(%parallel_loop3A_455 = %broadcast_in_dim3A_2) -> (vector<16xi32>)  : i32 {
        %parallel_loop3A_456 = arith.constant 16 : i32
        %parallel_loop3A_457 = arith.muli %parallel_loop3A_454, %parallel_loop3A_456 : i32
        %parallel_loop3A_458 = arith.index_cast %parallel_loop3A_457 : i32 to index
        %parallel_loop3A_459 = tpu.vector_load %arg7[%parallel_loop3A_458] {strides = array<i32>} : memref<8208xi32, #tpu.memory_space<vmem>>, vector<16xi32>,
        %parallel_loop3A_460 = arith.constant 65535 : i32
        %parallel_loop3A_461 = vector.broadcast %parallel_loop3A_460 : i32 to vector<16xi32>
        %parallel_loop3A_462 = arith.andi %parallel_loop3A_459, %parallel_loop3A_461 : vector<16xi32>
        %parallel_loop3A_463 = arith.xori %parallel_loop3A_462, %select_n3A_47 : vector<16xi32>
        %parallel_loop3A_464 = arith.cmpi sge, %parallel_loop3A_463, %or3A_360 : vector<16xi32>
        %parallel_loop3A_465 = vector.broadcast %parallel_loop3A_457 : i32 to vector<16xi32>
        %parallel_loop3A_466 = arith.addi %parallel_loop3A_465, %iota3A : vector<16xi32>
        %parallel_loop3A_467 = arith.cmpi slt, %parallel_loop3A_466, %parallel_loop3A_108 : vector<16xi32>
        %parallel_loop3A_468 = arith.andi %parallel_loop3A_464, %parallel_loop3A_467 : vector<16xi1>
        %parallel_loop3A_469 = tpu.all_reduce %parallel_loop3A_468 {dim = 0 : i64, kind = #tpu.reduction_kind<sum>} : vector<16xi1> -> vector<16xi32>
        %parallel_loop3A_470 = arith.addi %parallel_loop3A_455, %parallel_loop3A_469 : vector<16xi32>
        scf.yield %parallel_loop3A_470 : vector<16xi32>
      } {sc.loop_unroll_factor = 1 : i64, sc.parallel_access}
      %ge3A_364 = arith.cmpi sge, %parallel_loop3A_363, %sub3A_105 : vector<16xi32>
      %select_n3A_365 = arith.select %ge3A_364, %or3A_360, %select_n3A_357 : vector<16xi1>, vector<16xi32>
      %or3A_366 = arith.constant 1024 : i32
      %or3A_367 = vector.broadcast %or3A_366 : i32 to vector<16xi32>
      %or3A_368 = arith.ori %select_n3A_365, %or3A_367 : vector<16xi32>
      %parallel_loop3A_369 = arith.constant 0 : i32
      %parallel_loop3A_370 = arith.constant 1 : i32
      %parallel_loop3A_371 = scf.for %parallel_loop3A_454 = %parallel_loop3A_369 to %select_n3A_326 step %parallel_loop3A_370 iter_args(%parallel_loop3A_455 = %broadcast_in_dim3A_2) -> (vector<16xi32>)  : i32 {
        %parallel_loop3A_456 = arith.constant 16 : i32
        %parallel_loop3A_457 = arith.muli %parallel_loop3A_454, %parallel_loop3A_456 : i32
        %parallel_loop3A_458 = arith.index_cast %parallel_loop3A_457 : i32 to index
        %parallel_loop3A_459 = tpu.vector_load %arg7[%parallel_loop3A_458] {strides = array<i32>} : memref<8208xi32, #tpu.memory_space<vmem>>, vector<16xi32>,
        %parallel_loop3A_460 = arith.constant 65535 : i32
        %parallel_loop3A_461 = vector.broadcast %parallel_loop3A_460 : i32 to vector<16xi32>
        %parallel_loop3A_462 = arith.andi %parallel_loop3A_459, %parallel_loop3A_461 : vector<16xi32>
        %parallel_loop3A_463 = arith.xori %parallel_loop3A_462, %select_n3A_47 : vector<16xi32>
        %parallel_loop3A_464 = arith.cmpi sge, %parallel_loop3A_463, %or3A_368 : vector<16xi32>
        %parallel_loop3A_465 = vector.broadcast %parallel_loop3A_457 : i32 to vector<16xi32>
        %parallel_loop3A_466 = arith.addi %parallel_loop3A_465, %iota3A : vector<16xi32>
        %parallel_loop3A_467 = arith.cmpi slt, %parallel_loop3A_466, %parallel_loop3A_108 : vector<16xi32>
        %parallel_loop3A_468 = arith.andi %parallel_loop3A_464, %parallel_loop3A_467 : vector<16xi1>
        %parallel_loop3A_469 = tpu.all_reduce %parallel_loop3A_468 {dim = 0 : i64, kind = #tpu.reduction_kind<sum>} : vector<16xi1> -> vector<16xi32>
        %parallel_loop3A_470 = arith.addi %parallel_loop3A_455, %parallel_loop3A_469 : vector<16xi32>
        scf.yield %parallel_loop3A_470 : vector<16xi32>
      } {sc.loop_unroll_factor = 1 : i64, sc.parallel_access}
      %ge3A_372 = arith.cmpi sge, %parallel_loop3A_371, %sub3A_105 : vector<16xi32>
      %select_n3A_373 = arith.select %ge3A_372, %or3A_368, %select_n3A_365 : vector<16xi1>, vector<16xi32>
      %or3A_374 = arith.constant 512 : i32
      %or3A_375 = vector.broadcast %or3A_374 : i32 to vector<16xi32>
      %or3A_376 = arith.ori %select_n3A_373, %or3A_375 : vector<16xi32>
      %parallel_loop3A_377 = arith.constant 0 : i32
      %parallel_loop3A_378 = arith.constant 1 : i32
      %parallel_loop3A_379 = scf.for %parallel_loop3A_454 = %parallel_loop3A_377 to %select_n3A_326 step %parallel_loop3A_378 iter_args(%parallel_loop3A_455 = %broadcast_in_dim3A_2) -> (vector<16xi32>)  : i32 {
        %parallel_loop3A_456 = arith.constant 16 : i32
        %parallel_loop3A_457 = arith.muli %parallel_loop3A_454, %parallel_loop3A_456 : i32
        %parallel_loop3A_458 = arith.index_cast %parallel_loop3A_457 : i32 to index
        %parallel_loop3A_459 = tpu.vector_load %arg7[%parallel_loop3A_458] {strides = array<i32>} : memref<8208xi32, #tpu.memory_space<vmem>>, vector<16xi32>,
        %parallel_loop3A_460 = arith.constant 65535 : i32
        %parallel_loop3A_461 = vector.broadcast %parallel_loop3A_460 : i32 to vector<16xi32>
        %parallel_loop3A_462 = arith.andi %parallel_loop3A_459, %parallel_loop3A_461 : vector<16xi32>
        %parallel_loop3A_463 = arith.xori %parallel_loop3A_462, %select_n3A_47 : vector<16xi32>
        %parallel_loop3A_464 = arith.cmpi sge, %parallel_loop3A_463, %or3A_376 : vector<16xi32>
        %parallel_loop3A_465 = vector.broadcast %parallel_loop3A_457 : i32 to vector<16xi32>
        %parallel_loop3A_466 = arith.addi %parallel_loop3A_465, %iota3A : vector<16xi32>
        %parallel_loop3A_467 = arith.cmpi slt, %parallel_loop3A_466, %parallel_loop3A_108 : vector<16xi32>
        %parallel_loop3A_468 = arith.andi %parallel_loop3A_464, %parallel_loop3A_467 : vector<16xi1>
        %parallel_loop3A_469 = tpu.all_reduce %parallel_loop3A_468 {dim = 0 : i64, kind = #tpu.reduction_kind<sum>} : vector<16xi1> -> vector<16xi32>
        %parallel_loop3A_470 = arith.addi %parallel_loop3A_455, %parallel_loop3A_469 : vector<16xi32>
        scf.yield %parallel_loop3A_470 : vector<16xi32>
      } {sc.loop_unroll_factor = 1 : i64, sc.parallel_access}
      %ge3A_380 = arith.cmpi sge, %parallel_loop3A_379, %sub3A_105 : vector<16xi32>
      %select_n3A_381 = arith.select %ge3A_380, %or3A_376, %select_n3A_373 : vector<16xi1>, vector<16xi32>
      %or3A_382 = arith.constant 256 : i32
      %or3A_383 = vector.broadcast %or3A_382 : i32 to vector<16xi32>
      %or3A_384 = arith.ori %select_n3A_381, %or3A_383 : vector<16xi32>
      %parallel_loop3A_385 = arith.constant 0 : i32
      %parallel_loop3A_386 = arith.constant 1 : i32
      %parallel_loop3A_387 = scf.for %parallel_loop3A_454 = %parallel_loop3A_385 to %select_n3A_326 step %parallel_loop3A_386 iter_args(%parallel_loop3A_455 = %broadcast_in_dim3A_2) -> (vector<16xi32>)  : i32 {
        %parallel_loop3A_456 = arith.constant 16 : i32
        %parallel_loop3A_457 = arith.muli %parallel_loop3A_454, %parallel_loop3A_456 : i32
        %parallel_loop3A_458 = arith.index_cast %parallel_loop3A_457 : i32 to index
        %parallel_loop3A_459 = tpu.vector_load %arg7[%parallel_loop3A_458] {strides = array<i32>} : memref<8208xi32, #tpu.memory_space<vmem>>, vector<16xi32>,
        %parallel_loop3A_460 = arith.constant 65535 : i32
        %parallel_loop3A_461 = vector.broadcast %parallel_loop3A_460 : i32 to vector<16xi32>
        %parallel_loop3A_462 = arith.andi %parallel_loop3A_459, %parallel_loop3A_461 : vector<16xi32>
        %parallel_loop3A_463 = arith.xori %parallel_loop3A_462, %select_n3A_47 : vector<16xi32>
        %parallel_loop3A_464 = arith.cmpi sge, %parallel_loop3A_463, %or3A_384 : vector<16xi32>
        %parallel_loop3A_465 = vector.broadcast %parallel_loop3A_457 : i32 to vector<16xi32>
        %parallel_loop3A_466 = arith.addi %parallel_loop3A_465, %iota3A : vector<16xi32>
        %parallel_loop3A_467 = arith.cmpi slt, %parallel_loop3A_466, %parallel_loop3A_108 : vector<16xi32>
        %parallel_loop3A_468 = arith.andi %parallel_loop3A_464, %parallel_loop3A_467 : vector<16xi1>
        %parallel_loop3A_469 = tpu.all_reduce %parallel_loop3A_468 {dim = 0 : i64, kind = #tpu.reduction_kind<sum>} : vector<16xi1> -> vector<16xi32>
        %parallel_loop3A_470 = arith.addi %parallel_loop3A_455, %parallel_loop3A_469 : vector<16xi32>
        scf.yield %parallel_loop3A_470 : vector<16xi32>
      } {sc.loop_unroll_factor = 1 : i64, sc.parallel_access}
      %ge3A_388 = arith.cmpi sge, %parallel_loop3A_387, %sub3A_105 : vector<16xi32>
      %select_n3A_389 = arith.select %ge3A_388, %or3A_384, %select_n3A_381 : vector<16xi1>, vector<16xi32>
      %or3A_390 = arith.constant 128 : i32
      %or3A_391 = vector.broadcast %or3A_390 : i32 to vector<16xi32>
      %or3A_392 = arith.ori %select_n3A_389, %or3A_391 : vector<16xi32>
      %parallel_loop3A_393 = arith.constant 0 : i32
      %parallel_loop3A_394 = arith.constant 1 : i32
      %parallel_loop3A_395 = scf.for %parallel_loop3A_454 = %parallel_loop3A_393 to %select_n3A_326 step %parallel_loop3A_394 iter_args(%parallel_loop3A_455 = %broadcast_in_dim3A_2) -> (vector<16xi32>)  : i32 {
        %parallel_loop3A_456 = arith.constant 16 : i32
        %parallel_loop3A_457 = arith.muli %parallel_loop3A_454, %parallel_loop3A_456 : i32
        %parallel_loop3A_458 = arith.index_cast %parallel_loop3A_457 : i32 to index
        %parallel_loop3A_459 = tpu.vector_load %arg7[%parallel_loop3A_458] {strides = array<i32>} : memref<8208xi32, #tpu.memory_space<vmem>>, vector<16xi32>,
        %parallel_loop3A_460 = arith.constant 65535 : i32
        %parallel_loop3A_461 = vector.broadcast %parallel_loop3A_460 : i32 to vector<16xi32>
        %parallel_loop3A_462 = arith.andi %parallel_loop3A_459, %parallel_loop3A_461 : vector<16xi32>
        %parallel_loop3A_463 = arith.xori %parallel_loop3A_462, %select_n3A_47 : vector<16xi32>
        %parallel_loop3A_464 = arith.cmpi sge, %parallel_loop3A_463, %or3A_392 : vector<16xi32>
        %parallel_loop3A_465 = vector.broadcast %parallel_loop3A_457 : i32 to vector<16xi32>
        %parallel_loop3A_466 = arith.addi %parallel_loop3A_465, %iota3A : vector<16xi32>
        %parallel_loop3A_467 = arith.cmpi slt, %parallel_loop3A_466, %parallel_loop3A_108 : vector<16xi32>
        %parallel_loop3A_468 = arith.andi %parallel_loop3A_464, %parallel_loop3A_467 : vector<16xi1>
        %parallel_loop3A_469 = tpu.all_reduce %parallel_loop3A_468 {dim = 0 : i64, kind = #tpu.reduction_kind<sum>} : vector<16xi1> -> vector<16xi32>
        %parallel_loop3A_470 = arith.addi %parallel_loop3A_455, %parallel_loop3A_469 : vector<16xi32>
        scf.yield %parallel_loop3A_470 : vector<16xi32>
      } {sc.loop_unroll_factor = 1 : i64, sc.parallel_access}
      %ge3A_396 = arith.cmpi sge, %parallel_loop3A_395, %sub3A_105 : vector<16xi32>
      %select_n3A_397 = arith.select %ge3A_396, %or3A_392, %select_n3A_389 : vector<16xi1>, vector<16xi32>
      %or3A_398 = arith.constant 64 : i32
      %or3A_399 = vector.broadcast %or3A_398 : i32 to vector<16xi32>
      %or3A_400 = arith.ori %select_n3A_397, %or3A_399 : vector<16xi32>
      %parallel_loop3A_401 = arith.constant 0 : i32
      %parallel_loop3A_402 = arith.constant 1 : i32
      %parallel_loop3A_403 = scf.for %parallel_loop3A_454 = %parallel_loop3A_401 to %select_n3A_326 step %parallel_loop3A_402 iter_args(%parallel_loop3A_455 = %broadcast_in_dim3A_2) -> (vector<16xi32>)  : i32 {
        %parallel_loop3A_456 = arith.constant 16 : i32
        %parallel_loop3A_457 = arith.muli %parallel_loop3A_454, %parallel_loop3A_456 : i32
        %parallel_loop3A_458 = arith.index_cast %parallel_loop3A_457 : i32 to index
        %parallel_loop3A_459 = tpu.vector_load %arg7[%parallel_loop3A_458] {strides = array<i32>} : memref<8208xi32, #tpu.memory_space<vmem>>, vector<16xi32>,
        %parallel_loop3A_460 = arith.constant 65535 : i32
        %parallel_loop3A_461 = vector.broadcast %parallel_loop3A_460 : i32 to vector<16xi32>
        %parallel_loop3A_462 = arith.andi %parallel_loop3A_459, %parallel_loop3A_461 : vector<16xi32>
        %parallel_loop3A_463 = arith.xori %parallel_loop3A_462, %select_n3A_47 : vector<16xi32>
        %parallel_loop3A_464 = arith.cmpi sge, %parallel_loop3A_463, %or3A_400 : vector<16xi32>
        %parallel_loop3A_465 = vector.broadcast %parallel_loop3A_457 : i32 to vector<16xi32>
        %parallel_loop3A_466 = arith.addi %parallel_loop3A_465, %iota3A : vector<16xi32>
        %parallel_loop3A_467 = arith.cmpi slt, %parallel_loop3A_466, %parallel_loop3A_108 : vector<16xi32>
        %parallel_loop3A_468 = arith.andi %parallel_loop3A_464, %parallel_loop3A_467 : vector<16xi1>
        %parallel_loop3A_469 = tpu.all_reduce %parallel_loop3A_468 {dim = 0 : i64, kind = #tpu.reduction_kind<sum>} : vector<16xi1> -> vector<16xi32>
        %parallel_loop3A_470 = arith.addi %parallel_loop3A_455, %parallel_loop3A_469 : vector<16xi32>
        scf.yield %parallel_loop3A_470 : vector<16xi32>
      } {sc.loop_unroll_factor = 1 : i64, sc.parallel_access}
      %ge3A_404 = arith.cmpi sge, %parallel_loop3A_403, %sub3A_105 : vector<16xi32>
      %select_n3A_405 = arith.select %ge3A_404, %or3A_400, %select_n3A_397 : vector<16xi1>, vector<16xi32>
      %or3A_406 = arith.constant 32 : i32
      %or3A_407 = vector.broadcast %or3A_406 : i32 to vector<16xi32>
      %or3A_408 = arith.ori %select_n3A_405, %or3A_407 : vector<16xi32>
      %parallel_loop3A_409 = arith.constant 0 : i32
      %parallel_loop3A_410 = arith.constant 1 : i32
      %parallel_loop3A_411 = scf.for %parallel_loop3A_454 = %parallel_loop3A_409 to %select_n3A_326 step %parallel_loop3A_410 iter_args(%parallel_loop3A_455 = %broadcast_in_dim3A_2) -> (vector<16xi32>)  : i32 {
        %parallel_loop3A_456 = arith.constant 16 : i32
        %parallel_loop3A_457 = arith.muli %parallel_loop3A_454, %parallel_loop3A_456 : i32
        %parallel_loop3A_458 = arith.index_cast %parallel_loop3A_457 : i32 to index
        %parallel_loop3A_459 = tpu.vector_load %arg7[%parallel_loop3A_458] {strides = array<i32>} : memref<8208xi32, #tpu.memory_space<vmem>>, vector<16xi32>,
        %parallel_loop3A_460 = arith.constant 65535 : i32
        %parallel_loop3A_461 = vector.broadcast %parallel_loop3A_460 : i32 to vector<16xi32>
        %parallel_loop3A_462 = arith.andi %parallel_loop3A_459, %parallel_loop3A_461 : vector<16xi32>
        %parallel_loop3A_463 = arith.xori %parallel_loop3A_462, %select_n3A_47 : vector<16xi32>
        %parallel_loop3A_464 = arith.cmpi sge, %parallel_loop3A_463, %or3A_408 : vector<16xi32>
        %parallel_loop3A_465 = vector.broadcast %parallel_loop3A_457 : i32 to vector<16xi32>
        %parallel_loop3A_466 = arith.addi %parallel_loop3A_465, %iota3A : vector<16xi32>
        %parallel_loop3A_467 = arith.cmpi slt, %parallel_loop3A_466, %parallel_loop3A_108 : vector<16xi32>
        %parallel_loop3A_468 = arith.andi %parallel_loop3A_464, %parallel_loop3A_467 : vector<16xi1>
        %parallel_loop3A_469 = tpu.all_reduce %parallel_loop3A_468 {dim = 0 : i64, kind = #tpu.reduction_kind<sum>} : vector<16xi1> -> vector<16xi32>
        %parallel_loop3A_470 = arith.addi %parallel_loop3A_455, %parallel_loop3A_469 : vector<16xi32>
        scf.yield %parallel_loop3A_470 : vector<16xi32>
      } {sc.loop_unroll_factor = 1 : i64, sc.parallel_access}
      %ge3A_412 = arith.cmpi sge, %parallel_loop3A_411, %sub3A_105 : vector<16xi32>
      %select_n3A_413 = arith.select %ge3A_412, %or3A_408, %select_n3A_405 : vector<16xi1>, vector<16xi32>
      %or3A_414 = arith.constant 16 : i32
      %or3A_415 = vector.broadcast %or3A_414 : i32 to vector<16xi32>
      %or3A_416 = arith.ori %select_n3A_413, %or3A_415 : vector<16xi32>
      %parallel_loop3A_417 = arith.constant 0 : i32
      %parallel_loop3A_418 = arith.constant 1 : i32
      %parallel_loop3A_419 = scf.for %parallel_loop3A_454 = %parallel_loop3A_417 to %select_n3A_326 step %parallel_loop3A_418 iter_args(%parallel_loop3A_455 = %broadcast_in_dim3A_2) -> (vector<16xi32>)  : i32 {
        %parallel_loop3A_456 = arith.constant 16 : i32
        %parallel_loop3A_457 = arith.muli %parallel_loop3A_454, %parallel_loop3A_456 : i32
        %parallel_loop3A_458 = arith.index_cast %parallel_loop3A_457 : i32 to index
        %parallel_loop3A_459 = tpu.vector_load %arg7[%parallel_loop3A_458] {strides = array<i32>} : memref<8208xi32, #tpu.memory_space<vmem>>, vector<16xi32>,
        %parallel_loop3A_460 = arith.constant 65535 : i32
        %parallel_loop3A_461 = vector.broadcast %parallel_loop3A_460 : i32 to vector<16xi32>
        %parallel_loop3A_462 = arith.andi %parallel_loop3A_459, %parallel_loop3A_461 : vector<16xi32>
        %parallel_loop3A_463 = arith.xori %parallel_loop3A_462, %select_n3A_47 : vector<16xi32>
        %parallel_loop3A_464 = arith.cmpi sge, %parallel_loop3A_463, %or3A_416 : vector<16xi32>
        %parallel_loop3A_465 = vector.broadcast %parallel_loop3A_457 : i32 to vector<16xi32>
        %parallel_loop3A_466 = arith.addi %parallel_loop3A_465, %iota3A : vector<16xi32>
        %parallel_loop3A_467 = arith.cmpi slt, %parallel_loop3A_466, %parallel_loop3A_108 : vector<16xi32>
        %parallel_loop3A_468 = arith.andi %parallel_loop3A_464, %parallel_loop3A_467 : vector<16xi1>
        %parallel_loop3A_469 = tpu.all_reduce %parallel_loop3A_468 {dim = 0 : i64, kind = #tpu.reduction_kind<sum>} : vector<16xi1> -> vector<16xi32>
        %parallel_loop3A_470 = arith.addi %parallel_loop3A_455, %parallel_loop3A_469 : vector<16xi32>
        scf.yield %parallel_loop3A_470 : vector<16xi32>
      } {sc.loop_unroll_factor = 1 : i64, sc.parallel_access}
      %ge3A_420 = arith.cmpi sge, %parallel_loop3A_419, %sub3A_105 : vector<16xi32>
      %select_n3A_421 = arith.select %ge3A_420, %or3A_416, %select_n3A_413 : vector<16xi1>, vector<16xi32>
      %or3A_422 = arith.constant 8 : i32
      %or3A_423 = vector.broadcast %or3A_422 : i32 to vector<16xi32>
      %or3A_424 = arith.ori %select_n3A_421, %or3A_423 : vector<16xi32>
      %parallel_loop3A_425 = arith.constant 0 : i32
      %parallel_loop3A_426 = arith.constant 1 : i32
      %parallel_loop3A_427 = scf.for %parallel_loop3A_454 = %parallel_loop3A_425 to %select_n3A_326 step %parallel_loop3A_426 iter_args(%parallel_loop3A_455 = %broadcast_in_dim3A_2) -> (vector<16xi32>)  : i32 {
        %parallel_loop3A_456 = arith.constant 16 : i32
        %parallel_loop3A_457 = arith.muli %parallel_loop3A_454, %parallel_loop3A_456 : i32
        %parallel_loop3A_458 = arith.index_cast %parallel_loop3A_457 : i32 to index
        %parallel_loop3A_459 = tpu.vector_load %arg7[%parallel_loop3A_458] {strides = array<i32>} : memref<8208xi32, #tpu.memory_space<vmem>>, vector<16xi32>,
        %parallel_loop3A_460 = arith.constant 65535 : i32
        %parallel_loop3A_461 = vector.broadcast %parallel_loop3A_460 : i32 to vector<16xi32>
        %parallel_loop3A_462 = arith.andi %parallel_loop3A_459, %parallel_loop3A_461 : vector<16xi32>
        %parallel_loop3A_463 = arith.xori %parallel_loop3A_462, %select_n3A_47 : vector<16xi32>
        %parallel_loop3A_464 = arith.cmpi sge, %parallel_loop3A_463, %or3A_424 : vector<16xi32>
        %parallel_loop3A_465 = vector.broadcast %parallel_loop3A_457 : i32 to vector<16xi32>
        %parallel_loop3A_466 = arith.addi %parallel_loop3A_465, %iota3A : vector<16xi32>
        %parallel_loop3A_467 = arith.cmpi slt, %parallel_loop3A_466, %parallel_loop3A_108 : vector<16xi32>
        %parallel_loop3A_468 = arith.andi %parallel_loop3A_464, %parallel_loop3A_467 : vector<16xi1>
        %parallel_loop3A_469 = tpu.all_reduce %parallel_loop3A_468 {dim = 0 : i64, kind = #tpu.reduction_kind<sum>} : vector<16xi1> -> vector<16xi32>
        %parallel_loop3A_470 = arith.addi %parallel_loop3A_455, %parallel_loop3A_469 : vector<16xi32>
        scf.yield %parallel_loop3A_470 : vector<16xi32>
      } {sc.loop_unroll_factor = 1 : i64, sc.parallel_access}
      %ge3A_428 = arith.cmpi sge, %parallel_loop3A_427, %sub3A_105 : vector<16xi32>
      %select_n3A_429 = arith.select %ge3A_428, %or3A_424, %select_n3A_421 : vector<16xi1>, vector<16xi32>
      %or3A_430 = arith.constant 4 : i32
      %or3A_431 = vector.broadcast %or3A_430 : i32 to vector<16xi32>
      %or3A_432 = arith.ori %select_n3A_429, %or3A_431 : vector<16xi32>
      %parallel_loop3A_433 = arith.constant 0 : i32
      %parallel_loop3A_434 = arith.constant 1 : i32
      %parallel_loop3A_435 = scf.for %parallel_loop3A_454 = %parallel_loop3A_433 to %select_n3A_326 step %parallel_loop3A_434 iter_args(%parallel_loop3A_455 = %broadcast_in_dim3A_2) -> (vector<16xi32>)  : i32 {
        %parallel_loop3A_456 = arith.constant 16 : i32
        %parallel_loop3A_457 = arith.muli %parallel_loop3A_454, %parallel_loop3A_456 : i32
        %parallel_loop3A_458 = arith.index_cast %parallel_loop3A_457 : i32 to index
        %parallel_loop3A_459 = tpu.vector_load %arg7[%parallel_loop3A_458] {strides = array<i32>} : memref<8208xi32, #tpu.memory_space<vmem>>, vector<16xi32>,
        %parallel_loop3A_460 = arith.constant 65535 : i32
        %parallel_loop3A_461 = vector.broadcast %parallel_loop3A_460 : i32 to vector<16xi32>
        %parallel_loop3A_462 = arith.andi %parallel_loop3A_459, %parallel_loop3A_461 : vector<16xi32>
        %parallel_loop3A_463 = arith.xori %parallel_loop3A_462, %select_n3A_47 : vector<16xi32>
        %parallel_loop3A_464 = arith.cmpi sge, %parallel_loop3A_463, %or3A_432 : vector<16xi32>
        %parallel_loop3A_465 = vector.broadcast %parallel_loop3A_457 : i32 to vector<16xi32>
        %parallel_loop3A_466 = arith.addi %parallel_loop3A_465, %iota3A : vector<16xi32>
        %parallel_loop3A_467 = arith.cmpi slt, %parallel_loop3A_466, %parallel_loop3A_108 : vector<16xi32>
        %parallel_loop3A_468 = arith.andi %parallel_loop3A_464, %parallel_loop3A_467 : vector<16xi1>
        %parallel_loop3A_469 = tpu.all_reduce %parallel_loop3A_468 {dim = 0 : i64, kind = #tpu.reduction_kind<sum>} : vector<16xi1> -> vector<16xi32>
        %parallel_loop3A_470 = arith.addi %parallel_loop3A_455, %parallel_loop3A_469 : vector<16xi32>
        scf.yield %parallel_loop3A_470 : vector<16xi32>
      } {sc.loop_unroll_factor = 1 : i64, sc.parallel_access}
      %ge3A_436 = arith.cmpi sge, %parallel_loop3A_435, %sub3A_105 : vector<16xi32>
      %select_n3A_437 = arith.select %ge3A_436, %or3A_432, %select_n3A_429 : vector<16xi1>, vector<16xi32>
      %or3A_438 = arith.constant 2 : i32
      %or3A_439 = vector.broadcast %or3A_438 : i32 to vector<16xi32>
      %or3A_440 = arith.ori %select_n3A_437, %or3A_439 : vector<16xi32>
      %parallel_loop3A_441 = arith.constant 0 : i32
      %parallel_loop3A_442 = arith.constant 1 : i32
      %parallel_loop3A_443 = scf.for %parallel_loop3A_454 = %parallel_loop3A_441 to %select_n3A_326 step %parallel_loop3A_442 iter_args(%parallel_loop3A_455 = %broadcast_in_dim3A_2) -> (vector<16xi32>)  : i32 {
        %parallel_loop3A_456 = arith.constant 16 : i32
        %parallel_loop3A_457 = arith.muli %parallel_loop3A_454, %parallel_loop3A_456 : i32
        %parallel_loop3A_458 = arith.index_cast %parallel_loop3A_457 : i32 to index
        %parallel_loop3A_459 = tpu.vector_load %arg7[%parallel_loop3A_458] {strides = array<i32>} : memref<8208xi32, #tpu.memory_space<vmem>>, vector<16xi32>,
        %parallel_loop3A_460 = arith.constant 65535 : i32
        %parallel_loop3A_461 = vector.broadcast %parallel_loop3A_460 : i32 to vector<16xi32>
        %parallel_loop3A_462 = arith.andi %parallel_loop3A_459, %parallel_loop3A_461 : vector<16xi32>
        %parallel_loop3A_463 = arith.xori %parallel_loop3A_462, %select_n3A_47 : vector<16xi32>
        %parallel_loop3A_464 = arith.cmpi sge, %parallel_loop3A_463, %or3A_440 : vector<16xi32>
        %parallel_loop3A_465 = vector.broadcast %parallel_loop3A_457 : i32 to vector<16xi32>
        %parallel_loop3A_466 = arith.addi %parallel_loop3A_465, %iota3A : vector<16xi32>
        %parallel_loop3A_467 = arith.cmpi slt, %parallel_loop3A_466, %parallel_loop3A_108 : vector<16xi32>
        %parallel_loop3A_468 = arith.andi %parallel_loop3A_464, %parallel_loop3A_467 : vector<16xi1>
        %parallel_loop3A_469 = tpu.all_reduce %parallel_loop3A_468 {dim = 0 : i64, kind = #tpu.reduction_kind<sum>} : vector<16xi1> -> vector<16xi32>
        %parallel_loop3A_470 = arith.addi %parallel_loop3A_455, %parallel_loop3A_469 : vector<16xi32>
        scf.yield %parallel_loop3A_470 : vector<16xi32>
      } {sc.loop_unroll_factor = 1 : i64, sc.parallel_access}
      %ge3A_444 = arith.cmpi sge, %parallel_loop3A_443, %sub3A_105 : vector<16xi32>
      %select_n3A_445 = arith.select %ge3A_444, %or3A_440, %select_n3A_437 : vector<16xi1>, vector<16xi32>
      %or3A_446 = arith.constant 1 : i32
      %or3A_447 = vector.broadcast %or3A_446 : i32 to vector<16xi32>
      %or3A_448 = arith.ori %select_n3A_445, %or3A_447 : vector<16xi32>
      %parallel_loop3A_449 = arith.constant 0 : i32
      %parallel_loop3A_450 = arith.constant 1 : i32
      %parallel_loop3A_451 = scf.for %parallel_loop3A_454 = %parallel_loop3A_449 to %select_n3A_326 step %parallel_loop3A_450 iter_args(%parallel_loop3A_455 = %broadcast_in_dim3A_2) -> (vector<16xi32>)  : i32 {
        %parallel_loop3A_456 = arith.constant 16 : i32
        %parallel_loop3A_457 = arith.muli %parallel_loop3A_454, %parallel_loop3A_456 : i32
        %parallel_loop3A_458 = arith.index_cast %parallel_loop3A_457 : i32 to index
        %parallel_loop3A_459 = tpu.vector_load %arg7[%parallel_loop3A_458] {strides = array<i32>} : memref<8208xi32, #tpu.memory_space<vmem>>, vector<16xi32>,
        %parallel_loop3A_460 = arith.constant 65535 : i32
        %parallel_loop3A_461 = vector.broadcast %parallel_loop3A_460 : i32 to vector<16xi32>
        %parallel_loop3A_462 = arith.andi %parallel_loop3A_459, %parallel_loop3A_461 : vector<16xi32>
        %parallel_loop3A_463 = arith.xori %parallel_loop3A_462, %select_n3A_47 : vector<16xi32>
        %parallel_loop3A_464 = arith.cmpi sge, %parallel_loop3A_463, %or3A_448 : vector<16xi32>
        %parallel_loop3A_465 = vector.broadcast %parallel_loop3A_457 : i32 to vector<16xi32>
        %parallel_loop3A_466 = arith.addi %parallel_loop3A_465, %iota3A : vector<16xi32>
        %parallel_loop3A_467 = arith.cmpi slt, %parallel_loop3A_466, %parallel_loop3A_108 : vector<16xi32>
        %parallel_loop3A_468 = arith.andi %parallel_loop3A_464, %parallel_loop3A_467 : vector<16xi1>
        %parallel_loop3A_469 = tpu.all_reduce %parallel_loop3A_468 {dim = 0 : i64, kind = #tpu.reduction_kind<sum>} : vector<16xi1> -> vector<16xi32>
        %parallel_loop3A_470 = arith.addi %parallel_loop3A_455, %parallel_loop3A_469 : vector<16xi32>
        scf.yield %parallel_loop3A_470 : vector<16xi32>
      } {sc.loop_unroll_factor = 1 : i64, sc.parallel_access}
      %ge3A_452 = arith.cmpi sge, %parallel_loop3A_451, %sub3A_105 : vector<16xi32>
      %select_n3A_453 = arith.select %ge3A_452, %or3A_448, %select_n3A_445 : vector<16xi1>, vector<16xi32>
      scf.yield %select_n3A_453 : vector<16xi32>
    }
    %xor3A = arith.constant 128 : i32
    %xor3A_121 = vector.broadcast %xor3A : i32 to vector<16xi32>
    %xor3A_122 = arith.xori %sub3A_36, %xor3A_121 : vector<16xi32>
    %xor3A_123 = arith.constant 127 : i32
    %xor3A_124 = vector.broadcast %xor3A_123 : i32 to vector<16xi32>
    %xor3A_125 = arith.xori %xor3A_122, %xor3A_124 : vector<16xi32>
    %xor3A_126 = arith.constant 128 : i32
    %xor3A_127 = vector.broadcast %xor3A_126 : i32 to vector<16xi32>
    %xor3A_128 = arith.xori %sub3A_36, %xor3A_127 : vector<16xi32>
    %select_n3A_129 = arith.select %lt3A_42, %xor3A_125, %xor3A_128 : vector<16xi1>, vector<16xi32>
    %shift_left3A = arith.constant 24 : i32
    %shift_left3A_130 = vector.broadcast %shift_left3A : i32 to vector<16xi32>
    %shift_left3A_131 = arith.shli %select_n3A_129, %shift_left3A_130 : vector<16xi32>
    %xor3A_132 = arith.xori %sub3A_100, %select_n3A : vector<16xi32>
    %shift_left3A_133 = arith.constant 16 : i32
    %shift_left3A_134 = vector.broadcast %shift_left3A_133 : i32 to vector<16xi32>
    %shift_left3A_135 = arith.shli %xor3A_132, %shift_left3A_134 : vector<16xi32>
    %or3A = arith.ori %shift_left3A_131, %shift_left3A_135 : vector<16xi32>
    %xor3A_136 = arith.xori %cond3A_120, %select_n3A_47 : vector<16xi32>
    %or3A_137 = arith.ori %or3A, %xor3A_136 : vector<16xi32>
    %bitcast3A = vector.bitcast %or3A_137 : vector<16xi32> to vector<16xf32>
    %parallel_loop3A_138 = arith.constant 0 : i32
    %parallel_loop3A_139 = arith.constant 512 : i32
    %parallel_loop3A_140 = arith.constant 1 : i32
    scf.for %parallel_loop3A_299 = %parallel_loop3A_138 to %parallel_loop3A_139 step %parallel_loop3A_140  : i32 {
      %parallel_loop3A_300 = arith.constant 16 : i32
      %parallel_loop3A_301 = arith.muli %parallel_loop3A_299, %parallel_loop3A_300 : i32
      %parallel_loop3A_302 = arith.index_cast %parallel_loop3A_301 : i32 to index
      %parallel_loop3A_303 = tpu.vector_load %arg4[%parallel_loop3A_302] {strides = array<i32>} : memref<8192xi32, #tpu.memory_space<vmem>>, vector<16xi32>,
      %parallel_loop3A_304 = vector.bitcast %parallel_loop3A_303 : vector<16xi32> to vector<16xf32>
      %parallel_loop3A_305 = arith.cmpf oge, %parallel_loop3A_304, %bitcast3A : vector<16xf32>
      %parallel_loop3A_306 = arith.select %parallel_loop3A_305, %parallel_loop3A_303, %broadcast_in_dim3A_2 : vector<16xi1>, vector<16xi32>
      %parallel_loop3A_307 = arith.index_cast %parallel_loop3A_301 : i32 to index
      %parallel_loop3A_308 = tpu.vector_load %arg4[%parallel_loop3A_307] {strides = array<i32>} : memref<8192xi32, #tpu.memory_space<vmem>>, vector<16xi32>,
      tpu.vector_store %arg4[%parallel_loop3A_307], %parallel_loop3A_306 {strides = array<i32>} : memref<8192xi32, #tpu.memory_space<vmem>>, vector<16xi32>,
    } {sc.loop_unroll_factor = 4 : i64, sc.parallel_access}
    %mul3A_141 = arith.constant 8192 : i32
    %mul3A_142 = arith.muli %mul3A_6, %mul3A_141 : i32
    %dma_start3A_143 = tpu.memref_slice %arg3[%mul3A_142] : memref<524288xi32, #tpu.memory_space<hbm>> -> memref<8192xi32, #tpu.memory_space<hbm>>
    %dma_start3A_144 = tpu.memref_slice %arg3[%mul3A_142] : memref<524288xi32, #tpu.memory_space<hbm>> -> memref<8192xi32, #tpu.memory_space<hbm>>
    tpu.enqueue_dma source(%arg4 : memref<8192xi32, #tpu.memory_space<vmem>>) target(%dma_start3A_144 : memref<8192xi32, #tpu.memory_space<hbm>>) target_semaphore(%arg14 : memref<!tpu.dma_semaphore, #tpu.memory_space<semaphore_mem>>)
    %dma_wait3A_145 = tpu.memref_slice %arg2[%mul3A_13] : memref<524288xi32, #tpu.memory_space<hbm>> -> memref<8192xi32, #tpu.memory_space<hbm>>
    %dma_wait3A_146 = tpu.memref_slice %arg2[%mul3A_13] : memref<524288xi32, #tpu.memory_space<hbm>> -> memref<8192xi32, #tpu.memory_space<hbm>>
    tpu.wait_dma2 semaphore(%arg13 : memref<!tpu.dma_semaphore, #tpu.memory_space<semaphore_mem>>) src(%dma_wait3A_146 : memref<8192xi32, #tpu.memory_space<hbm>>) dst(%arg5 : memref<8192xi32, #tpu.memory_space<vmem>>)
    %parallel_loop3A_147 = arith.constant 0 : i32
    %parallel_loop3A_148 = arith.constant 16 : i32
    %parallel_loop3A_149 = arith.constant 1 : i32
    scf.for %parallel_loop3A_299 = %parallel_loop3A_147 to %parallel_loop3A_148 step %parallel_loop3A_149  : i32 {
      %parallel_loop3A_300 = arith.constant 16 : i32
      %parallel_loop3A_301 = arith.muli %parallel_loop3A_299, %parallel_loop3A_300 : i32
      %parallel_loop3A_302 = arith.index_cast %parallel_loop3A_301 : i32 to index
      %parallel_loop3A_303 = tpu.vector_load %arg8[%parallel_loop3A_302] {strides = array<i32>} : memref<256xi32, #tpu.memory_space<vmem>>, vector<16xi32>,
      tpu.vector_store %arg8[%parallel_loop3A_302], %broadcast_in_dim3A_2 {strides = array<i32>} : memref<256xi32, #tpu.memory_space<vmem>>, vector<16xi32>,
    } {sc.loop_unroll_factor = 4 : i64, sc.parallel_access}
    %parallel_loop3A_150 = arith.constant 0 : i32
    %parallel_loop3A_151 = arith.constant 512 : i32
    %parallel_loop3A_152 = arith.constant 1 : i32
    scf.for %parallel_loop3A_299 = %parallel_loop3A_150 to %parallel_loop3A_151 step %parallel_loop3A_152  : i32 {
      %parallel_loop3A_300 = arith.constant 16 : i32
      %parallel_loop3A_301 = arith.muli %parallel_loop3A_299, %parallel_loop3A_300 : i32
      %parallel_loop3A_302 = arith.index_cast %parallel_loop3A_301 : i32 to index
      %parallel_loop3A_303 = tpu.vector_load %arg5[%parallel_loop3A_302] {strides = array<i32>} : memref<8192xi32, #tpu.memory_space<vmem>>, vector<16xi32>,
      %parallel_loop3A_304 = arith.constant 24 : i32
      %parallel_loop3A_305 = vector.broadcast %parallel_loop3A_304 : i32 to vector<16xi32>
      %parallel_loop3A_306 = arith.shrui %parallel_loop3A_303, %parallel_loop3A_305 : vector<16xi32>
      %parallel_loop3A_307 = arith.constant 128 : i32
      %parallel_loop3A_308 = vector.broadcast %parallel_loop3A_307 : i32 to vector<16xi32>
      %parallel_loop3A_309 = arith.xori %parallel_loop3A_306, %parallel_loop3A_308 : vector<16xi32>
      %parallel_loop3A_310 = arith.constant 31 : i32
      %parallel_loop3A_311 = vector.broadcast %parallel_loop3A_310 : i32 to vector<16xi32>
      %parallel_loop3A_312 = arith.shrsi %parallel_loop3A_303, %parallel_loop3A_311 : vector<16xi32>
      %parallel_loop3A_313 = arith.constant 127 : i32
      %parallel_loop3A_314 = vector.broadcast %parallel_loop3A_313 : i32 to vector<16xi32>
      %parallel_loop3A_315 = arith.andi %parallel_loop3A_312, %parallel_loop3A_314 : vector<16xi32>
      %parallel_loop3A_316 = arith.xori %parallel_loop3A_309, %parallel_loop3A_315 : vector<16xi32>
      %parallel_loop3A_317 = arith.constant 16 : i32
      %parallel_loop3A_318 = arith.muli %parallel_loop3A_299, %parallel_loop3A_317 : i32
      %parallel_loop3A_319 = arith.index_cast %parallel_loop3A_318 : i32 to index
      %parallel_loop3A_320 = tpu.vector_load %arg11[%parallel_loop3A_319] {strides = array<i32>} : memref<8192xi32, #tpu.memory_space<vmem>>, vector<16xi32>,
      tpu.vector_store %arg11[%parallel_loop3A_319], %parallel_loop3A_316 {strides = array<i32>} : memref<8192xi32, #tpu.memory_space<vmem>>, vector<16xi32>,
      %parallel_loop3A_321 = arith.constant true
      %parallel_loop3A_322 = vector.broadcast %parallel_loop3A_321 : i1 to vector<16xi1>
      %parallel_loop3A_323, %parallel_loop3A_324 = tpu.scan_count mask(%parallel_loop3A_322 : vector<16xi1>) value(%parallel_loop3A_316 : vector<16xi32>) : vector<16xi1>, vector<16xi32>
      tpu.vector_store_idx %arg8[%parallel_loop3A_316], %parallel_loop3A_324 masked %parallel_loop3A_323 {add = true} : memref<256xi32, #tpu.memory_space<vmem>>[vector<16xi32>], vector<16xi32>, vector<16xi1>
    } {sc.loop_unroll_factor = 4 : i64, sc.parallel_access}
    %broadcast_in_dim3A_153 = arith.constant 512 : i32
    %broadcast_in_dim3A_154 = vector.broadcast %broadcast_in_dim3A_153 : i32 to vector<16xi32>
    %scan3A_155 = arith.constant 0 : i32
    %scan3A_156 = arith.constant 16 : i32
    %scan3A_157 = arith.addi %scan3A_155, %scan3A_156 : i32
    %scan3A_158 = arith.constant 1 : i32
    %scan3A_159 = scf.for %scan3A_299 = %scan3A_155 to %scan3A_157 step %scan3A_158 iter_args(%scan3A_300 = %broadcast_in_dim3A_2) -> (vector<16xi32>)  : i32 {
      %sub3A_301 = arith.constant 15 : i32
      %sub3A_302 = arith.subi %sub3A_301, %scan3A_299 : i32
      %mul3A_303 = arith.constant 16 : i32
      %mul3A_304 = arith.muli %sub3A_302, %mul3A_303 : i32
      %get3A = arith.index_cast %mul3A_304 : i32 to index
      %get3A_305 = tpu.vector_load %arg8[%get3A] {strides = array<i32>} : memref<256xi32, #tpu.memory_space<vmem>>, vector<16xi32>,
      %rev3A = arith.constant 15 : i32
      %rev3A_306 = vector.broadcast %rev3A : i32 to vector<16xi32>
      %rev3A_307 = tpu.iota {dimensions = array<i32: 0>} : vector<16xi32>
      %rev3A_308 = arith.subi %rev3A_306, %rev3A_307 : vector<16xi32>
      %rev3A_309 = tpu.dynamic_gather %get3A_305[%rev3A_308] in [0] : vector<16xi32>, vector<16xi32> -> vector<16xi32>
      %broadcast_in_dim3A_310 = arith.constant true
      %broadcast_in_dim3A_311 = vector.broadcast %broadcast_in_dim3A_310 : i1 to vector<16xi1>
      %masked_cumsum3A = tpu.scan <sum>, %rev3A_309 masked %broadcast_in_dim3A_311 : vector<16xi32>, vector<16xi1> -> vector<16xi32>
      %rev3A_312 = arith.constant 15 : i32
      %rev3A_313 = vector.broadcast %rev3A_312 : i32 to vector<16xi32>
      %rev3A_314 = tpu.iota {dimensions = array<i32: 0>} : vector<16xi32>
      %rev3A_315 = arith.subi %rev3A_313, %rev3A_314 : vector<16xi32>
      %rev3A_316 = tpu.dynamic_gather %masked_cumsum3A[%rev3A_315] in [0] : vector<16xi32>, vector<16xi32> -> vector<16xi32>
      %add3A_317 = arith.addi %rev3A_316, %scan3A_300 : vector<16xi32>
      %mul3A_318 = arith.constant 16 : i32
      %mul3A_319 = arith.muli %sub3A_302, %mul3A_318 : i32
      %swap3A_320 = arith.index_cast %mul3A_319 : i32 to index
      %swap3A_321 = tpu.vector_load %arg9[%swap3A_320] {strides = array<i32>} : memref<272xi32, #tpu.memory_space<vmem>>, vector<16xi32>,
      tpu.vector_store %arg9[%swap3A_320], %add3A_317 {strides = array<i32>} : memref<272xi32, #tpu.memory_space<vmem>>, vector<16xi32>,
      %slice3A = vector.extract_strided_slice %add3A_317 {offsets = [0], sizes = [1], strides = [1]} : vector<16xi32> to vector<1xi32>
      %squeeze3A = vector.extract %slice3A[0] : i32 from vector<1xi32>
      %broadcast_in_dim3A_322 = vector.broadcast %squeeze3A : i32 to vector<16xi32>
      scf.yield %broadcast_in_dim3A_322 : vector<16xi32>
    }
    %scan3A_160 = arith.constant 16 : i32
    %scan3A_161 = arith.constant 0 : i32
    %scan3A_162 = arith.constant 16 : i32
    %scan3A_163 = arith.addi %scan3A_161, %scan3A_162 : i32
    %scan3A_164 = arith.constant 4 : i32
    %scan3A_165 = scf.for %scan3A_299 = %scan3A_161 to %scan3A_163 step %scan3A_164 iter_args(%scan3A_300 = %broadcast_in_dim3A_2) -> (vector<16xi32>)  : i32 {
      %mul3A_301 = arith.constant 16 : i32
      %mul3A_302 = arith.muli %scan3A_299, %mul3A_301 : i32
      %get3A = arith.index_cast %mul3A_302 : i32 to index
      %get3A_303 = tpu.vector_load %arg9[%get3A] {strides = array<i32>} : memref<272xi32, #tpu.memory_space<vmem>>, vector<16xi32>,
      %ge3A = arith.cmpi sge, %get3A_303, %broadcast_in_dim3A_154 : vector<16xi32>
      %all_reduce_population_count3A = tpu.all_reduce %ge3A {dim = 0 : i64, kind = #tpu.reduction_kind<sum>} : vector<16xi1> -> vector<16xi32>
      %add3A_304 = arith.addi %scan3A_300, %all_reduce_population_count3A : vector<16xi32>
      %scan3A_305 = arith.constant 1 : i32
      %scan3A_306 = arith.addi %scan3A_299, %scan3A_305 : i32
      %mul3A_307 = arith.constant 16 : i32
      %mul3A_308 = arith.muli %scan3A_306, %mul3A_307 : i32
      %get3A_309 = arith.index_cast %mul3A_308 : i32 to index
      %get3A_310 = tpu.vector_load %arg9[%get3A_309] {strides = array<i32>} : memref<272xi32, #tpu.memory_space<vmem>>, vector<16xi32>,
      %ge3A_311 = arith.cmpi sge, %get3A_310, %broadcast_in_dim3A_154 : vector<16xi32>
      %all_reduce_population_count3A_312 = tpu.all_reduce %ge3A_311 {dim = 0 : i64, kind = #tpu.reduction_kind<sum>} : vector<16xi1> -> vector<16xi32>
      %add3A_313 = arith.addi %add3A_304, %all_reduce_population_count3A_312 : vector<16xi32>
      %scan3A_314 = arith.constant 2 : i32
      %scan3A_315 = arith.addi %scan3A_299, %scan3A_314 : i32
      %mul3A_316 = arith.constant 16 : i32
      %mul3A_317 = arith.muli %scan3A_315, %mul3A_316 : i32
      %get3A_318 = arith.index_cast %mul3A_317 : i32 to index
      %get3A_319 = tpu.vector_load %arg9[%get3A_318] {strides = array<i32>} : memref<272xi32, #tpu.memory_space<vmem>>, vector<16xi32>,
      %ge3A_320 = arith.cmpi sge, %get3A_319, %broadcast_in_dim3A_154 : vector<16xi32>
      %all_reduce_population_count3A_321 = tpu.all_reduce %ge3A_320 {dim = 0 : i64, kind = #tpu.reduction_kind<sum>} : vector<16xi1> -> vector<16xi32>
      %add3A_322 = arith.addi %add3A_313, %all_reduce_population_count3A_321 : vector<16xi32>
      %scan3A_323 = arith.constant 3 : i32
      %scan3A_324 = arith.addi %scan3A_299, %scan3A_323 : i32
      %mul3A_325 = arith.constant 16 : i32
      %mul3A_326 = arith.muli %scan3A_324, %mul3A_325 : i32
      %get3A_327 = arith.index_cast %mul3A_326 : i32 to index
      %get3A_328 = tpu.vector_load %arg9[%get3A_327] {strides = array<i32>} : memref<272xi32, #tpu.memory_space<vmem>>, vector<16xi32>,
      %ge3A_329 = arith.cmpi sge, %get3A_328, %broadcast_in_dim3A_154 : vector<16xi32>
      %all_reduce_population_count3A_330 = tpu.all_reduce %ge3A_329 {dim = 0 : i64, kind = #tpu.reduction_kind<sum>} : vector<16xi1> -> vector<16xi32>
      %add3A_331 = arith.addi %add3A_322, %all_reduce_population_count3A_330 : vector<16xi32>
      scf.yield %add3A_331 : vector<16xi32>
    }
    %scan3A_166 = arith.constant 16 : i32
    %sub3A_167 = arith.constant 1 : i32
    %sub3A_168 = vector.broadcast %sub3A_167 : i32 to vector<16xi32>
    %sub3A_169 = arith.subi %scan3A_165, %sub3A_168 : vector<16xi32>
    %add3A_170 = arith.constant 1 : i32
    %add3A_171 = vector.broadcast %add3A_170 : i32 to vector<16xi32>
    %add3A_172 = arith.addi %sub3A_169, %add3A_171 : vector<16xi32>
    %gather3A_173 = tpu.vector_load_idx %arg9[%add3A_172] : memref<272xi32, #tpu.memory_space<vmem>>[vector<16xi32>], vector<16xi32>,
    %sub3A_174 = arith.subi %broadcast_in_dim3A_154, %gather3A_173 : vector<16xi32>
    %lt3A_175 = arith.constant 128 : i32
    %lt3A_176 = vector.broadcast %lt3A_175 : i32 to vector<16xi32>
    %lt3A_177 = arith.cmpi slt, %sub3A_169, %lt3A_176 : vector<16xi32>
    %broadcast_in_dim3A_178 = arith.constant 255 : i32
    %broadcast_in_dim3A_179 = vector.broadcast %broadcast_in_dim3A_178 : i32 to vector<16xi32>
    %select_n3A_180 = arith.select %lt3A_177, %broadcast_in_dim3A_179, %broadcast_in_dim3A_2 : vector<16xi1>, vector<16xi32>
    %broadcast_in_dim3A_181 = arith.constant 65535 : i32
    %broadcast_in_dim3A_182 = vector.broadcast %broadcast_in_dim3A_181 : i32 to vector<16xi32>
    %select_n3A_183 = arith.select %lt3A_177, %broadcast_in_dim3A_182, %broadcast_in_dim3A_2 : vector<16xi1>, vector<16xi32>
    %parallel_loop3A_184 = arith.constant 0 : i32
    %parallel_loop3A_185 = arith.constant 512 : i32
    %parallel_loop3A_186 = arith.constant 1 : i32
    %parallel_loop3A_187 = scf.for %parallel_loop3A_299 = %parallel_loop3A_184 to %parallel_loop3A_185 step %parallel_loop3A_186 iter_args(%parallel_loop3A_300 = %broadcast_in_dim3A_2) -> (vector<16xi32>)  : i32 {
      %parallel_loop3A_301 = arith.constant 16 : i32
      %parallel_loop3A_302 = arith.muli %parallel_loop3A_299, %parallel_loop3A_301 : i32
      %parallel_loop3A_303 = arith.index_cast %parallel_loop3A_302 : i32 to index
      %parallel_loop3A_304 = tpu.vector_load %arg5[%parallel_loop3A_303] {strides = array<i32>} : memref<8192xi32, #tpu.memory_space<vmem>>, vector<16xi32>,
      %parallel_loop3A_305 = arith.constant 16 : i32
      %parallel_loop3A_306 = arith.muli %parallel_loop3A_299, %parallel_loop3A_305 : i32
      %parallel_loop3A_307 = arith.index_cast %parallel_loop3A_306 : i32 to index
      %parallel_loop3A_308 = tpu.vector_load %arg11[%parallel_loop3A_307] {strides = array<i32>} : memref<8192xi32, #tpu.memory_space<vmem>>, vector<16xi32>,
      %parallel_loop3A_309 = arith.cmpi eq, %parallel_loop3A_308, %sub3A_169 : vector<16xi32>
      %parallel_loop3A_310 = arith.extui %parallel_loop3A_309 : vector<16xi1> to vector<16xi32>
      %parallel_loop3A_311 = arith.constant true
      %parallel_loop3A_312 = vector.broadcast %parallel_loop3A_311 : i1 to vector<16xi1>
      %parallel_loop3A_313 = tpu.scan <sum>, %parallel_loop3A_310 masked %parallel_loop3A_312 : vector<16xi32>, vector<16xi1> -> vector<16xi32>
      %parallel_loop3A_314 = arith.subi %parallel_loop3A_313, %parallel_loop3A_310 : vector<16xi32>
      %parallel_loop3A_315 = arith.addi %parallel_loop3A_314, %parallel_loop3A_300 : vector<16xi32>
      tpu.vector_store_idx %arg6[%parallel_loop3A_315], %parallel_loop3A_304 masked %parallel_loop3A_309 : memref<8208xi32, #tpu.memory_space<vmem>>[vector<16xi32>], vector<16xi32>, vector<16xi1>
      %parallel_loop3A_316 = tpu.all_reduce %parallel_loop3A_309 {dim = 0 : i64, kind = #tpu.reduction_kind<sum>} : vector<16xi1> -> vector<16xi32>
      %parallel_loop3A_317 = arith.addi %parallel_loop3A_300, %parallel_loop3A_316 : vector<16xi32>
      scf.yield %parallel_loop3A_317 : vector<16xi32>
    } {sc.loop_unroll_factor = 8 : i64, sc.parallel_access}
    %reduce_max3A_188 = arith.constant true
    %reduce_max3A_189 = vector.broadcast %reduce_max3A_188 : i1 to vector<16xi1>
    %reduce_max3A_190 = arith.constant -2147483648 : i32
    %reduce_max3A_191 = vector.broadcast %reduce_max3A_190 : i32 to vector<16xi32>
    %reduce_max3A_192 = arith.xori %parallel_loop3A_187, %reduce_max3A_191 : vector<16xi32>
    %reduce_max3A_193 = tpu.scan <max>, %reduce_max3A_192 masked %reduce_max3A_189 : vector<16xi32>, vector<16xi1> -> vector<16xi32>
    %reduce_max3A_194 = arith.xori %reduce_max3A_193, %reduce_max3A_191 : vector<16xi32>
    %reduce_max3A_195 = vector.extract %reduce_max3A_194[15] : i32 from vector<16xi32>
    %add3A_196 = arith.constant 16 : i32
    %add3A_197 = arith.addi %reduce_max3A_195, %add3A_196 : i32
    %sub3A_198 = arith.constant 1 : i32
    %sub3A_199 = arith.subi %add3A_197, %sub3A_198 : i32
    %jit3A_200 = arith.constant 16 : i32
    %div3A_201 = arith.divsi %sub3A_199, %jit3A_200 : i32
    %sign3A_202 = arith.constant 0 : i32
    %sign3A_203 = arith.cmpi sgt, %sub3A_199, %sign3A_202 : i32
    %sign3A_204 = arith.extui %sign3A_203 : i1 to i32
    %sign3A_205 = arith.constant 0 : i32
    %sign3A_206 = arith.cmpi slt, %sub3A_199, %sign3A_205 : i32
    %sign3A_207 = arith.extui %sign3A_206 : i1 to i32
    %sign3A_208 = arith.subi %sign3A_204, %sign3A_207 : i32
    %sign3A_209 = arith.constant 0 : i32
    %sign3A_210 = arith.cmpi sgt, %jit3A_200, %sign3A_209 : i32
    %sign3A_211 = arith.extui %sign3A_210 : i1 to i32
    %sign3A_212 = arith.constant 0 : i32
    %sign3A_213 = arith.cmpi slt, %jit3A_200, %sign3A_212 : i32
    %sign3A_214 = arith.extui %sign3A_213 : i1 to i32
    %sign3A_215 = arith.subi %sign3A_211, %sign3A_214 : i32
    %ne3A_216 = arith.cmpi ne, %sign3A_208, %sign3A_215 : i32
    %rem3A_217 = arith.remsi %sub3A_199, %jit3A_200 : i32
    %ne3A_218 = arith.constant 0 : i32
    %ne3A_219 = arith.cmpi ne, %rem3A_217, %ne3A_218 : i32
    %and3A_220 = arith.andi %ne3A_216, %ne3A_219 : i1
    %sub3A_221 = arith.constant 1 : i32
    %sub3A_222 = arith.subi %div3A_201, %sub3A_221 : i32
    %select_n3A_223 = arith.select %and3A_220, %sub3A_222, %div3A_201 : i32
    %parallel_loop3A_224 = arith.constant 0 : i32
    %parallel_loop3A_225 = arith.constant 16 : i32
    %parallel_loop3A_226 = arith.constant 1 : i32
    scf.for %parallel_loop3A_299 = %parallel_loop3A_224 to %parallel_loop3A_225 step %parallel_loop3A_226  : i32 {
      %parallel_loop3A_300 = arith.constant 16 : i32
      %parallel_loop3A_301 = arith.muli %parallel_loop3A_299, %parallel_loop3A_300 : i32
      %parallel_loop3A_302 = arith.index_cast %parallel_loop3A_301 : i32 to index
      %parallel_loop3A_303 = tpu.vector_load %arg8[%parallel_loop3A_302] {strides = array<i32>} : memref<256xi32, #tpu.memory_space<vmem>>, vector<16xi32>,
      tpu.vector_store %arg8[%parallel_loop3A_302], %broadcast_in_dim3A_2 {strides = array<i32>} : memref<256xi32, #tpu.memory_space<vmem>>, vector<16xi32>,
    } {sc.loop_unroll_factor = 4 : i64, sc.parallel_access}
    %parallel_loop3A_227 = arith.constant 0 : i32
    %parallel_loop3A_228 = arith.constant 1 : i32
    scf.for %parallel_loop3A_299 = %parallel_loop3A_227 to %select_n3A_223 step %parallel_loop3A_228  : i32 {
      %parallel_loop3A_300 = arith.constant 16 : i32
      %parallel_loop3A_301 = arith.muli %parallel_loop3A_299, %parallel_loop3A_300 : i32
      %parallel_loop3A_302 = arith.index_cast %parallel_loop3A_301 : i32 to index
      %parallel_loop3A_303 = tpu.vector_load %arg6[%parallel_loop3A_302] {strides = array<i32>} : memref<8208xi32, #tpu.memory_space<vmem>>, vector<16xi32>,
      %parallel_loop3A_304 = arith.constant 16 : i32
      %parallel_loop3A_305 = vector.broadcast %parallel_loop3A_304 : i32 to vector<16xi32>
      %parallel_loop3A_306 = arith.shrui %parallel_loop3A_303, %parallel_loop3A_305 : vector<16xi32>
      %parallel_loop3A_307 = arith.constant 255 : i32
      %parallel_loop3A_308 = vector.broadcast %parallel_loop3A_307 : i32 to vector<16xi32>
      %parallel_loop3A_309 = arith.andi %parallel_loop3A_306, %parallel_loop3A_308 : vector<16xi32>
      %parallel_loop3A_310 = arith.xori %parallel_loop3A_309, %select_n3A_180 : vector<16xi32>
      %parallel_loop3A_311 = vector.broadcast %parallel_loop3A_301 : i32 to vector<16xi32>
      %parallel_loop3A_312 = arith.addi %parallel_loop3A_311, %iota3A : vector<16xi32>
      %parallel_loop3A_313 = arith.cmpi slt, %parallel_loop3A_312, %parallel_loop3A_187 : vector<16xi32>
      %parallel_loop3A_314, %parallel_loop3A_315 = tpu.scan_count mask(%parallel_loop3A_313 : vector<16xi1>) value(%parallel_loop3A_310 : vector<16xi32>) : vector<16xi1>, vector<16xi32>
      %parallel_loop3A_316 = arith.andi %parallel_loop3A_314, %parallel_loop3A_313 : vector<16xi1>
      tpu.vector_store_idx %arg8[%parallel_loop3A_310], %parallel_loop3A_315 masked %parallel_loop3A_316 {add = true} : memref<256xi32, #tpu.memory_space<vmem>>[vector<16xi32>], vector<16xi32>, vector<16xi1>
    } {sc.loop_unroll_factor = 1 : i64, sc.parallel_access}
    %scan3A_229 = arith.constant 0 : i32
    %scan3A_230 = arith.constant 16 : i32
    %scan3A_231 = arith.addi %scan3A_229, %scan3A_230 : i32
    %scan3A_232 = arith.constant 1 : i32
    %scan3A_233 = scf.for %scan3A_299 = %scan3A_229 to %scan3A_231 step %scan3A_232 iter_args(%scan3A_300 = %broadcast_in_dim3A_2) -> (vector<16xi32>)  : i32 {
      %sub3A_301 = arith.constant 15 : i32
      %sub3A_302 = arith.subi %sub3A_301, %scan3A_299 : i32
      %mul3A_303 = arith.constant 16 : i32
      %mul3A_304 = arith.muli %sub3A_302, %mul3A_303 : i32
      %get3A = arith.index_cast %mul3A_304 : i32 to index
      %get3A_305 = tpu.vector_load %arg8[%get3A] {strides = array<i32>} : memref<256xi32, #tpu.memory_space<vmem>>, vector<16xi32>,
      %rev3A = arith.constant 15 : i32
      %rev3A_306 = vector.broadcast %rev3A : i32 to vector<16xi32>
      %rev3A_307 = tpu.iota {dimensions = array<i32: 0>} : vector<16xi32>
      %rev3A_308 = arith.subi %rev3A_306, %rev3A_307 : vector<16xi32>
      %rev3A_309 = tpu.dynamic_gather %get3A_305[%rev3A_308] in [0] : vector<16xi32>, vector<16xi32> -> vector<16xi32>
      %broadcast_in_dim3A_310 = arith.constant true
      %broadcast_in_dim3A_311 = vector.broadcast %broadcast_in_dim3A_310 : i1 to vector<16xi1>
      %masked_cumsum3A = tpu.scan <sum>, %rev3A_309 masked %broadcast_in_dim3A_311 : vector<16xi32>, vector<16xi1> -> vector<16xi32>
      %rev3A_312 = arith.constant 15 : i32
      %rev3A_313 = vector.broadcast %rev3A_312 : i32 to vector<16xi32>
      %rev3A_314 = tpu.iota {dimensions = array<i32: 0>} : vector<16xi32>
      %rev3A_315 = arith.subi %rev3A_313, %rev3A_314 : vector<16xi32>
      %rev3A_316 = tpu.dynamic_gather %masked_cumsum3A[%rev3A_315] in [0] : vector<16xi32>, vector<16xi32> -> vector<16xi32>
      %add3A_317 = arith.addi %rev3A_316, %scan3A_300 : vector<16xi32>
      %mul3A_318 = arith.constant 16 : i32
      %mul3A_319 = arith.muli %sub3A_302, %mul3A_318 : i32
      %swap3A_320 = arith.index_cast %mul3A_319 : i32 to index
      %swap3A_321 = tpu.vector_load %arg9[%swap3A_320] {strides = array<i32>} : memref<272xi32, #tpu.memory_space<vmem>>, vector<16xi32>,
      tpu.vector_store %arg9[%swap3A_320], %add3A_317 {strides = array<i32>} : memref<272xi32, #tpu.memory_space<vmem>>, vector<16xi32>,
      %slice3A = vector.extract_strided_slice %add3A_317 {offsets = [0], sizes = [1], strides = [1]} : vector<16xi32> to vector<1xi32>
      %squeeze3A = vector.extract %slice3A[0] : i32 from vector<1xi32>
      %broadcast_in_dim3A_322 = vector.broadcast %squeeze3A : i32 to vector<16xi32>
      scf.yield %broadcast_in_dim3A_322 : vector<16xi32>
    }
    %scan3A_234 = arith.constant 16 : i32
    %scan3A_235 = arith.constant 0 : i32
    %scan3A_236 = arith.constant 16 : i32
    %scan3A_237 = arith.addi %scan3A_235, %scan3A_236 : i32
    %scan3A_238 = arith.constant 4 : i32
    %scan3A_239 = scf.for %scan3A_299 = %scan3A_235 to %scan3A_237 step %scan3A_238 iter_args(%scan3A_300 = %broadcast_in_dim3A_2) -> (vector<16xi32>)  : i32 {
      %mul3A_301 = arith.constant 16 : i32
      %mul3A_302 = arith.muli %scan3A_299, %mul3A_301 : i32
      %get3A = arith.index_cast %mul3A_302 : i32 to index
      %get3A_303 = tpu.vector_load %arg9[%get3A] {strides = array<i32>} : memref<272xi32, #tpu.memory_space<vmem>>, vector<16xi32>,
      %ge3A = arith.cmpi sge, %get3A_303, %sub3A_174 : vector<16xi32>
      %all_reduce_population_count3A = tpu.all_reduce %ge3A {dim = 0 : i64, kind = #tpu.reduction_kind<sum>} : vector<16xi1> -> vector<16xi32>
      %add3A_304 = arith.addi %scan3A_300, %all_reduce_population_count3A : vector<16xi32>
      %scan3A_305 = arith.constant 1 : i32
      %scan3A_306 = arith.addi %scan3A_299, %scan3A_305 : i32
      %mul3A_307 = arith.constant 16 : i32
      %mul3A_308 = arith.muli %scan3A_306, %mul3A_307 : i32
      %get3A_309 = arith.index_cast %mul3A_308 : i32 to index
      %get3A_310 = tpu.vector_load %arg9[%get3A_309] {strides = array<i32>} : memref<272xi32, #tpu.memory_space<vmem>>, vector<16xi32>,
      %ge3A_311 = arith.cmpi sge, %get3A_310, %sub3A_174 : vector<16xi32>
      %all_reduce_population_count3A_312 = tpu.all_reduce %ge3A_311 {dim = 0 : i64, kind = #tpu.reduction_kind<sum>} : vector<16xi1> -> vector<16xi32>
      %add3A_313 = arith.addi %add3A_304, %all_reduce_population_count3A_312 : vector<16xi32>
      %scan3A_314 = arith.constant 2 : i32
      %scan3A_315 = arith.addi %scan3A_299, %scan3A_314 : i32
      %mul3A_316 = arith.constant 16 : i32
      %mul3A_317 = arith.muli %scan3A_315, %mul3A_316 : i32
      %get3A_318 = arith.index_cast %mul3A_317 : i32 to index
      %get3A_319 = tpu.vector_load %arg9[%get3A_318] {strides = array<i32>} : memref<272xi32, #tpu.memory_space<vmem>>, vector<16xi32>,
      %ge3A_320 = arith.cmpi sge, %get3A_319, %sub3A_174 : vector<16xi32>
      %all_reduce_population_count3A_321 = tpu.all_reduce %ge3A_320 {dim = 0 : i64, kind = #tpu.reduction_kind<sum>} : vector<16xi1> -> vector<16xi32>
      %add3A_322 = arith.addi %add3A_313, %all_reduce_population_count3A_321 : vector<16xi32>
      %scan3A_323 = arith.constant 3 : i32
      %scan3A_324 = arith.addi %scan3A_299, %scan3A_323 : i32
      %mul3A_325 = arith.constant 16 : i32
      %mul3A_326 = arith.muli %scan3A_324, %mul3A_325 : i32
      %get3A_327 = arith.index_cast %mul3A_326 : i32 to index
      %get3A_328 = tpu.vector_load %arg9[%get3A_327] {strides = array<i32>} : memref<272xi32, #tpu.memory_space<vmem>>, vector<16xi32>,
      %ge3A_329 = arith.cmpi sge, %get3A_328, %sub3A_174 : vector<16xi32>
      %all_reduce_population_count3A_330 = tpu.all_reduce %ge3A_329 {dim = 0 : i64, kind = #tpu.reduction_kind<sum>} : vector<16xi1> -> vector<16xi32>
      %add3A_331 = arith.addi %add3A_322, %all_reduce_population_count3A_330 : vector<16xi32>
      scf.yield %add3A_331 : vector<16xi32>
    }
    %scan3A_240 = arith.constant 16 : i32
    %sub3A_241 = arith.constant 1 : i32
    %sub3A_242 = vector.broadcast %sub3A_241 : i32 to vector<16xi32>
    %sub3A_243 = arith.subi %scan3A_239, %sub3A_242 : vector<16xi32>
    %add3A_244 = arith.constant 1 : i32
    %add3A_245 = vector.broadcast %add3A_244 : i32 to vector<16xi32>
    %add3A_246 = arith.addi %sub3A_243, %add3A_245 : vector<16xi32>
    %gather3A_247 = tpu.vector_load_idx %arg9[%add3A_246] : memref<272xi32, #tpu.memory_space<vmem>>[vector<16xi32>], vector<16xi32>,
    %sub3A_248 = arith.subi %sub3A_174, %gather3A_247 : vector<16xi32>
    %parallel_loop3A_249 = arith.constant 0 : i32
    %parallel_loop3A_250 = arith.constant 1 : i32
    %parallel_loop3A_251 = scf.for %parallel_loop3A_299 = %parallel_loop3A_249 to %select_n3A_223 step %parallel_loop3A_250 iter_args(%parallel_loop3A_300 = %broadcast_in_dim3A_2) -> (vector<16xi32>)  : i32 {
      %parallel_loop3A_301 = arith.constant 16 : i32
      %parallel_loop3A_302 = arith.muli %parallel_loop3A_299, %parallel_loop3A_301 : i32
      %parallel_loop3A_303 = arith.index_cast %parallel_loop3A_302 : i32 to index
      %parallel_loop3A_304 = tpu.vector_load %arg6[%parallel_loop3A_303] {strides = array<i32>} : memref<8208xi32, #tpu.memory_space<vmem>>, vector<16xi32>,
      %parallel_loop3A_305 = arith.constant 16 : i32
      %parallel_loop3A_306 = vector.broadcast %parallel_loop3A_305 : i32 to vector<16xi32>
      %parallel_loop3A_307 = arith.shrui %parallel_loop3A_304, %parallel_loop3A_306 : vector<16xi32>
      %parallel_loop3A_308 = arith.constant 255 : i32
      %parallel_loop3A_309 = vector.broadcast %parallel_loop3A_308 : i32 to vector<16xi32>
      %parallel_loop3A_310 = arith.andi %parallel_loop3A_307, %parallel_loop3A_309 : vector<16xi32>
      %parallel_loop3A_311 = arith.xori %parallel_loop3A_310, %select_n3A_180 : vector<16xi32>
      %parallel_loop3A_312 = arith.cmpi eq, %parallel_loop3A_311, %sub3A_243 : vector<16xi32>
      %parallel_loop3A_313 = vector.broadcast %parallel_loop3A_302 : i32 to vector<16xi32>
      %parallel_loop3A_314 = arith.addi %parallel_loop3A_313, %iota3A : vector<16xi32>
      %parallel_loop3A_315 = arith.cmpi slt, %parallel_loop3A_314, %parallel_loop3A_187 : vector<16xi32>
      %parallel_loop3A_316 = arith.andi %parallel_loop3A_312, %parallel_loop3A_315 : vector<16xi1>
      %parallel_loop3A_317 = arith.extui %parallel_loop3A_316 : vector<16xi1> to vector<16xi32>
      %parallel_loop3A_318 = arith.constant true
      %parallel_loop3A_319 = vector.broadcast %parallel_loop3A_318 : i1 to vector<16xi1>
      %parallel_loop3A_320 = tpu.scan <sum>, %parallel_loop3A_317 masked %parallel_loop3A_319 : vector<16xi32>, vector<16xi1> -> vector<16xi32>
      %parallel_loop3A_321 = arith.subi %parallel_loop3A_320, %parallel_loop3A_317 : vector<16xi32>
      %parallel_loop3A_322 = arith.addi %parallel_loop3A_321, %parallel_loop3A_300 : vector<16xi32>
      tpu.vector_store_idx %arg7[%parallel_loop3A_322], %parallel_loop3A_304 masked %parallel_loop3A_316 : memref<8208xi32, #tpu.memory_space<vmem>>[vector<16xi32>], vector<16xi32>, vector<16xi1>
      %parallel_loop3A_323 = tpu.all_reduce %parallel_loop3A_316 {dim = 0 : i64, kind = #tpu.reduction_kind<sum>} : vector<16xi1> -> vector<16xi32>
      %parallel_loop3A_324 = arith.addi %parallel_loop3A_300, %parallel_loop3A_323 : vector<16xi32>
      scf.yield %parallel_loop3A_324 : vector<16xi32>
    } {sc.loop_unroll_factor = 1 : i64, sc.parallel_access}
    %reduce_max3A_252 = arith.constant true
    %reduce_max3A_253 = vector.broadcast %reduce_max3A_252 : i1 to vector<16xi1>
    %reduce_max3A_254 = arith.constant -2147483648 : i32
    %reduce_max3A_255 = vector.broadcast %reduce_max3A_254 : i32 to vector<16xi32>
    %reduce_max3A_256 = arith.xori %parallel_loop3A_251, %reduce_max3A_255 : vector<16xi32>
    %reduce_max3A_257 = tpu.scan <max>, %reduce_max3A_256 masked %reduce_max3A_253 : vector<16xi32>, vector<16xi1> -> vector<16xi32>
    %reduce_max3A_258 = arith.xori %reduce_max3A_257, %reduce_max3A_255 : vector<16xi32>
    %reduce_max3A_259 = vector.extract %reduce_max3A_258[15] : i32 from vector<16xi32>
    %le3A_260 = arith.constant 16 : i32
    %le3A_261 = arith.cmpi sle, %reduce_max3A_259, %le3A_260 : i32
    %convert_element_type3A_262 = arith.extui %le3A_261 : i1 to i32
    %cond3A_263 = arith.constant 0 : i32
    %cond3A_264 = arith.constant 0 : i32
    %cond3A_265 = arith.cmpi ne, %convert_element_type3A_262, %cond3A_264 : i32
    %cond3A_266 = scf.if %cond3A_265 -> (vector<16xi32>) {
      %get3A = arith.constant 0 : index
      %get3A_299 = tpu.vector_load %arg7[%get3A] {strides = array<i32>} : memref<8208xi32, #tpu.memory_space<vmem>>, vector<16xi32>,
      %and3A_300 = arith.constant 65535 : i32
      %and3A_301 = vector.broadcast %and3A_300 : i32 to vector<16xi32>
      %and3A_302 = arith.andi %get3A_299, %and3A_301 : vector<16xi32>
      %xor3A_303 = arith.xori %and3A_302, %select_n3A_183 : vector<16xi32>
      %lt3A_304 = arith.cmpi slt, %iota3A, %parallel_loop3A_251 : vector<16xi32>
      %broadcast_in_dim3A_305 = arith.constant -1 : i32
      %broadcast_in_dim3A_306 = vector.broadcast %broadcast_in_dim3A_305 : i32 to vector<16xi32>
      %select_n3A_307 = arith.select %lt3A_304, %xor3A_303, %broadcast_in_dim3A_306 : vector<16xi1>, vector<16xi32>
      %masked_sort3A = arith.constant dense<true> : vector<16xi1>
      %masked_sort3A_308 = arith.constant -2147483648 : i32
      %masked_sort3A_309 = vector.broadcast %masked_sort3A_308 : i32 to vector<16xi32>
      %masked_sort3A_310 = arith.xori %select_n3A_307, %masked_sort3A_309 : vector<16xi32>
      %masked_sort3A_311, %masked_sort3A_312, %masked_sort3A_313 = tpu.sort %masked_sort3A_310, %select_n3A_307 masked %masked_sort3A {descending = true} : (vector<16xi32>, vector<16xi32>, vector<16xi1>) -> (vector<16xi1>, vector<16xi32>, vector<16xi32>)
      %masked_sort3A_314 = arith.xori %masked_sort3A_312, %masked_sort3A_309 : vector<16xi32>
      %swap3A_315 = arith.constant 0 : index
      %swap3A_316 = tpu.vector_load %arg10[%swap3A_315] {strides = array<i32>} : memref<16xi32, #tpu.memory_space<vmem>>, vector<16xi32>,
      tpu.vector_store %arg10[%swap3A_315], %masked_sort3A_314 {strides = array<i32>} : memref<16xi32, #tpu.memory_space<vmem>>, vector<16xi32>,
      %sub3A_317 = arith.constant 1 : i32
      %sub3A_318 = vector.broadcast %sub3A_317 : i32 to vector<16xi32>
      %sub3A_319 = arith.subi %sub3A_248, %sub3A_318 : vector<16xi32>
      %gather3A_320 = tpu.vector_load_idx %arg10[%sub3A_319] : memref<16xi32, #tpu.memory_space<vmem>>[vector<16xi32>], vector<16xi32>,
      scf.yield %gather3A_320 : vector<16xi32>
    } else {
      %add3A_299 = arith.constant 16 : i32
      %add3A_300 = arith.addi %reduce_max3A_259, %add3A_299 : i32
      %sub3A_301 = arith.constant 1 : i32
      %sub3A_302 = arith.subi %add3A_300, %sub3A_301 : i32
      %jit3A_303 = arith.constant 16 : i32
      %div3A_304 = arith.divsi %sub3A_302, %jit3A_303 : i32
      %sign3A_305 = arith.constant 0 : i32
      %sign3A_306 = arith.cmpi sgt, %sub3A_302, %sign3A_305 : i32
      %sign3A_307 = arith.extui %sign3A_306 : i1 to i32
      %sign3A_308 = arith.constant 0 : i32
      %sign3A_309 = arith.cmpi slt, %sub3A_302, %sign3A_308 : i32
      %sign3A_310 = arith.extui %sign3A_309 : i1 to i32
      %sign3A_311 = arith.subi %sign3A_307, %sign3A_310 : i32
      %sign3A_312 = arith.constant 0 : i32
      %sign3A_313 = arith.cmpi sgt, %jit3A_303, %sign3A_312 : i32
      %sign3A_314 = arith.extui %sign3A_313 : i1 to i32
      %sign3A_315 = arith.constant 0 : i32
      %sign3A_316 = arith.cmpi slt, %jit3A_303, %sign3A_315 : i32
      %sign3A_317 = arith.extui %sign3A_316 : i1 to i32
      %sign3A_318 = arith.subi %sign3A_314, %sign3A_317 : i32
      %ne3A_319 = arith.cmpi ne, %sign3A_311, %sign3A_318 : i32
      %rem3A_320 = arith.remsi %sub3A_302, %jit3A_303 : i32
      %ne3A_321 = arith.constant 0 : i32
      %ne3A_322 = arith.cmpi ne, %rem3A_320, %ne3A_321 : i32
      %and3A_323 = arith.andi %ne3A_319, %ne3A_322 : i1
      %sub3A_324 = arith.constant 1 : i32
      %sub3A_325 = arith.subi %div3A_304, %sub3A_324 : i32
      %select_n3A_326 = arith.select %and3A_323, %sub3A_325, %div3A_304 : i32
      %or3A_327 = arith.constant 32768 : i32
      %or3A_328 = vector.broadcast %or3A_327 : i32 to vector<16xi32>
      %or3A_329 = arith.ori %broadcast_in_dim3A_2, %or3A_328 : vector<16xi32>
      %parallel_loop3A_330 = arith.constant 0 : i32
      %parallel_loop3A_331 = arith.constant 1 : i32
      %parallel_loop3A_332 = scf.for %parallel_loop3A_454 = %parallel_loop3A_330 to %select_n3A_326 step %parallel_loop3A_331 iter_args(%parallel_loop3A_455 = %broadcast_in_dim3A_2) -> (vector<16xi32>)  : i32 {
        %parallel_loop3A_456 = arith.constant 16 : i32
        %parallel_loop3A_457 = arith.muli %parallel_loop3A_454, %parallel_loop3A_456 : i32
        %parallel_loop3A_458 = arith.index_cast %parallel_loop3A_457 : i32 to index
        %parallel_loop3A_459 = tpu.vector_load %arg7[%parallel_loop3A_458] {strides = array<i32>} : memref<8208xi32, #tpu.memory_space<vmem>>, vector<16xi32>,
        %parallel_loop3A_460 = arith.constant 65535 : i32
        %parallel_loop3A_461 = vector.broadcast %parallel_loop3A_460 : i32 to vector<16xi32>
        %parallel_loop3A_462 = arith.andi %parallel_loop3A_459, %parallel_loop3A_461 : vector<16xi32>
        %parallel_loop3A_463 = arith.xori %parallel_loop3A_462, %select_n3A_183 : vector<16xi32>
        %parallel_loop3A_464 = arith.cmpi sge, %parallel_loop3A_463, %or3A_329 : vector<16xi32>
        %parallel_loop3A_465 = vector.broadcast %parallel_loop3A_457 : i32 to vector<16xi32>
        %parallel_loop3A_466 = arith.addi %parallel_loop3A_465, %iota3A : vector<16xi32>
        %parallel_loop3A_467 = arith.cmpi slt, %parallel_loop3A_466, %parallel_loop3A_251 : vector<16xi32>
        %parallel_loop3A_468 = arith.andi %parallel_loop3A_464, %parallel_loop3A_467 : vector<16xi1>
        %parallel_loop3A_469 = tpu.all_reduce %parallel_loop3A_468 {dim = 0 : i64, kind = #tpu.reduction_kind<sum>} : vector<16xi1> -> vector<16xi32>
        %parallel_loop3A_470 = arith.addi %parallel_loop3A_455, %parallel_loop3A_469 : vector<16xi32>
        scf.yield %parallel_loop3A_470 : vector<16xi32>
      } {sc.loop_unroll_factor = 1 : i64, sc.parallel_access}
      %ge3A = arith.cmpi sge, %parallel_loop3A_332, %sub3A_248 : vector<16xi32>
      %select_n3A_333 = arith.select %ge3A, %or3A_329, %broadcast_in_dim3A_2 : vector<16xi1>, vector<16xi32>
      %or3A_334 = arith.constant 16384 : i32
      %or3A_335 = vector.broadcast %or3A_334 : i32 to vector<16xi32>
      %or3A_336 = arith.ori %select_n3A_333, %or3A_335 : vector<16xi32>
      %parallel_loop3A_337 = arith.constant 0 : i32
      %parallel_loop3A_338 = arith.constant 1 : i32
      %parallel_loop3A_339 = scf.for %parallel_loop3A_454 = %parallel_loop3A_337 to %select_n3A_326 step %parallel_loop3A_338 iter_args(%parallel_loop3A_455 = %broadcast_in_dim3A_2) -> (vector<16xi32>)  : i32 {
        %parallel_loop3A_456 = arith.constant 16 : i32
        %parallel_loop3A_457 = arith.muli %parallel_loop3A_454, %parallel_loop3A_456 : i32
        %parallel_loop3A_458 = arith.index_cast %parallel_loop3A_457 : i32 to index
        %parallel_loop3A_459 = tpu.vector_load %arg7[%parallel_loop3A_458] {strides = array<i32>} : memref<8208xi32, #tpu.memory_space<vmem>>, vector<16xi32>,
        %parallel_loop3A_460 = arith.constant 65535 : i32
        %parallel_loop3A_461 = vector.broadcast %parallel_loop3A_460 : i32 to vector<16xi32>
        %parallel_loop3A_462 = arith.andi %parallel_loop3A_459, %parallel_loop3A_461 : vector<16xi32>
        %parallel_loop3A_463 = arith.xori %parallel_loop3A_462, %select_n3A_183 : vector<16xi32>
        %parallel_loop3A_464 = arith.cmpi sge, %parallel_loop3A_463, %or3A_336 : vector<16xi32>
        %parallel_loop3A_465 = vector.broadcast %parallel_loop3A_457 : i32 to vector<16xi32>
        %parallel_loop3A_466 = arith.addi %parallel_loop3A_465, %iota3A : vector<16xi32>
        %parallel_loop3A_467 = arith.cmpi slt, %parallel_loop3A_466, %parallel_loop3A_251 : vector<16xi32>
        %parallel_loop3A_468 = arith.andi %parallel_loop3A_464, %parallel_loop3A_467 : vector<16xi1>
        %parallel_loop3A_469 = tpu.all_reduce %parallel_loop3A_468 {dim = 0 : i64, kind = #tpu.reduction_kind<sum>} : vector<16xi1> -> vector<16xi32>
        %parallel_loop3A_470 = arith.addi %parallel_loop3A_455, %parallel_loop3A_469 : vector<16xi32>
        scf.yield %parallel_loop3A_470 : vector<16xi32>
      } {sc.loop_unroll_factor = 1 : i64, sc.parallel_access}
      %ge3A_340 = arith.cmpi sge, %parallel_loop3A_339, %sub3A_248 : vector<16xi32>
      %select_n3A_341 = arith.select %ge3A_340, %or3A_336, %select_n3A_333 : vector<16xi1>, vector<16xi32>
      %or3A_342 = arith.constant 8192 : i32
      %or3A_343 = vector.broadcast %or3A_342 : i32 to vector<16xi32>
      %or3A_344 = arith.ori %select_n3A_341, %or3A_343 : vector<16xi32>
      %parallel_loop3A_345 = arith.constant 0 : i32
      %parallel_loop3A_346 = arith.constant 1 : i32
      %parallel_loop3A_347 = scf.for %parallel_loop3A_454 = %parallel_loop3A_345 to %select_n3A_326 step %parallel_loop3A_346 iter_args(%parallel_loop3A_455 = %broadcast_in_dim3A_2) -> (vector<16xi32>)  : i32 {
        %parallel_loop3A_456 = arith.constant 16 : i32
        %parallel_loop3A_457 = arith.muli %parallel_loop3A_454, %parallel_loop3A_456 : i32
        %parallel_loop3A_458 = arith.index_cast %parallel_loop3A_457 : i32 to index
        %parallel_loop3A_459 = tpu.vector_load %arg7[%parallel_loop3A_458] {strides = array<i32>} : memref<8208xi32, #tpu.memory_space<vmem>>, vector<16xi32>,
        %parallel_loop3A_460 = arith.constant 65535 : i32
        %parallel_loop3A_461 = vector.broadcast %parallel_loop3A_460 : i32 to vector<16xi32>
        %parallel_loop3A_462 = arith.andi %parallel_loop3A_459, %parallel_loop3A_461 : vector<16xi32>
        %parallel_loop3A_463 = arith.xori %parallel_loop3A_462, %select_n3A_183 : vector<16xi32>
        %parallel_loop3A_464 = arith.cmpi sge, %parallel_loop3A_463, %or3A_344 : vector<16xi32>
        %parallel_loop3A_465 = vector.broadcast %parallel_loop3A_457 : i32 to vector<16xi32>
        %parallel_loop3A_466 = arith.addi %parallel_loop3A_465, %iota3A : vector<16xi32>
        %parallel_loop3A_467 = arith.cmpi slt, %parallel_loop3A_466, %parallel_loop3A_251 : vector<16xi32>
        %parallel_loop3A_468 = arith.andi %parallel_loop3A_464, %parallel_loop3A_467 : vector<16xi1>
        %parallel_loop3A_469 = tpu.all_reduce %parallel_loop3A_468 {dim = 0 : i64, kind = #tpu.reduction_kind<sum>} : vector<16xi1> -> vector<16xi32>
        %parallel_loop3A_470 = arith.addi %parallel_loop3A_455, %parallel_loop3A_469 : vector<16xi32>
        scf.yield %parallel_loop3A_470 : vector<16xi32>
      } {sc.loop_unroll_factor = 1 : i64, sc.parallel_access}
      %ge3A_348 = arith.cmpi sge, %parallel_loop3A_347, %sub3A_248 : vector<16xi32>
      %select_n3A_349 = arith.select %ge3A_348, %or3A_344, %select_n3A_341 : vector<16xi1>, vector<16xi32>
      %or3A_350 = arith.constant 4096 : i32
      %or3A_351 = vector.broadcast %or3A_350 : i32 to vector<16xi32>
      %or3A_352 = arith.ori %select_n3A_349, %or3A_351 : vector<16xi32>
      %parallel_loop3A_353 = arith.constant 0 : i32
      %parallel_loop3A_354 = arith.constant 1 : i32
      %parallel_loop3A_355 = scf.for %parallel_loop3A_454 = %parallel_loop3A_353 to %select_n3A_326 step %parallel_loop3A_354 iter_args(%parallel_loop3A_455 = %broadcast_in_dim3A_2) -> (vector<16xi32>)  : i32 {
        %parallel_loop3A_456 = arith.constant 16 : i32
        %parallel_loop3A_457 = arith.muli %parallel_loop3A_454, %parallel_loop3A_456 : i32
        %parallel_loop3A_458 = arith.index_cast %parallel_loop3A_457 : i32 to index
        %parallel_loop3A_459 = tpu.vector_load %arg7[%parallel_loop3A_458] {strides = array<i32>} : memref<8208xi32, #tpu.memory_space<vmem>>, vector<16xi32>,
        %parallel_loop3A_460 = arith.constant 65535 : i32
        %parallel_loop3A_461 = vector.broadcast %parallel_loop3A_460 : i32 to vector<16xi32>
        %parallel_loop3A_462 = arith.andi %parallel_loop3A_459, %parallel_loop3A_461 : vector<16xi32>
        %parallel_loop3A_463 = arith.xori %parallel_loop3A_462, %select_n3A_183 : vector<16xi32>
        %parallel_loop3A_464 = arith.cmpi sge, %parallel_loop3A_463, %or3A_352 : vector<16xi32>
        %parallel_loop3A_465 = vector.broadcast %parallel_loop3A_457 : i32 to vector<16xi32>
        %parallel_loop3A_466 = arith.addi %parallel_loop3A_465, %iota3A : vector<16xi32>
        %parallel_loop3A_467 = arith.cmpi slt, %parallel_loop3A_466, %parallel_loop3A_251 : vector<16xi32>
        %parallel_loop3A_468 = arith.andi %parallel_loop3A_464, %parallel_loop3A_467 : vector<16xi1>
        %parallel_loop3A_469 = tpu.all_reduce %parallel_loop3A_468 {dim = 0 : i64, kind = #tpu.reduction_kind<sum>} : vector<16xi1> -> vector<16xi32>
        %parallel_loop3A_470 = arith.addi %parallel_loop3A_455, %parallel_loop3A_469 : vector<16xi32>
        scf.yield %parallel_loop3A_470 : vector<16xi32>
      } {sc.loop_unroll_factor = 1 : i64, sc.parallel_access}
      %ge3A_356 = arith.cmpi sge, %parallel_loop3A_355, %sub3A_248 : vector<16xi32>
      %select_n3A_357 = arith.select %ge3A_356, %or3A_352, %select_n3A_349 : vector<16xi1>, vector<16xi32>
      %or3A_358 = arith.constant 2048 : i32
      %or3A_359 = vector.broadcast %or3A_358 : i32 to vector<16xi32>
      %or3A_360 = arith.ori %select_n3A_357, %or3A_359 : vector<16xi32>
      %parallel_loop3A_361 = arith.constant 0 : i32
      %parallel_loop3A_362 = arith.constant 1 : i32
      %parallel_loop3A_363 = scf.for %parallel_loop3A_454 = %parallel_loop3A_361 to %select_n3A_326 step %parallel_loop3A_362 iter_args(%parallel_loop3A_455 = %broadcast_in_dim3A_2) -> (vector<16xi32>)  : i32 {
        %parallel_loop3A_456 = arith.constant 16 : i32
        %parallel_loop3A_457 = arith.muli %parallel_loop3A_454, %parallel_loop3A_456 : i32
        %parallel_loop3A_458 = arith.index_cast %parallel_loop3A_457 : i32 to index
        %parallel_loop3A_459 = tpu.vector_load %arg7[%parallel_loop3A_458] {strides = array<i32>} : memref<8208xi32, #tpu.memory_space<vmem>>, vector<16xi32>,
        %parallel_loop3A_460 = arith.constant 65535 : i32
        %parallel_loop3A_461 = vector.broadcast %parallel_loop3A_460 : i32 to vector<16xi32>
        %parallel_loop3A_462 = arith.andi %parallel_loop3A_459, %parallel_loop3A_461 : vector<16xi32>
        %parallel_loop3A_463 = arith.xori %parallel_loop3A_462, %select_n3A_183 : vector<16xi32>
        %parallel_loop3A_464 = arith.cmpi sge, %parallel_loop3A_463, %or3A_360 : vector<16xi32>
        %parallel_loop3A_465 = vector.broadcast %parallel_loop3A_457 : i32 to vector<16xi32>
        %parallel_loop3A_466 = arith.addi %parallel_loop3A_465, %iota3A : vector<16xi32>
        %parallel_loop3A_467 = arith.cmpi slt, %parallel_loop3A_466, %parallel_loop3A_251 : vector<16xi32>
        %parallel_loop3A_468 = arith.andi %parallel_loop3A_464, %parallel_loop3A_467 : vector<16xi1>
        %parallel_loop3A_469 = tpu.all_reduce %parallel_loop3A_468 {dim = 0 : i64, kind = #tpu.reduction_kind<sum>} : vector<16xi1> -> vector<16xi32>
        %parallel_loop3A_470 = arith.addi %parallel_loop3A_455, %parallel_loop3A_469 : vector<16xi32>
        scf.yield %parallel_loop3A_470 : vector<16xi32>
      } {sc.loop_unroll_factor = 1 : i64, sc.parallel_access}
      %ge3A_364 = arith.cmpi sge, %parallel_loop3A_363, %sub3A_248 : vector<16xi32>
      %select_n3A_365 = arith.select %ge3A_364, %or3A_360, %select_n3A_357 : vector<16xi1>, vector<16xi32>
      %or3A_366 = arith.constant 1024 : i32
      %or3A_367 = vector.broadcast %or3A_366 : i32 to vector<16xi32>
      %or3A_368 = arith.ori %select_n3A_365, %or3A_367 : vector<16xi32>
      %parallel_loop3A_369 = arith.constant 0 : i32
      %parallel_loop3A_370 = arith.constant 1 : i32
      %parallel_loop3A_371 = scf.for %parallel_loop3A_454 = %parallel_loop3A_369 to %select_n3A_326 step %parallel_loop3A_370 iter_args(%parallel_loop3A_455 = %broadcast_in_dim3A_2) -> (vector<16xi32>)  : i32 {
        %parallel_loop3A_456 = arith.constant 16 : i32
        %parallel_loop3A_457 = arith.muli %parallel_loop3A_454, %parallel_loop3A_456 : i32
        %parallel_loop3A_458 = arith.index_cast %parallel_loop3A_457 : i32 to index
        %parallel_loop3A_459 = tpu.vector_load %arg7[%parallel_loop3A_458] {strides = array<i32>} : memref<8208xi32, #tpu.memory_space<vmem>>, vector<16xi32>,
        %parallel_loop3A_460 = arith.constant 65535 : i32
        %parallel_loop3A_461 = vector.broadcast %parallel_loop3A_460 : i32 to vector<16xi32>
        %parallel_loop3A_462 = arith.andi %parallel_loop3A_459, %parallel_loop3A_461 : vector<16xi32>
        %parallel_loop3A_463 = arith.xori %parallel_loop3A_462, %select_n3A_183 : vector<16xi32>
        %parallel_loop3A_464 = arith.cmpi sge, %parallel_loop3A_463, %or3A_368 : vector<16xi32>
        %parallel_loop3A_465 = vector.broadcast %parallel_loop3A_457 : i32 to vector<16xi32>
        %parallel_loop3A_466 = arith.addi %parallel_loop3A_465, %iota3A : vector<16xi32>
        %parallel_loop3A_467 = arith.cmpi slt, %parallel_loop3A_466, %parallel_loop3A_251 : vector<16xi32>
        %parallel_loop3A_468 = arith.andi %parallel_loop3A_464, %parallel_loop3A_467 : vector<16xi1>
        %parallel_loop3A_469 = tpu.all_reduce %parallel_loop3A_468 {dim = 0 : i64, kind = #tpu.reduction_kind<sum>} : vector<16xi1> -> vector<16xi32>
        %parallel_loop3A_470 = arith.addi %parallel_loop3A_455, %parallel_loop3A_469 : vector<16xi32>
        scf.yield %parallel_loop3A_470 : vector<16xi32>
      } {sc.loop_unroll_factor = 1 : i64, sc.parallel_access}
      %ge3A_372 = arith.cmpi sge, %parallel_loop3A_371, %sub3A_248 : vector<16xi32>
      %select_n3A_373 = arith.select %ge3A_372, %or3A_368, %select_n3A_365 : vector<16xi1>, vector<16xi32>
      %or3A_374 = arith.constant 512 : i32
      %or3A_375 = vector.broadcast %or3A_374 : i32 to vector<16xi32>
      %or3A_376 = arith.ori %select_n3A_373, %or3A_375 : vector<16xi32>
      %parallel_loop3A_377 = arith.constant 0 : i32
      %parallel_loop3A_378 = arith.constant 1 : i32
      %parallel_loop3A_379 = scf.for %parallel_loop3A_454 = %parallel_loop3A_377 to %select_n3A_326 step %parallel_loop3A_378 iter_args(%parallel_loop3A_455 = %broadcast_in_dim3A_2) -> (vector<16xi32>)  : i32 {
        %parallel_loop3A_456 = arith.constant 16 : i32
        %parallel_loop3A_457 = arith.muli %parallel_loop3A_454, %parallel_loop3A_456 : i32
        %parallel_loop3A_458 = arith.index_cast %parallel_loop3A_457 : i32 to index
        %parallel_loop3A_459 = tpu.vector_load %arg7[%parallel_loop3A_458] {strides = array<i32>} : memref<8208xi32, #tpu.memory_space<vmem>>, vector<16xi32>,
        %parallel_loop3A_460 = arith.constant 65535 : i32
        %parallel_loop3A_461 = vector.broadcast %parallel_loop3A_460 : i32 to vector<16xi32>
        %parallel_loop3A_462 = arith.andi %parallel_loop3A_459, %parallel_loop3A_461 : vector<16xi32>
        %parallel_loop3A_463 = arith.xori %parallel_loop3A_462, %select_n3A_183 : vector<16xi32>
        %parallel_loop3A_464 = arith.cmpi sge, %parallel_loop3A_463, %or3A_376 : vector<16xi32>
        %parallel_loop3A_465 = vector.broadcast %parallel_loop3A_457 : i32 to vector<16xi32>
        %parallel_loop3A_466 = arith.addi %parallel_loop3A_465, %iota3A : vector<16xi32>
        %parallel_loop3A_467 = arith.cmpi slt, %parallel_loop3A_466, %parallel_loop3A_251 : vector<16xi32>
        %parallel_loop3A_468 = arith.andi %parallel_loop3A_464, %parallel_loop3A_467 : vector<16xi1>
        %parallel_loop3A_469 = tpu.all_reduce %parallel_loop3A_468 {dim = 0 : i64, kind = #tpu.reduction_kind<sum>} : vector<16xi1> -> vector<16xi32>
        %parallel_loop3A_470 = arith.addi %parallel_loop3A_455, %parallel_loop3A_469 : vector<16xi32>
        scf.yield %parallel_loop3A_470 : vector<16xi32>
      } {sc.loop_unroll_factor = 1 : i64, sc.parallel_access}
      %ge3A_380 = arith.cmpi sge, %parallel_loop3A_379, %sub3A_248 : vector<16xi32>
      %select_n3A_381 = arith.select %ge3A_380, %or3A_376, %select_n3A_373 : vector<16xi1>, vector<16xi32>
      %or3A_382 = arith.constant 256 : i32
      %or3A_383 = vector.broadcast %or3A_382 : i32 to vector<16xi32>
      %or3A_384 = arith.ori %select_n3A_381, %or3A_383 : vector<16xi32>
      %parallel_loop3A_385 = arith.constant 0 : i32
      %parallel_loop3A_386 = arith.constant 1 : i32
      %parallel_loop3A_387 = scf.for %parallel_loop3A_454 = %parallel_loop3A_385 to %select_n3A_326 step %parallel_loop3A_386 iter_args(%parallel_loop3A_455 = %broadcast_in_dim3A_2) -> (vector<16xi32>)  : i32 {
        %parallel_loop3A_456 = arith.constant 16 : i32
        %parallel_loop3A_457 = arith.muli %parallel_loop3A_454, %parallel_loop3A_456 : i32
        %parallel_loop3A_458 = arith.index_cast %parallel_loop3A_457 : i32 to index
        %parallel_loop3A_459 = tpu.vector_load %arg7[%parallel_loop3A_458] {strides = array<i32>} : memref<8208xi32, #tpu.memory_space<vmem>>, vector<16xi32>,
        %parallel_loop3A_460 = arith.constant 65535 : i32
        %parallel_loop3A_461 = vector.broadcast %parallel_loop3A_460 : i32 to vector<16xi32>
        %parallel_loop3A_462 = arith.andi %parallel_loop3A_459, %parallel_loop3A_461 : vector<16xi32>
        %parallel_loop3A_463 = arith.xori %parallel_loop3A_462, %select_n3A_183 : vector<16xi32>
        %parallel_loop3A_464 = arith.cmpi sge, %parallel_loop3A_463, %or3A_384 : vector<16xi32>
        %parallel_loop3A_465 = vector.broadcast %parallel_loop3A_457 : i32 to vector<16xi32>
        %parallel_loop3A_466 = arith.addi %parallel_loop3A_465, %iota3A : vector<16xi32>
        %parallel_loop3A_467 = arith.cmpi slt, %parallel_loop3A_466, %parallel_loop3A_251 : vector<16xi32>
        %parallel_loop3A_468 = arith.andi %parallel_loop3A_464, %parallel_loop3A_467 : vector<16xi1>
        %parallel_loop3A_469 = tpu.all_reduce %parallel_loop3A_468 {dim = 0 : i64, kind = #tpu.reduction_kind<sum>} : vector<16xi1> -> vector<16xi32>
        %parallel_loop3A_470 = arith.addi %parallel_loop3A_455, %parallel_loop3A_469 : vector<16xi32>
        scf.yield %parallel_loop3A_470 : vector<16xi32>
      } {sc.loop_unroll_factor = 1 : i64, sc.parallel_access}
      %ge3A_388 = arith.cmpi sge, %parallel_loop3A_387, %sub3A_248 : vector<16xi32>
      %select_n3A_389 = arith.select %ge3A_388, %or3A_384, %select_n3A_381 : vector<16xi1>, vector<16xi32>
      %or3A_390 = arith.constant 128 : i32
      %or3A_391 = vector.broadcast %or3A_390 : i32 to vector<16xi32>
      %or3A_392 = arith.ori %select_n3A_389, %or3A_391 : vector<16xi32>
      %parallel_loop3A_393 = arith.constant 0 : i32
      %parallel_loop3A_394 = arith.constant 1 : i32
      %parallel_loop3A_395 = scf.for %parallel_loop3A_454 = %parallel_loop3A_393 to %select_n3A_326 step %parallel_loop3A_394 iter_args(%parallel_loop3A_455 = %broadcast_in_dim3A_2) -> (vector<16xi32>)  : i32 {
        %parallel_loop3A_456 = arith.constant 16 : i32
        %parallel_loop3A_457 = arith.muli %parallel_loop3A_454, %parallel_loop3A_456 : i32
        %parallel_loop3A_458 = arith.index_cast %parallel_loop3A_457 : i32 to index
        %parallel_loop3A_459 = tpu.vector_load %arg7[%parallel_loop3A_458] {strides = array<i32>} : memref<8208xi32, #tpu.memory_space<vmem>>, vector<16xi32>,
        %parallel_loop3A_460 = arith.constant 65535 : i32
        %parallel_loop3A_461 = vector.broadcast %parallel_loop3A_460 : i32 to vector<16xi32>
        %parallel_loop3A_462 = arith.andi %parallel_loop3A_459, %parallel_loop3A_461 : vector<16xi32>
        %parallel_loop3A_463 = arith.xori %parallel_loop3A_462, %select_n3A_183 : vector<16xi32>
        %parallel_loop3A_464 = arith.cmpi sge, %parallel_loop3A_463, %or3A_392 : vector<16xi32>
        %parallel_loop3A_465 = vector.broadcast %parallel_loop3A_457 : i32 to vector<16xi32>
        %parallel_loop3A_466 = arith.addi %parallel_loop3A_465, %iota3A : vector<16xi32>
        %parallel_loop3A_467 = arith.cmpi slt, %parallel_loop3A_466, %parallel_loop3A_251 : vector<16xi32>
        %parallel_loop3A_468 = arith.andi %parallel_loop3A_464, %parallel_loop3A_467 : vector<16xi1>
        %parallel_loop3A_469 = tpu.all_reduce %parallel_loop3A_468 {dim = 0 : i64, kind = #tpu.reduction_kind<sum>} : vector<16xi1> -> vector<16xi32>
        %parallel_loop3A_470 = arith.addi %parallel_loop3A_455, %parallel_loop3A_469 : vector<16xi32>
        scf.yield %parallel_loop3A_470 : vector<16xi32>
      } {sc.loop_unroll_factor = 1 : i64, sc.parallel_access}
      %ge3A_396 = arith.cmpi sge, %parallel_loop3A_395, %sub3A_248 : vector<16xi32>
      %select_n3A_397 = arith.select %ge3A_396, %or3A_392, %select_n3A_389 : vector<16xi1>, vector<16xi32>
      %or3A_398 = arith.constant 64 : i32
      %or3A_399 = vector.broadcast %or3A_398 : i32 to vector<16xi32>
      %or3A_400 = arith.ori %select_n3A_397, %or3A_399 : vector<16xi32>
      %parallel_loop3A_401 = arith.constant 0 : i32
      %parallel_loop3A_402 = arith.constant 1 : i32
      %parallel_loop3A_403 = scf.for %parallel_loop3A_454 = %parallel_loop3A_401 to %select_n3A_326 step %parallel_loop3A_402 iter_args(%parallel_loop3A_455 = %broadcast_in_dim3A_2) -> (vector<16xi32>)  : i32 {
        %parallel_loop3A_456 = arith.constant 16 : i32
        %parallel_loop3A_457 = arith.muli %parallel_loop3A_454, %parallel_loop3A_456 : i32
        %parallel_loop3A_458 = arith.index_cast %parallel_loop3A_457 : i32 to index
        %parallel_loop3A_459 = tpu.vector_load %arg7[%parallel_loop3A_458] {strides = array<i32>} : memref<8208xi32, #tpu.memory_space<vmem>>, vector<16xi32>,
        %parallel_loop3A_460 = arith.constant 65535 : i32
        %parallel_loop3A_461 = vector.broadcast %parallel_loop3A_460 : i32 to vector<16xi32>
        %parallel_loop3A_462 = arith.andi %parallel_loop3A_459, %parallel_loop3A_461 : vector<16xi32>
        %parallel_loop3A_463 = arith.xori %parallel_loop3A_462, %select_n3A_183 : vector<16xi32>
        %parallel_loop3A_464 = arith.cmpi sge, %parallel_loop3A_463, %or3A_400 : vector<16xi32>
        %parallel_loop3A_465 = vector.broadcast %parallel_loop3A_457 : i32 to vector<16xi32>
        %parallel_loop3A_466 = arith.addi %parallel_loop3A_465, %iota3A : vector<16xi32>
        %parallel_loop3A_467 = arith.cmpi slt, %parallel_loop3A_466, %parallel_loop3A_251 : vector<16xi32>
        %parallel_loop3A_468 = arith.andi %parallel_loop3A_464, %parallel_loop3A_467 : vector<16xi1>
        %parallel_loop3A_469 = tpu.all_reduce %parallel_loop3A_468 {dim = 0 : i64, kind = #tpu.reduction_kind<sum>} : vector<16xi1> -> vector<16xi32>
        %parallel_loop3A_470 = arith.addi %parallel_loop3A_455, %parallel_loop3A_469 : vector<16xi32>
        scf.yield %parallel_loop3A_470 : vector<16xi32>
      } {sc.loop_unroll_factor = 1 : i64, sc.parallel_access}
      %ge3A_404 = arith.cmpi sge, %parallel_loop3A_403, %sub3A_248 : vector<16xi32>
      %select_n3A_405 = arith.select %ge3A_404, %or3A_400, %select_n3A_397 : vector<16xi1>, vector<16xi32>
      %or3A_406 = arith.constant 32 : i32
      %or3A_407 = vector.broadcast %or3A_406 : i32 to vector<16xi32>
      %or3A_408 = arith.ori %select_n3A_405, %or3A_407 : vector<16xi32>
      %parallel_loop3A_409 = arith.constant 0 : i32
      %parallel_loop3A_410 = arith.constant 1 : i32
      %parallel_loop3A_411 = scf.for %parallel_loop3A_454 = %parallel_loop3A_409 to %select_n3A_326 step %parallel_loop3A_410 iter_args(%parallel_loop3A_455 = %broadcast_in_dim3A_2) -> (vector<16xi32>)  : i32 {
        %parallel_loop3A_456 = arith.constant 16 : i32
        %parallel_loop3A_457 = arith.muli %parallel_loop3A_454, %parallel_loop3A_456 : i32
        %parallel_loop3A_458 = arith.index_cast %parallel_loop3A_457 : i32 to index
        %parallel_loop3A_459 = tpu.vector_load %arg7[%parallel_loop3A_458] {strides = array<i32>} : memref<8208xi32, #tpu.memory_space<vmem>>, vector<16xi32>,
        %parallel_loop3A_460 = arith.constant 65535 : i32
        %parallel_loop3A_461 = vector.broadcast %parallel_loop3A_460 : i32 to vector<16xi32>
        %parallel_loop3A_462 = arith.andi %parallel_loop3A_459, %parallel_loop3A_461 : vector<16xi32>
        %parallel_loop3A_463 = arith.xori %parallel_loop3A_462, %select_n3A_183 : vector<16xi32>
        %parallel_loop3A_464 = arith.cmpi sge, %parallel_loop3A_463, %or3A_408 : vector<16xi32>
        %parallel_loop3A_465 = vector.broadcast %parallel_loop3A_457 : i32 to vector<16xi32>
        %parallel_loop3A_466 = arith.addi %parallel_loop3A_465, %iota3A : vector<16xi32>
        %parallel_loop3A_467 = arith.cmpi slt, %parallel_loop3A_466, %parallel_loop3A_251 : vector<16xi32>
        %parallel_loop3A_468 = arith.andi %parallel_loop3A_464, %parallel_loop3A_467 : vector<16xi1>
        %parallel_loop3A_469 = tpu.all_reduce %parallel_loop3A_468 {dim = 0 : i64, kind = #tpu.reduction_kind<sum>} : vector<16xi1> -> vector<16xi32>
        %parallel_loop3A_470 = arith.addi %parallel_loop3A_455, %parallel_loop3A_469 : vector<16xi32>
        scf.yield %parallel_loop3A_470 : vector<16xi32>
      } {sc.loop_unroll_factor = 1 : i64, sc.parallel_access}
      %ge3A_412 = arith.cmpi sge, %parallel_loop3A_411, %sub3A_248 : vector<16xi32>
      %select_n3A_413 = arith.select %ge3A_412, %or3A_408, %select_n3A_405 : vector<16xi1>, vector<16xi32>
      %or3A_414 = arith.constant 16 : i32
      %or3A_415 = vector.broadcast %or3A_414 : i32 to vector<16xi32>
      %or3A_416 = arith.ori %select_n3A_413, %or3A_415 : vector<16xi32>
      %parallel_loop3A_417 = arith.constant 0 : i32
      %parallel_loop3A_418 = arith.constant 1 : i32
      %parallel_loop3A_419 = scf.for %parallel_loop3A_454 = %parallel_loop3A_417 to %select_n3A_326 step %parallel_loop3A_418 iter_args(%parallel_loop3A_455 = %broadcast_in_dim3A_2) -> (vector<16xi32>)  : i32 {
        %parallel_loop3A_456 = arith.constant 16 : i32
        %parallel_loop3A_457 = arith.muli %parallel_loop3A_454, %parallel_loop3A_456 : i32
        %parallel_loop3A_458 = arith.index_cast %parallel_loop3A_457 : i32 to index
        %parallel_loop3A_459 = tpu.vector_load %arg7[%parallel_loop3A_458] {strides = array<i32>} : memref<8208xi32, #tpu.memory_space<vmem>>, vector<16xi32>,
        %parallel_loop3A_460 = arith.constant 65535 : i32
        %parallel_loop3A_461 = vector.broadcast %parallel_loop3A_460 : i32 to vector<16xi32>
        %parallel_loop3A_462 = arith.andi %parallel_loop3A_459, %parallel_loop3A_461 : vector<16xi32>
        %parallel_loop3A_463 = arith.xori %parallel_loop3A_462, %select_n3A_183 : vector<16xi32>
        %parallel_loop3A_464 = arith.cmpi sge, %parallel_loop3A_463, %or3A_416 : vector<16xi32>
        %parallel_loop3A_465 = vector.broadcast %parallel_loop3A_457 : i32 to vector<16xi32>
        %parallel_loop3A_466 = arith.addi %parallel_loop3A_465, %iota3A : vector<16xi32>
        %parallel_loop3A_467 = arith.cmpi slt, %parallel_loop3A_466, %parallel_loop3A_251 : vector<16xi32>
        %parallel_loop3A_468 = arith.andi %parallel_loop3A_464, %parallel_loop3A_467 : vector<16xi1>
        %parallel_loop3A_469 = tpu.all_reduce %parallel_loop3A_468 {dim = 0 : i64, kind = #tpu.reduction_kind<sum>} : vector<16xi1> -> vector<16xi32>
        %parallel_loop3A_470 = arith.addi %parallel_loop3A_455, %parallel_loop3A_469 : vector<16xi32>
        scf.yield %parallel_loop3A_470 : vector<16xi32>
      } {sc.loop_unroll_factor = 1 : i64, sc.parallel_access}
      %ge3A_420 = arith.cmpi sge, %parallel_loop3A_419, %sub3A_248 : vector<16xi32>
      %select_n3A_421 = arith.select %ge3A_420, %or3A_416, %select_n3A_413 : vector<16xi1>, vector<16xi32>
      %or3A_422 = arith.constant 8 : i32
      %or3A_423 = vector.broadcast %or3A_422 : i32 to vector<16xi32>
      %or3A_424 = arith.ori %select_n3A_421, %or3A_423 : vector<16xi32>
      %parallel_loop3A_425 = arith.constant 0 : i32
      %parallel_loop3A_426 = arith.constant 1 : i32
      %parallel_loop3A_427 = scf.for %parallel_loop3A_454 = %parallel_loop3A_425 to %select_n3A_326 step %parallel_loop3A_426 iter_args(%parallel_loop3A_455 = %broadcast_in_dim3A_2) -> (vector<16xi32>)  : i32 {
        %parallel_loop3A_456 = arith.constant 16 : i32
        %parallel_loop3A_457 = arith.muli %parallel_loop3A_454, %parallel_loop3A_456 : i32
        %parallel_loop3A_458 = arith.index_cast %parallel_loop3A_457 : i32 to index
        %parallel_loop3A_459 = tpu.vector_load %arg7[%parallel_loop3A_458] {strides = array<i32>} : memref<8208xi32, #tpu.memory_space<vmem>>, vector<16xi32>,
        %parallel_loop3A_460 = arith.constant 65535 : i32
        %parallel_loop3A_461 = vector.broadcast %parallel_loop3A_460 : i32 to vector<16xi32>
        %parallel_loop3A_462 = arith.andi %parallel_loop3A_459, %parallel_loop3A_461 : vector<16xi32>
        %parallel_loop3A_463 = arith.xori %parallel_loop3A_462, %select_n3A_183 : vector<16xi32>
        %parallel_loop3A_464 = arith.cmpi sge, %parallel_loop3A_463, %or3A_424 : vector<16xi32>
        %parallel_loop3A_465 = vector.broadcast %parallel_loop3A_457 : i32 to vector<16xi32>
        %parallel_loop3A_466 = arith.addi %parallel_loop3A_465, %iota3A : vector<16xi32>
        %parallel_loop3A_467 = arith.cmpi slt, %parallel_loop3A_466, %parallel_loop3A_251 : vector<16xi32>
        %parallel_loop3A_468 = arith.andi %parallel_loop3A_464, %parallel_loop3A_467 : vector<16xi1>
        %parallel_loop3A_469 = tpu.all_reduce %parallel_loop3A_468 {dim = 0 : i64, kind = #tpu.reduction_kind<sum>} : vector<16xi1> -> vector<16xi32>
        %parallel_loop3A_470 = arith.addi %parallel_loop3A_455, %parallel_loop3A_469 : vector<16xi32>
        scf.yield %parallel_loop3A_470 : vector<16xi32>
      } {sc.loop_unroll_factor = 1 : i64, sc.parallel_access}
      %ge3A_428 = arith.cmpi sge, %parallel_loop3A_427, %sub3A_248 : vector<16xi32>
      %select_n3A_429 = arith.select %ge3A_428, %or3A_424, %select_n3A_421 : vector<16xi1>, vector<16xi32>
      %or3A_430 = arith.constant 4 : i32
      %or3A_431 = vector.broadcast %or3A_430 : i32 to vector<16xi32>
      %or3A_432 = arith.ori %select_n3A_429, %or3A_431 : vector<16xi32>
      %parallel_loop3A_433 = arith.constant 0 : i32
      %parallel_loop3A_434 = arith.constant 1 : i32
      %parallel_loop3A_435 = scf.for %parallel_loop3A_454 = %parallel_loop3A_433 to %select_n3A_326 step %parallel_loop3A_434 iter_args(%parallel_loop3A_455 = %broadcast_in_dim3A_2) -> (vector<16xi32>)  : i32 {
        %parallel_loop3A_456 = arith.constant 16 : i32
        %parallel_loop3A_457 = arith.muli %parallel_loop3A_454, %parallel_loop3A_456 : i32
        %parallel_loop3A_458 = arith.index_cast %parallel_loop3A_457 : i32 to index
        %parallel_loop3A_459 = tpu.vector_load %arg7[%parallel_loop3A_458] {strides = array<i32>} : memref<8208xi32, #tpu.memory_space<vmem>>, vector<16xi32>,
        %parallel_loop3A_460 = arith.constant 65535 : i32
        %parallel_loop3A_461 = vector.broadcast %parallel_loop3A_460 : i32 to vector<16xi32>
        %parallel_loop3A_462 = arith.andi %parallel_loop3A_459, %parallel_loop3A_461 : vector<16xi32>
        %parallel_loop3A_463 = arith.xori %parallel_loop3A_462, %select_n3A_183 : vector<16xi32>
        %parallel_loop3A_464 = arith.cmpi sge, %parallel_loop3A_463, %or3A_432 : vector<16xi32>
        %parallel_loop3A_465 = vector.broadcast %parallel_loop3A_457 : i32 to vector<16xi32>
        %parallel_loop3A_466 = arith.addi %parallel_loop3A_465, %iota3A : vector<16xi32>
        %parallel_loop3A_467 = arith.cmpi slt, %parallel_loop3A_466, %parallel_loop3A_251 : vector<16xi32>
        %parallel_loop3A_468 = arith.andi %parallel_loop3A_464, %parallel_loop3A_467 : vector<16xi1>
        %parallel_loop3A_469 = tpu.all_reduce %parallel_loop3A_468 {dim = 0 : i64, kind = #tpu.reduction_kind<sum>} : vector<16xi1> -> vector<16xi32>
        %parallel_loop3A_470 = arith.addi %parallel_loop3A_455, %parallel_loop3A_469 : vector<16xi32>
        scf.yield %parallel_loop3A_470 : vector<16xi32>
      } {sc.loop_unroll_factor = 1 : i64, sc.parallel_access}
      %ge3A_436 = arith.cmpi sge, %parallel_loop3A_435, %sub3A_248 : vector<16xi32>
      %select_n3A_437 = arith.select %ge3A_436, %or3A_432, %select_n3A_429 : vector<16xi1>, vector<16xi32>
      %or3A_438 = arith.constant 2 : i32
      %or3A_439 = vector.broadcast %or3A_438 : i32 to vector<16xi32>
      %or3A_440 = arith.ori %select_n3A_437, %or3A_439 : vector<16xi32>
      %parallel_loop3A_441 = arith.constant 0 : i32
      %parallel_loop3A_442 = arith.constant 1 : i32
      %parallel_loop3A_443 = scf.for %parallel_loop3A_454 = %parallel_loop3A_441 to %select_n3A_326 step %parallel_loop3A_442 iter_args(%parallel_loop3A_455 = %broadcast_in_dim3A_2) -> (vector<16xi32>)  : i32 {
        %parallel_loop3A_456 = arith.constant 16 : i32
        %parallel_loop3A_457 = arith.muli %parallel_loop3A_454, %parallel_loop3A_456 : i32
        %parallel_loop3A_458 = arith.index_cast %parallel_loop3A_457 : i32 to index
        %parallel_loop3A_459 = tpu.vector_load %arg7[%parallel_loop3A_458] {strides = array<i32>} : memref<8208xi32, #tpu.memory_space<vmem>>, vector<16xi32>,
        %parallel_loop3A_460 = arith.constant 65535 : i32
        %parallel_loop3A_461 = vector.broadcast %parallel_loop3A_460 : i32 to vector<16xi32>
        %parallel_loop3A_462 = arith.andi %parallel_loop3A_459, %parallel_loop3A_461 : vector<16xi32>
        %parallel_loop3A_463 = arith.xori %parallel_loop3A_462, %select_n3A_183 : vector<16xi32>
        %parallel_loop3A_464 = arith.cmpi sge, %parallel_loop3A_463, %or3A_440 : vector<16xi32>
        %parallel_loop3A_465 = vector.broadcast %parallel_loop3A_457 : i32 to vector<16xi32>
        %parallel_loop3A_466 = arith.addi %parallel_loop3A_465, %iota3A : vector<16xi32>
        %parallel_loop3A_467 = arith.cmpi slt, %parallel_loop3A_466, %parallel_loop3A_251 : vector<16xi32>
        %parallel_loop3A_468 = arith.andi %parallel_loop3A_464, %parallel_loop3A_467 : vector<16xi1>
        %parallel_loop3A_469 = tpu.all_reduce %parallel_loop3A_468 {dim = 0 : i64, kind = #tpu.reduction_kind<sum>} : vector<16xi1> -> vector<16xi32>
        %parallel_loop3A_470 = arith.addi %parallel_loop3A_455, %parallel_loop3A_469 : vector<16xi32>
        scf.yield %parallel_loop3A_470 : vector<16xi32>
      } {sc.loop_unroll_factor = 1 : i64, sc.parallel_access}
      %ge3A_444 = arith.cmpi sge, %parallel_loop3A_443, %sub3A_248 : vector<16xi32>
      %select_n3A_445 = arith.select %ge3A_444, %or3A_440, %select_n3A_437 : vector<16xi1>, vector<16xi32>
      %or3A_446 = arith.constant 1 : i32
      %or3A_447 = vector.broadcast %or3A_446 : i32 to vector<16xi32>
      %or3A_448 = arith.ori %select_n3A_445, %or3A_447 : vector<16xi32>
      %parallel_loop3A_449 = arith.constant 0 : i32
      %parallel_loop3A_450 = arith.constant 1 : i32
      %parallel_loop3A_451 = scf.for %parallel_loop3A_454 = %parallel_loop3A_449 to %select_n3A_326 step %parallel_loop3A_450 iter_args(%parallel_loop3A_455 = %broadcast_in_dim3A_2) -> (vector<16xi32>)  : i32 {
        %parallel_loop3A_456 = arith.constant 16 : i32
        %parallel_loop3A_457 = arith.muli %parallel_loop3A_454, %parallel_loop3A_456 : i32
        %parallel_loop3A_458 = arith.index_cast %parallel_loop3A_457 : i32 to index
        %parallel_loop3A_459 = tpu.vector_load %arg7[%parallel_loop3A_458] {strides = array<i32>} : memref<8208xi32, #tpu.memory_space<vmem>>, vector<16xi32>,
        %parallel_loop3A_460 = arith.constant 65535 : i32
        %parallel_loop3A_461 = vector.broadcast %parallel_loop3A_460 : i32 to vector<16xi32>
        %parallel_loop3A_462 = arith.andi %parallel_loop3A_459, %parallel_loop3A_461 : vector<16xi32>
        %parallel_loop3A_463 = arith.xori %parallel_loop3A_462, %select_n3A_183 : vector<16xi32>
        %parallel_loop3A_464 = arith.cmpi sge, %parallel_loop3A_463, %or3A_448 : vector<16xi32>
        %parallel_loop3A_465 = vector.broadcast %parallel_loop3A_457 : i32 to vector<16xi32>
        %parallel_loop3A_466 = arith.addi %parallel_loop3A_465, %iota3A : vector<16xi32>
        %parallel_loop3A_467 = arith.cmpi slt, %parallel_loop3A_466, %parallel_loop3A_251 : vector<16xi32>
        %parallel_loop3A_468 = arith.andi %parallel_loop3A_464, %parallel_loop3A_467 : vector<16xi1>
        %parallel_loop3A_469 = tpu.all_reduce %parallel_loop3A_468 {dim = 0 : i64, kind = #tpu.reduction_kind<sum>} : vector<16xi1> -> vector<16xi32>
        %parallel_loop3A_470 = arith.addi %parallel_loop3A_455, %parallel_loop3A_469 : vector<16xi32>
        scf.yield %parallel_loop3A_470 : vector<16xi32>
      } {sc.loop_unroll_factor = 1 : i64, sc.parallel_access}
      %ge3A_452 = arith.cmpi sge, %parallel_loop3A_451, %sub3A_248 : vector<16xi32>
      %select_n3A_453 = arith.select %ge3A_452, %or3A_448, %select_n3A_445 : vector<16xi1>, vector<16xi32>
      scf.yield %select_n3A_453 : vector<16xi32>
    }
    %xor3A_267 = arith.constant 128 : i32
    %xor3A_268 = vector.broadcast %xor3A_267 : i32 to vector<16xi32>
    %xor3A_269 = arith.xori %sub3A_169, %xor3A_268 : vector<16xi32>
    %xor3A_270 = arith.constant 127 : i32
    %xor3A_271 = vector.broadcast %xor3A_270 : i32 to vector<16xi32>
    %xor3A_272 = arith.xori %xor3A_269, %xor3A_271 : vector<16xi32>
    %xor3A_273 = arith.constant 128 : i32
    %xor3A_274 = vector.broadcast %xor3A_273 : i32 to vector<16xi32>
    %xor3A_275 = arith.xori %sub3A_169, %xor3A_274 : vector<16xi32>
    %select_n3A_276 = arith.select %lt3A_177, %xor3A_272, %xor3A_275 : vector<16xi1>, vector<16xi32>
    %shift_left3A_277 = arith.constant 24 : i32
    %shift_left3A_278 = vector.broadcast %shift_left3A_277 : i32 to vector<16xi32>
    %shift_left3A_279 = arith.shli %select_n3A_276, %shift_left3A_278 : vector<16xi32>
    %xor3A_280 = arith.xori %sub3A_243, %select_n3A_180 : vector<16xi32>
    %shift_left3A_281 = arith.constant 16 : i32
    %shift_left3A_282 = vector.broadcast %shift_left3A_281 : i32 to vector<16xi32>
    %shift_left3A_283 = arith.shli %xor3A_280, %shift_left3A_282 : vector<16xi32>
    %or3A_284 = arith.ori %shift_left3A_279, %shift_left3A_283 : vector<16xi32>
    %xor3A_285 = arith.xori %cond3A_266, %select_n3A_183 : vector<16xi32>
    %or3A_286 = arith.ori %or3A_284, %xor3A_285 : vector<16xi32>
    %bitcast3A_287 = vector.bitcast %or3A_286 : vector<16xi32> to vector<16xf32>
    %parallel_loop3A_288 = arith.constant 0 : i32
    %parallel_loop3A_289 = arith.constant 512 : i32
    %parallel_loop3A_290 = arith.constant 1 : i32
    scf.for %parallel_loop3A_299 = %parallel_loop3A_288 to %parallel_loop3A_289 step %parallel_loop3A_290  : i32 {
      %parallel_loop3A_300 = arith.constant 16 : i32
      %parallel_loop3A_301 = arith.muli %parallel_loop3A_299, %parallel_loop3A_300 : i32
      %parallel_loop3A_302 = arith.index_cast %parallel_loop3A_301 : i32 to index
      %parallel_loop3A_303 = tpu.vector_load %arg5[%parallel_loop3A_302] {strides = array<i32>} : memref<8192xi32, #tpu.memory_space<vmem>>, vector<16xi32>,
      %parallel_loop3A_304 = vector.bitcast %parallel_loop3A_303 : vector<16xi32> to vector<16xf32>
      %parallel_loop3A_305 = arith.cmpf oge, %parallel_loop3A_304, %bitcast3A_287 : vector<16xf32>
      %parallel_loop3A_306 = arith.select %parallel_loop3A_305, %parallel_loop3A_303, %broadcast_in_dim3A_2 : vector<16xi1>, vector<16xi32>
      %parallel_loop3A_307 = arith.index_cast %parallel_loop3A_301 : i32 to index
      %parallel_loop3A_308 = tpu.vector_load %arg5[%parallel_loop3A_307] {strides = array<i32>} : memref<8192xi32, #tpu.memory_space<vmem>>, vector<16xi32>,
      tpu.vector_store %arg5[%parallel_loop3A_307], %parallel_loop3A_306 {strides = array<i32>} : memref<8192xi32, #tpu.memory_space<vmem>>, vector<16xi32>,
    } {sc.loop_unroll_factor = 4 : i64, sc.parallel_access}
    %mul3A_291 = arith.constant 8192 : i32
    %mul3A_292 = arith.muli %add3A_8, %mul3A_291 : i32
    %dma_start3A_293 = tpu.memref_slice %arg3[%mul3A_292] : memref<524288xi32, #tpu.memory_space<hbm>> -> memref<8192xi32, #tpu.memory_space<hbm>>
    %dma_start3A_294 = tpu.memref_slice %arg3[%mul3A_292] : memref<524288xi32, #tpu.memory_space<hbm>> -> memref<8192xi32, #tpu.memory_space<hbm>>
    tpu.enqueue_dma source(%arg5 : memref<8192xi32, #tpu.memory_space<vmem>>) target(%dma_start3A_294 : memref<8192xi32, #tpu.memory_space<hbm>>) target_semaphore(%arg15 : memref<!tpu.dma_semaphore, #tpu.memory_space<semaphore_mem>>)
    %dma_wait3A_295 = tpu.memref_slice %arg3[%mul3A_142] : memref<524288xi32, #tpu.memory_space<hbm>> -> memref<8192xi32, #tpu.memory_space<hbm>>
    %dma_wait3A_296 = tpu.memref_slice %arg3[%mul3A_142] : memref<524288xi32, #tpu.memory_space<hbm>> -> memref<8192xi32, #tpu.memory_space<hbm>>
    tpu.wait_dma2 semaphore(%arg14 : memref<!tpu.dma_semaphore, #tpu.memory_space<semaphore_mem>>) src(%arg4 : memref<8192xi32, #tpu.memory_space<vmem>>) dst(%dma_wait3A_296 : memref<8192xi32, #tpu.memory_space<hbm>>)
    %dma_wait3A_297 = tpu.memref_slice %arg3[%mul3A_292] : memref<524288xi32, #tpu.memory_space<hbm>> -> memref<8192xi32, #tpu.memory_space<hbm>>
    %dma_wait3A_298 = tpu.memref_slice %arg3[%mul3A_292] : memref<524288xi32, #tpu.memory_space<hbm>> -> memref<8192xi32, #tpu.memory_space<hbm>>
    tpu.wait_dma2 semaphore(%arg15 : memref<!tpu.dma_semaphore, #tpu.memory_space<semaphore_mem>>) src(%arg5 : memref<8192xi32, #tpu.memory_space<vmem>>) dst(%dma_wait3A_298 : memref<8192xi32, #tpu.memory_space<hbm>>)
    return
  }
}

</mosaic_0001>

<sc_bundles>
// kernel: kernel.3.cloned.1.call-start
scs
__scs_entry_jumppad:
0x0: {  	(pc) =	sbr.rel $0x88, $3  }
0x1: {  	(tag) =	ssettag $0x0;
	lr =	simm.s32 $0x1  }
0x2: {  	[smem:$0x3FA0] =	sst lr;
	_ =	strace $0xD0000000  }
0x3: {  	_ = 	snop  }
0x4: {  	_ = 	snop  }
0x5: {  	_ = 	snop  }
0x6: {  	_ = 	snop  }
0x7: {  	_ = 	snop  }
__scs_overlays_trampoline_lowered:
0x8: {  	[smem:$0x3FAF] =	sst s0  }
0x9: {  	[smem:$0x3FB0] =	sst s1  }
0xa: {  	[smem:$0x3FB1] =	sst s2  }
0xb: {  	[smem:$0x3FB2] =	sst s3  }
0xc: {  	[smem:$0x3FB3] =	sst s4  }
0xd: {  	[smem:$0x3FB4] =	sst s5  }
0xe: {  	[smem:$0x3FB5] =	sst s6  }
0xf: {  	[smem:$0x3FB6] =	sst s7  }
0x10: {  	[smem:$0x3FB7] =	sst s8  }
0x11: {  	[smem:$0x3FB8] =	sst s9;
	s0 =	simm.s32 @!p0 $0x0  }
0x12: {  	s1 =	sld [smem:$0x3F9E];
	s0 =	simm.s32 @p0 $0x1  }
0x13: {  	[smem:$0x3FB9] =	sst s0;
	s0 =	simm.s32 @!p1 $0x0  }
0x14: {  	s2 =	sld [smem:$0x3F9D];
	s0 =	simm.s32 @p1 $0x1  }
0x15: {  	[smem:$0x3FBA] =	sst s0;
	s0 =	simm.s32 @!p2 $0x0  }
0x16: {  	s3 =	sld [smem:$0x3FDB];
	s0 =	simm.s32 @p2 $0x1  }
0x17: {  	s4 =	simm.s32 $0x1BF5;
	[smem:$0x3FBC] =	sst s0  }
0x18: {  	s0 =	sld [smem:$0x3F9F];
	_ =	swait.ge [sflag:s4], $0x0  }
0x19: {  	s7 =	sld [smem:$0x3FA0]  }
0x1a: {  	s8 =	sadd.s32 $0xFFFFE003, lr  }
0x1b: {  	s9 =	sadd.s32 $0xFFFFFEF7, lr;
	s5 =	simm.s32 $0xFFFFFFFF;
	p2 =	slt.u32 s8, $0xFFFFF086  }
0x1c: {  	p1 =	slt.u32 s9, $0xF7A;
	s5 =	simm.s32 @!p2 $0x0  }
0x1d: {  	s5 =	simm.s32 @p1 $0x1;
	p0 =	seq.s32 s7, s2  }
0x1e: {  	s7 =	smul.u32 @!p0 $0xF7A, s2;
	p2 =	seq.s32 @!p0 s5, $0x0  }
0x1f: {  	s9 =	smul.u32 $0xF7A, s1;
	s8 =	simm.s32 @!p0 $0x1BF5;
	p2 =	por !p2, p0  }
0x20: {  	[sflag:s8] =	ssyncset.s32 @!p0 $0xFFFFF086;
	s6 =	sadd.s32 @!p0 s3, s7;
	s7 =	simm.s32 @!p0 $0x108  }
0x21: {  	s3 =	sadd.s32 s3, s9;
	s6 =	sadd.s32 @!p0 $0x88, s6;
	s7 =	simm.s32 @p2 $0x1082  }
0x22: {  	[simem:s7], [sflag:s8] =	dma.local @!p0 [hbm:s6], $0xF7A  }
0x23: {  	s9 =	sor.u32 $0xD0000000, s2;
	s6 =	simm.s32 $0x108;
	_ =	swait.ge @!p0 [sflag:s8], $0x0  }
0x24: {  	s3 =	sadd.s32 $0x88, s3;
	s6 =	simm.s32 @!p1 $0x1082;
	[sflag:s4] =	ssyncset.s32 $0xFFFFF086  }
0x25: {  	[simem:s6], [sflag:s4] =	dma.local [hbm:s3], $0xF7A  }
0x26: {  	[smem:$0x3FA0] =	sst s1;
	(tag) =	ssettag s2;
	_ =	strace s9  }
0x27: {  	s1 =	sld [smem:$0x3FB0]  }
0x28: {  	s2 =	sld [smem:$0x3FB1]  }
0x29: {  	s4 =	sld [smem:$0x3FB3]  }
0x2a: {  	p0 =	seq.s32 s5, $0x0;
	s5 =	sld [smem:$0x3FB4]  }
0x2b: {  	s6 =	sld [smem:$0x3FB5]  }
0x2c: {  	s7 =	sld [smem:$0x3FB6]  }
0x2d: {  	s3 =	simm.s32 $0x108;
	s8 =	sld [smem:$0x3FB7]  }
0x2e: {  	s3 =	simm.s32 @!p0 $0x1082;
	s9 =	sld [smem:$0x3FB8]  }
0x2f: {  	lr =	sadd.s32 s0, s3;
	s0 =	sld [smem:$0x3FAF]  }
0x30: {  	s3 =	sld [smem:$0x3FB2]  }
0x31: {  	[smem:$0x3FBB] =	sst s10  }
0x32: {  	s10 =	sld [smem:$0x3FB9];
	_ =	sdelay $0x3  }
0x33: {  	p0 =	seq.s32 s10, $0x1;
	s10 =	sld [smem:$0x3FBB];
	_ =	sdelay $0x3  }
0x34: {  	[smem:$0x3FBB] =	sst s10  }
0x35: {  	s10 =	sld [smem:$0x3FBA];
	_ =	sdelay $0x3  }
0x36: {  	p1 =	seq.s32 s10, $0x1;
	s10 =	sld [smem:$0x3FBB];
	_ =	sdelay $0x3  }
0x37: {  	[smem:$0x3FBB] =	sst s10  }
0x38: {  	s10 =	sld [smem:$0x3FBC]  }
0x39: {  	_ = 	snop;
	(pc) =	sbr.ind lr, $3  }
0x3a: {  	_ = 	snop  }
0x3b: {  	_ = 	snop  }
0x3c: {  	p2 =	seq.s32 s10, $0x1;
	s10 =	sld [smem:$0x3FBB]  }
0x3d: {  	_ =	shalt  }
0x3e: {  	_ =	shalt  }
0x3f: {  	_ =	shalt  }
0x40: {  	_ =	shalt  }
0x41: {  	_ =	shalt  }
0x42: {  	_ =	shalt  }
0x43: {  	_ =	shalt  }
0x44: {  	_ =	shalt  }
0x45: {  	_ =	shalt  }
0x46: {  	_ =	shalt  }
0x47: {  	_ =	shalt  }
0x48: {  	_ =	shalt  }
0x49: {  	_ =	shalt  }
0x4a: {  	_ =	shalt  }
0x4b: {  	_ =	shalt  }
0x4c: {  	_ =	shalt  }
0x4d: {  	_ =	shalt  }
0x4e: {  	_ =	shalt  }
0x4f: {  	_ =	shalt  }
0x50: {  	_ =	shalt  }
0x51: {  	_ =	shalt  }
0x52: {  	_ =	shalt  }
0x53: {  	_ =	shalt  }
0x54: {  	_ =	shalt  }
0x55: {  	_ =	shalt  }
0x56: {  	_ =	shalt  }
0x57: {  	_ =	shalt  }
0x58: {  	_ =	shalt  }
0x59: {  	_ =	shalt  }
0x5a: {  	_ =	shalt  }
0x5b: {  	_ =	shalt  }
0x5c: {  	_ =	shalt  }
0x5d: {  	_ =	shalt  }
0x5e: {  	_ =	shalt  }
0x5f: {  	_ =	shalt  }
0x60: {  	_ =	shalt  }
0x61: {  	_ =	shalt  }
0x62: {  	_ =	shalt  }
0x63: {  	_ =	shalt  }
0x64: {  	_ =	shalt  }
0x65: {  	_ =	shalt  }
0x66: {  	_ =	shalt  }
0x67: {  	_ =	shalt  }
0x68: {  	_ =	shalt  }
0x69: {  	_ =	shalt  }
0x6a: {  	_ =	shalt  }
0x6b: {  	_ =	shalt  }
0x6c: {  	_ =	shalt  }
0x6d: {  	_ =	shalt  }
0x6e: {  	_ =	shalt  }
0x6f: {  	_ =	shalt  }
0x70: {  	_ =	shalt  }
0x71: {  	_ =	shalt  }
0x72: {  	_ =	shalt  }
0x73: {  	_ =	shalt  }
0x74: {  	_ =	shalt  }
0x75: {  	_ =	shalt  }
0x76: {  	_ =	shalt  }
0x77: {  	_ =	shalt  }
0x78: {  	_ =	shalt  }
0x79: {  	_ =	shalt  }
0x7a: {  	_ =	shalt  }
0x7b: {  	_ =	shalt  }
0x7c: {  	_ =	shalt  }
0x7d: {  	_ =	shalt  }
0x7e: {  	_ =	shalt  }
0x7f: {  	_ =	shalt  }
0x80: {  	_ =	shalt  }
0x81: {  	_ =	shalt  }
0x82: {  	_ =	shalt  }
0x83: {  	_ =	shalt  }
0x84: {  	_ =	shalt  }
0x85: {  	_ =	shalt  }
0x86: {  	_ =	shalt  }
0x87: {  	_ =	shalt  }
.Lfunc_end0:
.L_simem_size_0:
called_computation_lowered:
.L_overlay_start_0:
0x88: {  	s2 =	sld [smem:$0x3FD9]  }
0x89: {  	s3 =	sld [smem:$0x3FFE];
	_ =	sdelay $0x1  }
0x8a: {  	s1 =	srdreg.scid  }
0x8b: {  	s0 =	sand.u32 $0x1, s1  }
0x8c: {  	s17 =	sshll.u32 s0, $0xA;
	s2 =	sadd.s32 s3, s2  }
0x8d: {  	s2 =	sadd.s32 s2, s17  }
0x8e: {  	[smem:$0x3FC7] =	sst s2  }
0x8f: {  	_ = 	snop  }
0x90: {  	s2 =	sld [smem:$0x3FD0];
	(tm) =	ssettm $0x1  }
0x91: {  	s18 =	sld [smem:$0x3FFB];
	_ =	sdelay $0x3  }
0x92: {  	_ =	strace s18  }
0x93: {  	s3 =	sld [smem:$0x3FFC];
	_ =	sdelay $0x3  }
0x94: {  	_ =	strace s3  }
0x95: {  	s3 =	sld [smem:$0x3FFD];
	_ =	sdelay $0x3  }
0x96: {  	_ =	strace s3  }
0x97: {  	_ =	strace $0x8FFFFFFF  }
0x98: {  	s19 =	sld [smem:$0x3FDB];
	_ =	sdelay $0x1  }
0x99: {  	s4 =	simm.s32 $_scs_section_size  }
0x9a: {  	s5 =	simm.s32 $_size__tile_overlayer_lowered;
	s6 =	simm.s32 $_tile_overlayer_lowered  }
0x9b: {  	s22 =	simm.s32 $0x1BFF;
	s21 =	sshll.u32 s6, $0x1;
	s3 =	sadd.s32 s4, s19  }
0x9c: {  	s7 =	simm.s32 $0x0;
	s20 =	sshll.u32 s5, $0x1;
	s5 =	sadd.s32 s21, s3  }
0x9d: {  	[timem:s7], [sflag:s22] =	dma.local [hbm:s5], s20  }
0x9e: {  	_ =	swait.ge [sflag:s22], s20  }
0x9f: {  	s4 =	ssub.s32 $0x0, s20;
	[sflag:s22] =	ssyncset.done $0x0  }
0xa0: {  	[sflag:s22] =	ssyncadd.s32 s4;
	_ =	sdelay $0x1  }
0xa1: {  	s23 =	simm.s32 $0x1B8B  }
0xa2: {  	_ =	swait.ge [sflag:s23], $0x1  }
0xa3: {  	[sflag:s23] =	ssyncset.done $0x0  }
0xa4: {  	s25 =	simm.s32 $0x1B8E;
	s24 =	sld [smem:$0x3FFE];
	[sflag:s23] =	ssyncadd.s32 $0xFFFFFFFF  }
0xa5: {  	s26 =	simm.s32 $execute0_lowered;
	[smem:$0x3FD2] =	sst s25  }
0xa6: {  	s5 =	sshll.u32 s26, $0x1;
	_ =	strace $0x80000046;
	[dreg:$0x1] =	wrdreg $0xFFFFFFFF  }
0xa7: {  	s28 =	simm.s32 $_size_execute0_lowered;
	s3 =	sadd.s32 s3, s5;
	[dreg:$0x0] =	wrdreg $0x0  }
0xa8: {  	s5 =	sshll.u32 s28, $0x1;
	[dreg:$0x2] =	wrdreg s3  }
0xa9: {  	[dreg:$0x3] =	wrdreg s5  }
0xaa: {  	[dreg:$0x4] =	wrdreg $0xC0  }
0xab: {  	_ =	task [dreg:s7], $0x5FFFF  }
0xac: {  	[dreg:$0x1] =	wrdreg $0xFFFFFFFF  }
0xad: {  	[dreg:$0x0] =	wrdreg $0x60  }
0xae: {  	[dreg:$0x2] =	wrdreg s2  }
0xaf: {  	[dreg:$0x3] =	wrdreg s24  }
0xb0: {  	[dreg:$0x4] =	wrdreg $0x9  }
0xb1: {  	_ =	task.clear_ibuf [dreg:s7], $0x5FFFF;
	_ =	strace $0x90000046  }
0xb2: {  	s29 =	simm.s32 $0x9;
	_ =	strace $0x80000048  }
0xb3: {  	_ =	swait.ge [sflag:s29], $0x1  }
0xb4: {  	[sflag:s29] =	ssyncadd.s32 $0xFFFFFFFF  }
0xb5: {  	_ =	strace $0x90000048  }
0xb6: {  	_ =	sfence  }
0xb7: {  	s30 =	sld [smem:$0x0];
	_ =	sdelay $0x2  }
0xb8: {  	s31 =	sshll.u32 s1, $0xD;
	s1 =	sshrl.u32 s1, $0x2  }
0xb9: {  	s3 =	sand.u32 $0x4000, s31;
	s1 =	sadd.s32 s1, s30  }
0xba: {  	s0 =	sor.u32 s3, s0;
	s1 =	sshll.u32 s1, $0x11  }
0xbb: {  	s0 =	sor.u32 s1, s0  }
0xbc: {  	s0 =	sadd.s32 $0x8F2B, s0  }
0xbd: {  	[sflag:s0] =	ssyncadd.remote.s32 $0x1  }
0xbe: {  	_ =	sfence.sel $0xFFFF  }
0xbf: {  	[dreg:$0x0] =	wrdreg $0xFFFFFFFF;
	(pc) =	sbr.abs _section_cstart, $3  }
0xc0: {  	[dreg:$0x1] =	wrdreg $0xFFFFFFFF  }
0xc1: {  	_ =	task.clear_ibuf [dreg:s7], $0x2FFFF;
	_ =	strace $0x9FFFFFFF  }
0xc2: {  	(tm) =	ssettm $0x7FFFFFFF  }
0xc3: {  	_ =	shalt  }
tec
execute0_lowered:
.L_overlay_start_1:
0x0: {  	(tag) =	ssettag $0x1  }
0x1: {  	s4 =	rddreg [dreg:$0x0]  }
0x2: {  	s3 =	rddreg [dreg:$0x1]  }
0x3: {  	s0 =	rddreg [dreg:$0x2]  }
0x4: {  	s2 =	simm.s32 $0x0;
	s5 =	srdreg.scid;
	s1 =	stileid.u32  }
0x5: {  	s9 =	simm.s32 $0x1;
	s10 =	simm.s32 $0x8100;
	s11 =	simm.s32 $0x8200  }
0x6: {  	s12 =	simm.s32 $0x4000;
	s13 =	simm.s32 $0x6080;
	s14 =	simm.s32 $0x8380  }
0x7: {  	s15 =	simm.s32 $0x2;
	s16 =	simm.s32 $0x3;
	s17 =	simm.s32 $0x4  }
0x8: {  	s18 =	simm.s32 $0x0;
	[smem:$0x7FF] =	sst s2;
	s5 =	sand.u32 $0x1, s5  }
0x9: {  	s7 =	sshll.u32 s1, $0xC;
	s6 =	ssub.s32 $0x2, s5;
	s5 =	sshll.u32 s5, $0xB  }
0xa: {  	v0 =	vlaneseq.u32;
	s8 =	sadd.s32 $0x400, s3;
	s29 =	sshrl.u32 s6, $0x1;
	s5 =	sor.u32 s5, s7  }
0xb: {  	v2 =	vmul.u32 $0xFFFFFFFF, v0;
	_ =	strace $0x80000047;
	s30 =	ssub.s32 s6, s29;
	s31 =	sor.u32 $0x400, s5  }
0xc: {  	v1 =	vimm.s32 $0x0;
	v3 =	vimm.s32 $0x80;
	s3 =	sadd.s32 s4, s5;
	s5 =	sadd.s32 s8, s5;
	s4 =	sadd.s32 s4, s31  }
0xd: {  	v4 =	vimm.s32 $0x8000;
	v5 =	vimm.s32 $0xFFFE;
	v2 =	vadd.s32 $0xF, v2;
	s6 =	sadd.s32 s8, s31;
	s7 =	smax.u32 s30, $0x1;
	s8 =	simm.s32 $0x2000  }
.LBB2_1:
0xe: {  	[tilespmem:$0x8300] =	vst v1  }
0xf: {  	[tilespmem:s2], [sflag:$0x1] =	stream.linear.gather [hbm4b:s3+s2], $0x2000, $0x38;
	[tilespmem:$0xA400] =	vst v63  }
0x10: {  	_ = 	snop  }
0x11: {  	[tilespmem:s8], [sflag:$0x2] =	stream.linear.gather [hbm4b:s4+s2], $0x2000, $0x38;
	[tilespmem:$0xA400] =	vst v63  }
0x12: {  	_ =	swait.ge [sflag:s9], $0x2000  }
0x13: {  	[sflag:s9] =	ssyncset.done $0x0  }
0x14: {  	s21 =	simm.s32 $0x8120;
	[sflag:s9] =	ssyncadd.s32 $0xFFFFE000  }
0x15: {  	[tilespmem:s21+$0xFFFFFFE0] =	vst v1  }
0x16: {  	[tilespmem:s21+$0x10] =	vst v1  }
0x17: {  	s22 =	simm.s32 $0x0;
	s19 =	simm.s32 $0x20;
	[tilespmem:s21+$0x0] =	vst v1  }
.LBB2_2:
0x18: {  	s22 =	sadd.s32 $0x4, s22  }
0x19: {  	[tilespmem:s21+$0xFFFFFFF0] =	vst v1;
	s21 =	sadd.s32 $0x40, s21;
	s20 =	simm.s32 $0x8420;
	p0 =	slt.u32 s22, $0xC  }
.Ltmp0:
0x1a: {  	[tilespmem:s21+$0xFFFFFFE0] =	vst v1;
	(pc) =	sbr.rel @p0 .LBB2_2-.Ltmp0, $3  }
0x1b: {  	_ =	sdelay $0x1  }
0x1c: {  	[tilespmem:s21+$0x10] =	vst v1  }
0x1d: {  	[tilespmem:s21+$0x0] =	vst v1  }
0x1e: {  	[tilespmem:s21+$0xFFFFFFF0] =	vst v1  }
0x1f: {  	v6 =	vld [tilespmem:s19+$0xFFFFFFF0]  }
0x20: {  	v7 =	vld [tilespmem:s19+$0x10]  }
0x21: {  	v8 =	vld [tilespmem:s19+$0xFFFFFFE0];
	_ =	sdelay $0x3  }
0x22: {  	v10 =	vld [tilespmem:s19+$0x0];
	v9 =	vshra.s32 v6, $0x1F;
	v6 =	vshrl.u32 v6, $0x18;
	v11 =	vshra.s32 v7, $0x1F  }
0x23: {  	v12 =	vshrl.u32 v8, $0x18;
	v8 =	vshra.s32 v8, $0x1F;
	v9 =	vand.u32 $0x7F, v9  }
0x24: {  	v13 =	vxor.u32 v6, v9;
	v6 =	vshrl.u32 v7, $0x18;
	v7 =	vand.u32 $0x7F, v11  }
0x25: {  	s30 =	simm.s32 $0x60;
	v8 =	vand.u32 $0x7F, v8;
	v14 =	vxor.u32 v6, v7;
	v7 =	vxor.u32 $0x80, v13  }
0x26: {  	v15 =	vxor.u32 v12, v8;
	v8 =	vld [tilespmem:s30+$0xFFFFFFF0];
	v16 =	vxor.u32 $0x80, v14;
	(xrf1) =	vunique.msk.u32 $0xffff, v7  }
0x27: {  	v11 =	vld [tilespmem:s30+$0xFFFFFFE0];
	v17 =	vxor.u32 $0x80, v15;
	v6 =	vshra.s32 v10, $0x1F;
	v10 =	vshrl.u32 v10, $0x18;
	(xrf1) =	vunique.msk.u32 $0xffff, v16  }
0x28: {  	v12 =	vld [tilespmem:s30+$0x0];
	v15 =	vand.u32 $0x7F, v15;
	v13 =	vand.u32 $0x7F, v13;
	v6 =	vand.u32 $0x7F, v6  }
0x29: {  	v9 =	vld [tilespmem:s30+$0x10];
	v18 =	vand.u32 $0x80, v7;
	v14 =	vand.u32 $0x7F, v14;
	v6 =	vxor.u32 v10, v6  }
0x2a: {  	v28 =	vand.u32 $0x80, v17;
	v25 =	vor.u32 v13, v18;
	v10 =	vxor.u32 $0x80, v6  }
0x2b: {  	(xrf1) =	vunique.msk.u32 $0xffff, v17;
	v6 =	vand.u32 $0x7F, v6;
	v19 =	vand.u32 $0x80, v10;
	v20 =	vshra.s32 v8, $0x1F  }
0x2c: {  	v8 =	vshrl.u32 v8, $0x18;
	(xrf1) =	vunique.msk.u32 $0xffff, v10;
	v21 =	vshrl.u32 v11, $0x18;
	v11 =	vshra.s32 v11, $0x1F  }
0x2d: {  	v22 =	vshrl.u32 v12, $0x18;
	v6 =	vor.u32 v6, v19;
	v19 =	vand.u32 $0x7F, v20  }
0x2e: {  	v20 =	vshra.s32 v9, $0x1F;
	v11 =	vand.u32 $0x7F, v11;
	v9 =	vshrl.u32 v9, $0x18  }
0x2f: {  	s31 =	simm.s32 $0xA0;
	[tilespmem:s20+$0xFFFFFFF0] =	vst v7;
	v8 =	vxor.u32 v8, v19;
	v7 =	vand.u32 $0x7F, v20;
	v11 =	vxor.u32 v21, v11  }
0x30: {  	s19 =	simm.s32 $0x8460;
	[tilespmem:s20+$0x0] =	vst v10;
	v19 =	vshra.s32 v12, $0x1F;
	v21 =	vld [tilespmem:s31+$0xFFFFFFF0];
	v10 =	vxor.u32 v9, v7;
	v20 =	vxor.u32 $0x80, v8  }
0x31: {  	v19 =	vand.u32 $0x7F, v19;
	[tilespmem:s19+$0xFFFFFFF0] =	vst v20;
	v12 =	vand.u32 $0x80, v20;
	(xrf1) =	vunique.msk.u32 $0xffff, v20;
	v20 =	vld [tilespmem:s31+$0x10]  }
0x32: {  	v13 =	vand.u32 $0x80, v16;
	v7 =	vxor.u32 $0x80, v10;
	v19 =	vxor.u32 v22, v19  }
0x33: {  	v14 =	vor.u32 v14, v13;
	v9 =	vxor.u32 $0x80, v11;
	v22 =	vld [tilespmem:s31+$0xFFFFFFE0];
	(xrf1) =	vunique.msk.u32 $0xffff, v7;
	v23 =	vxor.u32 $0x80, v19  }
0x34: {  	v19 =	vand.u32 $0x7F, v19;
	v27 =	vand.u32 $0x80, v23;
	[tilespmem:s19+$0x0] =	vst v23;
	_, v24, vm0 =	vpop (xrf1);
	(xrf1) =	vunique.msk.u32 $0xffff, v9  }
0x35: {  	v13 =	vor.u32 v19, v27;
	v19 =	vshra.s32 v21, $0x1F;
	_, v26, vm1 =	vpop (xrf1);
	(xrf1) =	vunique.msk.u32 $0xffff, v23;
	v23 =	vor.u32 v15, v28  }
0x36: {  	v15 =	vshrl.u32 v21, $0x18;
	v21 =	vshra.s32 v20, $0x1F;
	v20 =	vshrl.u32 v20, $0x18;
	_ =	sdelay $0x1  }
0x37: {  	[tilespmem:s20+$0xFFFFFFE0] =	vst v17;
	v19 =	vand.u32 $0x7F, v19;
	v17 =	vshrl.u32 v22, $0x18;
	v22 =	vshra.s32 v22, $0x1F  }
0x38: {  	v18 =	vld [tilespmem:s31+$0x0];
	[tilespmem:s20+$0x10] =	vst v16;
	_, v29, vm2 =	vpop (xrf1);
	v19 =	vxor.u32 v15, v19;
	v15 =	vand.u32 $0x7F, v22;
	v21 =	vand.u32 $0x7F, v21  }
0x39: {  	v16 =	vxor.u32 v17, v15;
	v17 =	vxor.u32 v20, v21;
	[tilespmem:v25+s10+$0x0] =	vst.idx.add.s32.msk vm0, v24;
	_, v20, vm0 =	vpop (xrf1);
	_ =	sdelay $0x3  }
0x3a: {  	v15 =	vshra.s32 v18, $0x1F;
	[tilespmem:v14+s10+$0x0] =	vst.idx.add.s32.msk vm1, v26  }
0x3b: {  	s21 =	simm.s32 $0x8;
	s22 =	simm.s32 $0xE0;
	s20 =	simm.s32 $0x8460;
	v21 =	vand.u32 $0x7F, v15;
	v15 =	vxor.u32 $0x80, v17;
	v14 =	vxor.u32 $0x80, v16;
	[tilespmem:v23+s10+$0x0] =	vst.idx.add.s32.msk vm2, v29  }
.LBB2_4:
0x3c: {  	s21 =	sadd.s32 $0x4, s21;
	v22 =	vxor.u32 $0x80, v19;
	s19 =	sadd.s32 $0x40, s19;
	[tilespmem:v6+s10+$0x0] =	vst.idx.add.s32.msk vm0, v20;
	v6 =	vmov v13  }
0x3d: {  	v13 =	vshrl.u32 v18, $0x18;
	v20 =	vld [tilespmem:s22+$0xFFFFFFF0];
	p0 =	slt.u32 s21, $0x1FC;
	[tilespmem:s19+$0xFFFFFFF0] =	vst v22;
	v23 =	vand.u32 $0x80, v22;
	(xrf1) =	vunique.msk.u32 $0xffff, v22  }
0x3e: {  	v11 =	vand.u32 $0x7F, v11;
	v18 =	vand.u32 $0x7F, v8;
	v8 =	vmovc v19;
	v13 =	vxor.u32 v13, v21;
	v22 =	vld [tilespmem:s22+$0x10];
	(xrf1) =	vunique.msk.u32 $0xffff, v15  }
0x3f: {  	v24 =	vor.u32 v18, v12;
	v21 =	vxor.u32 $0x80, v13;
	v13 =	vand.u32 $0x7F, v13;
	v19 =	vld [tilespmem:s22+$0xFFFFFFE0];
	(xrf1) =	vunique.msk.u32 $0xffff, v14;
	_, v25, vm1 =	vpop (xrf1)  }
0x40: {  	v28 =	vand.u32 $0x80, v7;
	v10 =	vand.u32 $0x7F, v10;
	v12 =	vand.u32 $0x80, v21;
	v18 =	vld [tilespmem:s22+$0x0];
	(xrf1) =	vunique.msk.u32 $0xffff, v21;
	_, v27, vm3 =	vpop (xrf1)  }
0x41: {  	v32 =	vand.u32 $0x80, v9;
	v13 =	vor.u32 v13, v12;
	[tilespmem:s19+$0x0] =	vst v21;
	v21 =	vor.u32 v10, v28;
	_, v26, vm2 =	vpop (xrf1)  }
0x42: {  	v29 =	vor.u32 v11, v32;
	v28 =	vshrl.u32 v20, $0x18;
	v33 =	vshra.s32 v20, $0x1F;
	_, v20, vm0 =	vpop (xrf1)  }
.Ltmp1:
0x43: {  	v11 =	vmovc v16;
	v10 =	vmovc v17;
	v12 =	vmov v23;
	v30 =	vand.u32 $0x7F, v33;
	v31 =	vshra.s32 v22, $0x1F;
	[tilespmem:s20+$0xFFFFFFE0] =	vst v9;
	(pc) =	sbr.rel @p0 .LBB2_4-.Ltmp1, $4  }
0x44: {  	v9 =	vmovc v14;
	v16 =	vshrl.u32 v19, $0x18;
	v17 =	vshra.s32 v19, $0x1F;
	v19 =	vxor.u32 v28, v30;
	[tilespmem:s20+$0x10] =	vst v7;
	v7 =	vmovc v15;
	s20 =	smov.u32 s19  }
0x45: {  	v15 =	vshrl.u32 v22, $0x18;
	v14 =	vand.u32 $0x7F, v17;
	v17 =	vand.u32 $0x7F, v31;
	[tilespmem:v24+s10+$0x0] =	vst.idx.add.s32.msk vm1, v25  }
0x46: {  	v22 =	vshra.s32 v18, $0x1F;
	v16 =	vxor.u32 v16, v14;
	v17 =	vxor.u32 v15, v17;
	[tilespmem:v21+s10+$0x0] =	vst.idx.add.s32.msk vm3, v27  }
0x47: {  	s22 =	sadd.s32 $0x40, s22;
	v21 =	vand.u32 $0x7F, v22;
	v14 =	vxor.u32 $0x80, v16;
	v15 =	vxor.u32 $0x80, v17;
	[tilespmem:v29+s10+$0x0] =	vst.idx.add.s32.msk vm2, v26  }
0x48: {  	v22 =	vxor.u32 $0x80, v19  }
0x49: {  	v18 =	vshrl.u32 v18, $0x18;
	(xrf1) =	vunique.msk.u32 $0xffff, v22  }
0x4a: {  	v18 =	vxor.u32 v18, v21;
	(xrf1) =	vunique.msk.u32 $0xffff, v15  }
0x4b: {  	v21 =	vxor.u32 $0x80, v18;
	(xrf1) =	vunique.msk.u32 $0xffff, v14  }
0x4c: {  	(xrf1) =	vunique.msk.u32 $0xffff, v21;
	_ =	sdelay $0x1  }
0x4d: {  	v8 =	vand.u32 $0x7F, v8;
	_, v23, vm1 =	vpop (xrf1)  }
0x4e: {  	[tilespmem:v6+s10+$0x0] =	vst.idx.add.s32.msk vm0, v20;
	v10 =	vand.u32 $0x7F, v10;
	v6 =	vor.u32 v8, v12;
	v8 =	vand.u32 $0x80, v7;
	_, v51, vm12 =	vpop (xrf1)  }
0x4f: {  	v8 =	vor.u32 v10, v8;
	_ =	sdelay $0x2  }
0x50: {  	[tilespmem:s20+$0xFFFFFFE0] =	vst v9  }
0x51: {  	[tilespmem:s20+$0x10] =	vst v7  }
0x52: {  	s19 =	sadd.s32 $0x40, s19;
	v11 =	vand.u32 $0x7F, v11;
	v52 =	vand.u32 $0x80, v9;
	_, v53, vm2 =	vpop (xrf1);
	[tilespmem:v8+s10+$0x0] =	vst.idx.add.s32.msk vm12, v51;
	v8 =	vand.u32 $0x7F, v17  }
0x53: {  	[tilespmem:s19+$0xFFFFFFF0] =	vst v22;
	v11 =	vor.u32 v11, v52;
	_, v54, vm3 =	vpop (xrf1)  }
0x54: {  	v7 =	vand.u32 $0x80, v22;
	[tilespmem:v6+s10+$0x0] =	vst.idx.add.s32.msk vm1, v23;
	v6 =	vand.u32 $0x7F, v19;
	_, v55, vm13 =	vpop (xrf1)  }
0x55: {  	[tilespmem:s19+$0xFFFFFFE0] =	vst v14;
	v6 =	vor.u32 v6, v7;
	v7 =	vand.u32 $0x80, v15;
	_, v12, vm0 =	vpop (xrf1)  }
0x56: {  	v56 =	vand.u32 $0x7F, v16;
	v57 =	vand.u32 $0x80, v14;
	[tilespmem:s19+$0x10] =	vst v15;
	v7 =	vor.u32 v8, v7;
	_, v8, vm14 =	vpop (xrf1)  }
0x57: {  	v60 =	vor.u32 v56, v57;
	v58 =	vand.u32 $0x7F, v18;
	[tilespmem:s19+$0x0] =	vst v21;
	v59 =	vand.u32 $0x80, v21;
	_, v61, vm15 =	vpop (xrf1)  }
0x58: {  	v62 =	vor.u32 v58, v59;
	[tilespmem:v11+s10+$0x0] =	vst.idx.add.s32.msk vm2, v53  }
0x59: {  	[tilespmem:v13+s10+$0x0] =	vst.idx.add.s32.msk vm3, v54  }
0x5a: {  	[tilespmem:v6+s10+$0x0] =	vst.idx.add.s32.msk vm13, v55  }
0x5b: {  	[tilespmem:v7+s10+$0x0] =	vst.idx.add.s32.msk vm0, v12  }
0x5c: {  	[tilespmem:v60+s10+$0x0] =	vst.idx.add.s32.msk vm14, v8  }
0x5d: {  	s19 =	simm.s32 $0xF0;
	[tilespmem:v62+s10+$0x0] =	vst.idx.add.s32.msk vm15, v61  }
0x5e: {  	v6 =	vld [tilespmem:s19+$0x8100];
	_ =	sdelay $0x4  }
0x5f: {  	v6 =	vperm.xlane v6, v2  }
0x60: {  	s20 =	simm.s32 $0xE0  }
0x61: {  	(xrf0) =	vadd.scan.msk.s32 $0xffff, v6;
	v6 =	vld [tilespmem:s20+$0x8100];
	_ =	sdelay $0x4  }
0x62: {  	s21 =	simm.s32 $0xD0;
	v8 =	vperm.xlane v6, v2  }
0x63: {  	v6 =	vld [tilespmem:s21+$0x8100]  }
0x64: {  	v7, _, _ =	vpop (xrf0);
	(xrf0) =	vadd.scan.msk.s32 $0xffff, v8  }
0x65: {  	v7 =	vperm.xlane v7, v2  }
0x66: {  	v63 =	vimm.s32 $0x0  }
0x67: {  	s22 =	simm.s32 $0x300;
	v7 =	vadd.s32 v63, v7  }
.LBB2_6:
0x68: {  	s23 =	sshra.s32 s22, $0x2;
	p0 =	sne.s32 s22, $0x0;
	s22 =	sadd.s32 $0xFFFFFFC0, s22;
	v9 =	vperm.xlane v6, v2;
	[tilespmem:s19+$0x8200] =	vst v7;
	v7 =	vbroadcast v7, $0x0  }
.Ltmp2:
0x69: {  	s19 =	smov.u32 s20;
	s20 =	smov.u32 s21;
	v6 =	vld [tilespmem:s23+$0x8100];
	(pc) =	sbr.rel @p0 .LBB2_6-.Ltmp2, $3  }
0x6a: {  	s21 =	smov.u32 s23;
	(xrf0) =	vadd.scan.msk.s32 $0xffff, v9;
	v8, _, _ =	vpop (xrf0)  }
0x6b: {  	v8 =	vperm.xlane v8, v2;
	_ =	sdelay $0x1  }
0x6c: {  	v7 =	vadd.s32 v7, v8  }
0x6d: {  	v6 =	vperm.xlane v6, v2;
	_ =	sdelay $0x1  }
0x6e: {  	(xrf0) =	vadd.scan.msk.s32 $0xffff, v6;
	_ =	sdelay $0x1  }
0x6f: {  	v8 =	vbroadcast v7, $0x0  }
0x70: {  	v6, _, _ =	vpop (xrf0)  }
0x71: {  	v6 =	vperm.xlane v6, v2;
	_ =	sdelay $0x1  }
0x72: {  	v6 =	vadd.s32 v8, v6;
	v8, _, _ =	vpop (xrf0)  }
0x73: {  	v9 =	vbroadcast v6, $0x0;
	v8 =	vperm.xlane v8, v2  }
0x74: {  	[tilespmem:s19+$0x8200] =	vst v7  }
0x75: {  	[tilespmem:s20+$0x8200] =	vst v6;
	v6 =	vadd.s32 v9, v8  }
0x76: {  	[tilespmem:s21+$0x8200] =	vst v6  }
0x77: {  	v6 =	vld [tilespmem:$0x8200]  }
0x78: {  	v7 =	vld [tilespmem:$0x8210]  }
0x79: {  	v8 =	vld [tilespmem:$0x8220]  }
0x7a: {  	v9 =	vld [tilespmem:$0x8230]  }
0x7b: {  	v10 =	vld [tilespmem:$0x8240]  }
0x7c: {  	v11 =	vld [tilespmem:$0x8250]  }
0x7d: {  	vm0 =	vgt.s32 v6, $0x1FF;
	vm1 =	vgt.s32 v7, $0x1FF;
	v6 =	vld [tilespmem:$0x8260]  }
0x7e: {  	v7 =	vmpcnt.ones.xlane vm0;
	v12 =	vmpcnt.ones.xlane vm1;
	vm0 =	vgt.s32 v8, $0x1FF;
	v8 =	vld [tilespmem:$0x8270]  }
0x7f: {  	v13 =	vmpcnt.ones.xlane vm0;
	vm0 =	vgt.s32 v9, $0x1FF;
	v9 =	vld [tilespmem:$0x8280]  }
0x80: {  	v7 =	vadd.s32 v12, v7;
	v12 =	vmpcnt.ones.xlane vm0;
	vm0 =	vgt.s32 v10, $0x1FF;
	v10 =	vld [tilespmem:$0x8290]  }
0x81: {  	v7 =	vadd.s32 v13, v7;
	v13 =	vmpcnt.ones.xlane vm0;
	vm0 =	vgt.s32 v11, $0x1FF;
	v11 =	vld [tilespmem:$0x82A0]  }
0x82: {  	v7 =	vadd.s32 v12, v7;
	v12 =	vmpcnt.ones.xlane vm0;
	vm0 =	vgt.s32 v6, $0x1FF;
	v6 =	vld [tilespmem:$0x82B0]  }
0x83: {  	v7 =	vadd.s32 v7, v13;
	v13 =	vmpcnt.ones.xlane vm0;
	vm0 =	vgt.s32 v8, $0x1FF;
	v8 =	vld [tilespmem:$0x82C0]  }
0x84: {  	v7 =	vadd.s32 v12, v7;
	v12 =	vmpcnt.ones.xlane vm0;
	vm0 =	vgt.s32 v9, $0x1FF;
	v9 =	vld [tilespmem:$0x82D0]  }
0x85: {  	v7 =	vadd.s32 v13, v7;
	v13 =	vmpcnt.ones.xlane vm0;
	vm0 =	vgt.s32 v10, $0x1FF;
	v10 =	vld [tilespmem:$0x82E0]  }
0x86: {  	s29 =	simm.s32 $0x8440;
	v7 =	vadd.s32 v12, v7;
	v12 =	vmpcnt.ones.xlane vm0;
	vm0 =	vgt.s32 v11, $0x1FF;
	v11 =	vld [tilespmem:$0x82F0]  }
0x87: {  	v15 =	vld [tilespmem:s29+$0x10];
	v7 =	vadd.s32 v7, v13;
	v13 =	vmpcnt.ones.xlane vm0;
	vm0 =	vgt.s32 v6, $0x1FF  }
0x88: {  	v18 =	vld [tilespmem:s29+$0x20];
	v6 =	vadd.s32 v12, v7;
	v7 =	vmpcnt.ones.xlane vm0;
	vm0 =	vgt.s32 v8, $0x1FF  }
0x89: {  	v6 =	vadd.s32 v13, v6;
	v8 =	vmpcnt.ones.xlane vm0;
	vm0 =	vgt.s32 v9, $0x1FF;
	v9 =	vld [tilespmem:s29+$0xFFFFFFC0]  }
0x8a: {  	v6 =	vadd.s32 v7, v6;
	v7 =	vmpcnt.ones.xlane vm0;
	vm0 =	vgt.s32 v10, $0x1FF;
	v10 =	vld [tilespmem:s29+$0xFFFFFFE0]  }
0x8b: {  	v6 =	vadd.s32 v6, v8;
	v8 =	vmpcnt.ones.xlane vm0;
	vm0 =	vgt.s32 v11, $0x1FF;
	v11 =	vld [tilespmem:s29+$0xFFFFFFD0]  }
0x8c: {  	v12 =	vld [tilespmem:s29+$0x0];
	v6 =	vadd.s32 v7, v6;
	v7 =	vmpcnt.ones.xlane vm0  }
0x8d: {  	v6 =	vadd.s32 v8, v6  }
0x8e: {  	v7 =	vadd.s32 v7, v6  }
0x8f: {  	v13 =	vimm.s32 $0x0;
	v6 =	vadd.s32 $0xFFFFFFFF, v7  }
0x90: {  	vm4 =	veq.s32 v9, v6;
	vm1 =	veq.s32 v10, v6;
	vm5 =	veq.s32 v11, v6  }
0x91: {  	v8 =	vld [tilespmem:s29+$0x30];
	vm3 =	veq.s32 v12, v6;
	vm8 =	veq.s32 v15, v6;
	vm2 =	veq.s32 v18, v6  }
0x92: {  	v9 =	vld [tilespmem:s29+$0xFFFFFFF0];
	v14 =	vmpcnt.ones.xlane vm4;
	v10 =	vsel vm4, $0xFFFFFFFF, v1;
	v16 =	vsel vm4, $0x1, v1  }
0x93: {  	v17 =	vmpcnt.ones.xlane vm1;
	v11 =	vsel vm1, $0xFFFFFFFF, v1;
	v19 =	vsel vm8, $0x1, v1  }
0x94: {  	v20 =	vsel vm2, $0x1, v1;
	v21 =	vmpcnt.ones.xlane vm2;
	v23 =	vsel vm5, $0x1, v1  }
0x95: {  	v10 =	vadd.s32 v10, v13;
	(xrf0) =	vadd.scan.msk.s32 $0xffff, v16;
	v13 =	vadd.s32 v13, v14;
	v14 =	vsel vm1, $0x1, v1  }
0x96: {  	vm10 =	vmmov vm4;
	v16 =	vmpcnt.ones.xlane vm5;
	vm6 =	veq.s32 v8, v6;
	(xrf0) =	vadd.scan.msk.s32 $0xffff, v14  }
0x97: {  	vm9 =	vmmov vm8;
	vm0 =	veq.s32 v9, v6;
	v9 =	vsel vm6, $0x1, v1  }
0x98: {  	v8 =	vld.idx.msk [tilespmem:v7+s11+$0x0], $0xffff;
	v12 =	vadd.s32 v13, v16;
	(xrf0) =	vadd.scan.msk.s32 $0xffff, v9;
	v7 =	vmpcnt.ones.xlane vm0;
	v9 =	vsel vm3, $0x1, v1  }
0x99: {  	s31 =	simm.s32 $0x84C0;
	v14 =	vmpcnt.ones.xlane vm3;
	v16 =	vmpcnt.ones.xlane vm8;
	v15 =	vadd.s32 v12, v17;
	(xrf0) =	vadd.scan.msk.s32 $0xffff, v9  }
0x9a: {  	s30 =	simm.s32 $0x40;
	v27 =	vld [tilespmem:s31+$0x30];
	vm8 =	vmmov vm6;
	v11 =	vadd.s32 v11, v12;
	v7 =	vadd.s32 v15, v7;
	(xrf0) =	vadd.scan.msk.s32 $0xffff, v19  }
0x9b: {  	v24 =	vld [tilespmem:s30+$0x0];
	v12 =	vsel vm0, $0x1, v1;
	v9, _, _ =	vpop (xrf0);
	v14 =	vadd.s32 v7, v14;
	(xrf0) =	vadd.scan.msk.s32 $0xffff, v20;
	v20 =	vsel vm5, $0xFFFFFFFF, v1  }
0x9c: {  	v18 =	vld [tilespmem:s30+$0xFFFFFFE0];
	v19, _, _ =	vpop (xrf0);
	(xrf0) =	vadd.scan.msk.s32 $0xffff, v12;
	v12 =	vadd.s32 v20, v13;
	v20 =	vsel vm3, $0xFFFFFFFF, v1;
	v9 =	vadd.s32 v9, v10  }
0x9d: {  	v10 =	vld [tilespmem:s31+$0xFFFFFFC0];
	v11 =	vadd.s32 v19, v11;
	(xrf0) =	vadd.scan.msk.s32 $0xffff, v23;
	v7 =	vadd.s32 v20, v7;
	v20 =	vsel vm9, $0xFFFFFFFF, v1  }
0x9e: {  	v25 =	vld [tilespmem:s31+$0xFFFFFFE0];
	v16 =	vadd.s32 v14, v16;
	v23, _, _ =	vpop (xrf0);
	v14 =	vadd.s32 v20, v14;
	v20 =	vsel vm2, $0xFFFFFFFF, v1  }
0x9f: {  	v17 =	vmpcnt.ones.xlane vm6;
	vm6 =	veq.s32 v27, v6;
	v29 =	vsel vm0, $0xFFFFFFFF, v1;
	v13 =	vld [tilespmem:s30+$0xFFFFFFC0];
	v26, _, _ =	vpop (xrf0)  }
0xa0: {  	v15 =	vadd.s32 v29, v15;
	v19 =	vld [tilespmem:s30+$0xFFFFFFF0];
	v21 =	vadd.s32 v16, v21;
	v7 =	vadd.s32 v26, v7;
	v26, _, _ =	vpop (xrf0)  }
0xa1: {  	v17 =	vadd.s32 v21, v17;
	v16 =	vadd.s32 v20, v16;
	v14 =	vadd.s32 v26, v14;
	v20, _, _ =	vpop (xrf0);
	v26 =	vld [tilespmem:s31+$0x0]  }
0xa2: {  	vm7 =	vmmov vm5;
	vm4 =	veq.s32 v10, v6;
	[tilespmem:v11+s12+$0x0] =	vst.idx.msk vm1, v18;
	v11 =	vld [tilespmem:s31+$0xFFFFFFD0];
	v16 =	vadd.s32 v20, v16;
	v20, _, _ =	vpop (xrf0)  }
0xa3: {  	v18 =	vsel vm8, $0xFFFFFFFF, v1;
	vm1 =	veq.s32 v25, v6;
	v25 =	vld [tilespmem:s31+$0xFFFFFFF0];
	v15 =	vadd.s32 v20, v15;
	v10, _, _ =	vpop (xrf0)  }
0xa4: {  	v22 =	vld [tilespmem:s30+$0xFFFFFFD0];
	[tilespmem:v9+s12+$0x0] =	vst.idx.msk vm10, v13;
	v20 =	vmpcnt.ones.xlane vm4;
	v9 =	vadd.s32 v10, v12;
	v10 =	vsel vm4, $0xFFFFFFFF, v1  }
0xa5: {  	v63 =	vld [tilespmem:s31+$0x10];
	v13 =	vmpcnt.ones.xlane vm1;
	v12 =	vsel vm4, $0x1, v1;
	[tilespmem:v7+s12+$0x0] =	vst.idx.msk vm3, v24;
	v10 =	vadd.s32 v10, v17  }
0xa6: {  	v24 =	vadd.s32 v17, v20;
	v7 =	vsel vm1, $0x1, v1;
	(xrf0) =	vadd.scan.msk.s32 $0xffff, v12;
	v12 =	vld [tilespmem:s30+$0x20];
	v17 =	vsel vm1, $0xFFFFFFFF, v1  }
0xa7: {  	v28 =	vld [tilespmem:s31+$0x20];
	(xrf0) =	vadd.scan.msk.s32 $0xffff, v7;
	vm3 =	veq.s32 v26, v6;
	vm5 =	veq.s32 v11, v6;
	v11 =	vadd.s32 v18, v21  }
0xa8: {  	v7 =	vld [tilespmem:s30+$0x10];
	v18 =	vmpcnt.ones.xlane vm5;
	[tilespmem:v15+s12+$0x0] =	vst.idx.msk vm0, v19;
	v20 =	vadd.s32 v23, v11;
	vm0 =	veq.s32 v25, v6  }
0xa9: {  	v11 =	vsel vm6, $0x1, v1;
	v19 =	vmpcnt.ones.xlane vm3;
	v27 =	vsel vm5, $0x1, v1  }
0xaa: {  	v23 =	vld [tilespmem:s30+$0x30];
	[tilespmem:v9+s12+$0x0] =	vst.idx.msk vm7, v22;
	vm7 =	veq.s32 v63, v6;
	(xrf0) =	vadd.scan.msk.s32 $0xffff, v11;
	v9 =	vmpcnt.ones.xlane vm6  }
0xab: {  	v18 =	vadd.s32 v24, v18;
	v25 =	vmpcnt.ones.xlane vm7;
	[tilespmem:v16+s12+$0x0] =	vst.idx.msk vm2, v12;
	v12 =	vmpcnt.ones.xlane vm0  }
0xac: {  	s19 =	simm.s32 $0xC0;
	vm2 =	veq.s32 v28, v6;
	v11 =	vadd.s32 v18, v13;
	v13 =	vsel vm3, $0x1, v1  }
0xad: {  	v15 =	vld [tilespmem:s19+$0xFFFFFFE0];
	[tilespmem:v14+s12+$0x0] =	vst.idx.msk vm9, v7;
	v14 =	vsel vm7, $0x1, v1;
	v16 =	vsel vm2, $0x1, v1;
	(xrf0) =	vadd.scan.msk.s32 $0xffff, v13  }
0xae: {  	v26 =	vmpcnt.ones.xlane vm2;
	v21, _, _ =	vpop (xrf0);
	v7 =	vld [tilespmem:s19+$0xFFFFFFD0];
	v17 =	vadd.s32 v17, v18;
	v22 =	vadd.s32 v11, v12;
	(xrf0) =	vadd.scan.msk.s32 $0xffff, v14  }
0xaf: {  	v18 =	vsel vm0, $0x1, v1;
	v13 =	vld [tilespmem:s19+$0x0];
	v19 =	vadd.s32 v22, v19;
	[tilespmem:v20+s12+$0x0] =	vst.idx.msk vm8, v23;
	v12, _, _ =	vpop (xrf0);
	(xrf0) =	vadd.scan.msk.s32 $0xffff, v16  }
0xb0: {  	v16 =	vsel vm5, $0xFFFFFFFF, v1;
	v23 =	vadd.s32 v19, v25;
	v20 =	vadd.s32 v12, v17;
	v12 =	vld [tilespmem:s19+$0xFFFFFFF0];
	(xrf0) =	vadd.scan.msk.s32 $0xffff, v18  }
0xb1: {  	s20 =	simm.s32 $0x8;
	s21 =	simm.s32 $0x8540;
	v14, _, _ =	vpop (xrf0);
	v17 =	vld [tilespmem:s19+$0xFFFFFFC0];
	v18 =	vadd.s32 v16, v24;
	v24 =	vsel vm3, $0xFFFFFFFF, v1;
	v16 =	vadd.s32 v23, v26;
	(xrf0) =	vadd.scan.msk.s32 $0xffff, v27  }
.LBB2_8:
0xb2: {  	v10 =	vadd.s32 v21, v10;
	vm11 =	vmmov vm4  }
0xb3: {  	v25 =	vld [tilespmem:s21+$0xFFFFFFC0];
	s20 =	sadd.s32 $0x8, s20;
	vm10 =	vmmov vm5;
	vm8 =	vmmov vm6;
	vm9 =	vmmov vm7  }
0xb4: {  	v22 =	vadd.s32 v24, v22;
	v21 =	vld [tilespmem:s21+$0xFFFFFFE0];
	p0 =	slt.u32 s20, $0x1F8;
	v24 =	vsel vm9, $0xFFFFFFFF, v1;
	v26, _, _ =	vpop (xrf0)  }
0xb5: {  	v27 =	vld [tilespmem:s21+$0x30];
	v22 =	vadd.s32 v26, v22;
	v19 =	vadd.s32 v24, v19;
	v24 =	vsel vm2, $0xFFFFFFFF, v1;
	v26, _, _ =	vpop (xrf0)  }
0xb6: {  	v28 =	vld [tilespmem:s21+$0x20];
	[tilespmem:v20+s12+$0x0] =	vst.idx.msk vm1, v15;
	v15 =	vsel vm0, $0xFFFFFFFF, v1;
	v19 =	vadd.s32 v26, v19;
	v20 =	vadd.s32 v24, v23;
	v23, _, _ =	vpop (xrf0)  }
0xb7: {  	v24 =	vld [tilespmem:s21+$0xFFFFFFD0];
	v11 =	vadd.s32 v15, v11;
	v15 =	vadd.s32 v23, v20;
	v20 =	vsel vm8, $0xFFFFFFFF, v1;
	v23, _, _ =	vpop (xrf0)  }
0xb8: {  	v9 =	vadd.s32 v16, v9;
	vm4 =	veq.s32 v25, v6;
	v25 =	vld [tilespmem:s21+$0x0];
	v11 =	vadd.s32 v23, v11;
	v23, _, _ =	vpop (xrf0)  }
0xb9: {  	v26 =	vmpcnt.ones.xlane vm4;
	vm1 =	veq.s32 v21, v6;
	v21 =	vld [tilespmem:s21+$0xFFFFFFF0];
	[tilespmem:v10+s12+$0x0] =	vst.idx.msk vm11, v17;
	v17 =	vadd.s32 v23, v18  }
0xba: {  	v10 =	vsel vm4, $0xFFFFFFFF, v1;
	v18 =	vsel vm4, $0x1, v1;
	v23 =	vmpcnt.ones.xlane vm1;
	v29 =	vld [tilespmem:s21+$0x10];
	[tilespmem:v22+s12+$0x0] =	vst.idx.msk vm3, v13  }
0xbb: {  	v10 =	vadd.s32 v10, v9;
	v26 =	vadd.s32 v9, v26;
	v9 =	vsel vm1, $0x1, v1;
	(xrf0) =	vadd.scan.msk.s32 $0xffff, v18;
	v13 =	vld [tilespmem:s19+$0x20]  }
0xbc: {  	v18 =	vsel vm1, $0xFFFFFFFF, v1;
	vm5 =	veq.s32 v24, v6;
	(xrf0) =	vadd.scan.msk.s32 $0xffff, v9;
	v22 =	vld [tilespmem:s19+$0x10];
	v9 =	vadd.s32 v20, v16  }
0xbd: {  	vm6 =	veq.s32 v27, v6;
	v16 =	vmpcnt.ones.xlane vm5;
	[tilespmem:v11+s12+$0x0] =	vst.idx.msk vm0, v12;
	v12 =	vadd.s32 v14, v9  }
0xbe: {  	vm3 =	veq.s32 v25, v6;
	v9 =	vsel vm6, $0x1, v1;
	vm0 =	veq.s32 v21, v6;
	[tilespmem:v17+s12+$0x0] =	vst.idx.msk vm10, v7  }
0xbf: {  	v14 =	vadd.s32 v26, v16;
	v16 =	vmpcnt.ones.xlane vm3;
	vm7 =	veq.s32 v29, v6;
	(xrf0) =	vadd.scan.msk.s32 $0xffff, v9;
	v17 =	vld [tilespmem:s19+$0x30]  }
0xc0: {  	v9 =	vmpcnt.ones.xlane vm6;
	v11 =	vadd.s32 v14, v23;
	v23 =	vmpcnt.ones.xlane vm7;
	[tilespmem:v15+s12+$0x0] =	vst.idx.msk vm2, v13  }
0xc1: {  	v7 =	vsel vm3, $0x1, v1;
	s19 =	sadd.s32 $0x80, s19;
	v13 =	vmpcnt.ones.xlane vm0;
	vm2 =	veq.s32 v28, v6;
	v21, _, _ =	vpop (xrf0);
	[tilespmem:v19+s12+$0x0] =	vst.idx.msk vm9, v22  }
.Ltmp3:
0xc2: {  	v19 =	vsel vm7, $0x1, v1;
	v20 =	vsel vm2, $0x1, v1;
	v25 =	vmpcnt.ones.xlane vm2;
	v15 =	vld [tilespmem:s19+$0xFFFFFFE0];
	v24, _, _ =	vpop (xrf0);
	(xrf0) =	vadd.scan.msk.s32 $0xffff, v7;
	(pc) =	sbr.rel @p0 .LBB2_8-.Ltmp3, $4  }
0xc3: {  	v28 =	vadd.s32 v18, v14;
	v18 =	vsel vm0, $0x1, v1;
	v22 =	vadd.s32 v11, v13;
	v7 =	vld [tilespmem:s19+$0xFFFFFFD0];
	(xrf0) =	vadd.scan.msk.s32 $0xffff, v19  }
0xc4: {  	v27 =	vsel vm5, $0x1, v1;
	v19 =	vadd.s32 v22, v16;
	v13 =	vld [tilespmem:s19+$0x0];
	(xrf0) =	vadd.scan.msk.s32 $0xffff, v20;
	[tilespmem:v12+s12+$0x0] =	vst.idx.msk vm8, v17  }
0xc5: {  	v16 =	vsel vm5, $0xFFFFFFFF, v1;
	v20 =	vadd.s32 v24, v28;
	v23 =	vadd.s32 v19, v23;
	v12 =	vld [tilespmem:s19+$0xFFFFFFF0];
	(xrf0) =	vadd.scan.msk.s32 $0xffff, v18;
	v14, _, _ =	vpop (xrf0)  }
0xc6: {  	s21 =	sadd.s32 $0x80, s21;
	v24 =	vsel vm3, $0xFFFFFFFF, v1;
	v18 =	vadd.s32 v16, v26;
	v16 =	vadd.s32 v23, v25;
	v17 =	vld [tilespmem:s19+$0xFFFFFFC0];
	(xrf0) =	vadd.scan.msk.s32 $0xffff, v27  }
0xc7: {  	vm4 =	vmmov vm4;
	vm6 =	vmmov vm6  }
0xc8: {  	v10 =	vadd.s32 v21, v10;
	v22 =	vadd.s32 v24, v22;
	v25, _, _ =	vpop (xrf0);
	v59 =	vsel vm6, $0xFFFFFFFF, v1  }
0xc9: {  	v54 =	vsel vm2, $0xFFFFFFFF, v1;
	v53, _, _ =	vpop (xrf0);
	v22 =	vadd.s32 v25, v22;
	v61 =	vadd.s32 v59, v16  }
0xca: {  	v26 =	vsel vm0, $0xFFFFFFFF, v1;
	v63 =	vld [tilespmem:s19+$0x30];
	v23 =	vadd.s32 v54, v23;
	v27, _, _ =	vpop (xrf0);
	v62 =	vadd.s32 v14, v61  }
0xcb: {  	vm7 =	vmmov vm7;
	v60 =	vld [tilespmem:s19+$0x20];
	v11 =	vadd.s32 v26, v11;
	v55, _, _ =	vpop (xrf0);
	v58 =	vadd.s32 v27, v23  }
0xcc: {  	vm5 =	vmmov vm5;
	[tilespmem:v20+s12+$0x0] =	vst.idx.msk vm1, v15;
	v57 =	vsel vm7, $0xFFFFFFFF, v1;
	v11 =	vadd.s32 v55, v11;
	v56, _, _ =	vpop (xrf0)  }
0xcd: {  	v19 =	vadd.s32 v57, v19;
	v18 =	vadd.s32 v56, v18;
	[tilespmem:v10+s12+$0x0] =	vst.idx.msk vm4, v17  }
0xce: {  	v19 =	vadd.s32 v53, v19;
	v10 =	vld [tilespmem:s19+$0x10];
	[tilespmem:v22+s12+$0x0] =	vst.idx.msk vm3, v13  }
0xcf: {  	[tilespmem:v62+s12+$0x0] =	vst.idx.msk vm6, v63  }
0xd0: {  	[tilespmem:v58+s12+$0x0] =	vst.idx.msk vm2, v60  }
0xd1: {  	[tilespmem:v11+s12+$0x0] =	vst.idx.msk vm0, v12  }
0xd2: {  	[tilespmem:v18+s12+$0x0] =	vst.idx.msk vm5, v7  }
0xd3: {  	s19 =	simm.s32 $0x8120;
	[tilespmem:v19+s12+$0x0] =	vst.idx.msk vm7, v10  }
0xd4: {  	[tilespmem:s19+$0xFFFFFFE0] =	vst v1  }
0xd5: {  	[tilespmem:s19+$0x10] =	vst v1  }
0xd6: {  	s20 =	simm.s32 $0x0;
	v10 =	vadd.s32 v16, v9;
	[tilespmem:s19+$0x0] =	vst v1  }
.LBB2_10:
0xd7: {  	s20 =	sadd.s32 $0x4, s20  }
0xd8: {  	[tilespmem:s19+$0xFFFFFFF0] =	vst v1;
	s19 =	sadd.s32 $0x40, s19;
	p0 =	slt.u32 s20, $0xC  }
.Ltmp4:
0xd9: {  	[tilespmem:s19+$0xFFFFFFE0] =	vst v1;
	(pc) =	sbr.rel @p0 .LBB2_10-.Ltmp4, $3  }
0xda: {  	_ =	sdelay $0x1  }
0xdb: {  	[tilespmem:s19+$0x10] =	vst v1  }
0xdc: {  	[tilespmem:s19+$0x0] =	vst v1  }
0xdd: {  	v7 =	vxor.u32 $0x80000000, v10  }
0xde: {  	(xrf0) =	vmax.scan.msk.u32 $0xffff, v7;
	_ =	sdelay $0x5  }
0xdf: {  	v7, _, _ =	vpop (xrf0)  }
0xe0: {  	(v2sf) =	vpush v7, $0xF;
	_ =	sdelay $0xe  }
0xe1: {  	s30 =	spop (v2sf)  }
0xe2: {  	[tilespmem:s19+$0xFFFFFFF0] =	vst v1;
	s19 =	sadd.s32 $0x8000000F, s30  }
0xe3: {  	s20 =	sand.u32 $0xF, s19  }
0xe4: {  	s31 =	sshra.s32 s19, $0x1F;
	p1 =	slt.s32 s19, $0x1;
	p0 =	sne.s32 s20, $0x0  }
0xe5: {  	s20 =	sshrl.u32 s31, $0x1C;
	p0 =	por !p1, !p0  }
0xe6: {  	s19 =	sadd.s32 s20, s19;
	s20 =	simm.s32 $0x1;
	p0 =	por !p0, !p0  }
0xe7: {  	s19 =	sshra.s32 s19, $0x4;
	s20 =	simm.s32 @!p0 $0x0  }
0xe8: {  	s19 =	ssub.s32 s19, s20  }
0xe9: {  	p0 =	sgt.s32 s19, $0x0  }
.Ltmp5:
0xea: {  	_ = 	snop;
	(pc) =	sbr.rel @!p0 .LBB2_12-.Ltmp5, $3  }
0xeb: {  	_ =	sdelay $0x1  }
0xec: {  	vm0 =	vlt.s32 v6, $0x80  }
0xed: {  	v7 =	vsel vm0, $0xFF, v1  }
0xee: {  	s21 =	simm.s32 $0x4000  }
0xef: {  	p3 =	seq.s32 s19, $0x1;
	v9 =	vld [tilespmem:s21+$0x0]  }
.Ltmp6:
0xf0: {  	_ = 	snop;
	(pc) =	sbr.rel @p3 .LBB2_19-.Ltmp6, $3  }
0xf1: {  	_ =	sdelay $0x1  }
0xf2: {  	s20 =	simm.s32 $0x0;
	s22 =	simm.s32 $0x4010;
	p0 =	por $0x0, $0x0  }
0xf3: {  	p1 =	por $0x0, $0x0;
	p2 =	por $0x0, $0x0;
	s21 =	sadd.s32 $0xFFFFFFFF, s19;
	v13 =	vshrl.u32 v9, $0x10  }
0xf4: {  	v11 =	vld [tilespmem:s22+$0x0];
	p3 =	seq.s32 s21, $0x1  }
.Ltmp7:
0xf5: {  	_ = 	snop;
	(pc) =	sbr.rel @p3 .LBB2_21-.Ltmp7, $4  }
0xf6: {  	_ = 	snop  }
0xf7: {  	v9 =	vand.u32 $0xFF, v13;
	v12 =	vor.u32 s20, v0  }
0xf8: {  	s21 =	sadd.s32 $0xFFFFFFFF, s21;
	v9 =	vxor.u32 v7, v9;
	vm1 =	vlt.s32 v12, v10  }
0xf9: {  	s22 =	simm.s32 $0x4020;
	s20 =	simm.s32 $0x10;
	p0 =	por $0x1, $0x1;
	(xrf1) =	vunique.msk.u32 vm1, v9;
	v13 =	vshrl.u32 v11, $0x10  }
0xfa: {  	v11 =	vand.u32 $0xFF, v13;
	v13 =	vor.u32 s20, v0  }
0xfb: {  	v11 =	vxor.u32 v7, v11;
	vm3 =	vlt.s32 v13, v10  }
0xfc: {  	(xrf1) =	vunique.msk.u32 vm3, v11;
	_ =	sdelay $0x3  }
0xfd: {  	v12 =	vld [tilespmem:s22+$0x0];
	p3 =	seq.s32 s21, $0x1  }
.Ltmp8:
0xfe: {  	_ = 	snop;
	(pc) =	sbr.rel @p3 .LBB2_23-.Ltmp8, $3  }
0xff: {  	_ =	sdelay $0x1  }
0x100: {  	s21 =	sadd.s32 $0xFFFFFFFF, s21  }
0x101: {  	vm2 =	vmmov vm1;
	s22 =	simm.s32 $0x4030;
	s20 =	simm.s32 $0x20;
	p1 =	por $0x1, $0x1;
	v13 =	vshrl.u32 v12, $0x10  }
0x102: {  	v12 =	vand.u32 $0xFF, v13;
	v13 =	vor.u32 s20, v0  }
0x103: {  	v15 =	vxor.u32 v7, v12;
	vm1 =	vlt.s32 v13, v10  }
0x104: {  	(xrf1) =	vunique.msk.u32 vm1, v15;
	_ =	sdelay $0x2  }
0x105: {  	v14 =	vld [tilespmem:s22+$0x0];
	p3 =	seq.s32 s21, $0x1  }
.Ltmp9:
0x106: {  	_ = 	snop;
	(pc) =	sbr.rel @p3 .LBB2_25-.Ltmp9, $3  }
0x107: {  	_ =	sdelay $0x1  }
0x108: {  	s21 =	sadd.s32 $0xFFFFFFFF, s21;
	vm5 =	vmmov vm2;
	_, v12, vm6 =	vpop (xrf1)  }
0x109: {  	vm4 =	vmmov vm3;
	s22 =	simm.s32 $0x4040;
	s20 =	simm.s32 $0x30;
	p2 =	por $0x1, $0x1;
	v13 =	vshrl.u32 v14, $0x10;
	vm3 =	vmand vm5, vm6;
	v14 =	vmovc v9  }
.LBB2_26:
0x10a: {  	v16 =	vld [tilespmem:s22+$0x0];
	p3 =	seq.s32 s21, $0x1;
	s21 =	sadd.s32 $0xFFFFFFFF, s21;
	v13 =	vand.u32 $0xFF, v13;
	v17 =	vor.u32 s20, v0;
	v18 =	vmovc v12;
	vm5 =	vmmov vm4  }
.Ltmp10:
0x10b: {  	vm4 =	vmmov vm1;
	v19 =	vxor.u32 v7, v13;
	vm1 =	vlt.s32 v17, v10;
	(pc) =	sbr.rel @!p3 .LBB2_26-.Ltmp10, $3  }
0x10c: {  	(xrf1) =	vunique.msk.u32 vm1, v19;
	_ =	sdelay $0x1  }
0x10d: {  	_, v12, vm6 =	vpop (xrf1)  }
0x10e: {  	s22 =	sadd.s32 $0x10, s22;
	s20 =	sadd.s32 $0x10, s20;
	v13 =	vshrl.u32 v16, $0x10;
	[tilespmem:v14+s10+$0x0] =	vst.idx.add.s32.msk vm3, v18;
	vm3 =	vmand vm5, vm6;
	v14 =	vmovc v11;
	v11 =	vmovc v15;
	v15 =	vmov v19  }
0x10f: {  	v16 =	vmov v11;
	v11 =	vmov v15  }
.LBB2_28:
0x110: {  	v13 =	vand.u32 $0xFF, v13;
	v15 =	vor.u32 s20, v0  }
0x111: {  	v13 =	vxor.u32 v7, v13;
	vm5 =	vlt.s32 v15, v10  }
0x112: {  	(xrf1) =	vunique.msk.u32 vm5, v13;
	_ =	sdelay $0x9  }
0x113: {  	vm4 =	vmmov @p1 vm4;
	vm1 =	vmmov @p0 vm1;
	_, v15, vm6 =	vpop @p1 (xrf1)  }
0x114: {  	vm2 =	vmmov @p0 vm1;
	vm4 =	vmand @p1 vm4, vm6  }
0x115: {  	vm2 =	vmmov @p0 vm2;
	vm1 =	vmmov @p1 vm4;
	_, v17, vm4 =	vpop @p0 (xrf1)  }
0x116: {  	v16 =	vpsel p1, v16, v0;
	vm5 =	vmmov vm5;
	vm2 =	vmand @p0 vm2, vm4  }
0x117: {  	v9 =	vpsel p0, v11, v9;
	vm14 =	vmmov vm5;
	vm2 =	vmmov @p0 vm2;
	_, v11, vm15 =	vpop (xrf1)  }
0x118: {  	v9 =	vpsel p0, v9, v0;
	v15 =	vpsel p1, v15, v0;
	vm4 =	vmand vm14, vm15  }
0x119: {  	[tilespmem:v14+s10+$0x0] =	vst.idx.add.s32.msk @p2 vm3, v12;
	v12 =	vmov @p1 v15;
	_ =	sdelay $0x1  }
0x11a: {  	v14 =	vpsel p0, v17, v0  }
0x11b: {  	[tilespmem:v16+s10+$0x0] =	vst.idx.add.s32.msk @p1 vm1, v12;
	v12 =	vmov @p0 v14  }
0x11c: {  	[tilespmem:v9+s10+$0x0] =	vst.idx.add.s32.msk @p0 vm2, v12  }
0x11d: {  	[tilespmem:v13+s10+$0x0] =	vst.idx.add.s32.msk vm4, v11  }
.LBB2_12:
0x11e: {  	s20 =	simm.s32 $0xF0  }
0x11f: {  	v9 =	vld [tilespmem:s20+$0x8100];
	_ =	sdelay $0x4  }
0x120: {  	v9 =	vperm.xlane v9, v2  }
0x121: {  	s21 =	simm.s32 $0xE0  }
0x122: {  	(xrf0) =	vadd.scan.msk.s32 $0xffff, v9;
	v9 =	vld [tilespmem:s21+$0x8100];
	_ =	sdelay $0x4  }
0x123: {  	s22 =	simm.s32 $0xD0;
	v14 =	vperm.xlane v9, v2  }
0x124: {  	v9 =	vld [tilespmem:s22+$0x8100]  }
0x125: {  	v13, _, _ =	vpop (xrf0);
	(xrf0) =	vadd.scan.msk.s32 $0xffff, v14  }
0x126: {  	v13 =	vperm.xlane v13, v2  }
0x127: {  	v11 =	vimm.s32 $0x0  }
0x128: {  	v12 =	vsub.s32 $0x200, v8;
	v8 =	vsel vm0, $0xFFFF, v1;
	s23 =	simm.s32 $0x300;
	v11 =	vadd.s32 v11, v13  }
.LBB2_13:
0x129: {  	s24 =	sshra.s32 s23, $0x2;
	p0 =	sne.s32 s23, $0x0;
	s23 =	sadd.s32 $0xFFFFFFC0, s23;
	v14 =	vperm.xlane v9, v2;
	[tilespmem:s20+$0x8200] =	vst v11;
	v11 =	vbroadcast v11, $0x0  }
.Ltmp11:
0x12a: {  	s20 =	smov.u32 s21;
	s21 =	smov.u32 s22;
	v9 =	vld [tilespmem:s24+$0x8100];
	(pc) =	sbr.rel @p0 .LBB2_13-.Ltmp11, $3  }
0x12b: {  	s22 =	smov.u32 s24;
	(xrf0) =	vadd.scan.msk.s32 $0xffff, v14;
	v13, _, _ =	vpop (xrf0)  }
0x12c: {  	v13 =	vperm.xlane v13, v2;
	_ =	sdelay $0x1  }
0x12d: {  	v11 =	vadd.s32 v11, v13  }
0x12e: {  	v9 =	vperm.xlane v9, v2;
	_ =	sdelay $0x1  }
0x12f: {  	(xrf0) =	vadd.scan.msk.s32 $0xffff, v9;
	_ =	sdelay $0x1  }
0x130: {  	v13 =	vbroadcast v11, $0x0  }
0x131: {  	v9, _, _ =	vpop (xrf0)  }
0x132: {  	v9 =	vperm.xlane v9, v2;
	_ =	sdelay $0x1  }
0x133: {  	v9 =	vadd.s32 v13, v9;
	v13, _, _ =	vpop (xrf0)  }
0x134: {  	v14 =	vbroadcast v9, $0x0;
	v13 =	vperm.xlane v13, v2  }
0x135: {  	[tilespmem:s20+$0x8200] =	vst v11  }
0x136: {  	[tilespmem:s21+$0x8200] =	vst v9;
	v9 =	vadd.s32 v14, v13  }
0x137: {  	[tilespmem:s22+$0x8200] =	vst v9  }
0x138: {  	v9 =	vld [tilespmem:$0x8200]  }
0x139: {  	v11 =	vld [tilespmem:$0x8210]  }
0x13a: {  	v13 =	vld [tilespmem:$0x8220]  }
0x13b: {  	v14 =	vld [tilespmem:$0x8230]  }
0x13c: {  	v15 =	vld [tilespmem:$0x8240]  }
0x13d: {  	v16 =	vld [tilespmem:$0x8250]  }
0x13e: {  	vm1 =	vge.s32 v9, v12;
	vm2 =	vge.s32 v11, v12;
	v9 =	vld [tilespmem:$0x8260]  }
0x13f: {  	v11 =	vmpcnt.ones.xlane vm1;
	v17 =	vmpcnt.ones.xlane vm2;
	vm1 =	vge.s32 v13, v12;
	v13 =	vld [tilespmem:$0x8270]  }
0x140: {  	v18 =	vmpcnt.ones.xlane vm1;
	vm1 =	vge.s32 v14, v12;
	v14 =	vld [tilespmem:$0x8280]  }
0x141: {  	v11 =	vadd.s32 v17, v11;
	v54 =	vmpcnt.ones.xlane vm1;
	vm1 =	vge.s32 v15, v12;
	v15 =	vld [tilespmem:$0x8290]  }
0x142: {  	v56 =	vld [tilespmem:$0x82A0];
	v11 =	vadd.s32 v18, v11;
	v55 =	vmpcnt.ones.xlane vm1;
	vm1 =	vge.s32 v16, v12  }
0x143: {  	v11 =	vadd.s32 v54, v11;
	v57 =	vmpcnt.ones.xlane vm1;
	vm1 =	vge.s32 v9, v12;
	v9 =	vld [tilespmem:$0x82B0]  }
0x144: {  	v11 =	vadd.s32 v11, v55;
	v58 =	vmpcnt.ones.xlane vm1;
	vm1 =	vge.s32 v13, v12;
	v13 =	vld [tilespmem:$0x82C0]  }
0x145: {  	v11 =	vadd.s32 v57, v11;
	v59 =	vmpcnt.ones.xlane vm1;
	vm1 =	vge.s32 v14, v12;
	v14 =	vld [tilespmem:$0x82D0]  }
0x146: {  	v11 =	vadd.s32 v58, v11;
	v60 =	vmpcnt.ones.xlane vm1;
	vm1 =	vge.s32 v15, v12;
	v15 =	vld [tilespmem:$0x82E0]  }
0x147: {  	v62 =	vld [tilespmem:$0x82F0];
	v11 =	vadd.s32 v59, v11;
	v61 =	vmpcnt.ones.xlane vm1;
	vm1 =	vge.s32 v56, v12  }
0x148: {  	v11 =	vadd.s32 v11, v60;
	v63 =	vmpcnt.ones.xlane vm1;
	vm1 =	vge.s32 v9, v12  }
0x149: {  	v9 =	vadd.s32 v61, v11;
	v11 =	vmpcnt.ones.xlane vm1;
	vm1 =	vge.s32 v13, v12  }
0x14a: {  	v9 =	vadd.s32 v63, v9;
	v13 =	vmpcnt.ones.xlane vm1;
	vm1 =	vge.s32 v14, v12  }
0x14b: {  	v9 =	vadd.s32 v11, v9;
	v11 =	vmpcnt.ones.xlane vm1;
	vm1 =	vge.s32 v15, v12  }
0x14c: {  	v9 =	vadd.s32 v9, v13;
	v13 =	vmpcnt.ones.xlane vm1;
	vm1 =	vge.s32 v62, v12  }
0x14d: {  	v9 =	vadd.s32 v11, v9;
	v11 =	vmpcnt.ones.xlane vm1  }
0x14e: {  	v9 =	vadd.s32 v13, v9  }
0x14f: {  	p0 =	slt.s32 s19, $0x1;
	v11 =	vadd.s32 v11, v9  }
.Ltmp12:
0x150: {  	_ = 	snop;
	(pc) =	sbr.rel @p0 .LBB2_15-.Ltmp12, $2  }
0x151: {  	_ =	sdelay $0x2  }
0x152: {  	v9 =	vadd.s32 $0xFFFFFFFF, v11;
	v13 =	vld.idx.msk [tilespmem:v11+s11+$0x0], $0xffff  }
0x153: {  	p3 =	seq.s32 s19, $0x1  }
.Ltmp13:
0x154: {  	_ = 	snop;
	(pc) =	sbr.rel @p3 .LBB2_30-.Ltmp13, $3  }
0x155: {  	_ =	sdelay $0x1  }
0x156: {  	s21 =	simm.s32 $0x4000;
	s20 =	simm.s32 $0x0;
	s19 =	sadd.s32 $0xFFFFFFFF, s19  }
0x157: {  	v18 =	vimm.s32 $0x0;
	p0 =	por $0x0, $0x0;
	p1 =	por $0x0, $0x0;
	p2 =	por $0x0, $0x0;
	v11 =	vld [tilespmem:s21+$0x0]  }
0x158: {  	_ =	sdelay $0x3  }
0x159: {  	v14 =	vshrl.u32 v11, $0x10  }
0x15a: {  	p3 =	seq.s32 s19, $0x1;
	s22 =	simm.s32 $0x4010;
	v14 =	vand.u32 $0xFF, v14  }
.Ltmp14:
0x15b: {  	v15 =	vxor.u32 v7, v14;
	v14 =	vld [tilespmem:s22+$0x0];
	(pc) =	sbr.rel @p3 .LBB2_32-.Ltmp14, $3  }
0x15c: {  	_ =	sdelay $0x1  }
0x15d: {  	v16 =	vor.u32 s20, v0  }
0x15e: {  	s21 =	sadd.s32 $0xFFFFFFFF, s19;
	p0 =	por $0x1, $0x1;
	vm5 =	vlt.s32 v16, v10;
	vm4 =	veq.s32 v15, v9  }
0x15f: {  	p3 =	seq.s32 s21, $0x1;
	s23 =	simm.s32 $0x4020  }
.Ltmp15:
0x160: {  	v25 =	vld [tilespmem:s23+$0x0];
	(pc) =	sbr.rel @p3 .LBB2_34-.Ltmp15, $4  }
0x161: {  	vm2 =	vmand vm5, vm4;
	v16 =	vshrl.u32 v14, $0x10  }
0x162: {  	s19 =	simm.s32 $0x10;
	v15 =	vsel vm2, $0xFFFFFFFF, v1;
	v17 =	vmpcnt.ones.xlane vm2;
	v16 =	vand.u32 $0xFF, v16  }
0x163: {  	v19 =	vsel vm2, $0x1, v1;
	v20 =	vor.u32 s19, v0;
	v16 =	vxor.u32 v7, v16  }
0x164: {  	s22 =	sadd.s32 $0xFFFFFFFF, s21;
	p1 =	por $0x1, $0x1;
	(xrf0) =	vadd.scan.msk.s32 $0xffff, v19;
	vm5 =	vlt.s32 v20, v10;
	v21 =	vadd.s32 v18, v17;
	vm4 =	veq.s32 v16, v9  }
0x165: {  	_ =	sdelay $0x3  }
0x166: {  	vm3 =	vmand vm5, vm4;
	vm1 =	vmmov vm2  }
0x167: {  	v17 =	vshrl.u32 v25, $0x10;
	v18 =	vadd.s32 v15, v18;
	p3 =	seq.s32 s22, $0x1;
	v16 =	vsel vm3, $0x1, v1;
	v20, _, _ =	vpop (xrf0)  }
.Ltmp16:
0x168: {  	s19 =	simm.s32 $0x20;
	v23 =	vand.u32 $0xFF, v17;
	(xrf0) =	vadd.scan.msk.s32 $0xffff, v16;
	v17 =	vadd.s32 v20, v18;
	(pc) =	sbr.rel @p3 .LBB2_36-.Ltmp16, $4  }
0x169: {  	v24 =	vor.u32 s19, v0  }
0x16a: {  	s21 =	simm.s32 $0x4030;
	v22 =	vmpcnt.ones.xlane vm3  }
0x16b: {  	v23 =	vxor.u32 v7, v23;
	vm5 =	vlt.s32 v24, v10;
	v18 =	vld [tilespmem:s21+$0x0]  }
0x16c: {  	s22 =	sadd.s32 $0xFFFFFFFF, s22;
	p2 =	por $0x1, $0x1;
	v19 =	vsel vm3, $0xFFFFFFFF, v1;
	vm4 =	veq.s32 v23, v9;
	v24 =	vmovc v21;
	v16 =	vmovc v11;
	v20 =	vadd.s32 v21, v22  }
.LBB2_37:
0x16d: {  	p3 =	seq.s32 s22, $0x1;
	s22 =	sadd.s32 $0xFFFFFFFF, s22;
	[tilespmem:v17+s13+$0x0] =	vst.idx.msk vm1, v16;
	v16 =	vmovc v14;
	v14 =	vmov v25;
	vm1 =	vmmov vm3;
	vm3 =	vmand vm5, vm4  }
0x16e: {  	v22 =	vadd.s32 v19, v24;
	v17 =	vsel vm3, $0x1, v1;
	v19 =	vsel vm3, $0xFFFFFFFF, v1;
	v23, _, _ =	vpop (xrf0)  }
.Ltmp17:
0x16f: {  	v24 =	vmovc v20;
	v26 =	vmpcnt.ones.xlane vm3;
	(xrf0) =	vadd.scan.msk.s32 $0xffff, v17;
	v17 =	vadd.s32 v23, v22;
	(pc) =	sbr.rel @!p3 .LBB2_37-.Ltmp17, $4  }
0x170: {  	v22 =	vshrl.u32 v18, $0x10;
	v25 =	vmov v18  }
0x171: {  	s21 =	sadd.s32 $0x10, s21;
	s19 =	sadd.s32 $0x10, s19;
	v20 =	vadd.s32 v20, v26;
	v22 =	vand.u32 $0xFF, v22  }
0x172: {  	v23 =	vor.u32 s19, v0;
	v18 =	vld [tilespmem:s21+$0x0];
	v22 =	vxor.u32 v7, v22  }
0x173: {  	vm5 =	vlt.s32 v23, v10;
	vm4 =	veq.s32 v22, v9  }
0x174: {  	_ =	sdelay $0x2  }
0x175: {  	v23 =	vmovc v14;
	v22 =	vmovc v25;
	v25 =	vimm.s32 $0x0;
	v14 =	vmov v18;
	v18 =	vmov v21  }
.LBB2_39:
0x176: {  	v21 =	vshrl.u32 v14, $0x10;
	s19 =	sadd.s32 @p0 $0x10, s19  }
0x177: {  	v21 =	vand.u32 $0xFF, v21;
	s20 =	smov.u32 @p0 s19  }
0x178: {  	vm5 =	vmand @p0 vm5, vm4;
	v21 =	vxor.u32 v7, v21;
	v26 =	vor.u32 s20, v0  }
0x179: {  	vm14 =	vlt.s32 v26, v10;
	v10 =	vsel @p0 vm5, $0x1, v1;
	vm6 =	veq.s32 v21, v9  }
0x17a: {  	vm4 =	vmand vm14, vm6;
	(xrf0) =	vadd.scan.msk.s32 @p0 $0xffff, v10  }
0x17b: {  	v10 =	vsel vm4, $0x1, v1  }
0x17c: {  	v19 =	vadd.s32 @p1 v19, v24;
	vm3 =	vmmov @p1 vm3;
	vm2 =	vmmov @p0 vm5;
	v21, _, _ =	vpop @p1 (xrf0);
	(xrf0) =	vadd.scan.msk.s32 $0xffff, v10  }
0x17d: {  	v10 =	vmpcnt.ones.xlane @p0 vm5;
	v19 =	vadd.s32 @p1 v21, v19;
	v21 =	vsel @p0 vm5, $0xFFFFFFFF, v1  }
0x17e: {  	vm3 =	vmmov @p1 vm3;
	vm2 =	vmmov @p0 vm2  }
0x17f: {  	v15 =	vpsel p0, v21, v15;
	v10 =	vadd.s32 @p0 v20, v10;
	v20 =	vpsel p0, v20, v25  }
0x180: {  	vm2 =	vmmov @p0 vm2;
	v61 =	vsel vm4, $0xFFFFFFFF, v1;
	v15 =	vadd.s32 @p0 v15, v20;
	v21, _, _ =	vpop @p0 (xrf0)  }
0x181: {  	v19 =	vpsel p1, v19, v0;
	v10 =	vpsel p0, v10, v18;
	v15 =	vadd.s32 @p0 v21, v15  }
0x182: {  	v18 =	vadd.s32 v61, v10;
	v15 =	vpsel p0, v15, v0;
	v62, _, _ =	vpop (xrf0)  }
0x183: {  	v18 =	vadd.s32 v62, v18  }
.Ltmp18:
0x184: {  	v21 =	vmov @p0 v22;
	v20 =	vmov @p1 v23;
	(pc) =	sbr.rel .LBB2_16-.Ltmp18, $4  }
0x185: {  	[tilespmem:v17+s13+$0x0] =	vst.idx.msk @p2 vm1, v16;
	v11 =	vpsel p0, v21, v11;
	v16 =	vpsel p1, v20, v0  }
0x186: {  	v63 =	vmpcnt.ones.xlane vm4;
	[tilespmem:v19+s13+$0x0] =	vst.idx.msk @p1 vm3, v16;
	v11 =	vpsel p0, v11, v0  }
0x187: {  	[tilespmem:v15+s13+$0x0] =	vst.idx.msk @p0 vm2, v11  }
0x188: {  	vm15 =	vmmov vm4;
	v11 =	vadd.s32 v10, v63;
	[tilespmem:v18+s13+$0x0] =	vst.idx.msk vm4, v14  }
.LBB2_15:
0x189: {  	v11 =	vimm.s32 $0x0  }
.LBB2_16:
0x18a: {  	v10 =	vxor.u32 $0x80000000, v11  }
0x18b: {  	(xrf0) =	vmax.scan.msk.u32 $0xffff, v10;
	_ =	sdelay $0x5  }
0x18c: {  	v10, _, _ =	vpop (xrf0)  }
0x18d: {  	(v2sf) =	vpush v10, $0xF;
	_ =	sdelay $0xe  }
0x18e: {  	s19 =	spop (v2sf)  }
0x18f: {  	p0 =	slt.u32 s19, $0x80000011  }
.Ltmp19:
0x190: {  	_ = 	snop;
	(pc) =	sbr.rel @!p0 .LBB2_40-.Ltmp19, $2  }
0x191: {  	_ =	sdelay $0x2  }
0x192: {  	v10 =	vsub.s32 v12, v13  }
0x193: {  	v12 =	vld [tilespmem:$0x6080];
	_ =	sdelay $0x4  }
0x194: {  	v12 =	vand.u32 $0xFFFF, v12  }
0x195: {  	vm1 =	vgt.s32 v11, v0;
	v12 =	vxor.u32 v8, v12  }
0x196: {  	v11 =	vnsel vm1, $0xFFFFFFFF, v12  }
0x197: {  	v12 =	vxor.u32 $0x80000000, v11  }
0x198: {  	(xrf1) =	vsort.dscd.msk.u32 $0xffff, v12, v11;
	_ =	sdelay $0xb  }
0x199: {  	v10 =	vadd.s32 $0xFFFFFFFF, v10  }
.Ltmp20:
0x19a: {  	_ = 	snop;
	(pc) =	sbr.rel .LBB2_76-.Ltmp20, $4  }
0x19b: {  	v11, _, _ =	vpop (xrf1)  }
0x19c: {  	v11 =	vxor.u32 $0x80000000, v11  }
0x19d: {  	[tilespmem:$0x8380] =	vst v11  }
0x19e: {  	v10 =	vld.idx.msk [tilespmem:v10+s14+$0x0], $0xffff  }
.LBB2_40:
0x19f: {  	s19 =	sadd.s32 $0x8000000F, s19  }
0x1a0: {  	s20 =	sand.u32 $0xF, s19  }
0x1a1: {  	s21 =	sshra.s32 s19, $0x1F;
	p0 =	slt.s32 s19, $0x0;
	p1 =	sne.s32 s20, $0x0  }
0x1a2: {  	s31 =	sshrl.u32 s21, $0x1C;
	p0 =	por !p0, !p1  }
0x1a3: {  	s20 =	simm.s32 $0x1;
	s19 =	sadd.s32 s31, s19;
	p0 =	por !p0, !p0  }
0x1a4: {  	s19 =	sshra.s32 s19, $0x4;
	s20 =	simm.s32 @!p0 $0x0  }
0x1a5: {  	s19 =	ssub.s32 s19, s20  }
0x1a6: {  	p0 =	slt.s32 s19, $0x1  }
.Ltmp21:
0x1a7: {  	_ = 	snop;
	(pc) =	sbr.rel @p0 .LBB2_74-.Ltmp21, $1  }
0x1a8: {  	_ =	sdelay $0x3  }
0x1a9: {  	s21 =	simm.s32 $0x6080  }
0x1aa: {  	p0 =	sne.s32 s19, $0x1;
	v13 =	vld [tilespmem:s21+$0x0]  }
.Ltmp22:
0x1ab: {  	_ = 	snop;
	(pc) =	sbr.rel @!p0 .LBB2_43-.Ltmp22, $3  }
0x1ac: {  	_ =	sdelay $0x1  }
0x1ad: {  	s20 =	simm.s32 $0x0  }
0x1ae: {  	v12 =	vimm.s32 $0x0;
	s22 =	sadd.s32 $0xFFFFFFFF, s19;
	s24 =	simm.s32 $0x6090;
	s23 =	simm.s32 $0x0;
	v14 =	vand.u32 $0x8000, v13;
	v13 =	vimm.s32 $0x0  }
.LBB2_42:
0x1af: {  	v15 =	vld [tilespmem:s24+$0x0];
	p1 =	sne.s32 s22, $0x1;
	s22 =	sadd.s32 $0xFFFFFFFF, s22;
	v14 =	vxor.u32 v8, v14;
	v16 =	vor.u32 s23, v0  }
.Ltmp23:
0x1b0: {  	vm1 =	vgt.u32 v14, $0x7FFF;
	vm2 =	vlt.s32 v16, v11;
	(pc) =	sbr.rel @p1 .LBB2_42-.Ltmp23, $3  }
0x1b1: {  	vm1 =	vmand vm2, vm1  }
0x1b2: {  	v16 =	vmpcnt.ones.xlane vm1;
	_ =	sdelay $0x1  }
0x1b3: {  	s24 =	sadd.s32 $0x10, s24;
	s23 =	sadd.s32 $0x10, s23;
	v14 =	vand.u32 $0x8000, v15;
	v13 =	vadd.s32 v13, v16  }
.LBB2_43:
0x1b4: {  	v14 =	vxor.u32 v8, v14;
	v15 =	vor.u32 s23, v0  }
0x1b5: {  	vm1 =	vgt.u32 v14, $0x7FFF;
	vm2 =	vlt.s32 v15, v11  }
0x1b6: {  	vm1 =	vmand vm2, vm1  }
0x1b7: {  	v15 =	vld [tilespmem:s21+$0x0];
	v14 =	vmpcnt.ones.xlane vm1  }
.Ltmp24:
0x1b8: {  	_ = 	snop;
	(pc) =	sbr.rel @!p0 .LBB2_45-.Ltmp24, $4  }
0x1b9: {  	v13 =	vadd.s32 v13, v14  }
0x1ba: {  	vm1 =	vlt.s32 v13, v10  }
0x1bb: {  	v13 =	vsel vm1, $0x0, v4  }
0x1bc: {  	s22 =	simm.s32 $0x6090;
	s21 =	sadd.s32 $0xFFFFFFFF, s19;
	v15 =	vand.u32 $0xFFFF, v15;
	v14 =	vor.u32 $0x4000, v13  }
.LBB2_44:
0x1bd: {  	v16 =	vld [tilespmem:s22+$0x0];
	p1 =	sne.s32 s21, $0x1;
	s21 =	sadd.s32 $0xFFFFFFFF, s21;
	v15 =	vxor.u32 v8, v15;
	v17 =	vor.u32 s20, v0  }
.Ltmp25:
0x1be: {  	vm1 =	vge.u32 v15, v14;
	vm2 =	vlt.s32 v17, v11;
	(pc) =	sbr.rel @p1 .LBB2_44-.Ltmp25, $3  }
0x1bf: {  	vm1 =	vmand vm2, vm1  }
0x1c0: {  	v17 =	vmpcnt.ones.xlane vm1;
	_ =	sdelay $0x1  }
0x1c1: {  	s22 =	sadd.s32 $0x10, s22;
	s20 =	sadd.s32 $0x10, s20;
	v15 =	vand.u32 $0xFFFF, v16;
	v12 =	vadd.s32 v12, v17  }
.LBB2_45:
0x1c2: {  	v15 =	vxor.u32 v8, v15;
	v16 =	vor.u32 s20, v0  }
0x1c3: {  	vm1 =	vge.u32 v15, v14;
	vm2 =	vlt.s32 v16, v11  }
0x1c4: {  	s21 =	simm.s32 $0x6080;
	vm1 =	vmand vm2, vm1  }
0x1c5: {  	v16 =	vld [tilespmem:s21+$0x0];
	v15 =	vmpcnt.ones.xlane vm1  }
.Ltmp26:
0x1c6: {  	_ = 	snop;
	(pc) =	sbr.rel @!p0 .LBB2_47-.Ltmp26, $4  }
0x1c7: {  	v12 =	vadd.s32 v12, v15  }
0x1c8: {  	vm1 =	vlt.s32 v12, v10  }
0x1c9: {  	s20 =	simm.s32 $0x0;
	v15 =	vimm.s32 $0x0;
	v13 =	vsel vm1, v13, v14  }
0x1ca: {  	s22 =	sadd.s32 $0xFFFFFFFF, s19;
	s24 =	simm.s32 $0x6090;
	s23 =	simm.s32 $0x0;
	v12 =	vimm.s32 $0x0;
	v16 =	vand.u32 $0xFFFF, v16;
	v14 =	vor.u32 $0x2000, v13  }
.LBB2_46:
0x1cb: {  	v17 =	vld [tilespmem:s24+$0x0];
	p1 =	sne.s32 s22, $0x1;
	s22 =	sadd.s32 $0xFFFFFFFF, s22;
	v16 =	vxor.u32 v8, v16;
	v18 =	vor.u32 s23, v0  }
.Ltmp27:
0x1cc: {  	vm1 =	vge.u32 v16, v14;
	vm2 =	vlt.s32 v18, v11;
	(pc) =	sbr.rel @p1 .LBB2_46-.Ltmp27, $3  }
0x1cd: {  	vm1 =	vmand vm2, vm1  }
0x1ce: {  	v18 =	vmpcnt.ones.xlane vm1;
	_ =	sdelay $0x1  }
0x1cf: {  	s24 =	sadd.s32 $0x10, s24;
	s23 =	sadd.s32 $0x10, s23;
	v16 =	vand.u32 $0xFFFF, v17;
	v15 =	vadd.s32 v15, v18  }
.LBB2_47:
0x1d0: {  	v16 =	vxor.u32 v8, v16;
	v17 =	vor.u32 s23, v0  }
0x1d1: {  	vm1 =	vge.u32 v16, v14;
	vm2 =	vlt.s32 v17, v11  }
0x1d2: {  	vm1 =	vmand vm2, vm1  }
0x1d3: {  	v17 =	vld [tilespmem:s21+$0x0];
	v16 =	vmpcnt.ones.xlane vm1  }
.Ltmp28:
0x1d4: {  	_ = 	snop;
	(pc) =	sbr.rel @!p0 .LBB2_49-.Ltmp28, $4  }
0x1d5: {  	v15 =	vadd.s32 v15, v16  }
0x1d6: {  	vm1 =	vlt.s32 v15, v10  }
0x1d7: {  	v13 =	vsel vm1, v13, v14  }
0x1d8: {  	s22 =	simm.s32 $0x6090;
	s21 =	sadd.s32 $0xFFFFFFFF, s19;
	v15 =	vand.u32 $0xFFFF, v17;
	v14 =	vor.u32 $0x1000, v13  }
.LBB2_48:
0x1d9: {  	v16 =	vld [tilespmem:s22+$0x0];
	p1 =	sne.s32 s21, $0x1;
	s21 =	sadd.s32 $0xFFFFFFFF, s21;
	v15 =	vxor.u32 v8, v15;
	v17 =	vor.u32 s20, v0  }
.Ltmp29:
0x1da: {  	vm1 =	vge.u32 v15, v14;
	vm2 =	vlt.s32 v17, v11;
	(pc) =	sbr.rel @p1 .LBB2_48-.Ltmp29, $3  }
0x1db: {  	vm1 =	vmand vm2, vm1  }
0x1dc: {  	v17 =	vmpcnt.ones.xlane vm1;
	_ =	sdelay $0x1  }
0x1dd: {  	s22 =	sadd.s32 $0x10, s22;
	s20 =	sadd.s32 $0x10, s20;
	v15 =	vand.u32 $0xFFFF, v16;
	v12 =	vadd.s32 v12, v17  }
.LBB2_49:
0x1de: {  	v15 =	vxor.u32 v8, v15;
	v16 =	vor.u32 s20, v0  }
0x1df: {  	vm1 =	vge.u32 v15, v14;
	vm2 =	vlt.s32 v16, v11  }
0x1e0: {  	s21 =	simm.s32 $0x6080;
	vm1 =	vmand vm2, vm1  }
0x1e1: {  	v16 =	vld [tilespmem:s21+$0x0];
	v15 =	vmpcnt.ones.xlane vm1  }
.Ltmp30:
0x1e2: {  	_ = 	snop;
	(pc) =	sbr.rel @!p0 .LBB2_51-.Ltmp30, $4  }
0x1e3: {  	v12 =	vadd.s32 v12, v15  }
0x1e4: {  	vm1 =	vlt.s32 v12, v10  }
0x1e5: {  	s20 =	simm.s32 $0x0;
	v15 =	vimm.s32 $0x0;
	v13 =	vsel vm1, v13, v14  }
0x1e6: {  	s22 =	sadd.s32 $0xFFFFFFFF, s19;
	s24 =	simm.s32 $0x6090;
	s23 =	simm.s32 $0x0;
	v12 =	vimm.s32 $0x0;
	v16 =	vand.u32 $0xFFFF, v16;
	v14 =	vor.u32 $0x800, v13  }
.LBB2_50:
0x1e7: {  	v17 =	vld [tilespmem:s24+$0x0];
	p1 =	sne.s32 s22, $0x1;
	s22 =	sadd.s32 $0xFFFFFFFF, s22;
	v16 =	vxor.u32 v8, v16;
	v18 =	vor.u32 s23, v0  }
.Ltmp31:
0x1e8: {  	vm1 =	vge.u32 v16, v14;
	vm2 =	vlt.s32 v18, v11;
	(pc) =	sbr.rel @p1 .LBB2_50-.Ltmp31, $3  }
0x1e9: {  	vm1 =	vmand vm2, vm1  }
0x1ea: {  	v18 =	vmpcnt.ones.xlane vm1;
	_ =	sdelay $0x1  }
0x1eb: {  	s24 =	sadd.s32 $0x10, s24;
	s23 =	sadd.s32 $0x10, s23;
	v16 =	vand.u32 $0xFFFF, v17;
	v15 =	vadd.s32 v15, v18  }
.LBB2_51:
0x1ec: {  	v16 =	vxor.u32 v8, v16;
	v17 =	vor.u32 s23, v0  }
0x1ed: {  	vm1 =	vge.u32 v16, v14;
	vm2 =	vlt.s32 v17, v11  }
0x1ee: {  	vm1 =	vmand vm2, vm1  }
0x1ef: {  	v17 =	vld [tilespmem:s21+$0x0];
	v16 =	vmpcnt.ones.xlane vm1  }
.Ltmp32:
0x1f0: {  	_ = 	snop;
	(pc) =	sbr.rel @!p0 .LBB2_53-.Ltmp32, $4  }
0x1f1: {  	v15 =	vadd.s32 v15, v16  }
0x1f2: {  	vm1 =	vlt.s32 v15, v10  }
0x1f3: {  	v13 =	vsel vm1, v13, v14  }
0x1f4: {  	s22 =	simm.s32 $0x6090;
	s21 =	sadd.s32 $0xFFFFFFFF, s19;
	v15 =	vand.u32 $0xFFFF, v17;
	v14 =	vor.u32 $0x400, v13  }
.LBB2_52:
0x1f5: {  	v16 =	vld [tilespmem:s22+$0x0];
	p1 =	sne.s32 s21, $0x1;
	s21 =	sadd.s32 $0xFFFFFFFF, s21;
	v15 =	vxor.u32 v8, v15;
	v17 =	vor.u32 s20, v0  }
.Ltmp33:
0x1f6: {  	vm1 =	vge.u32 v15, v14;
	vm2 =	vlt.s32 v17, v11;
	(pc) =	sbr.rel @p1 .LBB2_52-.Ltmp33, $3  }
0x1f7: {  	vm1 =	vmand vm2, vm1  }
0x1f8: {  	v17 =	vmpcnt.ones.xlane vm1;
	_ =	sdelay $0x1  }
0x1f9: {  	s22 =	sadd.s32 $0x10, s22;
	s20 =	sadd.s32 $0x10, s20;
	v15 =	vand.u32 $0xFFFF, v16;
	v12 =	vadd.s32 v12, v17  }
.LBB2_53:
0x1fa: {  	v15 =	vxor.u32 v8, v15;
	v16 =	vor.u32 s20, v0  }
0x1fb: {  	vm1 =	vge.u32 v15, v14;
	vm2 =	vlt.s32 v16, v11  }
0x1fc: {  	s21 =	simm.s32 $0x6080;
	vm1 =	vmand vm2, vm1  }
0x1fd: {  	v16 =	vld [tilespmem:s21+$0x0];
	v15 =	vmpcnt.ones.xlane vm1  }
.Ltmp34:
0x1fe: {  	_ = 	snop;
	(pc) =	sbr.rel @!p0 .LBB2_55-.Ltmp34, $4  }
0x1ff: {  	v12 =	vadd.s32 v12, v15  }
0x200: {  	vm1 =	vlt.s32 v12, v10  }
0x201: {  	s20 =	simm.s32 $0x0;
	v15 =	vimm.s32 $0x0;
	v13 =	vsel vm1, v13, v14  }
0x202: {  	s22 =	sadd.s32 $0xFFFFFFFF, s19;
	s24 =	simm.s32 $0x6090;
	s23 =	simm.s32 $0x0;
	v12 =	vimm.s32 $0x0;
	v16 =	vand.u32 $0xFFFF, v16;
	v14 =	vor.u32 $0x200, v13  }
.LBB2_54:
0x203: {  	v17 =	vld [tilespmem:s24+$0x0];
	p1 =	sne.s32 s22, $0x1;
	s22 =	sadd.s32 $0xFFFFFFFF, s22;
	v16 =	vxor.u32 v8, v16;
	v18 =	vor.u32 s23, v0  }
.Ltmp35:
0x204: {  	vm1 =	vge.u32 v16, v14;
	vm2 =	vlt.s32 v18, v11;
	(pc) =	sbr.rel @p1 .LBB2_54-.Ltmp35, $3  }
0x205: {  	vm1 =	vmand vm2, vm1  }
0x206: {  	v18 =	vmpcnt.ones.xlane vm1;
	_ =	sdelay $0x1  }
0x207: {  	s24 =	sadd.s32 $0x10, s24;
	s23 =	sadd.s32 $0x10, s23;
	v16 =	vand.u32 $0xFFFF, v17;
	v15 =	vadd.s32 v15, v18  }
.LBB2_55:
0x208: {  	v16 =	vxor.u32 v8, v16;
	v17 =	vor.u32 s23, v0  }
0x209: {  	vm1 =	vge.u32 v16, v14;
	vm2 =	vlt.s32 v17, v11  }
0x20a: {  	vm1 =	vmand vm2, vm1  }
0x20b: {  	v17 =	vld [tilespmem:s21+$0x0];
	v16 =	vmpcnt.ones.xlane vm1  }
.Ltmp36:
0x20c: {  	_ = 	snop;
	(pc) =	sbr.rel @!p0 .LBB2_57-.Ltmp36, $4  }
0x20d: {  	v15 =	vadd.s32 v15, v16  }
0x20e: {  	vm1 =	vlt.s32 v15, v10  }
0x20f: {  	v13 =	vsel vm1, v13, v14  }
0x210: {  	s22 =	simm.s32 $0x6090;
	s21 =	sadd.s32 $0xFFFFFFFF, s19;
	v15 =	vand.u32 $0xFFFF, v17;
	v14 =	vor.u32 $0x100, v13  }
.LBB2_56:
0x211: {  	v16 =	vld [tilespmem:s22+$0x0];
	p1 =	sne.s32 s21, $0x1;
	s21 =	sadd.s32 $0xFFFFFFFF, s21;
	v15 =	vxor.u32 v8, v15;
	v17 =	vor.u32 s20, v0  }
.Ltmp37:
0x212: {  	vm1 =	vge.u32 v15, v14;
	vm2 =	vlt.s32 v17, v11;
	(pc) =	sbr.rel @p1 .LBB2_56-.Ltmp37, $3  }
0x213: {  	vm1 =	vmand vm2, vm1  }
0x214: {  	v17 =	vmpcnt.ones.xlane vm1;
	_ =	sdelay $0x1  }
0x215: {  	s22 =	sadd.s32 $0x10, s22;
	s20 =	sadd.s32 $0x10, s20;
	v15 =	vand.u32 $0xFFFF, v16;
	v12 =	vadd.s32 v12, v17  }
.LBB2_57:
0x216: {  	v15 =	vxor.u32 v8, v15;
	v16 =	vor.u32 s20, v0  }
0x217: {  	vm1 =	vge.u32 v15, v14;
	vm2 =	vlt.s32 v16, v11  }
0x218: {  	s21 =	simm.s32 $0x6080;
	vm1 =	vmand vm2, vm1  }
0x219: {  	v16 =	vld [tilespmem:s21+$0x0];
	v15 =	vmpcnt.ones.xlane vm1  }
.Ltmp38:
0x21a: {  	_ = 	snop;
	(pc) =	sbr.rel @!p0 .LBB2_59-.Ltmp38, $4  }
0x21b: {  	v12 =	vadd.s32 v12, v15  }
0x21c: {  	vm1 =	vlt.s32 v12, v10  }
0x21d: {  	s20 =	simm.s32 $0x0;
	v15 =	vimm.s32 $0x0;
	v13 =	vsel vm1, v13, v14  }
0x21e: {  	s22 =	sadd.s32 $0xFFFFFFFF, s19;
	s24 =	simm.s32 $0x6090;
	s23 =	simm.s32 $0x0;
	v12 =	vimm.s32 $0x0;
	v16 =	vand.u32 $0xFFFF, v16;
	v14 =	vor.u32 $0x80, v13  }
.LBB2_58:
0x21f: {  	v17 =	vld [tilespmem:s24+$0x0];
	p1 =	sne.s32 s22, $0x1;
	s22 =	sadd.s32 $0xFFFFFFFF, s22;
	v16 =	vxor.u32 v8, v16;
	v18 =	vor.u32 s23, v0  }
.Ltmp39:
0x220: {  	vm1 =	vge.u32 v16, v14;
	vm2 =	vlt.s32 v18, v11;
	(pc) =	sbr.rel @p1 .LBB2_58-.Ltmp39, $3  }
0x221: {  	vm1 =	vmand vm2, vm1  }
0x222: {  	v18 =	vmpcnt.ones.xlane vm1;
	_ =	sdelay $0x1  }
0x223: {  	s24 =	sadd.s32 $0x10, s24;
	s23 =	sadd.s32 $0x10, s23;
	v16 =	vand.u32 $0xFFFF, v17;
	v15 =	vadd.s32 v15, v18  }
.LBB2_59:
0x224: {  	v16 =	vxor.u32 v8, v16;
	v17 =	vor.u32 s23, v0  }
0x225: {  	vm1 =	vge.u32 v16, v14;
	vm2 =	vlt.s32 v17, v11  }
0x226: {  	vm1 =	vmand vm2, vm1  }
0x227: {  	v17 =	vld [tilespmem:s21+$0x0];
	v16 =	vmpcnt.ones.xlane vm1  }
.Ltmp40:
0x228: {  	_ = 	snop;
	(pc) =	sbr.rel @!p0 .LBB2_61-.Ltmp40, $4  }
0x229: {  	v15 =	vadd.s32 v15, v16  }
0x22a: {  	vm1 =	vlt.s32 v15, v10  }
0x22b: {  	v13 =	vsel vm1, v13, v14  }
0x22c: {  	s22 =	simm.s32 $0x6090;
	s21 =	sadd.s32 $0xFFFFFFFF, s19;
	v15 =	vand.u32 $0xFFFF, v17;
	v14 =	vor.u32 $0x40, v13  }
.LBB2_60:
0x22d: {  	v16 =	vld [tilespmem:s22+$0x0];
	p1 =	sne.s32 s21, $0x1;
	s21 =	sadd.s32 $0xFFFFFFFF, s21;
	v15 =	vxor.u32 v8, v15;
	v17 =	vor.u32 s20, v0  }
.Ltmp41:
0x22e: {  	vm1 =	vge.u32 v15, v14;
	vm2 =	vlt.s32 v17, v11;
	(pc) =	sbr.rel @p1 .LBB2_60-.Ltmp41, $3  }
0x22f: {  	vm1 =	vmand vm2, vm1  }
0x230: {  	v17 =	vmpcnt.ones.xlane vm1;
	_ =	sdelay $0x1  }
0x231: {  	s22 =	sadd.s32 $0x10, s22;
	s20 =	sadd.s32 $0x10, s20;
	v15 =	vand.u32 $0xFFFF, v16;
	v12 =	vadd.s32 v12, v17  }
.LBB2_61:
0x232: {  	v15 =	vxor.u32 v8, v15;
	v16 =	vor.u32 s20, v0  }
0x233: {  	vm1 =	vge.u32 v15, v14;
	vm2 =	vlt.s32 v16, v11  }
0x234: {  	s21 =	simm.s32 $0x6080;
	vm1 =	vmand vm2, vm1  }
0x235: {  	v16 =	vld [tilespmem:s21+$0x0];
	v15 =	vmpcnt.ones.xlane vm1  }
.Ltmp42:
0x236: {  	_ = 	snop;
	(pc) =	sbr.rel @!p0 .LBB2_63-.Ltmp42, $4  }
0x237: {  	v12 =	vadd.s32 v12, v15  }
0x238: {  	vm1 =	vlt.s32 v12, v10  }
0x239: {  	s20 =	simm.s32 $0x0;
	v15 =	vimm.s32 $0x0;
	v13 =	vsel vm1, v13, v14  }
0x23a: {  	s22 =	sadd.s32 $0xFFFFFFFF, s19;
	s24 =	simm.s32 $0x6090;
	s23 =	simm.s32 $0x0;
	v12 =	vimm.s32 $0x0;
	v16 =	vand.u32 $0xFFFF, v16;
	v14 =	vor.u32 $0x20, v13  }
.LBB2_62:
0x23b: {  	v17 =	vld [tilespmem:s24+$0x0];
	p1 =	sne.s32 s22, $0x1;
	s22 =	sadd.s32 $0xFFFFFFFF, s22;
	v16 =	vxor.u32 v8, v16;
	v18 =	vor.u32 s23, v0  }
.Ltmp43:
0x23c: {  	vm1 =	vge.u32 v16, v14;
	vm2 =	vlt.s32 v18, v11;
	(pc) =	sbr.rel @p1 .LBB2_62-.Ltmp43, $3  }
0x23d: {  	vm1 =	vmand vm2, vm1  }
0x23e: {  	v18 =	vmpcnt.ones.xlane vm1;
	_ =	sdelay $0x1  }
0x23f: {  	s24 =	sadd.s32 $0x10, s24;
	s23 =	sadd.s32 $0x10, s23;
	v16 =	vand.u32 $0xFFFF, v17;
	v15 =	vadd.s32 v15, v18  }
.LBB2_63:
0x240: {  	v16 =	vxor.u32 v8, v16;
	v17 =	vor.u32 s23, v0  }
0x241: {  	vm1 =	vge.u32 v16, v14;
	vm2 =	vlt.s32 v17, v11  }
0x242: {  	vm1 =	vmand vm2, vm1  }
0x243: {  	v17 =	vld [tilespmem:s21+$0x0];
	v16 =	vmpcnt.ones.xlane vm1  }
.Ltmp44:
0x244: {  	_ = 	snop;
	(pc) =	sbr.rel @!p0 .LBB2_65-.Ltmp44, $4  }
0x245: {  	v15 =	vadd.s32 v15, v16  }
0x246: {  	vm1 =	vlt.s32 v15, v10  }
0x247: {  	v13 =	vsel vm1, v13, v14  }
0x248: {  	s22 =	simm.s32 $0x6090;
	s21 =	sadd.s32 $0xFFFFFFFF, s19;
	v15 =	vand.u32 $0xFFFF, v17;
	v14 =	vor.u32 $0x10, v13  }
.LBB2_64:
0x249: {  	v16 =	vld [tilespmem:s22+$0x0];
	p1 =	sne.s32 s21, $0x1;
	s21 =	sadd.s32 $0xFFFFFFFF, s21;
	v15 =	vxor.u32 v8, v15;
	v17 =	vor.u32 s20, v0  }
.Ltmp45:
0x24a: {  	vm1 =	vge.u32 v15, v14;
	vm2 =	vlt.s32 v17, v11;
	(pc) =	sbr.rel @p1 .LBB2_64-.Ltmp45, $3  }
0x24b: {  	vm1 =	vmand vm2, vm1  }
0x24c: {  	v17 =	vmpcnt.ones.xlane vm1;
	_ =	sdelay $0x1  }
0x24d: {  	s22 =	sadd.s32 $0x10, s22;
	s20 =	sadd.s32 $0x10, s20;
	v15 =	vand.u32 $0xFFFF, v16;
	v12 =	vadd.s32 v12, v17  }
.LBB2_65:
0x24e: {  	v15 =	vxor.u32 v8, v15;
	v16 =	vor.u32 s20, v0  }
0x24f: {  	vm1 =	vge.u32 v15, v14;
	vm2 =	vlt.s32 v16, v11  }
0x250: {  	s21 =	simm.s32 $0x6080;
	vm1 =	vmand vm2, vm1  }
0x251: {  	v16 =	vld [tilespmem:s21+$0x0];
	v15 =	vmpcnt.ones.xlane vm1  }
.Ltmp46:
0x252: {  	_ = 	snop;
	(pc) =	sbr.rel @!p0 .LBB2_67-.Ltmp46, $4  }
0x253: {  	v12 =	vadd.s32 v12, v15  }
0x254: {  	vm1 =	vlt.s32 v12, v10  }
0x255: {  	s20 =	simm.s32 $0x0;
	v15 =	vimm.s32 $0x0;
	v13 =	vsel vm1, v13, v14  }
0x256: {  	s22 =	sadd.s32 $0xFFFFFFFF, s19;
	s24 =	simm.s32 $0x6090;
	s23 =	simm.s32 $0x0;
	v12 =	vimm.s32 $0x0;
	v16 =	vand.u32 $0xFFFF, v16;
	v14 =	vor.u32 $0x8, v13  }
.LBB2_66:
0x257: {  	v17 =	vld [tilespmem:s24+$0x0];
	p1 =	sne.s32 s22, $0x1;
	s22 =	sadd.s32 $0xFFFFFFFF, s22;
	v16 =	vxor.u32 v8, v16;
	v18 =	vor.u32 s23, v0  }
.Ltmp47:
0x258: {  	vm1 =	vge.u32 v16, v14;
	vm2 =	vlt.s32 v18, v11;
	(pc) =	sbr.rel @p1 .LBB2_66-.Ltmp47, $3  }
0x259: {  	vm1 =	vmand vm2, vm1  }
0x25a: {  	v18 =	vmpcnt.ones.xlane vm1;
	_ =	sdelay $0x1  }
0x25b: {  	s24 =	sadd.s32 $0x10, s24;
	s23 =	sadd.s32 $0x10, s23;
	v16 =	vand.u32 $0xFFFF, v17;
	v15 =	vadd.s32 v15, v18  }
.LBB2_67:
0x25c: {  	v16 =	vxor.u32 v8, v16;
	v17 =	vor.u32 s23, v0  }
0x25d: {  	vm1 =	vge.u32 v16, v14;
	vm2 =	vlt.s32 v17, v11  }
0x25e: {  	vm1 =	vmand vm2, vm1  }
0x25f: {  	v17 =	vld [tilespmem:s21+$0x0];
	v16 =	vmpcnt.ones.xlane vm1  }
.Ltmp48:
0x260: {  	_ = 	snop;
	(pc) =	sbr.rel @!p0 .LBB2_69-.Ltmp48, $4  }
0x261: {  	v15 =	vadd.s32 v15, v16  }
0x262: {  	vm1 =	vlt.s32 v15, v10  }
0x263: {  	v13 =	vsel vm1, v13, v14  }
0x264: {  	s22 =	simm.s32 $0x6090;
	s21 =	sadd.s32 $0xFFFFFFFF, s19;
	v15 =	vand.u32 $0xFFFF, v17;
	v14 =	vor.u32 $0x4, v13  }
.LBB2_68:
0x265: {  	v16 =	vld [tilespmem:s22+$0x0];
	p1 =	sne.s32 s21, $0x1;
	s21 =	sadd.s32 $0xFFFFFFFF, s21;
	v15 =	vxor.u32 v8, v15;
	v17 =	vor.u32 s20, v0  }
.Ltmp49:
0x266: {  	vm1 =	vge.u32 v15, v14;
	vm2 =	vlt.s32 v17, v11;
	(pc) =	sbr.rel @p1 .LBB2_68-.Ltmp49, $3  }
0x267: {  	vm1 =	vmand vm2, vm1  }
0x268: {  	v17 =	vmpcnt.ones.xlane vm1;
	_ =	sdelay $0x1  }
0x269: {  	s22 =	sadd.s32 $0x10, s22;
	s20 =	sadd.s32 $0x10, s20;
	v15 =	vand.u32 $0xFFFF, v16;
	v12 =	vadd.s32 v12, v17  }
.LBB2_69:
0x26a: {  	v15 =	vxor.u32 v8, v15;
	v16 =	vor.u32 s20, v0  }
0x26b: {  	vm1 =	vge.u32 v15, v14;
	vm2 =	vlt.s32 v16, v11  }
0x26c: {  	vm1 =	vmand vm2, vm1  }
0x26d: {  	v15 =	vmpcnt.ones.xlane vm1  }
0x26e: {  	s21 =	simm.s32 $0x6080  }
0x26f: {  	v12 =	vadd.s32 v12, v15;
	v15 =	vld [tilespmem:s21+$0x0]  }
.Ltmp50:
0x270: {  	_ = 	snop;
	(pc) =	sbr.rel @!p0 .LBB2_71-.Ltmp50, $4  }
0x271: {  	_ = 	snop  }
0x272: {  	vm1 =	vlt.s32 v12, v10  }
0x273: {  	v12 =	vsel vm1, v13, v14  }
0x274: {  	s20 =	simm.s32 $0x0;
	s22 =	simm.s32 $0x6090;
	s21 =	sadd.s32 $0xFFFFFFFF, s19;
	v14 =	vimm.s32 $0x0;
	v13 =	vor.u32 $0x2, v12;
	v15 =	vand.u32 $0xFFFF, v15  }
.LBB2_70:
0x275: {  	v16 =	vld [tilespmem:s22+$0x0];
	p0 =	sne.s32 s21, $0x1;
	s21 =	sadd.s32 $0xFFFFFFFF, s21;
	v15 =	vxor.u32 v8, v15;
	v17 =	vor.u32 s20, v0  }
.Ltmp51:
0x276: {  	vm1 =	vge.u32 v15, v13;
	vm2 =	vlt.s32 v17, v11;
	(pc) =	sbr.rel @p0 .LBB2_70-.Ltmp51, $3  }
0x277: {  	vm1 =	vmand vm2, vm1  }
0x278: {  	v17 =	vmpcnt.ones.xlane vm1;
	_ =	sdelay $0x1  }
0x279: {  	s22 =	sadd.s32 $0x10, s22;
	s20 =	sadd.s32 $0x10, s20;
	v15 =	vand.u32 $0xFFFF, v16;
	v14 =	vadd.s32 v14, v17  }
.LBB2_71:
0x27a: {  	v15 =	vxor.u32 v8, v15;
	v16 =	vor.u32 s20, v0  }
0x27b: {  	vm1 =	vge.u32 v15, v13;
	vm2 =	vlt.s32 v16, v11  }
0x27c: {  	vm1 =	vmand vm2, vm1  }
0x27d: {  	v15 =	vmpcnt.ones.xlane vm1  }
0x27e: {  	s21 =	simm.s32 $0x6080  }
0x27f: {  	p0 =	seq.s32 s19, $0x1;
	v14 =	vadd.s32 v14, v15;
	v15 =	vld [tilespmem:s21+$0x0]  }
.Ltmp52:
0x280: {  	_ = 	snop;
	(pc) =	sbr.rel @p0 .LBB2_73-.Ltmp52, $4  }
0x281: {  	_ = 	snop  }
0x282: {  	vm1 =	vlt.s32 v14, v10  }
0x283: {  	v12 =	vsel vm1, v12, v13  }
0x284: {  	s20 =	simm.s32 $0x0;
	s19 =	sadd.s32 $0xFFFFFFFF, s19;
	s21 =	simm.s32 $0x6090;
	v14 =	vimm.s32 $0x0;
	v13 =	vor.u32 $0x1, v12;
	v15 =	vand.u32 $0xFFFF, v15  }
.LBB2_72:
0x285: {  	v16 =	vld [tilespmem:s21+$0x0];
	p0 =	seq.s32 s19, $0x1;
	s19 =	sadd.s32 $0xFFFFFFFF, s19;
	v15 =	vxor.u32 v8, v15;
	v17 =	vor.u32 s20, v0  }
.Ltmp53:
0x286: {  	vm1 =	vge.u32 v15, v13;
	vm2 =	vlt.s32 v17, v11;
	(pc) =	sbr.rel @!p0 .LBB2_72-.Ltmp53, $3  }
0x287: {  	vm1 =	vmand vm2, vm1  }
0x288: {  	v17 =	vmpcnt.ones.xlane vm1;
	_ =	sdelay $0x1  }
0x289: {  	s21 =	sadd.s32 $0x10, s21;
	s20 =	sadd.s32 $0x10, s20;
	v15 =	vand.u32 $0xFFFF, v16;
	v14 =	vadd.s32 v14, v17  }
.LBB2_73:
0x28a: {  	v15 =	vxor.u32 v8, v15;
	v16 =	vor.u32 s20, v0  }
.Ltmp54:
0x28b: {  	vm1 =	vge.u32 v15, v13;
	vm2 =	vlt.s32 v16, v11;
	(pc) =	sbr.rel .LBB2_75-.Ltmp54, $3  }
0x28c: {  	vm1 =	vmand vm2, vm1  }
0x28d: {  	v11 =	vmpcnt.ones.xlane vm1;
	_ =	sdelay $0x1  }
0x28e: {  	v11 =	vadd.s32 v14, v11  }
.LBB2_74:
0x28f: {  	vm1 =	vgt.s32 v10, $0x0  }
0x290: {  	v12 =	vsel vm1, $0x0, v5  }
0x291: {  	v11 =	vimm.s32 $0x0;
	v13 =	vor.u32 $0x1, v12  }
.LBB2_75:
0x292: {  	vm1 =	vlt.s32 v11, v10  }
0x293: {  	v10 =	vsel vm1, v12, v13  }
.LBB2_76:
0x294: {  	s19 =	simm.s32 $0x20  }
0x295: {  	v11 =	vsel vm0, $0xFF, v3;
	v12 =	vld [tilespmem:s19+$0xFFFFFFE0]  }
0x296: {  	v7 =	vxor.u32 v7, v9;
	v6 =	vxor.u32 v6, v11;
	v11 =	vld [tilespmem:s19+$0x0]  }
0x297: {  	v9 =	vld [tilespmem:s19+$0x10];
	v7 =	vshll.u32 v7, $0x10;
	v6 =	vshll.u32 v6, $0x18  }
0x298: {  	v13 =	vld [tilespmem:s19+$0xFFFFFFF0];
	v6 =	vor.u32 v6, v7;
	v7 =	vxor.u32 v8, v10  }
0x299: {  	v6 =	vor.u32 v7, v6  }
0x29a: {  	s20 =	simm.s32 $0x60;
	vm13 =	vge.f32 v12, v6  }
0x29b: {  	v8 =	vld [tilespmem:s20+$0xFFFFFFE0];
	vm1 =	vge.f32 v11, v6;
	v10 =	vnsel vm13, $0x0, v12  }
0x29c: {  	v7 =	vld [tilespmem:s20+$0x10];
	vm14 =	vge.f32 v9, v6;
	v63 =	vnsel vm1, $0x0, v11;
	[tilespmem:s19+$0xFFFFFFE0] =	vst v10  }
0x29d: {  	vm15 =	vge.f32 v13, v6;
	v10 =	vnsel vm14, $0x0, v9;
	v9 =	vld [tilespmem:s20+$0x0];
	[tilespmem:s19+$0x0] =	vst v63  }
0x29e: {  	s21 =	simm.s32 $0x4;
	v11 =	vnsel vm15, $0x0, v13;
	[tilespmem:s19+$0x10] =	vst v10;
	v10 =	vld [tilespmem:s20+$0xFFFFFFF0]  }
.LBB2_77:
0x29f: {  	s21 =	sadd.s32 $0x4, s21  }
0x2a0: {  	[tilespmem:s19+$0xFFFFFFF0] =	vst v11;
	s19 =	smov.u32 s20;
	p0 =	slt.u32 s21, $0x1FC  }
.Ltmp55:
0x2a1: {  	s20 =	sadd.s32 $0x40, s20;
	vm0 =	vge.f32 v8, v6;
	(pc) =	sbr.rel @p0 .LBB2_77-.Ltmp55, $4  }
0x2a2: {  	v11 =	vnsel vm0, $0x0, v8;
	v8 =	vld [tilespmem:s20+$0xFFFFFFE0];
	vm0 =	vge.f32 v7, v6  }
0x2a3: {  	[tilespmem:s19+$0xFFFFFFE0] =	vst v11;
	vm1 =	vge.f32 v9, v6;
	v11 =	vnsel vm0, $0x0, v7;
	v7 =	vld [tilespmem:s20+$0x10]  }
0x2a4: {  	vm0 =	vge.f32 v10, v6;
	v12 =	vnsel vm1, $0x0, v9;
	v9 =	vld [tilespmem:s20+$0x0];
	[tilespmem:s19+$0x10] =	vst v11  }
0x2a5: {  	v11 =	vnsel vm0, $0x0, v10;
	v10 =	vld [tilespmem:s20+$0xFFFFFFF0];
	[tilespmem:s19+$0x0] =	vst v12  }
0x2a6: {  	_ = 	snop  }
0x2a7: {  	vm0 =	vge.f32 v8, v6  }
0x2a8: {  	[tilespmem:s19+$0xFFFFFFF0] =	vst v11;
	v8 =	vnsel vm0, $0x0, v8;
	vm14 =	vge.f32 v7, v6  }
0x2a9: {  	[tilespmem:s20+$0xFFFFFFE0] =	vst v8;
	vm1 =	vge.f32 v9, v6;
	v7 =	vnsel vm14, $0x0, v7  }
0x2aa: {  	vm15 =	vge.f32 v10, v6;
	v6 =	vnsel vm1, $0x0, v9;
	[tilespmem:s20+$0x10] =	vst v7  }
0x2ab: {  	v7 =	vnsel vm15, $0x0, v10;
	[tilespmem:s20+$0x0] =	vst v6  }
0x2ac: {  	[tilespmem:s20+$0xFFFFFFF0] =	vst v7  }
0x2ad: {  	[hbm4b:s5+s2] =	stream.linear.scatter [tilespmem:s2], [sflag:$0x3], $0x2000, $0x38;
	[tilespmem:$0xA400] =	vst v63  }
0x2ae: {  	_ =	swait.ge [sflag:s15], $0x2000  }
0x2af: {  	[sflag:s15] =	ssyncset.done $0x0  }
0x2b0: {  	s20 =	simm.s32 $0x8120;
	[sflag:s15] =	ssyncadd.s32 $0xFFFFE000  }
0x2b1: {  	[tilespmem:s20+$0xFFFFFFE0] =	vst v1  }
0x2b2: {  	[tilespmem:s20+$0x10] =	vst v1  }
0x2b3: {  	s21 =	simm.s32 $0x0;
	s19 =	simm.s32 $0x2020;
	[tilespmem:s20+$0x0] =	vst v1  }
.LBB2_79:
0x2b4: {  	s21 =	sadd.s32 $0x4, s21  }
0x2b5: {  	[tilespmem:s20+$0xFFFFFFF0] =	vst v1;
	s20 =	sadd.s32 $0x40, s20;
	p0 =	slt.u32 s21, $0xC  }
.Ltmp56:
0x2b6: {  	[tilespmem:s20+$0xFFFFFFE0] =	vst v1;
	(pc) =	sbr.rel @p0 .LBB2_79-.Ltmp56, $3  }
0x2b7: {  	_ =	sdelay $0x1  }
0x2b8: {  	[tilespmem:s20+$0x10] =	vst v1  }
0x2b9: {  	[tilespmem:s20+$0x0] =	vst v1  }
0x2ba: {  	[tilespmem:s20+$0xFFFFFFF0] =	vst v1  }
0x2bb: {  	v6 =	vld [tilespmem:s19+$0xFFFFFFF0]  }
0x2bc: {  	v7 =	vld [tilespmem:s19+$0x10]  }
0x2bd: {  	v8 =	vld [tilespmem:s19+$0xFFFFFFE0];
	_ =	sdelay $0x3  }
0x2be: {  	v10 =	vld [tilespmem:s19+$0x0];
	v9 =	vshra.s32 v6, $0x1F;
	v6 =	vshrl.u32 v6, $0x18;
	v11 =	vshra.s32 v7, $0x1F  }
0x2bf: {  	v12 =	vshrl.u32 v8, $0x18;
	v8 =	vshra.s32 v8, $0x1F;
	v9 =	vand.u32 $0x7F, v9  }
0x2c0: {  	v13 =	vxor.u32 v6, v9;
	v6 =	vshrl.u32 v7, $0x18;
	v7 =	vand.u32 $0x7F, v11  }
0x2c1: {  	s30 =	simm.s32 $0x2060;
	v8 =	vand.u32 $0x7F, v8;
	v14 =	vxor.u32 v6, v7;
	v7 =	vxor.u32 $0x80, v13  }
0x2c2: {  	v15 =	vxor.u32 v12, v8;
	v8 =	vld [tilespmem:s30+$0xFFFFFFF0];
	v16 =	vxor.u32 $0x80, v14;
	(xrf1) =	vunique.msk.u32 $0xffff, v7  }
0x2c3: {  	v11 =	vld [tilespmem:s30+$0xFFFFFFE0];
	v17 =	vxor.u32 $0x80, v15;
	v6 =	vshra.s32 v10, $0x1F;
	v10 =	vshrl.u32 v10, $0x18;
	(xrf1) =	vunique.msk.u32 $0xffff, v16  }
0x2c4: {  	v12 =	vld [tilespmem:s30+$0x0];
	v15 =	vand.u32 $0x7F, v15;
	v13 =	vand.u32 $0x7F, v13;
	v6 =	vand.u32 $0x7F, v6  }
0x2c5: {  	v9 =	vld [tilespmem:s30+$0x10];
	v18 =	vand.u32 $0x80, v7;
	v14 =	vand.u32 $0x7F, v14;
	v6 =	vxor.u32 v10, v6  }
0x2c6: {  	v28 =	vand.u32 $0x80, v17;
	v25 =	vor.u32 v13, v18;
	v10 =	vxor.u32 $0x80, v6  }
0x2c7: {  	(xrf1) =	vunique.msk.u32 $0xffff, v17;
	v6 =	vand.u32 $0x7F, v6;
	v19 =	vand.u32 $0x80, v10;
	v20 =	vshra.s32 v8, $0x1F  }
0x2c8: {  	v8 =	vshrl.u32 v8, $0x18;
	(xrf1) =	vunique.msk.u32 $0xffff, v10;
	v21 =	vshrl.u32 v11, $0x18;
	v11 =	vshra.s32 v11, $0x1F  }
0x2c9: {  	v22 =	vshrl.u32 v12, $0x18;
	v6 =	vor.u32 v6, v19;
	v19 =	vand.u32 $0x7F, v20  }
0x2ca: {  	s31 =	simm.s32 $0x8420;
	v20 =	vshra.s32 v9, $0x1F;
	v11 =	vand.u32 $0x7F, v11;
	v9 =	vshrl.u32 v9, $0x18  }
0x2cb: {  	s21 =	simm.s32 $0x20A0;
	[tilespmem:s31+$0xFFFFFFF0] =	vst v7;
	v8 =	vxor.u32 v8, v19;
	v7 =	vand.u32 $0x7F, v20;
	v11 =	vxor.u32 v21, v11  }
0x2cc: {  	s19 =	simm.s32 $0x8460;
	[tilespmem:s31+$0x0] =	vst v10;
	v19 =	vshra.s32 v12, $0x1F;
	v21 =	vld [tilespmem:s21+$0xFFFFFFF0];
	v10 =	vxor.u32 v9, v7;
	v20 =	vxor.u32 $0x80, v8  }
0x2cd: {  	v19 =	vand.u32 $0x7F, v19;
	[tilespmem:s19+$0xFFFFFFF0] =	vst v20;
	v12 =	vand.u32 $0x80, v20;
	(xrf1) =	vunique.msk.u32 $0xffff, v20;
	v20 =	vld [tilespmem:s21+$0x10]  }
0x2ce: {  	v13 =	vand.u32 $0x80, v16;
	v7 =	vxor.u32 $0x80, v10;
	v19 =	vxor.u32 v22, v19  }
0x2cf: {  	v14 =	vor.u32 v14, v13;
	v9 =	vxor.u32 $0x80, v11;
	v22 =	vld [tilespmem:s21+$0xFFFFFFE0];
	(xrf1) =	vunique.msk.u32 $0xffff, v7;
	v23 =	vxor.u32 $0x80, v19  }
0x2d0: {  	v19 =	vand.u32 $0x7F, v19;
	v27 =	vand.u32 $0x80, v23;
	[tilespmem:s19+$0x0] =	vst v23;
	_, v24, vm0 =	vpop (xrf1);
	(xrf1) =	vunique.msk.u32 $0xffff, v9  }
0x2d1: {  	v13 =	vor.u32 v19, v27;
	v19 =	vshra.s32 v21, $0x1F;
	_, v26, vm1 =	vpop (xrf1);
	(xrf1) =	vunique.msk.u32 $0xffff, v23;
	v23 =	vor.u32 v15, v28  }
0x2d2: {  	v15 =	vshrl.u32 v21, $0x18;
	v21 =	vshra.s32 v20, $0x1F;
	v20 =	vshrl.u32 v20, $0x18;
	_ =	sdelay $0x1  }
0x2d3: {  	[tilespmem:s31+$0xFFFFFFE0] =	vst v17;
	v19 =	vand.u32 $0x7F, v19;
	v17 =	vshrl.u32 v22, $0x18;
	v22 =	vshra.s32 v22, $0x1F  }
0x2d4: {  	v18 =	vld [tilespmem:s21+$0x0];
	[tilespmem:s31+$0x10] =	vst v16;
	_, v29, vm2 =	vpop (xrf1);
	v19 =	vxor.u32 v15, v19;
	v15 =	vand.u32 $0x7F, v22;
	v21 =	vand.u32 $0x7F, v21  }
0x2d5: {  	v16 =	vxor.u32 v17, v15;
	v17 =	vxor.u32 v20, v21;
	[tilespmem:v25+s10+$0x0] =	vst.idx.add.s32.msk vm0, v24;
	_, v20, vm0 =	vpop (xrf1);
	_ =	sdelay $0x3  }
0x2d6: {  	v15 =	vshra.s32 v18, $0x1F;
	[tilespmem:v14+s10+$0x0] =	vst.idx.add.s32.msk vm1, v26  }
0x2d7: {  	s22 =	simm.s32 $0x20E0;
	s20 =	simm.s32 $0x8460;
	s21 =	simm.s32 $0x8;
	v21 =	vand.u32 $0x7F, v15;
	v15 =	vxor.u32 $0x80, v17;
	v14 =	vxor.u32 $0x80, v16;
	[tilespmem:v23+s10+$0x0] =	vst.idx.add.s32.msk vm2, v29  }
.LBB2_81:
0x2d8: {  	s21 =	sadd.s32 $0x4, s21;
	v22 =	vxor.u32 $0x80, v19;
	s19 =	sadd.s32 $0x40, s19;
	[tilespmem:v6+s10+$0x0] =	vst.idx.add.s32.msk vm0, v20;
	v6 =	vmov v13  }
0x2d9: {  	v13 =	vshrl.u32 v18, $0x18;
	v20 =	vld [tilespmem:s22+$0xFFFFFFF0];
	p0 =	slt.u32 s21, $0x1FC;
	[tilespmem:s19+$0xFFFFFFF0] =	vst v22;
	v23 =	vand.u32 $0x80, v22;
	(xrf1) =	vunique.msk.u32 $0xffff, v22  }
0x2da: {  	v11 =	vand.u32 $0x7F, v11;
	v18 =	vand.u32 $0x7F, v8;
	v8 =	vmovc v19;
	v13 =	vxor.u32 v13, v21;
	v22 =	vld [tilespmem:s22+$0x10];
	(xrf1) =	vunique.msk.u32 $0xffff, v15  }
0x2db: {  	v24 =	vor.u32 v18, v12;
	v21 =	vxor.u32 $0x80, v13;
	v13 =	vand.u32 $0x7F, v13;
	v19 =	vld [tilespmem:s22+$0xFFFFFFE0];
	(xrf1) =	vunique.msk.u32 $0xffff, v14;
	_, v25, vm1 =	vpop (xrf1)  }
0x2dc: {  	v28 =	vand.u32 $0x80, v7;
	v10 =	vand.u32 $0x7F, v10;
	v12 =	vand.u32 $0x80, v21;
	v18 =	vld [tilespmem:s22+$0x0];
	(xrf1) =	vunique.msk.u32 $0xffff, v21;
	_, v27, vm3 =	vpop (xrf1)  }
0x2dd: {  	v32 =	vand.u32 $0x80, v9;
	v13 =	vor.u32 v13, v12;
	[tilespmem:s19+$0x0] =	vst v21;
	v21 =	vor.u32 v10, v28;
	_, v26, vm2 =	vpop (xrf1)  }
0x2de: {  	v29 =	vor.u32 v11, v32;
	v28 =	vshrl.u32 v20, $0x18;
	v33 =	vshra.s32 v20, $0x1F;
	_, v20, vm0 =	vpop (xrf1)  }
.Ltmp57:
0x2df: {  	v11 =	vmovc v16;
	v10 =	vmovc v17;
	v12 =	vmov v23;
	v30 =	vand.u32 $0x7F, v33;
	v31 =	vshra.s32 v22, $0x1F;
	[tilespmem:s20+$0xFFFFFFE0] =	vst v9;
	(pc) =	sbr.rel @p0 .LBB2_81-.Ltmp57, $4  }
0x2e0: {  	v9 =	vmovc v14;
	v16 =	vshrl.u32 v19, $0x18;
	v17 =	vshra.s32 v19, $0x1F;
	v19 =	vxor.u32 v28, v30;
	[tilespmem:s20+$0x10] =	vst v7;
	v7 =	vmovc v15;
	s20 =	smov.u32 s19  }
0x2e1: {  	v15 =	vshrl.u32 v22, $0x18;
	v14 =	vand.u32 $0x7F, v17;
	v17 =	vand.u32 $0x7F, v31;
	[tilespmem:v24+s10+$0x0] =	vst.idx.add.s32.msk vm1, v25  }
0x2e2: {  	v22 =	vshra.s32 v18, $0x1F;
	v16 =	vxor.u32 v16, v14;
	v17 =	vxor.u32 v15, v17;
	[tilespmem:v21+s10+$0x0] =	vst.idx.add.s32.msk vm3, v27  }
0x2e3: {  	s22 =	sadd.s32 $0x40, s22;
	v21 =	vand.u32 $0x7F, v22;
	v14 =	vxor.u32 $0x80, v16;
	v15 =	vxor.u32 $0x80, v17;
	[tilespmem:v29+s10+$0x0] =	vst.idx.add.s32.msk vm2, v26  }
0x2e4: {  	v22 =	vxor.u32 $0x80, v19  }
0x2e5: {  	v18 =	vshrl.u32 v18, $0x18;
	(xrf1) =	vunique.msk.u32 $0xffff, v22  }
0x2e6: {  	v18 =	vxor.u32 v18, v21;
	(xrf1) =	vunique.msk.u32 $0xffff, v15  }
0x2e7: {  	v21 =	vxor.u32 $0x80, v18;
	(xrf1) =	vunique.msk.u32 $0xffff, v14  }
0x2e8: {  	(xrf1) =	vunique.msk.u32 $0xffff, v21;
	_ =	sdelay $0x1  }
0x2e9: {  	v8 =	vand.u32 $0x7F, v8;
	_, v23, vm1 =	vpop (xrf1)  }
0x2ea: {  	[tilespmem:v6+s10+$0x0] =	vst.idx.add.s32.msk vm0, v20;
	v10 =	vand.u32 $0x7F, v10;
	v6 =	vor.u32 v8, v12;
	v8 =	vand.u32 $0x80, v7;
	_, v51, vm12 =	vpop (xrf1)  }
0x2eb: {  	v8 =	vor.u32 v10, v8;
	_ =	sdelay $0x2  }
0x2ec: {  	[tilespmem:s20+$0xFFFFFFE0] =	vst v9  }
0x2ed: {  	[tilespmem:s20+$0x10] =	vst v7  }
0x2ee: {  	s19 =	sadd.s32 $0x40, s19;
	v11 =	vand.u32 $0x7F, v11;
	v52 =	vand.u32 $0x80, v9;
	_, v53, vm2 =	vpop (xrf1);
	[tilespmem:v8+s10+$0x0] =	vst.idx.add.s32.msk vm12, v51;
	v8 =	vand.u32 $0x7F, v17  }
0x2ef: {  	[tilespmem:s19+$0xFFFFFFF0] =	vst v22;
	v11 =	vor.u32 v11, v52;
	_, v54, vm3 =	vpop (xrf1)  }
0x2f0: {  	v7 =	vand.u32 $0x80, v22;
	[tilespmem:v6+s10+$0x0] =	vst.idx.add.s32.msk vm1, v23;
	v6 =	vand.u32 $0x7F, v19;
	_, v55, vm13 =	vpop (xrf1)  }
0x2f1: {  	[tilespmem:s19+$0xFFFFFFE0] =	vst v14;
	v6 =	vor.u32 v6, v7;
	v7 =	vand.u32 $0x80, v15;
	_, v12, vm0 =	vpop (xrf1)  }
0x2f2: {  	v56 =	vand.u32 $0x7F, v16;
	v57 =	vand.u32 $0x80, v14;
	[tilespmem:s19+$0x10] =	vst v15;
	v7 =	vor.u32 v8, v7;
	_, v8, vm14 =	vpop (xrf1)  }
0x2f3: {  	v60 =	vor.u32 v56, v57;
	v58 =	vand.u32 $0x7F, v18;
	[tilespmem:s19+$0x0] =	vst v21;
	v59 =	vand.u32 $0x80, v21;
	_, v61, vm15 =	vpop (xrf1)  }
0x2f4: {  	v62 =	vor.u32 v58, v59;
	[tilespmem:v11+s10+$0x0] =	vst.idx.add.s32.msk vm2, v53  }
0x2f5: {  	[tilespmem:v13+s10+$0x0] =	vst.idx.add.s32.msk vm3, v54  }
0x2f6: {  	[tilespmem:v6+s10+$0x0] =	vst.idx.add.s32.msk vm13, v55  }
0x2f7: {  	[tilespmem:v7+s10+$0x0] =	vst.idx.add.s32.msk vm0, v12  }
0x2f8: {  	[tilespmem:v60+s10+$0x0] =	vst.idx.add.s32.msk vm14, v8  }
0x2f9: {  	s19 =	simm.s32 $0xF0;
	[tilespmem:v62+s10+$0x0] =	vst.idx.add.s32.msk vm15, v61  }
0x2fa: {  	v6 =	vld [tilespmem:s19+$0x8100];
	_ =	sdelay $0x4  }
0x2fb: {  	v6 =	vperm.xlane v6, v2  }
0x2fc: {  	s20 =	simm.s32 $0xE0  }
0x2fd: {  	(xrf0) =	vadd.scan.msk.s32 $0xffff, v6;
	v6 =	vld [tilespmem:s20+$0x8100];
	_ =	sdelay $0x4  }
0x2fe: {  	s21 =	simm.s32 $0xD0;
	v8 =	vperm.xlane v6, v2  }
0x2ff: {  	v6 =	vld [tilespmem:s21+$0x8100]  }
0x300: {  	v7, _, _ =	vpop (xrf0);
	(xrf0) =	vadd.scan.msk.s32 $0xffff, v8  }
0x301: {  	v7 =	vperm.xlane v7, v2  }
0x302: {  	v63 =	vimm.s32 $0x0  }
0x303: {  	s22 =	simm.s32 $0x300;
	v7 =	vadd.s32 v63, v7  }
.LBB2_83:
0x304: {  	s23 =	sshra.s32 s22, $0x2;
	p0 =	sne.s32 s22, $0x0;
	s22 =	sadd.s32 $0xFFFFFFC0, s22;
	v9 =	vperm.xlane v6, v2;
	[tilespmem:s19+$0x8200] =	vst v7;
	v7 =	vbroadcast v7, $0x0  }
.Ltmp58:
0x305: {  	s19 =	smov.u32 s20;
	s20 =	smov.u32 s21;
	v6 =	vld [tilespmem:s23+$0x8100];
	(pc) =	sbr.rel @p0 .LBB2_83-.Ltmp58, $3  }
0x306: {  	s21 =	smov.u32 s23;
	(xrf0) =	vadd.scan.msk.s32 $0xffff, v9;
	v8, _, _ =	vpop (xrf0)  }
0x307: {  	v8 =	vperm.xlane v8, v2;
	_ =	sdelay $0x1  }
0x308: {  	v7 =	vadd.s32 v7, v8  }
0x309: {  	v6 =	vperm.xlane v6, v2;
	_ =	sdelay $0x1  }
0x30a: {  	(xrf0) =	vadd.scan.msk.s32 $0xffff, v6;
	_ =	sdelay $0x1  }
0x30b: {  	v8 =	vbroadcast v7, $0x0  }
0x30c: {  	v6, _, _ =	vpop (xrf0)  }
0x30d: {  	v6 =	vperm.xlane v6, v2;
	_ =	sdelay $0x1  }
0x30e: {  	v6 =	vadd.s32 v8, v6;
	v8, _, _ =	vpop (xrf0)  }
0x30f: {  	v9 =	vbroadcast v6, $0x0;
	v8 =	vperm.xlane v8, v2  }
0x310: {  	[tilespmem:s19+$0x8200] =	vst v7  }
0x311: {  	[tilespmem:s20+$0x8200] =	vst v6;
	v6 =	vadd.s32 v9, v8  }
0x312: {  	[tilespmem:s21+$0x8200] =	vst v6  }
0x313: {  	v6 =	vld [tilespmem:$0x8200]  }
0x314: {  	v7 =	vld [tilespmem:$0x8210]  }
0x315: {  	v8 =	vld [tilespmem:$0x8220]  }
0x316: {  	v9 =	vld [tilespmem:$0x8230]  }
0x317: {  	v10 =	vld [tilespmem:$0x8240]  }
0x318: {  	v11 =	vld [tilespmem:$0x8250]  }
0x319: {  	vm0 =	vgt.s32 v6, $0x1FF;
	vm1 =	vgt.s32 v7, $0x1FF;
	v6 =	vld [tilespmem:$0x8260]  }
0x31a: {  	v7 =	vmpcnt.ones.xlane vm0;
	v12 =	vmpcnt.ones.xlane vm1;
	vm0 =	vgt.s32 v8, $0x1FF;
	v8 =	vld [tilespmem:$0x8270]  }
0x31b: {  	v13 =	vmpcnt.ones.xlane vm0;
	vm0 =	vgt.s32 v9, $0x1FF;
	v9 =	vld [tilespmem:$0x8280]  }
0x31c: {  	v7 =	vadd.s32 v12, v7;
	v12 =	vmpcnt.ones.xlane vm0;
	vm0 =	vgt.s32 v10, $0x1FF;
	v10 =	vld [tilespmem:$0x8290]  }
0x31d: {  	v7 =	vadd.s32 v13, v7;
	v13 =	vmpcnt.ones.xlane vm0;
	vm0 =	vgt.s32 v11, $0x1FF;
	v11 =	vld [tilespmem:$0x82A0]  }
0x31e: {  	v7 =	vadd.s32 v12, v7;
	v12 =	vmpcnt.ones.xlane vm0;
	vm0 =	vgt.s32 v6, $0x1FF;
	v6 =	vld [tilespmem:$0x82B0]  }
0x31f: {  	v7 =	vadd.s32 v7, v13;
	v13 =	vmpcnt.ones.xlane vm0;
	vm0 =	vgt.s32 v8, $0x1FF;
	v8 =	vld [tilespmem:$0x82C0]  }
0x320: {  	v7 =	vadd.s32 v12, v7;
	v12 =	vmpcnt.ones.xlane vm0;
	vm0 =	vgt.s32 v9, $0x1FF;
	v9 =	vld [tilespmem:$0x82D0]  }
0x321: {  	v7 =	vadd.s32 v13, v7;
	v13 =	vmpcnt.ones.xlane vm0;
	vm0 =	vgt.s32 v10, $0x1FF;
	v10 =	vld [tilespmem:$0x82E0]  }
0x322: {  	s29 =	simm.s32 $0x8440;
	v7 =	vadd.s32 v12, v7;
	v12 =	vmpcnt.ones.xlane vm0;
	vm0 =	vgt.s32 v11, $0x1FF;
	v11 =	vld [tilespmem:$0x82F0]  }
0x323: {  	v15 =	vld [tilespmem:s29+$0x10];
	v7 =	vadd.s32 v7, v13;
	v13 =	vmpcnt.ones.xlane vm0;
	vm0 =	vgt.s32 v6, $0x1FF  }
0x324: {  	v18 =	vld [tilespmem:s29+$0x20];
	v6 =	vadd.s32 v12, v7;
	v7 =	vmpcnt.ones.xlane vm0;
	vm0 =	vgt.s32 v8, $0x1FF  }
0x325: {  	v6 =	vadd.s32 v13, v6;
	v8 =	vmpcnt.ones.xlane vm0;
	vm0 =	vgt.s32 v9, $0x1FF;
	v9 =	vld [tilespmem:s29+$0xFFFFFFC0]  }
0x326: {  	v6 =	vadd.s32 v7, v6;
	v7 =	vmpcnt.ones.xlane vm0;
	vm0 =	vgt.s32 v10, $0x1FF;
	v10 =	vld [tilespmem:s29+$0xFFFFFFE0]  }
0x327: {  	v6 =	vadd.s32 v6, v8;
	v8 =	vmpcnt.ones.xlane vm0;
	vm0 =	vgt.s32 v11, $0x1FF;
	v11 =	vld [tilespmem:s29+$0xFFFFFFD0]  }
0x328: {  	v12 =	vld [tilespmem:s29+$0x0];
	v6 =	vadd.s32 v7, v6;
	v7 =	vmpcnt.ones.xlane vm0  }
0x329: {  	v6 =	vadd.s32 v8, v6  }
0x32a: {  	v7 =	vadd.s32 v7, v6  }
0x32b: {  	v13 =	vimm.s32 $0x0;
	v6 =	vadd.s32 $0xFFFFFFFF, v7  }
0x32c: {  	vm4 =	veq.s32 v9, v6;
	vm1 =	veq.s32 v10, v6;
	vm5 =	veq.s32 v11, v6  }
0x32d: {  	v8 =	vld [tilespmem:s29+$0x30];
	vm3 =	veq.s32 v12, v6;
	vm8 =	veq.s32 v15, v6;
	vm2 =	veq.s32 v18, v6  }
0x32e: {  	v9 =	vld [tilespmem:s29+$0xFFFFFFF0];
	v14 =	vmpcnt.ones.xlane vm4;
	v10 =	vsel vm4, $0xFFFFFFFF, v1;
	v16 =	vsel vm4, $0x1, v1  }
0x32f: {  	v17 =	vmpcnt.ones.xlane vm1;
	v11 =	vsel vm1, $0xFFFFFFFF, v1;
	v19 =	vsel vm8, $0x1, v1  }
0x330: {  	v20 =	vsel vm2, $0x1, v1;
	v21 =	vmpcnt.ones.xlane vm2;
	v23 =	vsel vm5, $0x1, v1  }
0x331: {  	v10 =	vadd.s32 v10, v13;
	(xrf0) =	vadd.scan.msk.s32 $0xffff, v16;
	v13 =	vadd.s32 v13, v14;
	v14 =	vsel vm1, $0x1, v1  }
0x332: {  	vm10 =	vmmov vm4;
	v16 =	vmpcnt.ones.xlane vm5;
	vm6 =	veq.s32 v8, v6;
	(xrf0) =	vadd.scan.msk.s32 $0xffff, v14  }
0x333: {  	vm9 =	vmmov vm8;
	vm0 =	veq.s32 v9, v6;
	v9 =	vsel vm6, $0x1, v1  }
0x334: {  	v8 =	vld.idx.msk [tilespmem:v7+s11+$0x0], $0xffff;
	v12 =	vadd.s32 v13, v16;
	(xrf0) =	vadd.scan.msk.s32 $0xffff, v9;
	v7 =	vmpcnt.ones.xlane vm0;
	v9 =	vsel vm3, $0x1, v1  }
0x335: {  	s31 =	simm.s32 $0x84C0;
	v14 =	vmpcnt.ones.xlane vm3;
	v16 =	vmpcnt.ones.xlane vm8;
	v15 =	vadd.s32 v12, v17;
	(xrf0) =	vadd.scan.msk.s32 $0xffff, v9  }
0x336: {  	s30 =	simm.s32 $0x2040;
	v27 =	vld [tilespmem:s31+$0x30];
	vm8 =	vmmov vm6;
	v11 =	vadd.s32 v11, v12;
	v7 =	vadd.s32 v15, v7;
	(xrf0) =	vadd.scan.msk.s32 $0xffff, v19  }
0x337: {  	v24 =	vld [tilespmem:s30+$0x0];
	v12 =	vsel vm0, $0x1, v1;
	v9, _, _ =	vpop (xrf0);
	v14 =	vadd.s32 v7, v14;
	(xrf0) =	vadd.scan.msk.s32 $0xffff, v20;
	v20 =	vsel vm5, $0xFFFFFFFF, v1  }
0x338: {  	v18 =	vld [tilespmem:s30+$0xFFFFFFE0];
	v19, _, _ =	vpop (xrf0);
	(xrf0) =	vadd.scan.msk.s32 $0xffff, v12;
	v12 =	vadd.s32 v20, v13;
	v20 =	vsel vm3, $0xFFFFFFFF, v1;
	v9 =	vadd.s32 v9, v10  }
0x339: {  	v10 =	vld [tilespmem:s31+$0xFFFFFFC0];
	v11 =	vadd.s32 v19, v11;
	(xrf0) =	vadd.scan.msk.s32 $0xffff, v23;
	v7 =	vadd.s32 v20, v7;
	v20 =	vsel vm9, $0xFFFFFFFF, v1  }
0x33a: {  	v25 =	vld [tilespmem:s31+$0xFFFFFFE0];
	v16 =	vadd.s32 v14, v16;
	v23, _, _ =	vpop (xrf0);
	v14 =	vadd.s32 v20, v14;
	v20 =	vsel vm2, $0xFFFFFFFF, v1  }
0x33b: {  	v17 =	vmpcnt.ones.xlane vm6;
	vm6 =	veq.s32 v27, v6;
	v29 =	vsel vm0, $0xFFFFFFFF, v1;
	v13 =	vld [tilespmem:s30+$0xFFFFFFC0];
	v26, _, _ =	vpop (xrf0)  }
0x33c: {  	v15 =	vadd.s32 v29, v15;
	v19 =	vld [tilespmem:s30+$0xFFFFFFF0];
	v21 =	vadd.s32 v16, v21;
	v7 =	vadd.s32 v26, v7;
	v26, _, _ =	vpop (xrf0)  }
0x33d: {  	v17 =	vadd.s32 v21, v17;
	v16 =	vadd.s32 v20, v16;
	v14 =	vadd.s32 v26, v14;
	v20, _, _ =	vpop (xrf0);
	v26 =	vld [tilespmem:s31+$0x0]  }
0x33e: {  	vm7 =	vmmov vm5;
	vm4 =	veq.s32 v10, v6;
	[tilespmem:v11+s12+$0x0] =	vst.idx.msk vm1, v18;
	v11 =	vld [tilespmem:s31+$0xFFFFFFD0];
	v16 =	vadd.s32 v20, v16;
	v20, _, _ =	vpop (xrf0)  }
0x33f: {  	v18 =	vsel vm8, $0xFFFFFFFF, v1;
	vm1 =	veq.s32 v25, v6;
	v25 =	vld [tilespmem:s31+$0xFFFFFFF0];
	v15 =	vadd.s32 v20, v15;
	v10, _, _ =	vpop (xrf0)  }
0x340: {  	v22 =	vld [tilespmem:s30+$0xFFFFFFD0];
	[tilespmem:v9+s12+$0x0] =	vst.idx.msk vm10, v13;
	v20 =	vmpcnt.ones.xlane vm4;
	v9 =	vadd.s32 v10, v12;
	v10 =	vsel vm4, $0xFFFFFFFF, v1  }
0x341: {  	v63 =	vld [tilespmem:s31+$0x10];
	v13 =	vmpcnt.ones.xlane vm1;
	v12 =	vsel vm4, $0x1, v1;
	[tilespmem:v7+s12+$0x0] =	vst.idx.msk vm3, v24;
	v10 =	vadd.s32 v10, v17  }
0x342: {  	v24 =	vadd.s32 v17, v20;
	v7 =	vsel vm1, $0x1, v1;
	(xrf0) =	vadd.scan.msk.s32 $0xffff, v12;
	v12 =	vld [tilespmem:s30+$0x20];
	v17 =	vsel vm1, $0xFFFFFFFF, v1  }
0x343: {  	v28 =	vld [tilespmem:s31+$0x20];
	(xrf0) =	vadd.scan.msk.s32 $0xffff, v7;
	vm3 =	veq.s32 v26, v6;
	vm5 =	veq.s32 v11, v6;
	v11 =	vadd.s32 v18, v21  }
0x344: {  	v7 =	vld [tilespmem:s30+$0x10];
	v18 =	vmpcnt.ones.xlane vm5;
	[tilespmem:v15+s12+$0x0] =	vst.idx.msk vm0, v19;
	v20 =	vadd.s32 v23, v11;
	vm0 =	veq.s32 v25, v6  }
0x345: {  	v11 =	vsel vm6, $0x1, v1;
	v19 =	vmpcnt.ones.xlane vm3;
	v27 =	vsel vm5, $0x1, v1  }
0x346: {  	v23 =	vld [tilespmem:s30+$0x30];
	[tilespmem:v9+s12+$0x0] =	vst.idx.msk vm7, v22;
	vm7 =	veq.s32 v63, v6;
	(xrf0) =	vadd.scan.msk.s32 $0xffff, v11;
	v9 =	vmpcnt.ones.xlane vm6  }
0x347: {  	v18 =	vadd.s32 v24, v18;
	v25 =	vmpcnt.ones.xlane vm7;
	[tilespmem:v16+s12+$0x0] =	vst.idx.msk vm2, v12;
	v12 =	vmpcnt.ones.xlane vm0  }
0x348: {  	s19 =	simm.s32 $0x20C0;
	vm2 =	veq.s32 v28, v6;
	v11 =	vadd.s32 v18, v13;
	v13 =	vsel vm3, $0x1, v1  }
0x349: {  	v15 =	vld [tilespmem:s19+$0xFFFFFFE0];
	[tilespmem:v14+s12+$0x0] =	vst.idx.msk vm9, v7;
	v14 =	vsel vm7, $0x1, v1;
	v16 =	vsel vm2, $0x1, v1;
	(xrf0) =	vadd.scan.msk.s32 $0xffff, v13  }
0x34a: {  	v26 =	vmpcnt.ones.xlane vm2;
	v21, _, _ =	vpop (xrf0);
	v7 =	vld [tilespmem:s19+$0xFFFFFFD0];
	v17 =	vadd.s32 v17, v18;
	v22 =	vadd.s32 v11, v12;
	(xrf0) =	vadd.scan.msk.s32 $0xffff, v14  }
0x34b: {  	v18 =	vsel vm0, $0x1, v1;
	v13 =	vld [tilespmem:s19+$0x0];
	v19 =	vadd.s32 v22, v19;
	[tilespmem:v20+s12+$0x0] =	vst.idx.msk vm8, v23;
	v12, _, _ =	vpop (xrf0);
	(xrf0) =	vadd.scan.msk.s32 $0xffff, v16  }
0x34c: {  	v16 =	vsel vm5, $0xFFFFFFFF, v1;
	v23 =	vadd.s32 v19, v25;
	v20 =	vadd.s32 v12, v17;
	v12 =	vld [tilespmem:s19+$0xFFFFFFF0];
	(xrf0) =	vadd.scan.msk.s32 $0xffff, v18  }
0x34d: {  	s20 =	simm.s32 $0x8;
	s21 =	simm.s32 $0x8540;
	v14, _, _ =	vpop (xrf0);
	v17 =	vld [tilespmem:s19+$0xFFFFFFC0];
	v18 =	vadd.s32 v16, v24;
	v24 =	vsel vm3, $0xFFFFFFFF, v1;
	v16 =	vadd.s32 v23, v26;
	(xrf0) =	vadd.scan.msk.s32 $0xffff, v27  }
.LBB2_85:
0x34e: {  	v10 =	vadd.s32 v21, v10;
	vm11 =	vmmov vm4  }
0x34f: {  	v25 =	vld [tilespmem:s21+$0xFFFFFFC0];
	s20 =	sadd.s32 $0x8, s20;
	vm10 =	vmmov vm5;
	vm8 =	vmmov vm6;
	vm9 =	vmmov vm7  }
0x350: {  	v22 =	vadd.s32 v24, v22;
	v21 =	vld [tilespmem:s21+$0xFFFFFFE0];
	p0 =	slt.u32 s20, $0x1F8;
	v24 =	vsel vm9, $0xFFFFFFFF, v1;
	v26, _, _ =	vpop (xrf0)  }
0x351: {  	v27 =	vld [tilespmem:s21+$0x30];
	v22 =	vadd.s32 v26, v22;
	v19 =	vadd.s32 v24, v19;
	v24 =	vsel vm2, $0xFFFFFFFF, v1;
	v26, _, _ =	vpop (xrf0)  }
0x352: {  	v28 =	vld [tilespmem:s21+$0x20];
	[tilespmem:v20+s12+$0x0] =	vst.idx.msk vm1, v15;
	v15 =	vsel vm0, $0xFFFFFFFF, v1;
	v19 =	vadd.s32 v26, v19;
	v20 =	vadd.s32 v24, v23;
	v23, _, _ =	vpop (xrf0)  }
0x353: {  	v24 =	vld [tilespmem:s21+$0xFFFFFFD0];
	v11 =	vadd.s32 v15, v11;
	v15 =	vadd.s32 v23, v20;
	v20 =	vsel vm8, $0xFFFFFFFF, v1;
	v23, _, _ =	vpop (xrf0)  }
0x354: {  	v9 =	vadd.s32 v16, v9;
	vm4 =	veq.s32 v25, v6;
	v25 =	vld [tilespmem:s21+$0x0];
	v11 =	vadd.s32 v23, v11;
	v23, _, _ =	vpop (xrf0)  }
0x355: {  	v26 =	vmpcnt.ones.xlane vm4;
	vm1 =	veq.s32 v21, v6;
	v21 =	vld [tilespmem:s21+$0xFFFFFFF0];
	[tilespmem:v10+s12+$0x0] =	vst.idx.msk vm11, v17;
	v17 =	vadd.s32 v23, v18  }
0x356: {  	v10 =	vsel vm4, $0xFFFFFFFF, v1;
	v18 =	vsel vm4, $0x1, v1;
	v23 =	vmpcnt.ones.xlane vm1;
	v29 =	vld [tilespmem:s21+$0x10];
	[tilespmem:v22+s12+$0x0] =	vst.idx.msk vm3, v13  }
0x357: {  	v10 =	vadd.s32 v10, v9;
	v26 =	vadd.s32 v9, v26;
	v9 =	vsel vm1, $0x1, v1;
	(xrf0) =	vadd.scan.msk.s32 $0xffff, v18;
	v13 =	vld [tilespmem:s19+$0x20]  }
0x358: {  	v18 =	vsel vm1, $0xFFFFFFFF, v1;
	vm5 =	veq.s32 v24, v6;
	(xrf0) =	vadd.scan.msk.s32 $0xffff, v9;
	v22 =	vld [tilespmem:s19+$0x10];
	v9 =	vadd.s32 v20, v16  }
0x359: {  	vm6 =	veq.s32 v27, v6;
	v16 =	vmpcnt.ones.xlane vm5;
	[tilespmem:v11+s12+$0x0] =	vst.idx.msk vm0, v12;
	v12 =	vadd.s32 v14, v9  }
0x35a: {  	vm3 =	veq.s32 v25, v6;
	v9 =	vsel vm6, $0x1, v1;
	vm0 =	veq.s32 v21, v6;
	[tilespmem:v17+s12+$0x0] =	vst.idx.msk vm10, v7  }
0x35b: {  	v14 =	vadd.s32 v26, v16;
	v16 =	vmpcnt.ones.xlane vm3;
	vm7 =	veq.s32 v29, v6;
	(xrf0) =	vadd.scan.msk.s32 $0xffff, v9;
	v17 =	vld [tilespmem:s19+$0x30]  }
0x35c: {  	v9 =	vmpcnt.ones.xlane vm6;
	v11 =	vadd.s32 v14, v23;
	v23 =	vmpcnt.ones.xlane vm7;
	[tilespmem:v15+s12+$0x0] =	vst.idx.msk vm2, v13  }
0x35d: {  	v7 =	vsel vm3, $0x1, v1;
	s19 =	sadd.s32 $0x80, s19;
	v13 =	vmpcnt.ones.xlane vm0;
	vm2 =	veq.s32 v28, v6;
	v21, _, _ =	vpop (xrf0);
	[tilespmem:v19+s12+$0x0] =	vst.idx.msk vm9, v22  }
.Ltmp59:
0x35e: {  	v19 =	vsel vm7, $0x1, v1;
	v20 =	vsel vm2, $0x1, v1;
	v25 =	vmpcnt.ones.xlane vm2;
	v15 =	vld [tilespmem:s19+$0xFFFFFFE0];
	v24, _, _ =	vpop (xrf0);
	(xrf0) =	vadd.scan.msk.s32 $0xffff, v7;
	(pc) =	sbr.rel @p0 .LBB2_85-.Ltmp59, $4  }
0x35f: {  	v28 =	vadd.s32 v18, v14;
	v18 =	vsel vm0, $0x1, v1;
	v22 =	vadd.s32 v11, v13;
	v7 =	vld [tilespmem:s19+$0xFFFFFFD0];
	(xrf0) =	vadd.scan.msk.s32 $0xffff, v19  }
0x360: {  	v27 =	vsel vm5, $0x1, v1;
	v19 =	vadd.s32 v22, v16;
	v13 =	vld [tilespmem:s19+$0x0];
	(xrf0) =	vadd.scan.msk.s32 $0xffff, v20;
	[tilespmem:v12+s12+$0x0] =	vst.idx.msk vm8, v17  }
0x361: {  	v16 =	vsel vm5, $0xFFFFFFFF, v1;
	v20 =	vadd.s32 v24, v28;
	v23 =	vadd.s32 v19, v23;
	v12 =	vld [tilespmem:s19+$0xFFFFFFF0];
	(xrf0) =	vadd.scan.msk.s32 $0xffff, v18;
	v14, _, _ =	vpop (xrf0)  }
0x362: {  	s21 =	sadd.s32 $0x80, s21;
	v24 =	vsel vm3, $0xFFFFFFFF, v1;
	v18 =	vadd.s32 v16, v26;
	v16 =	vadd.s32 v23, v25;
	v17 =	vld [tilespmem:s19+$0xFFFFFFC0];
	(xrf0) =	vadd.scan.msk.s32 $0xffff, v27  }
0x363: {  	vm4 =	vmmov vm4;
	vm6 =	vmmov vm6  }
0x364: {  	v10 =	vadd.s32 v21, v10;
	v22 =	vadd.s32 v24, v22;
	v25, _, _ =	vpop (xrf0);
	v59 =	vsel vm6, $0xFFFFFFFF, v1  }
0x365: {  	v54 =	vsel vm2, $0xFFFFFFFF, v1;
	v53, _, _ =	vpop (xrf0);
	v22 =	vadd.s32 v25, v22;
	v61 =	vadd.s32 v59, v16  }
0x366: {  	v26 =	vsel vm0, $0xFFFFFFFF, v1;
	v63 =	vld [tilespmem:s19+$0x30];
	v23 =	vadd.s32 v54, v23;
	v27, _, _ =	vpop (xrf0);
	v62 =	vadd.s32 v14, v61  }
0x367: {  	vm7 =	vmmov vm7;
	v60 =	vld [tilespmem:s19+$0x20];
	v11 =	vadd.s32 v26, v11;
	v55, _, _ =	vpop (xrf0);
	v58 =	vadd.s32 v27, v23  }
0x368: {  	vm5 =	vmmov vm5;
	[tilespmem:v20+s12+$0x0] =	vst.idx.msk vm1, v15;
	v57 =	vsel vm7, $0xFFFFFFFF, v1;
	v11 =	vadd.s32 v55, v11;
	v56, _, _ =	vpop (xrf0)  }
0x369: {  	v19 =	vadd.s32 v57, v19;
	v18 =	vadd.s32 v56, v18;
	[tilespmem:v10+s12+$0x0] =	vst.idx.msk vm4, v17  }
0x36a: {  	v19 =	vadd.s32 v53, v19;
	v10 =	vld [tilespmem:s19+$0x10];
	[tilespmem:v22+s12+$0x0] =	vst.idx.msk vm3, v13  }
0x36b: {  	[tilespmem:v62+s12+$0x0] =	vst.idx.msk vm6, v63  }
0x36c: {  	[tilespmem:v58+s12+$0x0] =	vst.idx.msk vm2, v60  }
0x36d: {  	[tilespmem:v11+s12+$0x0] =	vst.idx.msk vm0, v12  }
0x36e: {  	[tilespmem:v18+s12+$0x0] =	vst.idx.msk vm5, v7  }
0x36f: {  	s19 =	simm.s32 $0x8120;
	[tilespmem:v19+s12+$0x0] =	vst.idx.msk vm7, v10  }
0x370: {  	[tilespmem:s19+$0xFFFFFFE0] =	vst v1  }
0x371: {  	[tilespmem:s19+$0x10] =	vst v1  }
0x372: {  	s20 =	simm.s32 $0x0;
	v10 =	vadd.s32 v16, v9;
	[tilespmem:s19+$0x0] =	vst v1  }
.LBB2_87:
0x373: {  	s20 =	sadd.s32 $0x4, s20  }
0x374: {  	[tilespmem:s19+$0xFFFFFFF0] =	vst v1;
	s19 =	sadd.s32 $0x40, s19;
	p0 =	slt.u32 s20, $0xC  }
.Ltmp60:
0x375: {  	[tilespmem:s19+$0xFFFFFFE0] =	vst v1;
	(pc) =	sbr.rel @p0 .LBB2_87-.Ltmp60, $3  }
0x376: {  	_ =	sdelay $0x1  }
0x377: {  	[tilespmem:s19+$0x10] =	vst v1  }
0x378: {  	[tilespmem:s19+$0x0] =	vst v1  }
0x379: {  	v7 =	vxor.u32 $0x80000000, v10  }
0x37a: {  	(xrf0) =	vmax.scan.msk.u32 $0xffff, v7;
	_ =	sdelay $0x5  }
0x37b: {  	v7, _, _ =	vpop (xrf0)  }
0x37c: {  	(v2sf) =	vpush v7, $0xF;
	_ =	sdelay $0xe  }
0x37d: {  	s30 =	spop (v2sf)  }
0x37e: {  	[tilespmem:s19+$0xFFFFFFF0] =	vst v1;
	s19 =	sadd.s32 $0x8000000F, s30  }
0x37f: {  	s20 =	sand.u32 $0xF, s19  }
0x380: {  	s31 =	sshra.s32 s19, $0x1F;
	p1 =	slt.s32 s19, $0x1;
	p0 =	sne.s32 s20, $0x0  }
0x381: {  	s20 =	sshrl.u32 s31, $0x1C;
	p0 =	por !p1, !p0  }
0x382: {  	s19 =	sadd.s32 s20, s19;
	s20 =	simm.s32 $0x1;
	p0 =	por !p0, !p0  }
0x383: {  	s19 =	sshra.s32 s19, $0x4;
	s20 =	simm.s32 @!p0 $0x0  }
0x384: {  	s19 =	ssub.s32 s19, s20  }
0x385: {  	p0 =	sgt.s32 s19, $0x0  }
.Ltmp61:
0x386: {  	_ = 	snop;
	(pc) =	sbr.rel @!p0 .LBB2_89-.Ltmp61, $3  }
0x387: {  	_ =	sdelay $0x1  }
0x388: {  	vm0 =	vlt.s32 v6, $0x80  }
0x389: {  	v7 =	vsel vm0, $0xFF, v1  }
0x38a: {  	s21 =	simm.s32 $0x4000  }
0x38b: {  	p3 =	seq.s32 s19, $0x1;
	v9 =	vld [tilespmem:s21+$0x0]  }
.Ltmp62:
0x38c: {  	_ = 	snop;
	(pc) =	sbr.rel @p3 .LBB2_96-.Ltmp62, $3  }
0x38d: {  	_ =	sdelay $0x1  }
0x38e: {  	s20 =	simm.s32 $0x0;
	s22 =	simm.s32 $0x4010;
	p0 =	por $0x0, $0x0  }
0x38f: {  	p1 =	por $0x0, $0x0;
	p2 =	por $0x0, $0x0;
	s21 =	sadd.s32 $0xFFFFFFFF, s19;
	v13 =	vshrl.u32 v9, $0x10  }
0x390: {  	v11 =	vld [tilespmem:s22+$0x0];
	p3 =	seq.s32 s21, $0x1  }
.Ltmp63:
0x391: {  	_ = 	snop;
	(pc) =	sbr.rel @p3 .LBB2_98-.Ltmp63, $4  }
0x392: {  	_ = 	snop  }
0x393: {  	v9 =	vand.u32 $0xFF, v13;
	v12 =	vor.u32 s20, v0  }
0x394: {  	s21 =	sadd.s32 $0xFFFFFFFF, s21;
	v9 =	vxor.u32 v7, v9;
	vm1 =	vlt.s32 v12, v10  }
0x395: {  	s22 =	simm.s32 $0x4020;
	s20 =	simm.s32 $0x10;
	p0 =	por $0x1, $0x1;
	(xrf1) =	vunique.msk.u32 vm1, v9;
	v13 =	vshrl.u32 v11, $0x10  }
0x396: {  	v11 =	vand.u32 $0xFF, v13;
	v13 =	vor.u32 s20, v0  }
0x397: {  	v11 =	vxor.u32 v7, v11;
	vm3 =	vlt.s32 v13, v10  }
0x398: {  	(xrf1) =	vunique.msk.u32 vm3, v11;
	_ =	sdelay $0x3  }
0x399: {  	v12 =	vld [tilespmem:s22+$0x0];
	p3 =	seq.s32 s21, $0x1  }
.Ltmp64:
0x39a: {  	_ = 	snop;
	(pc) =	sbr.rel @p3 .LBB2_100-.Ltmp64, $3  }
0x39b: {  	_ =	sdelay $0x1  }
0x39c: {  	s21 =	sadd.s32 $0xFFFFFFFF, s21  }
0x39d: {  	vm2 =	vmmov vm1;
	s22 =	simm.s32 $0x4030;
	s20 =	simm.s32 $0x20;
	p1 =	por $0x1, $0x1;
	v13 =	vshrl.u32 v12, $0x10  }
0x39e: {  	v12 =	vand.u32 $0xFF, v13;
	v13 =	vor.u32 s20, v0  }
0x39f: {  	v15 =	vxor.u32 v7, v12;
	vm1 =	vlt.s32 v13, v10  }
0x3a0: {  	(xrf1) =	vunique.msk.u32 vm1, v15;
	_ =	sdelay $0x2  }
0x3a1: {  	v14 =	vld [tilespmem:s22+$0x0];
	p3 =	seq.s32 s21, $0x1  }
.Ltmp65:
0x3a2: {  	_ = 	snop;
	(pc) =	sbr.rel @p3 .LBB2_102-.Ltmp65, $3  }
0x3a3: {  	_ =	sdelay $0x1  }
0x3a4: {  	s21 =	sadd.s32 $0xFFFFFFFF, s21;
	vm5 =	vmmov vm2;
	_, v12, vm6 =	vpop (xrf1)  }
0x3a5: {  	vm4 =	vmmov vm3;
	s22 =	simm.s32 $0x4040;
	s20 =	simm.s32 $0x30;
	p2 =	por $0x1, $0x1;
	v13 =	vshrl.u32 v14, $0x10;
	vm3 =	vmand vm5, vm6;
	v14 =	vmovc v9  }
.LBB2_103:
0x3a6: {  	v16 =	vld [tilespmem:s22+$0x0];
	p3 =	seq.s32 s21, $0x1;
	s21 =	sadd.s32 $0xFFFFFFFF, s21;
	v13 =	vand.u32 $0xFF, v13;
	v17 =	vor.u32 s20, v0;
	v18 =	vmovc v12;
	vm5 =	vmmov vm4  }
.Ltmp66:
0x3a7: {  	vm4 =	vmmov vm1;
	v19 =	vxor.u32 v7, v13;
	vm1 =	vlt.s32 v17, v10;
	(pc) =	sbr.rel @!p3 .LBB2_103-.Ltmp66, $3  }
0x3a8: {  	(xrf1) =	vunique.msk.u32 vm1, v19;
	_ =	sdelay $0x1  }
0x3a9: {  	_, v12, vm6 =	vpop (xrf1)  }
0x3aa: {  	s22 =	sadd.s32 $0x10, s22;
	s20 =	sadd.s32 $0x10, s20;
	v13 =	vshrl.u32 v16, $0x10;
	[tilespmem:v14+s10+$0x0] =	vst.idx.add.s32.msk vm3, v18;
	vm3 =	vmand vm5, vm6;
	v14 =	vmovc v11;
	v11 =	vmovc v15;
	v15 =	vmov v19  }
0x3ab: {  	v16 =	vmov v11;
	v11 =	vmov v15  }
.LBB2_105:
0x3ac: {  	v13 =	vand.u32 $0xFF, v13;
	v15 =	vor.u32 s20, v0  }
0x3ad: {  	v13 =	vxor.u32 v7, v13;
	vm5 =	vlt.s32 v15, v10  }
0x3ae: {  	(xrf1) =	vunique.msk.u32 vm5, v13;
	_ =	sdelay $0x9  }
0x3af: {  	vm4 =	vmmov @p1 vm4;
	vm1 =	vmmov @p0 vm1;
	_, v15, vm6 =	vpop @p1 (xrf1)  }
0x3b0: {  	vm2 =	vmmov @p0 vm1;
	vm4 =	vmand @p1 vm4, vm6  }
0x3b1: {  	vm2 =	vmmov @p0 vm2;
	vm1 =	vmmov @p1 vm4;
	_, v17, vm4 =	vpop @p0 (xrf1)  }
0x3b2: {  	v16 =	vpsel p1, v16, v0;
	vm5 =	vmmov vm5;
	vm2 =	vmand @p0 vm2, vm4  }
0x3b3: {  	v9 =	vpsel p0, v11, v9;
	vm14 =	vmmov vm5;
	vm2 =	vmmov @p0 vm2;
	_, v11, vm15 =	vpop (xrf1)  }
0x3b4: {  	v9 =	vpsel p0, v9, v0;
	v15 =	vpsel p1, v15, v0;
	vm4 =	vmand vm14, vm15  }
0x3b5: {  	[tilespmem:v14+s10+$0x0] =	vst.idx.add.s32.msk @p2 vm3, v12;
	v12 =	vmov @p1 v15;
	_ =	sdelay $0x1  }
0x3b6: {  	v14 =	vpsel p0, v17, v0  }
0x3b7: {  	[tilespmem:v16+s10+$0x0] =	vst.idx.add.s32.msk @p1 vm1, v12;
	v12 =	vmov @p0 v14  }
0x3b8: {  	[tilespmem:v9+s10+$0x0] =	vst.idx.add.s32.msk @p0 vm2, v12  }
0x3b9: {  	[tilespmem:v13+s10+$0x0] =	vst.idx.add.s32.msk vm4, v11  }
.LBB2_89:
0x3ba: {  	s20 =	simm.s32 $0xF0  }
0x3bb: {  	v9 =	vld [tilespmem:s20+$0x8100];
	_ =	sdelay $0x4  }
0x3bc: {  	v9 =	vperm.xlane v9, v2  }
0x3bd: {  	s21 =	simm.s32 $0xE0  }
0x3be: {  	(xrf0) =	vadd.scan.msk.s32 $0xffff, v9;
	v9 =	vld [tilespmem:s21+$0x8100];
	_ =	sdelay $0x4  }
0x3bf: {  	s22 =	simm.s32 $0xD0;
	v14 =	vperm.xlane v9, v2  }
0x3c0: {  	v9 =	vld [tilespmem:s22+$0x8100]  }
0x3c1: {  	v13, _, _ =	vpop (xrf0);
	(xrf0) =	vadd.scan.msk.s32 $0xffff, v14  }
0x3c2: {  	v13 =	vperm.xlane v13, v2  }
0x3c3: {  	v11 =	vimm.s32 $0x0  }
0x3c4: {  	v12 =	vsub.s32 $0x200, v8;
	v8 =	vsel vm0, $0xFFFF, v1;
	s23 =	simm.s32 $0x300;
	v11 =	vadd.s32 v11, v13  }
.LBB2_90:
0x3c5: {  	s24 =	sshra.s32 s23, $0x2;
	p0 =	sne.s32 s23, $0x0;
	s23 =	sadd.s32 $0xFFFFFFC0, s23;
	v14 =	vperm.xlane v9, v2;
	[tilespmem:s20+$0x8200] =	vst v11;
	v11 =	vbroadcast v11, $0x0  }
.Ltmp67:
0x3c6: {  	s20 =	smov.u32 s21;
	s21 =	smov.u32 s22;
	v9 =	vld [tilespmem:s24+$0x8100];
	(pc) =	sbr.rel @p0 .LBB2_90-.Ltmp67, $3  }
0x3c7: {  	s22 =	smov.u32 s24;
	(xrf0) =	vadd.scan.msk.s32 $0xffff, v14;
	v13, _, _ =	vpop (xrf0)  }
0x3c8: {  	v13 =	vperm.xlane v13, v2;
	_ =	sdelay $0x1  }
0x3c9: {  	v11 =	vadd.s32 v11, v13  }
0x3ca: {  	v9 =	vperm.xlane v9, v2;
	_ =	sdelay $0x1  }
0x3cb: {  	(xrf0) =	vadd.scan.msk.s32 $0xffff, v9;
	_ =	sdelay $0x1  }
0x3cc: {  	v13 =	vbroadcast v11, $0x0  }
0x3cd: {  	v9, _, _ =	vpop (xrf0)  }
0x3ce: {  	v9 =	vperm.xlane v9, v2;
	_ =	sdelay $0x1  }
0x3cf: {  	v9 =	vadd.s32 v13, v9;
	v13, _, _ =	vpop (xrf0)  }
0x3d0: {  	v14 =	vbroadcast v9, $0x0;
	v13 =	vperm.xlane v13, v2  }
0x3d1: {  	[tilespmem:s20+$0x8200] =	vst v11  }
0x3d2: {  	[tilespmem:s21+$0x8200] =	vst v9;
	v9 =	vadd.s32 v14, v13  }
0x3d3: {  	[tilespmem:s22+$0x8200] =	vst v9  }
0x3d4: {  	v9 =	vld [tilespmem:$0x8200]  }
0x3d5: {  	v11 =	vld [tilespmem:$0x8210]  }
0x3d6: {  	v13 =	vld [tilespmem:$0x8220]  }
0x3d7: {  	v14 =	vld [tilespmem:$0x8230]  }
0x3d8: {  	v15 =	vld [tilespmem:$0x8240]  }
0x3d9: {  	v16 =	vld [tilespmem:$0x8250]  }
0x3da: {  	vm1 =	vge.s32 v9, v12;
	vm2 =	vge.s32 v11, v12;
	v9 =	vld [tilespmem:$0x8260]  }
0x3db: {  	v11 =	vmpcnt.ones.xlane vm1;
	v17 =	vmpcnt.ones.xlane vm2;
	vm1 =	vge.s32 v13, v12;
	v13 =	vld [tilespmem:$0x8270]  }
0x3dc: {  	v18 =	vmpcnt.ones.xlane vm1;
	vm1 =	vge.s32 v14, v12;
	v14 =	vld [tilespmem:$0x8280]  }
0x3dd: {  	v11 =	vadd.s32 v17, v11;
	v54 =	vmpcnt.ones.xlane vm1;
	vm1 =	vge.s32 v15, v12;
	v15 =	vld [tilespmem:$0x8290]  }
0x3de: {  	v56 =	vld [tilespmem:$0x82A0];
	v11 =	vadd.s32 v18, v11;
	v55 =	vmpcnt.ones.xlane vm1;
	vm1 =	vge.s32 v16, v12  }
0x3df: {  	v11 =	vadd.s32 v54, v11;
	v57 =	vmpcnt.ones.xlane vm1;
	vm1 =	vge.s32 v9, v12;
	v9 =	vld [tilespmem:$0x82B0]  }
0x3e0: {  	v11 =	vadd.s32 v11, v55;
	v58 =	vmpcnt.ones.xlane vm1;
	vm1 =	vge.s32 v13, v12;
	v13 =	vld [tilespmem:$0x82C0]  }
0x3e1: {  	v11 =	vadd.s32 v57, v11;
	v59 =	vmpcnt.ones.xlane vm1;
	vm1 =	vge.s32 v14, v12;
	v14 =	vld [tilespmem:$0x82D0]  }
0x3e2: {  	v11 =	vadd.s32 v58, v11;
	v60 =	vmpcnt.ones.xlane vm1;
	vm1 =	vge.s32 v15, v12;
	v15 =	vld [tilespmem:$0x82E0]  }
0x3e3: {  	v62 =	vld [tilespmem:$0x82F0];
	v11 =	vadd.s32 v59, v11;
	v61 =	vmpcnt.ones.xlane vm1;
	vm1 =	vge.s32 v56, v12  }
0x3e4: {  	v11 =	vadd.s32 v11, v60;
	v63 =	vmpcnt.ones.xlane vm1;
	vm1 =	vge.s32 v9, v12  }
0x3e5: {  	v9 =	vadd.s32 v61, v11;
	v11 =	vmpcnt.ones.xlane vm1;
	vm1 =	vge.s32 v13, v12  }
0x3e6: {  	v9 =	vadd.s32 v63, v9;
	v13 =	vmpcnt.ones.xlane vm1;
	vm1 =	vge.s32 v14, v12  }
0x3e7: {  	v9 =	vadd.s32 v11, v9;
	v11 =	vmpcnt.ones.xlane vm1;
	vm1 =	vge.s32 v15, v12  }
0x3e8: {  	v9 =	vadd.s32 v9, v13;
	v13 =	vmpcnt.ones.xlane vm1;
	vm1 =	vge.s32 v62, v12  }
0x3e9: {  	v9 =	vadd.s32 v11, v9;
	v11 =	vmpcnt.ones.xlane vm1  }
0x3ea: {  	v9 =	vadd.s32 v13, v9  }
0x3eb: {  	p0 =	slt.s32 s19, $0x1;
	v11 =	vadd.s32 v11, v9  }
.Ltmp68:
0x3ec: {  	_ = 	snop;
	(pc) =	sbr.rel @p0 .LBB2_92-.Ltmp68, $2  }
0x3ed: {  	_ =	sdelay $0x2  }
0x3ee: {  	v9 =	vadd.s32 $0xFFFFFFFF, v11;
	v13 =	vld.idx.msk [tilespmem:v11+s11+$0x0], $0xffff  }
0x3ef: {  	p3 =	seq.s32 s19, $0x1  }
.Ltmp69:
0x3f0: {  	_ = 	snop;
	(pc) =	sbr.rel @p3 .LBB2_107-.Ltmp69, $3  }
0x3f1: {  	_ =	sdelay $0x1  }
0x3f2: {  	s21 =	simm.s32 $0x4000;
	s20 =	simm.s32 $0x0;
	s19 =	sadd.s32 $0xFFFFFFFF, s19  }
0x3f3: {  	v18 =	vimm.s32 $0x0;
	p0 =	por $0x0, $0x0;
	p1 =	por $0x0, $0x0;
	p2 =	por $0x0, $0x0;
	v11 =	vld [tilespmem:s21+$0x0]  }
0x3f4: {  	_ =	sdelay $0x3  }
0x3f5: {  	v14 =	vshrl.u32 v11, $0x10  }
0x3f6: {  	p3 =	seq.s32 s19, $0x1;
	s22 =	simm.s32 $0x4010;
	v14 =	vand.u32 $0xFF, v14  }
.Ltmp70:
0x3f7: {  	v15 =	vxor.u32 v7, v14;
	v14 =	vld [tilespmem:s22+$0x0];
	(pc) =	sbr.rel @p3 .LBB2_109-.Ltmp70, $3  }
0x3f8: {  	_ =	sdelay $0x1  }
0x3f9: {  	v16 =	vor.u32 s20, v0  }
0x3fa: {  	s21 =	sadd.s32 $0xFFFFFFFF, s19;
	p0 =	por $0x1, $0x1;
	vm5 =	vlt.s32 v16, v10;
	vm4 =	veq.s32 v15, v9  }
0x3fb: {  	p3 =	seq.s32 s21, $0x1;
	s23 =	simm.s32 $0x4020  }
.Ltmp71:
0x3fc: {  	v25 =	vld [tilespmem:s23+$0x0];
	(pc) =	sbr.rel @p3 .LBB2_111-.Ltmp71, $4  }
0x3fd: {  	vm2 =	vmand vm5, vm4;
	v16 =	vshrl.u32 v14, $0x10  }
0x3fe: {  	s19 =	simm.s32 $0x10;
	v15 =	vsel vm2, $0xFFFFFFFF, v1;
	v17 =	vmpcnt.ones.xlane vm2;
	v16 =	vand.u32 $0xFF, v16  }
0x3ff: {  	v19 =	vsel vm2, $0x1, v1;
	v20 =	vor.u32 s19, v0;
	v16 =	vxor.u32 v7, v16  }
0x400: {  	s22 =	sadd.s32 $0xFFFFFFFF, s21;
	p1 =	por $0x1, $0x1;
	(xrf0) =	vadd.scan.msk.s32 $0xffff, v19;
	vm5 =	vlt.s32 v20, v10;
	v21 =	vadd.s32 v18, v17;
	vm4 =	veq.s32 v16, v9  }
0x401: {  	_ =	sdelay $0x3  }
0x402: {  	vm3 =	vmand vm5, vm4;
	vm1 =	vmmov vm2  }
0x403: {  	v17 =	vshrl.u32 v25, $0x10;
	v18 =	vadd.s32 v15, v18;
	p3 =	seq.s32 s22, $0x1;
	v16 =	vsel vm3, $0x1, v1;
	v20, _, _ =	vpop (xrf0)  }
.Ltmp72:
0x404: {  	s19 =	simm.s32 $0x20;
	v23 =	vand.u32 $0xFF, v17;
	(xrf0) =	vadd.scan.msk.s32 $0xffff, v16;
	v17 =	vadd.s32 v20, v18;
	(pc) =	sbr.rel @p3 .LBB2_113-.Ltmp72, $4  }
0x405: {  	v24 =	vor.u32 s19, v0  }
0x406: {  	s21 =	simm.s32 $0x4030;
	v22 =	vmpcnt.ones.xlane vm3  }
0x407: {  	v23 =	vxor.u32 v7, v23;
	vm5 =	vlt.s32 v24, v10;
	v18 =	vld [tilespmem:s21+$0x0]  }
0x408: {  	s22 =	sadd.s32 $0xFFFFFFFF, s22;
	p2 =	por $0x1, $0x1;
	v19 =	vsel vm3, $0xFFFFFFFF, v1;
	vm4 =	veq.s32 v23, v9;
	v24 =	vmovc v21;
	v16 =	vmovc v11;
	v20 =	vadd.s32 v21, v22  }
.LBB2_114:
0x409: {  	p3 =	seq.s32 s22, $0x1;
	s22 =	sadd.s32 $0xFFFFFFFF, s22;
	[tilespmem:v17+s13+$0x0] =	vst.idx.msk vm1, v16;
	v16 =	vmovc v14;
	v14 =	vmov v25;
	vm1 =	vmmov vm3;
	vm3 =	vmand vm5, vm4  }
0x40a: {  	v22 =	vadd.s32 v19, v24;
	v17 =	vsel vm3, $0x1, v1;
	v19 =	vsel vm3, $0xFFFFFFFF, v1;
	v23, _, _ =	vpop (xrf0)  }
.Ltmp73:
0x40b: {  	v24 =	vmovc v20;
	v26 =	vmpcnt.ones.xlane vm3;
	(xrf0) =	vadd.scan.msk.s32 $0xffff, v17;
	v17 =	vadd.s32 v23, v22;
	(pc) =	sbr.rel @!p3 .LBB2_114-.Ltmp73, $4  }
0x40c: {  	v22 =	vshrl.u32 v18, $0x10;
	v25 =	vmov v18  }
0x40d: {  	s21 =	sadd.s32 $0x10, s21;
	s19 =	sadd.s32 $0x10, s19;
	v20 =	vadd.s32 v20, v26;
	v22 =	vand.u32 $0xFF, v22  }
0x40e: {  	v23 =	vor.u32 s19, v0;
	v18 =	vld [tilespmem:s21+$0x0];
	v22 =	vxor.u32 v7, v22  }
0x40f: {  	vm5 =	vlt.s32 v23, v10;
	vm4 =	veq.s32 v22, v9  }
0x410: {  	_ =	sdelay $0x2  }
0x411: {  	v23 =	vmovc v14;
	v22 =	vmovc v25;
	v25 =	vimm.s32 $0x0;
	v14 =	vmov v18;
	v18 =	vmov v21  }
.LBB2_116:
0x412: {  	v21 =	vshrl.u32 v14, $0x10;
	s19 =	sadd.s32 @p0 $0x10, s19  }
0x413: {  	v21 =	vand.u32 $0xFF, v21;
	s20 =	smov.u32 @p0 s19  }
0x414: {  	vm5 =	vmand @p0 vm5, vm4;
	v21 =	vxor.u32 v7, v21;
	v26 =	vor.u32 s20, v0  }
0x415: {  	vm14 =	vlt.s32 v26, v10;
	v10 =	vsel @p0 vm5, $0x1, v1;
	vm6 =	veq.s32 v21, v9  }
0x416: {  	vm4 =	vmand vm14, vm6;
	(xrf0) =	vadd.scan.msk.s32 @p0 $0xffff, v10  }
0x417: {  	v10 =	vsel vm4, $0x1, v1  }
0x418: {  	v19 =	vadd.s32 @p1 v19, v24;
	vm3 =	vmmov @p1 vm3;
	vm2 =	vmmov @p0 vm5;
	v21, _, _ =	vpop @p1 (xrf0);
	(xrf0) =	vadd.scan.msk.s32 $0xffff, v10  }
0x419: {  	v10 =	vmpcnt.ones.xlane @p0 vm5;
	v19 =	vadd.s32 @p1 v21, v19;
	v21 =	vsel @p0 vm5, $0xFFFFFFFF, v1  }
0x41a: {  	vm3 =	vmmov @p1 vm3;
	vm2 =	vmmov @p0 vm2  }
0x41b: {  	v15 =	vpsel p0, v21, v15;
	v10 =	vadd.s32 @p0 v20, v10;
	v20 =	vpsel p0, v20, v25  }
0x41c: {  	vm2 =	vmmov @p0 vm2;
	v61 =	vsel vm4, $0xFFFFFFFF, v1;
	v15 =	vadd.s32 @p0 v15, v20;
	v21, _, _ =	vpop @p0 (xrf0)  }
0x41d: {  	v19 =	vpsel p1, v19, v0;
	v10 =	vpsel p0, v10, v18;
	v15 =	vadd.s32 @p0 v21, v15  }
0x41e: {  	v18 =	vadd.s32 v61, v10;
	v15 =	vpsel p0, v15, v0;
	v62, _, _ =	vpop (xrf0)  }
0x41f: {  	v18 =	vadd.s32 v62, v18  }
.Ltmp74:
0x420: {  	v21 =	vmov @p0 v22;
	v20 =	vmov @p1 v23;
	(pc) =	sbr.rel .LBB2_93-.Ltmp74, $4  }
0x421: {  	[tilespmem:v17+s13+$0x0] =	vst.idx.msk @p2 vm1, v16;
	v11 =	vpsel p0, v21, v11;
	v16 =	vpsel p1, v20, v0  }
0x422: {  	v63 =	vmpcnt.ones.xlane vm4;
	[tilespmem:v19+s13+$0x0] =	vst.idx.msk @p1 vm3, v16;
	v11 =	vpsel p0, v11, v0  }
0x423: {  	[tilespmem:v15+s13+$0x0] =	vst.idx.msk @p0 vm2, v11  }
0x424: {  	vm15 =	vmmov vm4;
	v11 =	vadd.s32 v10, v63;
	[tilespmem:v18+s13+$0x0] =	vst.idx.msk vm4, v14  }
.LBB2_92:
0x425: {  	v11 =	vimm.s32 $0x0  }
.LBB2_93:
0x426: {  	v10 =	vxor.u32 $0x80000000, v11  }
0x427: {  	(xrf0) =	vmax.scan.msk.u32 $0xffff, v10;
	_ =	sdelay $0x5  }
0x428: {  	v10, _, _ =	vpop (xrf0)  }
0x429: {  	(v2sf) =	vpush v10, $0xF;
	_ =	sdelay $0xe  }
0x42a: {  	s19 =	spop (v2sf)  }
0x42b: {  	p0 =	slt.u32 s19, $0x80000011  }
.Ltmp75:
0x42c: {  	_ = 	snop;
	(pc) =	sbr.rel @!p0 .LBB2_117-.Ltmp75, $2  }
0x42d: {  	_ =	sdelay $0x2  }
0x42e: {  	v10 =	vsub.s32 v12, v13  }
0x42f: {  	v12 =	vld [tilespmem:$0x6080];
	_ =	sdelay $0x4  }
0x430: {  	v12 =	vand.u32 $0xFFFF, v12  }
0x431: {  	vm1 =	vgt.s32 v11, v0;
	v12 =	vxor.u32 v8, v12  }
0x432: {  	v11 =	vnsel vm1, $0xFFFFFFFF, v12  }
0x433: {  	v12 =	vxor.u32 $0x80000000, v11  }
0x434: {  	(xrf1) =	vsort.dscd.msk.u32 $0xffff, v12, v11;
	_ =	sdelay $0xb  }
0x435: {  	v10 =	vadd.s32 $0xFFFFFFFF, v10  }
.Ltmp76:
0x436: {  	_ = 	snop;
	(pc) =	sbr.rel .LBB2_153-.Ltmp76, $4  }
0x437: {  	v11, _, _ =	vpop (xrf1)  }
0x438: {  	v11 =	vxor.u32 $0x80000000, v11  }
0x439: {  	[tilespmem:$0x8380] =	vst v11  }
0x43a: {  	v10 =	vld.idx.msk [tilespmem:v10+s14+$0x0], $0xffff  }
.LBB2_117:
0x43b: {  	s19 =	sadd.s32 $0x8000000F, s19  }
0x43c: {  	s20 =	sand.u32 $0xF, s19  }
0x43d: {  	s21 =	sshra.s32 s19, $0x1F;
	p0 =	slt.s32 s19, $0x0;
	p1 =	sne.s32 s20, $0x0  }
0x43e: {  	s31 =	sshrl.u32 s21, $0x1C;
	p0 =	por !p0, !p1  }
0x43f: {  	s20 =	simm.s32 $0x1;
	s19 =	sadd.s32 s31, s19;
	p0 =	por !p0, !p0  }
0x440: {  	s19 =	sshra.s32 s19, $0x4;
	s20 =	simm.s32 @!p0 $0x0  }
0x441: {  	s19 =	ssub.s32 s19, s20  }
0x442: {  	p0 =	slt.s32 s19, $0x1  }
.Ltmp77:
0x443: {  	_ = 	snop;
	(pc) =	sbr.rel @p0 .LBB2_151-.Ltmp77, $1  }
0x444: {  	_ =	sdelay $0x3  }
0x445: {  	s21 =	simm.s32 $0x6080  }
0x446: {  	p0 =	sne.s32 s19, $0x1;
	v13 =	vld [tilespmem:s21+$0x0]  }
.Ltmp78:
0x447: {  	_ = 	snop;
	(pc) =	sbr.rel @!p0 .LBB2_120-.Ltmp78, $3  }
0x448: {  	_ =	sdelay $0x1  }
0x449: {  	s20 =	simm.s32 $0x0  }
0x44a: {  	v12 =	vimm.s32 $0x0;
	s22 =	sadd.s32 $0xFFFFFFFF, s19;
	s24 =	simm.s32 $0x6090;
	s23 =	simm.s32 $0x0;
	v14 =	vand.u32 $0x8000, v13;
	v13 =	vimm.s32 $0x0  }
.LBB2_119:
0x44b: {  	v15 =	vld [tilespmem:s24+$0x0];
	p1 =	sne.s32 s22, $0x1;
	s22 =	sadd.s32 $0xFFFFFFFF, s22;
	v14 =	vxor.u32 v8, v14;
	v16 =	vor.u32 s23, v0  }
.Ltmp79:
0x44c: {  	vm1 =	vgt.u32 v14, $0x7FFF;
	vm2 =	vlt.s32 v16, v11;
	(pc) =	sbr.rel @p1 .LBB2_119-.Ltmp79, $3  }
0x44d: {  	vm1 =	vmand vm2, vm1  }
0x44e: {  	v16 =	vmpcnt.ones.xlane vm1;
	_ =	sdelay $0x1  }
0x44f: {  	s24 =	sadd.s32 $0x10, s24;
	s23 =	sadd.s32 $0x10, s23;
	v14 =	vand.u32 $0x8000, v15;
	v13 =	vadd.s32 v13, v16  }
.LBB2_120:
0x450: {  	v14 =	vxor.u32 v8, v14;
	v15 =	vor.u32 s23, v0  }
0x451: {  	vm1 =	vgt.u32 v14, $0x7FFF;
	vm2 =	vlt.s32 v15, v11  }
0x452: {  	vm1 =	vmand vm2, vm1  }
0x453: {  	v15 =	vld [tilespmem:s21+$0x0];
	v14 =	vmpcnt.ones.xlane vm1  }
.Ltmp80:
0x454: {  	_ = 	snop;
	(pc) =	sbr.rel @!p0 .LBB2_122-.Ltmp80, $4  }
0x455: {  	v13 =	vadd.s32 v13, v14  }
0x456: {  	vm1 =	vlt.s32 v13, v10  }
0x457: {  	v13 =	vsel vm1, $0x0, v4  }
0x458: {  	s22 =	simm.s32 $0x6090;
	s21 =	sadd.s32 $0xFFFFFFFF, s19;
	v15 =	vand.u32 $0xFFFF, v15;
	v14 =	vor.u32 $0x4000, v13  }
.LBB2_121:
0x459: {  	v16 =	vld [tilespmem:s22+$0x0];
	p1 =	sne.s32 s21, $0x1;
	s21 =	sadd.s32 $0xFFFFFFFF, s21;
	v15 =	vxor.u32 v8, v15;
	v17 =	vor.u32 s20, v0  }
.Ltmp81:
0x45a: {  	vm1 =	vge.u32 v15, v14;
	vm2 =	vlt.s32 v17, v11;
	(pc) =	sbr.rel @p1 .LBB2_121-.Ltmp81, $3  }
0x45b: {  	vm1 =	vmand vm2, vm1  }
0x45c: {  	v17 =	vmpcnt.ones.xlane vm1;
	_ =	sdelay $0x1  }
0x45d: {  	s22 =	sadd.s32 $0x10, s22;
	s20 =	sadd.s32 $0x10, s20;
	v15 =	vand.u32 $0xFFFF, v16;
	v12 =	vadd.s32 v12, v17  }
.LBB2_122:
0x45e: {  	v15 =	vxor.u32 v8, v15;
	v16 =	vor.u32 s20, v0  }
0x45f: {  	vm1 =	vge.u32 v15, v14;
	vm2 =	vlt.s32 v16, v11  }
0x460: {  	s21 =	simm.s32 $0x6080;
	vm1 =	vmand vm2, vm1  }
0x461: {  	v16 =	vld [tilespmem:s21+$0x0];
	v15 =	vmpcnt.ones.xlane vm1  }
.Ltmp82:
0x462: {  	_ = 	snop;
	(pc) =	sbr.rel @!p0 .LBB2_124-.Ltmp82, $4  }
0x463: {  	v12 =	vadd.s32 v12, v15  }
0x464: {  	vm1 =	vlt.s32 v12, v10  }
0x465: {  	s20 =	simm.s32 $0x0;
	v15 =	vimm.s32 $0x0;
	v13 =	vsel vm1, v13, v14  }
0x466: {  	s22 =	sadd.s32 $0xFFFFFFFF, s19;
	s24 =	simm.s32 $0x6090;
	s23 =	simm.s32 $0x0;
	v12 =	vimm.s32 $0x0;
	v16 =	vand.u32 $0xFFFF, v16;
	v14 =	vor.u32 $0x2000, v13  }
.LBB2_123:
0x467: {  	v17 =	vld [tilespmem:s24+$0x0];
	p1 =	sne.s32 s22, $0x1;
	s22 =	sadd.s32 $0xFFFFFFFF, s22;
	v16 =	vxor.u32 v8, v16;
	v18 =	vor.u32 s23, v0  }
.Ltmp83:
0x468: {  	vm1 =	vge.u32 v16, v14;
	vm2 =	vlt.s32 v18, v11;
	(pc) =	sbr.rel @p1 .LBB2_123-.Ltmp83, $3  }
0x469: {  	vm1 =	vmand vm2, vm1  }
0x46a: {  	v18 =	vmpcnt.ones.xlane vm1;
	_ =	sdelay $0x1  }
0x46b: {  	s24 =	sadd.s32 $0x10, s24;
	s23 =	sadd.s32 $0x10, s23;
	v16 =	vand.u32 $0xFFFF, v17;
	v15 =	vadd.s32 v15, v18  }
.LBB2_124:
0x46c: {  	v16 =	vxor.u32 v8, v16;
	v17 =	vor.u32 s23, v0  }
0x46d: {  	vm1 =	vge.u32 v16, v14;
	vm2 =	vlt.s32 v17, v11  }
0x46e: {  	vm1 =	vmand vm2, vm1  }
0x46f: {  	v17 =	vld [tilespmem:s21+$0x0];
	v16 =	vmpcnt.ones.xlane vm1  }
.Ltmp84:
0x470: {  	_ = 	snop;
	(pc) =	sbr.rel @!p0 .LBB2_126-.Ltmp84, $4  }
0x471: {  	v15 =	vadd.s32 v15, v16  }
0x472: {  	vm1 =	vlt.s32 v15, v10  }
0x473: {  	v13 =	vsel vm1, v13, v14  }
0x474: {  	s22 =	simm.s32 $0x6090;
	s21 =	sadd.s32 $0xFFFFFFFF, s19;
	v15 =	vand.u32 $0xFFFF, v17;
	v14 =	vor.u32 $0x1000, v13  }
.LBB2_125:
0x475: {  	v16 =	vld [tilespmem:s22+$0x0];
	p1 =	sne.s32 s21, $0x1;
	s21 =	sadd.s32 $0xFFFFFFFF, s21;
	v15 =	vxor.u32 v8, v15;
	v17 =	vor.u32 s20, v0  }
.Ltmp85:
0x476: {  	vm1 =	vge.u32 v15, v14;
	vm2 =	vlt.s32 v17, v11;
	(pc) =	sbr.rel @p1 .LBB2_125-.Ltmp85, $3  }
0x477: {  	vm1 =	vmand vm2, vm1  }
0x478: {  	v17 =	vmpcnt.ones.xlane vm1;
	_ =	sdelay $0x1  }
0x479: {  	s22 =	sadd.s32 $0x10, s22;
	s20 =	sadd.s32 $0x10, s20;
	v15 =	vand.u32 $0xFFFF, v16;
	v12 =	vadd.s32 v12, v17  }
.LBB2_126:
0x47a: {  	v15 =	vxor.u32 v8, v15;
	v16 =	vor.u32 s20, v0  }
0x47b: {  	vm1 =	vge.u32 v15, v14;
	vm2 =	vlt.s32 v16, v11  }
0x47c: {  	s21 =	simm.s32 $0x6080;
	vm1 =	vmand vm2, vm1  }
0x47d: {  	v16 =	vld [tilespmem:s21+$0x0];
	v15 =	vmpcnt.ones.xlane vm1  }
.Ltmp86:
0x47e: {  	_ = 	snop;
	(pc) =	sbr.rel @!p0 .LBB2_128-.Ltmp86, $4  }
0x47f: {  	v12 =	vadd.s32 v12, v15  }
0x480: {  	vm1 =	vlt.s32 v12, v10  }
0x481: {  	s20 =	simm.s32 $0x0;
	v15 =	vimm.s32 $0x0;
	v13 =	vsel vm1, v13, v14  }
0x482: {  	s22 =	sadd.s32 $0xFFFFFFFF, s19;
	s24 =	simm.s32 $0x6090;
	s23 =	simm.s32 $0x0;
	v12 =	vimm.s32 $0x0;
	v16 =	vand.u32 $0xFFFF, v16;
	v14 =	vor.u32 $0x800, v13  }
.LBB2_127:
0x483: {  	v17 =	vld [tilespmem:s24+$0x0];
	p1 =	sne.s32 s22, $0x1;
	s22 =	sadd.s32 $0xFFFFFFFF, s22;
	v16 =	vxor.u32 v8, v16;
	v18 =	vor.u32 s23, v0  }
.Ltmp87:
0x484: {  	vm1 =	vge.u32 v16, v14;
	vm2 =	vlt.s32 v18, v11;
	(pc) =	sbr.rel @p1 .LBB2_127-.Ltmp87, $3  }
0x485: {  	vm1 =	vmand vm2, vm1  }
0x486: {  	v18 =	vmpcnt.ones.xlane vm1;
	_ =	sdelay $0x1  }
0x487: {  	s24 =	sadd.s32 $0x10, s24;
	s23 =	sadd.s32 $0x10, s23;
	v16 =	vand.u32 $0xFFFF, v17;
	v15 =	vadd.s32 v15, v18  }
.LBB2_128:
0x488: {  	v16 =	vxor.u32 v8, v16;
	v17 =	vor.u32 s23, v0  }
0x489: {  	vm1 =	vge.u32 v16, v14;
	vm2 =	vlt.s32 v17, v11  }
0x48a: {  	vm1 =	vmand vm2, vm1  }
0x48b: {  	v17 =	vld [tilespmem:s21+$0x0];
	v16 =	vmpcnt.ones.xlane vm1  }
.Ltmp88:
0x48c: {  	_ = 	snop;
	(pc) =	sbr.rel @!p0 .LBB2_130-.Ltmp88, $4  }
0x48d: {  	v15 =	vadd.s32 v15, v16  }
0x48e: {  	vm1 =	vlt.s32 v15, v10  }
0x48f: {  	v13 =	vsel vm1, v13, v14  }
0x490: {  	s22 =	simm.s32 $0x6090;
	s21 =	sadd.s32 $0xFFFFFFFF, s19;
	v15 =	vand.u32 $0xFFFF, v17;
	v14 =	vor.u32 $0x400, v13  }
.LBB2_129:
0x491: {  	v16 =	vld [tilespmem:s22+$0x0];
	p1 =	sne.s32 s21, $0x1;
	s21 =	sadd.s32 $0xFFFFFFFF, s21;
	v15 =	vxor.u32 v8, v15;
	v17 =	vor.u32 s20, v0  }
.Ltmp89:
0x492: {  	vm1 =	vge.u32 v15, v14;
	vm2 =	vlt.s32 v17, v11;
	(pc) =	sbr.rel @p1 .LBB2_129-.Ltmp89, $3  }
0x493: {  	vm1 =	vmand vm2, vm1  }
0x494: {  	v17 =	vmpcnt.ones.xlane vm1;
	_ =	sdelay $0x1  }
0x495: {  	s22 =	sadd.s32 $0x10, s22;
	s20 =	sadd.s32 $0x10, s20;
	v15 =	vand.u32 $0xFFFF, v16;
	v12 =	vadd.s32 v12, v17  }
.LBB2_130:
0x496: {  	v15 =	vxor.u32 v8, v15;
	v16 =	vor.u32 s20, v0  }
0x497: {  	vm1 =	vge.u32 v15, v14;
	vm2 =	vlt.s32 v16, v11  }
0x498: {  	s21 =	simm.s32 $0x6080;
	vm1 =	vmand vm2, vm1  }
0x499: {  	v16 =	vld [tilespmem:s21+$0x0];
	v15 =	vmpcnt.ones.xlane vm1  }
.Ltmp90:
0x49a: {  	_ = 	snop;
	(pc) =	sbr.rel @!p0 .LBB2_132-.Ltmp90, $4  }
0x49b: {  	v12 =	vadd.s32 v12, v15  }
0x49c: {  	vm1 =	vlt.s32 v12, v10  }
0x49d: {  	s20 =	simm.s32 $0x0;
	v15 =	vimm.s32 $0x0;
	v13 =	vsel vm1, v13, v14  }
0x49e: {  	s22 =	sadd.s32 $0xFFFFFFFF, s19;
	s24 =	simm.s32 $0x6090;
	s23 =	simm.s32 $0x0;
	v12 =	vimm.s32 $0x0;
	v16 =	vand.u32 $0xFFFF, v16;
	v14 =	vor.u32 $0x200, v13  }
.LBB2_131:
0x49f: {  	v17 =	vld [tilespmem:s24+$0x0];
	p1 =	sne.s32 s22, $0x1;
	s22 =	sadd.s32 $0xFFFFFFFF, s22;
	v16 =	vxor.u32 v8, v16;
	v18 =	vor.u32 s23, v0  }
.Ltmp91:
0x4a0: {  	vm1 =	vge.u32 v16, v14;
	vm2 =	vlt.s32 v18, v11;
	(pc) =	sbr.rel @p1 .LBB2_131-.Ltmp91, $3  }
0x4a1: {  	vm1 =	vmand vm2, vm1  }
0x4a2: {  	v18 =	vmpcnt.ones.xlane vm1;
	_ =	sdelay $0x1  }
0x4a3: {  	s24 =	sadd.s32 $0x10, s24;
	s23 =	sadd.s32 $0x10, s23;
	v16 =	vand.u32 $0xFFFF, v17;
	v15 =	vadd.s32 v15, v18  }
.LBB2_132:
0x4a4: {  	v16 =	vxor.u32 v8, v16;
	v17 =	vor.u32 s23, v0  }
0x4a5: {  	vm1 =	vge.u32 v16, v14;
	vm2 =	vlt.s32 v17, v11  }
0x4a6: {  	vm1 =	vmand vm2, vm1  }
0x4a7: {  	v17 =	vld [tilespmem:s21+$0x0];
	v16 =	vmpcnt.ones.xlane vm1  }
.Ltmp92:
0x4a8: {  	_ = 	snop;
	(pc) =	sbr.rel @!p0 .LBB2_134-.Ltmp92, $4  }
0x4a9: {  	v15 =	vadd.s32 v15, v16  }
0x4aa: {  	vm1 =	vlt.s32 v15, v10  }
0x4ab: {  	v13 =	vsel vm1, v13, v14  }
0x4ac: {  	s22 =	simm.s32 $0x6090;
	s21 =	sadd.s32 $0xFFFFFFFF, s19;
	v15 =	vand.u32 $0xFFFF, v17;
	v14 =	vor.u32 $0x100, v13  }
.LBB2_133:
0x4ad: {  	v16 =	vld [tilespmem:s22+$0x0];
	p1 =	sne.s32 s21, $0x1;
	s21 =	sadd.s32 $0xFFFFFFFF, s21;
	v15 =	vxor.u32 v8, v15;
	v17 =	vor.u32 s20, v0  }
.Ltmp93:
0x4ae: {  	vm1 =	vge.u32 v15, v14;
	vm2 =	vlt.s32 v17, v11;
	(pc) =	sbr.rel @p1 .LBB2_133-.Ltmp93, $3  }
0x4af: {  	vm1 =	vmand vm2, vm1  }
0x4b0: {  	v17 =	vmpcnt.ones.xlane vm1;
	_ =	sdelay $0x1  }
0x4b1: {  	s22 =	sadd.s32 $0x10, s22;
	s20 =	sadd.s32 $0x10, s20;
	v15 =	vand.u32 $0xFFFF, v16;
	v12 =	vadd.s32 v12, v17  }
.LBB2_134:
0x4b2: {  	v15 =	vxor.u32 v8, v15;
	v16 =	vor.u32 s20, v0  }
0x4b3: {  	vm1 =	vge.u32 v15, v14;
	vm2 =	vlt.s32 v16, v11  }
0x4b4: {  	s21 =	simm.s32 $0x6080;
	vm1 =	vmand vm2, vm1  }
0x4b5: {  	v16 =	vld [tilespmem:s21+$0x0];
	v15 =	vmpcnt.ones.xlane vm1  }
.Ltmp94:
0x4b6: {  	_ = 	snop;
	(pc) =	sbr.rel @!p0 .LBB2_136-.Ltmp94, $4  }
0x4b7: {  	v12 =	vadd.s32 v12, v15  }
0x4b8: {  	vm1 =	vlt.s32 v12, v10  }
0x4b9: {  	s20 =	simm.s32 $0x0;
	v15 =	vimm.s32 $0x0;
	v13 =	vsel vm1, v13, v14  }
0x4ba: {  	s22 =	sadd.s32 $0xFFFFFFFF, s19;
	s24 =	simm.s32 $0x6090;
	s23 =	simm.s32 $0x0;
	v12 =	vimm.s32 $0x0;
	v16 =	vand.u32 $0xFFFF, v16;
	v14 =	vor.u32 $0x80, v13  }
.LBB2_135:
0x4bb: {  	v17 =	vld [tilespmem:s24+$0x0];
	p1 =	sne.s32 s22, $0x1;
	s22 =	sadd.s32 $0xFFFFFFFF, s22;
	v16 =	vxor.u32 v8, v16;
	v18 =	vor.u32 s23, v0  }
.Ltmp95:
0x4bc: {  	vm1 =	vge.u32 v16, v14;
	vm2 =	vlt.s32 v18, v11;
	(pc) =	sbr.rel @p1 .LBB2_135-.Ltmp95, $3  }
0x4bd: {  	vm1 =	vmand vm2, vm1  }
0x4be: {  	v18 =	vmpcnt.ones.xlane vm1;
	_ =	sdelay $0x1  }
0x4bf: {  	s24 =	sadd.s32 $0x10, s24;
	s23 =	sadd.s32 $0x10, s23;
	v16 =	vand.u32 $0xFFFF, v17;
	v15 =	vadd.s32 v15, v18  }
.LBB2_136:
0x4c0: {  	v16 =	vxor.u32 v8, v16;
	v17 =	vor.u32 s23, v0  }
0x4c1: {  	vm1 =	vge.u32 v16, v14;
	vm2 =	vlt.s32 v17, v11  }
0x4c2: {  	vm1 =	vmand vm2, vm1  }
0x4c3: {  	v17 =	vld [tilespmem:s21+$0x0];
	v16 =	vmpcnt.ones.xlane vm1  }
.Ltmp96:
0x4c4: {  	_ = 	snop;
	(pc) =	sbr.rel @!p0 .LBB2_138-.Ltmp96, $4  }
0x4c5: {  	v15 =	vadd.s32 v15, v16  }
0x4c6: {  	vm1 =	vlt.s32 v15, v10  }
0x4c7: {  	v13 =	vsel vm1, v13, v14  }
0x4c8: {  	s22 =	simm.s32 $0x6090;
	s21 =	sadd.s32 $0xFFFFFFFF, s19;
	v15 =	vand.u32 $0xFFFF, v17;
	v14 =	vor.u32 $0x40, v13  }
.LBB2_137:
0x4c9: {  	v16 =	vld [tilespmem:s22+$0x0];
	p1 =	sne.s32 s21, $0x1;
	s21 =	sadd.s32 $0xFFFFFFFF, s21;
	v15 =	vxor.u32 v8, v15;
	v17 =	vor.u32 s20, v0  }
.Ltmp97:
0x4ca: {  	vm1 =	vge.u32 v15, v14;
	vm2 =	vlt.s32 v17, v11;
	(pc) =	sbr.rel @p1 .LBB2_137-.Ltmp97, $3  }
0x4cb: {  	vm1 =	vmand vm2, vm1  }
0x4cc: {  	v17 =	vmpcnt.ones.xlane vm1;
	_ =	sdelay $0x1  }
0x4cd: {  	s22 =	sadd.s32 $0x10, s22;
	s20 =	sadd.s32 $0x10, s20;
	v15 =	vand.u32 $0xFFFF, v16;
	v12 =	vadd.s32 v12, v17  }
.LBB2_138:
0x4ce: {  	v15 =	vxor.u32 v8, v15;
	v16 =	vor.u32 s20, v0  }
0x4cf: {  	vm1 =	vge.u32 v15, v14;
	vm2 =	vlt.s32 v16, v11  }
0x4d0: {  	s21 =	simm.s32 $0x6080;
	vm1 =	vmand vm2, vm1  }
0x4d1: {  	v16 =	vld [tilespmem:s21+$0x0];
	v15 =	vmpcnt.ones.xlane vm1  }
.Ltmp98:
0x4d2: {  	_ = 	snop;
	(pc) =	sbr.rel @!p0 .LBB2_140-.Ltmp98, $4  }
0x4d3: {  	v12 =	vadd.s32 v12, v15  }
0x4d4: {  	vm1 =	vlt.s32 v12, v10  }
0x4d5: {  	s20 =	simm.s32 $0x0;
	v15 =	vimm.s32 $0x0;
	v13 =	vsel vm1, v13, v14  }
0x4d6: {  	s22 =	sadd.s32 $0xFFFFFFFF, s19;
	s24 =	simm.s32 $0x6090;
	s23 =	simm.s32 $0x0;
	v12 =	vimm.s32 $0x0;
	v16 =	vand.u32 $0xFFFF, v16;
	v14 =	vor.u32 $0x20, v13  }
.LBB2_139:
0x4d7: {  	v17 =	vld [tilespmem:s24+$0x0];
	p1 =	sne.s32 s22, $0x1;
	s22 =	sadd.s32 $0xFFFFFFFF, s22;
	v16 =	vxor.u32 v8, v16;
	v18 =	vor.u32 s23, v0  }
.Ltmp99:
0x4d8: {  	vm1 =	vge.u32 v16, v14;
	vm2 =	vlt.s32 v18, v11;
	(pc) =	sbr.rel @p1 .LBB2_139-.Ltmp99, $3  }
0x4d9: {  	vm1 =	vmand vm2, vm1  }
0x4da: {  	v18 =	vmpcnt.ones.xlane vm1;
	_ =	sdelay $0x1  }
0x4db: {  	s24 =	sadd.s32 $0x10, s24;
	s23 =	sadd.s32 $0x10, s23;
	v16 =	vand.u32 $0xFFFF, v17;
	v15 =	vadd.s32 v15, v18  }
.LBB2_140:
0x4dc: {  	v16 =	vxor.u32 v8, v16;
	v17 =	vor.u32 s23, v0  }
0x4dd: {  	vm1 =	vge.u32 v16, v14;
	vm2 =	vlt.s32 v17, v11  }
0x4de: {  	vm1 =	vmand vm2, vm1  }
0x4df: {  	v17 =	vld [tilespmem:s21+$0x0];
	v16 =	vmpcnt.ones.xlane vm1  }
.Ltmp100:
0x4e0: {  	_ = 	snop;
	(pc) =	sbr.rel @!p0 .LBB2_142-.Ltmp100, $4  }
0x4e1: {  	v15 =	vadd.s32 v15, v16  }
0x4e2: {  	vm1 =	vlt.s32 v15, v10  }
0x4e3: {  	v13 =	vsel vm1, v13, v14  }
0x4e4: {  	s22 =	simm.s32 $0x6090;
	s21 =	sadd.s32 $0xFFFFFFFF, s19;
	v15 =	vand.u32 $0xFFFF, v17;
	v14 =	vor.u32 $0x10, v13  }
.LBB2_141:
0x4e5: {  	v16 =	vld [tilespmem:s22+$0x0];
	p1 =	sne.s32 s21, $0x1;
	s21 =	sadd.s32 $0xFFFFFFFF, s21;
	v15 =	vxor.u32 v8, v15;
	v17 =	vor.u32 s20, v0  }
.Ltmp101:
0x4e6: {  	vm1 =	vge.u32 v15, v14;
	vm2 =	vlt.s32 v17, v11;
	(pc) =	sbr.rel @p1 .LBB2_141-.Ltmp101, $3  }
0x4e7: {  	vm1 =	vmand vm2, vm1  }
0x4e8: {  	v17 =	vmpcnt.ones.xlane vm1;
	_ =	sdelay $0x1  }
0x4e9: {  	s22 =	sadd.s32 $0x10, s22;
	s20 =	sadd.s32 $0x10, s20;
	v15 =	vand.u32 $0xFFFF, v16;
	v12 =	vadd.s32 v12, v17  }
.LBB2_142:
0x4ea: {  	v15 =	vxor.u32 v8, v15;
	v16 =	vor.u32 s20, v0  }
0x4eb: {  	vm1 =	vge.u32 v15, v14;
	vm2 =	vlt.s32 v16, v11  }
0x4ec: {  	s21 =	simm.s32 $0x6080;
	vm1 =	vmand vm2, vm1  }
0x4ed: {  	v16 =	vld [tilespmem:s21+$0x0];
	v15 =	vmpcnt.ones.xlane vm1  }
.Ltmp102:
0x4ee: {  	_ = 	snop;
	(pc) =	sbr.rel @!p0 .LBB2_144-.Ltmp102, $4  }
0x4ef: {  	v12 =	vadd.s32 v12, v15  }
0x4f0: {  	vm1 =	vlt.s32 v12, v10  }
0x4f1: {  	s20 =	simm.s32 $0x0;
	v15 =	vimm.s32 $0x0;
	v13 =	vsel vm1, v13, v14  }
0x4f2: {  	s22 =	sadd.s32 $0xFFFFFFFF, s19;
	s24 =	simm.s32 $0x6090;
	s23 =	simm.s32 $0x0;
	v12 =	vimm.s32 $0x0;
	v16 =	vand.u32 $0xFFFF, v16;
	v14 =	vor.u32 $0x8, v13  }
.LBB2_143:
0x4f3: {  	v17 =	vld [tilespmem:s24+$0x0];
	p1 =	sne.s32 s22, $0x1;
	s22 =	sadd.s32 $0xFFFFFFFF, s22;
	v16 =	vxor.u32 v8, v16;
	v18 =	vor.u32 s23, v0  }
.Ltmp103:
0x4f4: {  	vm1 =	vge.u32 v16, v14;
	vm2 =	vlt.s32 v18, v11;
	(pc) =	sbr.rel @p1 .LBB2_143-.Ltmp103, $3  }
0x4f5: {  	vm1 =	vmand vm2, vm1  }
0x4f6: {  	v18 =	vmpcnt.ones.xlane vm1;
	_ =	sdelay $0x1  }
0x4f7: {  	s24 =	sadd.s32 $0x10, s24;
	s23 =	sadd.s32 $0x10, s23;
	v16 =	vand.u32 $0xFFFF, v17;
	v15 =	vadd.s32 v15, v18  }
.LBB2_144:
0x4f8: {  	v16 =	vxor.u32 v8, v16;
	v17 =	vor.u32 s23, v0  }
0x4f9: {  	vm1 =	vge.u32 v16, v14;
	vm2 =	vlt.s32 v17, v11  }
0x4fa: {  	vm1 =	vmand vm2, vm1  }
0x4fb: {  	v17 =	vld [tilespmem:s21+$0x0];
	v16 =	vmpcnt.ones.xlane vm1  }
.Ltmp104:
0x4fc: {  	_ = 	snop;
	(pc) =	sbr.rel @!p0 .LBB2_146-.Ltmp104, $4  }
0x4fd: {  	v15 =	vadd.s32 v15, v16  }
0x4fe: {  	vm1 =	vlt.s32 v15, v10  }
0x4ff: {  	v13 =	vsel vm1, v13, v14  }
0x500: {  	s22 =	simm.s32 $0x6090;
	s21 =	sadd.s32 $0xFFFFFFFF, s19;
	v15 =	vand.u32 $0xFFFF, v17;
	v14 =	vor.u32 $0x4, v13  }
.LBB2_145:
0x501: {  	v16 =	vld [tilespmem:s22+$0x0];
	p1 =	sne.s32 s21, $0x1;
	s21 =	sadd.s32 $0xFFFFFFFF, s21;
	v15 =	vxor.u32 v8, v15;
	v17 =	vor.u32 s20, v0  }
.Ltmp105:
0x502: {  	vm1 =	vge.u32 v15, v14;
	vm2 =	vlt.s32 v17, v11;
	(pc) =	sbr.rel @p1 .LBB2_145-.Ltmp105, $3  }
0x503: {  	vm1 =	vmand vm2, vm1  }
0x504: {  	v17 =	vmpcnt.ones.xlane vm1;
	_ =	sdelay $0x1  }
0x505: {  	s22 =	sadd.s32 $0x10, s22;
	s20 =	sadd.s32 $0x10, s20;
	v15 =	vand.u32 $0xFFFF, v16;
	v12 =	vadd.s32 v12, v17  }
.LBB2_146:
0x506: {  	v15 =	vxor.u32 v8, v15;
	v16 =	vor.u32 s20, v0  }
0x507: {  	vm1 =	vge.u32 v15, v14;
	vm2 =	vlt.s32 v16, v11  }
0x508: {  	vm1 =	vmand vm2, vm1  }
0x509: {  	v15 =	vmpcnt.ones.xlane vm1  }
0x50a: {  	s21 =	simm.s32 $0x6080  }
0x50b: {  	v12 =	vadd.s32 v12, v15;
	v15 =	vld [tilespmem:s21+$0x0]  }
.Ltmp106:
0x50c: {  	_ = 	snop;
	(pc) =	sbr.rel @!p0 .LBB2_148-.Ltmp106, $4  }
0x50d: {  	_ = 	snop  }
0x50e: {  	vm1 =	vlt.s32 v12, v10  }
0x50f: {  	v12 =	vsel vm1, v13, v14  }
0x510: {  	s20 =	simm.s32 $0x0;
	s22 =	simm.s32 $0x6090;
	s21 =	sadd.s32 $0xFFFFFFFF, s19;
	v14 =	vimm.s32 $0x0;
	v13 =	vor.u32 $0x2, v12;
	v15 =	vand.u32 $0xFFFF, v15  }
.LBB2_147:
0x511: {  	v16 =	vld [tilespmem:s22+$0x0];
	p0 =	sne.s32 s21, $0x1;
	s21 =	sadd.s32 $0xFFFFFFFF, s21;
	v15 =	vxor.u32 v8, v15;
	v17 =	vor.u32 s20, v0  }
.Ltmp107:
0x512: {  	vm1 =	vge.u32 v15, v13;
	vm2 =	vlt.s32 v17, v11;
	(pc) =	sbr.rel @p0 .LBB2_147-.Ltmp107, $3  }
0x513: {  	vm1 =	vmand vm2, vm1  }
0x514: {  	v17 =	vmpcnt.ones.xlane vm1;
	_ =	sdelay $0x1  }
0x515: {  	s22 =	sadd.s32 $0x10, s22;
	s20 =	sadd.s32 $0x10, s20;
	v15 =	vand.u32 $0xFFFF, v16;
	v14 =	vadd.s32 v14, v17  }
.LBB2_148:
0x516: {  	v15 =	vxor.u32 v8, v15;
	v16 =	vor.u32 s20, v0  }
0x517: {  	vm1 =	vge.u32 v15, v13;
	vm2 =	vlt.s32 v16, v11  }
0x518: {  	vm1 =	vmand vm2, vm1  }
0x519: {  	v15 =	vmpcnt.ones.xlane vm1  }
0x51a: {  	s21 =	simm.s32 $0x6080  }
0x51b: {  	p0 =	seq.s32 s19, $0x1;
	v14 =	vadd.s32 v14, v15;
	v15 =	vld [tilespmem:s21+$0x0]  }
.Ltmp108:
0x51c: {  	_ = 	snop;
	(pc) =	sbr.rel @p0 .LBB2_150-.Ltmp108, $4  }
0x51d: {  	_ = 	snop  }
0x51e: {  	vm1 =	vlt.s32 v14, v10  }
0x51f: {  	v12 =	vsel vm1, v12, v13  }
0x520: {  	s20 =	simm.s32 $0x0;
	s19 =	sadd.s32 $0xFFFFFFFF, s19;
	s21 =	simm.s32 $0x6090;
	v14 =	vimm.s32 $0x0;
	v13 =	vor.u32 $0x1, v12;
	v15 =	vand.u32 $0xFFFF, v15  }
.LBB2_149:
0x521: {  	v16 =	vld [tilespmem:s21+$0x0];
	p0 =	seq.s32 s19, $0x1;
	s19 =	sadd.s32 $0xFFFFFFFF, s19;
	v15 =	vxor.u32 v8, v15;
	v17 =	vor.u32 s20, v0  }
.Ltmp109:
0x522: {  	vm1 =	vge.u32 v15, v13;
	vm2 =	vlt.s32 v17, v11;
	(pc) =	sbr.rel @!p0 .LBB2_149-.Ltmp109, $3  }
0x523: {  	vm1 =	vmand vm2, vm1  }
0x524: {  	v17 =	vmpcnt.ones.xlane vm1;
	_ =	sdelay $0x1  }
0x525: {  	s21 =	sadd.s32 $0x10, s21;
	s20 =	sadd.s32 $0x10, s20;
	v15 =	vand.u32 $0xFFFF, v16;
	v14 =	vadd.s32 v14, v17  }
.LBB2_150:
0x526: {  	v15 =	vxor.u32 v8, v15;
	v16 =	vor.u32 s20, v0  }
.Ltmp110:
0x527: {  	vm1 =	vge.u32 v15, v13;
	vm2 =	vlt.s32 v16, v11;
	(pc) =	sbr.rel .LBB2_152-.Ltmp110, $3  }
0x528: {  	vm1 =	vmand vm2, vm1  }
0x529: {  	v11 =	vmpcnt.ones.xlane vm1;
	_ =	sdelay $0x1  }
0x52a: {  	v11 =	vadd.s32 v14, v11  }
.LBB2_151:
0x52b: {  	vm1 =	vgt.s32 v10, $0x0  }
0x52c: {  	v12 =	vsel vm1, $0x0, v5  }
0x52d: {  	v11 =	vimm.s32 $0x0;
	v13 =	vor.u32 $0x1, v12  }
.LBB2_152:
0x52e: {  	vm1 =	vlt.s32 v11, v10  }
0x52f: {  	v10 =	vsel vm1, v12, v13  }
.LBB2_153:
0x530: {  	s19 =	simm.s32 $0x2020  }
0x531: {  	v11 =	vsel vm0, $0xFF, v3;
	v12 =	vld [tilespmem:s19+$0xFFFFFFE0]  }
0x532: {  	v7 =	vxor.u32 v7, v9;
	v6 =	vxor.u32 v6, v11;
	v11 =	vld [tilespmem:s19+$0x0]  }
0x533: {  	v9 =	vld [tilespmem:s19+$0x10];
	v7 =	vshll.u32 v7, $0x10;
	v6 =	vshll.u32 v6, $0x18  }
0x534: {  	v13 =	vld [tilespmem:s19+$0xFFFFFFF0];
	v6 =	vor.u32 v6, v7;
	v7 =	vxor.u32 v8, v10  }
0x535: {  	v6 =	vor.u32 v7, v6  }
0x536: {  	s20 =	simm.s32 $0x2060;
	vm13 =	vge.f32 v12, v6  }
0x537: {  	v8 =	vld [tilespmem:s20+$0xFFFFFFE0];
	vm1 =	vge.f32 v11, v6;
	v10 =	vnsel vm13, $0x0, v12  }
0x538: {  	v7 =	vld [tilespmem:s20+$0x10];
	vm14 =	vge.f32 v9, v6;
	v63 =	vnsel vm1, $0x0, v11;
	[tilespmem:s19+$0xFFFFFFE0] =	vst v10  }
0x539: {  	vm15 =	vge.f32 v13, v6;
	v10 =	vnsel vm14, $0x0, v9;
	v9 =	vld [tilespmem:s20+$0x0];
	[tilespmem:s19+$0x0] =	vst v63  }
0x53a: {  	s21 =	simm.s32 $0x4;
	v11 =	vnsel vm15, $0x0, v13;
	[tilespmem:s19+$0x10] =	vst v10;
	v10 =	vld [tilespmem:s20+$0xFFFFFFF0]  }
.LBB2_154:
0x53b: {  	s21 =	sadd.s32 $0x4, s21  }
0x53c: {  	[tilespmem:s19+$0xFFFFFFF0] =	vst v11;
	s19 =	smov.u32 s20;
	p0 =	slt.u32 s21, $0x1FC  }
.Ltmp111:
0x53d: {  	s20 =	sadd.s32 $0x40, s20;
	vm0 =	vge.f32 v8, v6;
	(pc) =	sbr.rel @p0 .LBB2_154-.Ltmp111, $4  }
0x53e: {  	v11 =	vnsel vm0, $0x0, v8;
	v8 =	vld [tilespmem:s20+$0xFFFFFFE0];
	vm0 =	vge.f32 v7, v6  }
0x53f: {  	[tilespmem:s19+$0xFFFFFFE0] =	vst v11;
	vm1 =	vge.f32 v9, v6;
	v11 =	vnsel vm0, $0x0, v7;
	v7 =	vld [tilespmem:s20+$0x10]  }
0x540: {  	vm0 =	vge.f32 v10, v6;
	v12 =	vnsel vm1, $0x0, v9;
	v9 =	vld [tilespmem:s20+$0x0];
	[tilespmem:s19+$0x10] =	vst v11  }
0x541: {  	v11 =	vnsel vm0, $0x0, v10;
	v10 =	vld [tilespmem:s20+$0xFFFFFFF0];
	[tilespmem:s19+$0x0] =	vst v12  }
0x542: {  	_ = 	snop  }
0x543: {  	vm0 =	vge.f32 v8, v6  }
0x544: {  	[tilespmem:s19+$0xFFFFFFF0] =	vst v11;
	v8 =	vnsel vm0, $0x0, v8;
	vm14 =	vge.f32 v7, v6  }
0x545: {  	[tilespmem:s20+$0xFFFFFFE0] =	vst v8;
	vm1 =	vge.f32 v9, v6;
	v7 =	vnsel vm14, $0x0, v7  }
0x546: {  	vm15 =	vge.f32 v10, v6;
	v6 =	vnsel vm1, $0x0, v9;
	[tilespmem:s20+$0x10] =	vst v7  }
0x547: {  	v7 =	vnsel vm15, $0x0, v10;
	[tilespmem:s20+$0x0] =	vst v6  }
0x548: {  	s18 =	sadd.s32 $0x1, s18;
	[tilespmem:s20+$0xFFFFFFF0] =	vst v7  }
0x549: {  	[hbm4b:s6+s2] =	stream.linear.scatter [tilespmem:s8], [sflag:$0x4], $0x2000, $0x38;
	[tilespmem:$0xA400] =	vst v63  }
0x54a: {  	p0 =	sne.s32 s18, s7;
	_ =	swait.ge [sflag:s16], $0x2000  }
.Ltmp112:
0x54b: {  	[sflag:s16] =	ssyncset.done $0x0;
	(pc) =	sbr.rel @p0 .LBB2_1-.Ltmp112, $4  }
.Ltmp113:
0x54c: {  	[sflag:s16] =	ssyncadd.s32 $0xFFFFE000;
	(pc) =	sbr.rel @!p0 .LBB2_156-.Ltmp113, $4  }
0x54d: {  	_ =	swait.ge [sflag:s17], $0x2000  }
0x54e: {  	[sflag:s17] =	ssyncset.done $0x0  }
0x54f: {  	[sflag:s17] =	ssyncadd.s32 $0xFFFFE000  }
0x550: {  	_ = 	snop  }
.LBB2_19:
.Ltmp114:
0x551: {  	(pc) =	sbr.rel .LBB2_28-.Ltmp114, $2  }
0x552: {  	_ =	sdelay $0x2  }
0x553: {  	_ = 	snop  }
.LBB2_30:
.Ltmp115:
0x554: {  	_ = 	snop;
	(pc) =	sbr.rel .LBB2_39-.Ltmp115, $2  }
0x555: {  	_ =	sdelay $0x2  }
0x556: {  	v20 =	vimm.s32 $0x0;
	s19 =	simm.s32 $0x0;
	v14 =	vmov v11  }
.LBB2_96:
.Ltmp116:
0x557: {  	(pc) =	sbr.rel .LBB2_105-.Ltmp116, $2  }
0x558: {  	_ =	sdelay $0x2  }
0x559: {  	_ = 	snop  }
.LBB2_107:
.Ltmp117:
0x55a: {  	_ = 	snop;
	(pc) =	sbr.rel .LBB2_116-.Ltmp117, $2  }
0x55b: {  	_ =	sdelay $0x2  }
0x55c: {  	v20 =	vimm.s32 $0x0;
	s19 =	simm.s32 $0x0;
	v14 =	vmov v11  }
.LBB2_21:
.Ltmp118:
0x55d: {  	(pc) =	sbr.rel .LBB2_28-.Ltmp118, $2  }
0x55e: {  	_ =	sdelay $0x2  }
0x55f: {  	v11 =	vmov v9  }
.LBB2_32:
.Ltmp119:
0x560: {  	(pc) =	sbr.rel .LBB2_39-.Ltmp119, $2  }
0x561: {  	_ =	sdelay $0x2  }
0x562: {  	v22 =	vmov v11;
	v20 =	vimm.s32 $0x0;
	s19 =	simm.s32 $0x0  }
.LBB2_98:
.Ltmp120:
0x563: {  	(pc) =	sbr.rel .LBB2_105-.Ltmp120, $2  }
0x564: {  	_ =	sdelay $0x2  }
0x565: {  	v11 =	vmov v9  }
.LBB2_109:
.Ltmp121:
0x566: {  	(pc) =	sbr.rel .LBB2_116-.Ltmp121, $2  }
0x567: {  	_ =	sdelay $0x2  }
0x568: {  	v22 =	vmov v11;
	v20 =	vimm.s32 $0x0;
	s19 =	simm.s32 $0x0  }
.LBB2_23:
.Ltmp122:
0x569: {  	(pc) =	sbr.rel .LBB2_28-.Ltmp122, $2  }
0x56a: {  	_ =	sdelay $0x2  }
0x56b: {  	vm4 =	vmmov vm2;
	vm1 =	vmmov vm3;
	v16 =	vmov v9  }
.LBB2_34:
.Ltmp123:
0x56c: {  	(pc) =	sbr.rel .LBB2_39-.Ltmp123, $3  }
0x56d: {  	_ =	sdelay $0x1  }
0x56e: {  	v22 =	vmovc v14;
	v23 =	vmov v11;
	vm3 =	vmmov vm2;
	v24 =	vimm.s32 $0x0  }
0x56f: {  	v19 =	vmovc v15;
	v20 =	vmovc v21;
	v14 =	vmov v25;
	v25 =	vimm.s32 $0x0;
	v18 =	vmov v21  }
.LBB2_100:
.Ltmp124:
0x570: {  	(pc) =	sbr.rel .LBB2_105-.Ltmp124, $2  }
0x571: {  	_ =	sdelay $0x2  }
0x572: {  	vm4 =	vmmov vm2;
	vm1 =	vmmov vm3;
	v16 =	vmov v9  }
.LBB2_111:
.Ltmp125:
0x573: {  	(pc) =	sbr.rel .LBB2_116-.Ltmp125, $3  }
0x574: {  	_ =	sdelay $0x1  }
0x575: {  	v22 =	vmovc v14;
	v23 =	vmov v11;
	vm3 =	vmmov vm2;
	v24 =	vimm.s32 $0x0  }
0x576: {  	v19 =	vmovc v15;
	v20 =	vmovc v21;
	v14 =	vmov v25;
	v25 =	vimm.s32 $0x0;
	v18 =	vmov v21  }
.LBB2_25:
.Ltmp126:
0x577: {  	(pc) =	sbr.rel .LBB2_28-.Ltmp126, $2  }
0x578: {  	_ =	sdelay $0x2  }
0x579: {  	v16 =	vmov v11;
	v14 =	vmov v9;
	v11 =	vmov v15  }
.LBB2_36:
.Ltmp127:
0x57a: {  	(pc) =	sbr.rel .LBB2_39-.Ltmp127, $3  }
0x57b: {  	_ =	sdelay $0x1  }
0x57c: {  	v23 =	vmov v14;
	v16 =	vmov v11  }
0x57d: {  	v22 =	vmovc v25;
	v24 =	vmovc v21;
	v25 =	vimm.s32 $0x0;
	v14 =	vmov v18;
	v18 =	vmov v21  }
.LBB2_102:
.Ltmp128:
0x57e: {  	(pc) =	sbr.rel .LBB2_105-.Ltmp128, $2  }
0x57f: {  	_ =	sdelay $0x2  }
0x580: {  	v16 =	vmov v11;
	v14 =	vmov v9;
	v11 =	vmov v15  }
.LBB2_113:
.Ltmp129:
0x581: {  	(pc) =	sbr.rel .LBB2_116-.Ltmp129, $3  }
0x582: {  	_ =	sdelay $0x1  }
0x583: {  	v23 =	vmov v14;
	v16 =	vmov v11  }
0x584: {  	v22 =	vmovc v25;
	v24 =	vmovc v21;
	v25 =	vimm.s32 $0x0;
	v14 =	vmov v18;
	v18 =	vmov v21  }
.LBB2_156:
0x585: {  	_ =	sfence.sel $0x180000  }
0x586: {  	[bflag:$0x0] =	sbarrier.arrive $0xFFFF  }
0x587: {  	p0 =	sne.s32 s1, $0x0;
	_ =	strace $0x90000047  }
0x588: {  	s0 =	sadd.s32 @!p0 $0x100000, s0;
	[bflag:$0x2] =	sbarrier.arrive $0xFFFF  }
0x589: {  	[sflag:s0] =	ssyncadd.tile.s32 @!p0 $0x1;
	_ =	shalt  }
.Lfunc_end2:
_tile_overlayer_lowered:
.L_overlay_start_2:
0x58a: {  	(tag) =	ssettag $0x2  }
0x58b: {  	s0 =	rddreg [dreg:$0x0];
	s2 =	stileid.u32  }
0x58c: {  	s1 =	rddreg [dreg:$0x1];
	p0 =	sne.s32 s2, $0x0  }
0x58d: {  	s3 =	rddreg [dreg:$0x2];
	[bflag:$0x3] =	sbarrier.arrive $0xFFFF;
	s2 =	simm.s32 @!p0 $0x1C05  }
0x58e: {  	[timem:s3], [sflag:s2] =	dma.local @!p0 [hbm:s0], s1  }
0x58f: {  	s0 =	simm.s32 @!p0 $0x5  }
0x590: {  	_ =	swait.ge @!p0 [sflag:s0], s1  }
0x591: {  	s1 =	ssub.s32 @!p0 $0x0, s1;
	[sflag:s0] =	ssyncset.done @!p0 $0x0  }
0x592: {  	[sflag:s0] =	ssyncadd.s32 @!p0 s1  }
0x593: {  	[bflag:$0x3] =	sbarrier.arrive $0xFFFF  }
0x594: {  	_ =	shalt  }

</sc_bundles>
